<compile_context>
chip_gen: v7x
topology: tpu7x:2x2x1
jax: 0.10.2.dev20260603
libtpu: 0.0.44.dev20260713+nightly
codegen_flags: <defaults>
</compile_context>

<pallas_src>
import functools

import jax
import jax.numpy as jnp
from jax import lax
from jax.experimental import pallas as pl
from jax.experimental.pallas import tpu as pltpu
from jax.experimental.pallas import tpu_sc as plsc

_N = 10000
_E = 320000
_NC = 2
_NS = 16
_NW = _NC * _NS
_CHUNK = 250
_NB = 8
_CPT = 40
_EPT = _CPT * _CHUNK
_EPAD = _EPT * _NW
_NPAD = 10112
_ZR = _NPAD // _NS


def _elu(x):
    return jnp.where(x > 0, x, jnp.exp(jnp.minimum(x, 0.0)) - 1.0)


def _dot(a, b):
    return jnp.dot(a, b, preferred_element_type=jnp.float32)


@functools.lru_cache(maxsize=None)
def _make_seg_sum(dp):
    mesh = plsc.VectorSubcoreMesh(core_axis_name="c", subcore_axis_name="s",
                                  num_cores=_NC, num_subcores=_NS)
    nb = _NB if dp < 64 else 4

    @functools.partial(
        pl.kernel,
        out_type=jax.ShapeDtypeStruct((_NC, _NPAD, dp), jnp.float32),
        mesh=mesh,
        scratch_types=[
            pltpu.VMEM((_CPT, _CHUNK), jnp.int32),
            pltpu.VMEM((_CPT, _CHUNK), jnp.int32),
            [pltpu.VMEM((_CHUNK, dp), jnp.float32) for _ in range(nb)],
            [pltpu.SemaphoreType.DMA for _ in range(nb)],
            [pltpu.SemaphoreType.DMA for _ in range(nb)],
            pltpu.VMEM_SHARED((_NPAD, dp), jnp.float32),
        ],
        compiler_params=pltpu.CompilerParams(use_tc_tiling_on_sc=False),
    )
    def seg_sum(y, ar, zeros, out, sidx, didx, rows, gsem, ssem, acc):
        c = lax.axis_index("c")
        s = lax.axis_index("s")
        wid = s * _NC + c
        pltpu.sync_copy(zeros.at[pl.ds(s * _ZR, _ZR)], acc.at[pl.ds(s * _ZR, _ZR)])
        pltpu.sync_copy(ar.at[0, wid], sidx)
        pltpu.sync_copy(ar.at[1, wid], didx)
        plsc.subcore_barrier()

        for b in range(nb):
            pltpu.async_copy(y.at[sidx.at[b]], rows[b], gsem[b])

        nj = _CPT // nb

        def body(j, carry):
            base = j * nb
            for b in range(nb):
                i = base + b
                pltpu.make_async_copy(y.at[sidx.at[i]], rows[b], gsem[b]).wait()
                pltpu.async_copy(rows[b], acc.at[didx.at[i]], ssem[b], add=True)

            @pl.when(j + 1 < nj)
            def _():
                for b in range(nb):
                    i = base + b
                    pltpu.make_async_copy(rows[b], acc.at[didx.at[i]], ssem[b]).wait()
                    pltpu.async_copy(y.at[sidx.at[i + nb]], rows[b], gsem[b])

            return carry

        lax.fori_loop(0, nj, body, 0)
        for b in range(nb):
            i = _CPT - nb + b
            pltpu.make_async_copy(rows[b], acc.at[didx.at[i]], ssem[b]).wait()
        plsc.subcore_barrier()
        pltpu.sync_copy(acc.at[pl.ds(s * _ZR, _ZR)], out.at[c, pl.ds(s * _ZR, _ZR)])

    return seg_sum


def _enc_body(oh, ft, w1a, w1b, b1, w2, b2, w3, b3, wg1, out):
    x = _elu(_dot(oh[...], w1a[...]) + _dot(ft[...], w1b[...]) + b1[...])
    x = _elu(_dot(x, w2[...]) + b2[...])
    x = _elu(_dot(x, w3[...]) + b3[...])
    out[...] = _dot(x, wg1[...])


def _encoder(oh, ft, w1a, w1b, b1, w2, b2, w3, b3, wg1):
    return pl.pallas_call(
        _enc_body,
        out_shape=jax.ShapeDtypeStruct((_N, 64), jnp.float32),
    )(oh, ft, w1a, w1b, b1, w2, b2, w3, b3, wg1)


def _mid_body(p, b, w, out):
    x = _elu(p[0, :_N] + p[1, :_N] + b[...])
    out[...] = _dot(x, w[...])


def _mid(p, b, w):
    dn = w.shape[-1]
    return pl.pallas_call(
        _mid_body,
        out_shape=jax.ShapeDtypeStruct((_N, dn), jnp.float32),
    )(p, b, w)


def _fin_body(p, bg, w1, b1, w2, b2, w3, b3, out):
    x = _elu(p[0, :_N] + p[1, :_N] + bg[...])
    x = _elu(_dot(x, w1[...]) + b1[...])
    x = _elu(_dot(x, w2[...]) + b2[...])
    out[...] = jax.nn.sigmoid(_dot(x, w3[...]) + b3[...])


def _final(p, bg, w1, b1, w2, b2, w3, b3):
    return pl.pallas_call(
        _fin_body,
        out_shape=jax.ShapeDtypeStruct((_N, 1), jnp.float32),
    )(p, bg, w1, b1, w2, b2, w3, b3)


def kernel(one_hot, features, gemme_features, a_res,
           We1, be1, We2, be2, We3, be3,
           Wg1, bg1, Wg2, bg2, Wg3, bg3, Wg4, bg4, Wg5, bg5,
           Wf1, bf1, Wf2, bf2, Wf3, bf3):
    ar = a_res.reshape(2, _NW, _CPT, _CHUNK)

    row = lambda b: b.reshape(1, -1)
    Wg4p = jnp.pad(Wg4, ((0, 0), (0, 8)))
    bg4p = row(jnp.pad(bg4, (0, 8)))
    Wg5p = jnp.pad(Wg5, ((0, 8), (0, 12)))
    bg5p = row(jnp.pad(bg5, (0, 12)))
    Wf1p = jnp.pad(Wf1, ((0, 12), (0, 0)))

    z64 = jnp.zeros((_NPAD, 64), jnp.float32)
    z32 = jnp.zeros((_NPAD, 32), jnp.float32)
    z16 = jnp.zeros((_NPAD, 16), jnp.float32)

    y = _encoder(one_hot, features, We1[:20], We1[20:], row(be1),
                 We2, row(be2), We3, row(be3), Wg1)
    p = _make_seg_sum(64)(y, ar, z64)
    y = _mid(p, row(bg1), Wg2)
    p = _make_seg_sum(32)(y, ar, z32)
    y = _mid(p, row(bg2), Wg3)
    p = _make_seg_sum(16)(y, ar, z16)
    y = _mid(p, row(bg3), Wg4p)
    p = _make_seg_sum(16)(y, ar, z16)
    y = _mid(p, bg4p, Wg5p)
    p = _make_seg_sum(16)(y, ar, z16)
    return _final(p, bg5p, Wf1p, row(bf1), Wf2, row(bf2), Wf3, row(bf3))

# --- scband reference (transcript-rebuilt; emitter-appended) ---
"""Pipeline reference for scband-l5-77206332113745 (READ-ONLY COPY).

The authoritative reference and input builder live on the scoring server;
editing this copy changes nothing except your own understanding.
"""

import jax, jax.numpy as jnp
import numpy as np

N = 10000
E = 320000
FD = 128

_DIMS = [("We1", "be1", 20 + FD, 32), ("We2", "be2", 32, 64), ("We3", "be3", 64, 128),
         ("Wg1", "bg1", 128, 64), ("Wg2", "bg2", 64, 32), ("Wg3", "bg3", 32, 16),
         ("Wg4", "bg4", 16, 8), ("Wg5", "bg5", 8, 4),
         ("Wf1", "bf1", 4, 8), ("Wf2", "bf2", 8, 4), ("Wf3", "bf3", 4, 1)]


def setup_inputs(seed: int = 0) -> dict:
    key = jax.random.key(seed)
    ks = jax.random.split(key, 4 + len(_DIMS))
    inp = {}
    inp["one_hot"] = jax.random.uniform(ks[0], (N, 20), dtype=jnp.float32)
    inp["features"] = jax.random.normal(ks[1], (N, FD), dtype=jnp.float32)
    inp["gemme_features"] = jax.random.normal(ks[2], (N, FD), dtype=jnp.float32)
    inp["a_res"] = jax.random.randint(ks[3], (2, E), 0, N, dtype=jnp.int32)
    for i, (wn, bn, din, dout) in enumerate(_DIMS):
        inp[wn] = jax.random.normal(ks[4 + i], (din, dout), dtype=jnp.float32) * (1.0 / np.sqrt(din))
        inp[bn] = jnp.zeros((dout,), dtype=jnp.float32)
    return inp


def _forward(one_hot, features, gemme_features, a_res,
             We1, be1, We2, be2, We3, be3,
             Wg1, bg1, Wg2, bg2, Wg3, bg3, Wg4, bg4, Wg5, bg5,
             Wf1, bf1, Wf2, bf2, Wf3, bf3):
    # encoder MLP (dropout is identity in eval mode)
    x = jnp.concatenate([one_hot, features], axis=1)
    x = jax.nn.elu(x @ We1 + be1)
    x = jax.nn.elu(x @ We2 + be2)
    x = jax.nn.elu(x @ We3 + be3)
    src = a_res[0]
    dst = a_res[1]

    def gconv(h, W, b):
        # GraphConvSparseOne: sparse adjacency aggregation (gather from src, scatter-add to dst)
        # followed by a linear transform and the configured non-linearity (elu).
        agg = jax.ops.segment_sum(h[src], dst, num_segments=N)
        return jax.nn.elu(agg @ W + b)

    x = gconv(x, Wg1, bg1)
    x = gconv(x, Wg2, bg2)
    x = gconv(x, Wg3, bg3)
    x = gconv(x, Wg4, bg4)
    x = gconv(x, Wg5, bg5)
    x = jax.nn.elu(x @ Wf1 + bf1)
    x = jax.nn.elu(x @ Wf2 + bf2)
    return jax.nn.sigmoid(x @ Wf3 + bf3)


def reference(one_hot, features, gemme_features, a_res,
              We1, be1, We2, be2, We3, be3,
              Wg1, bg1, Wg2, bg2, Wg3, bg3, Wg4, bg4, Wg5, bg5,
              Wf1, bf1, Wf2, bf2, Wf3, bf3):
    return _forward(one_hot=one_hot, features=features,
                    gemme_features=gemme_features, a_res=a_res,
                    We1=We1, be1=be1, We2=We2, be2=be2, We3=We3, be3=be3,
                    Wg1=Wg1, bg1=bg1, Wg2=Wg2, bg2=bg2, Wg3=Wg3, bg3=bg3,
                    Wg4=Wg4, bg4=bg4, Wg5=Wg5, bg5=bg5,
                    Wf1=Wf1, bf1=bf1, Wf2=Wf2, bf2=bf2, Wf3=Wf3, bf3=bf3)

if __name__ == "__main__":
    import jax
    _d = setup_inputs()
    print(jax.jit(kernel)(*tuple(_d.values())))

</pallas_src>

<mosaic_0001>
#map = affine_map<(d0, d1) -> (0, 0)>
#map1 = affine_map<(d0, d1) -> (0, 0, 0, 0)>
#map2 = affine_map<(d0, d1) -> (0, 0, 0)>
module attributes {stable_mosaic.version = 14 : i64} {
  func.func @seg_sum(%arg0: i32, %arg1: i32, %arg2: memref<10000x16xf32, #tpu.memory_space<hbm>>, %arg3: memref<2x32x40x250xi32, #tpu.memory_space<hbm>>, %arg4: memref<10112x16xf32, #tpu.memory_space<hbm>>, %arg5: memref<2x10112x16xf32, #tpu.memory_space<hbm>>, %arg6: memref<40x250xi32, #tpu.memory_space<vmem>>, %arg7: memref<40x250xi32, #tpu.memory_space<vmem>>, %arg8: memref<250x16xf32, #tpu.memory_space<vmem>>, %arg9: memref<250x16xf32, #tpu.memory_space<vmem>>, %arg10: memref<250x16xf32, #tpu.memory_space<vmem>>, %arg11: memref<250x16xf32, #tpu.memory_space<vmem>>, %arg12: memref<250x16xf32, #tpu.memory_space<vmem>>, %arg13: memref<250x16xf32, #tpu.memory_space<vmem>>, %arg14: memref<250x16xf32, #tpu.memory_space<vmem>>, %arg15: memref<250x16xf32, #tpu.memory_space<vmem>>, %arg16: memref<!tpu.dma_semaphore, #tpu.memory_space<semaphore_mem>>, %arg17: memref<!tpu.dma_semaphore, #tpu.memory_space<semaphore_mem>>, %arg18: memref<!tpu.dma_semaphore, #tpu.memory_space<semaphore_mem>>, %arg19: memref<!tpu.dma_semaphore, #tpu.memory_space<semaphore_mem>>, %arg20: memref<!tpu.dma_semaphore, #tpu.memory_space<semaphore_mem>>, %arg21: memref<!tpu.dma_semaphore, #tpu.memory_space<semaphore_mem>>, %arg22: memref<!tpu.dma_semaphore, #tpu.memory_space<semaphore_mem>>, %arg23: memref<!tpu.dma_semaphore, #tpu.memory_space<semaphore_mem>>, %arg24: memref<!tpu.dma_semaphore, #tpu.memory_space<semaphore_mem>>, %arg25: memref<!tpu.dma_semaphore, #tpu.memory_space<semaphore_mem>>, %arg26: memref<!tpu.dma_semaphore, #tpu.memory_space<semaphore_mem>>, %arg27: memref<!tpu.dma_semaphore, #tpu.memory_space<semaphore_mem>>, %arg28: memref<!tpu.dma_semaphore, #tpu.memory_space<semaphore_mem>>, %arg29: memref<!tpu.dma_semaphore, #tpu.memory_space<semaphore_mem>>, %arg30: memref<!tpu.dma_semaphore, #tpu.memory_space<semaphore_mem>>, %arg31: memref<!tpu.dma_semaphore, #tpu.memory_space<semaphore_mem>>, %arg32: memref<10112x16xf32, #tpu.memory_space<vmem_shared>>) attributes {dimension_semantics = [#tpu.dimension_semantics<core_parallel>, #tpu.dimension_semantics<subcore_parallel>], iteration_bounds = array<i64: 2, 16>, scalar_prefetch = 0 : i64, scratch_operands = 27 : i64, tpu.core_type = #tpu.core_type<sc_vector_subcore>, window_params = [{transform_indices = #map}, {transform_indices = #map1}, {transform_indices = #map}, {transform_indices = #map2}]} {
    %mul3A = arith.constant 2 : i32
    %mul3A_0 = arith.muli %arg1, %mul3A : i32
    %add3A = arith.addi %mul3A_0, %arg0 : i32
    %mul3A_1 = arith.constant 632 : i32
    %mul3A_2 = arith.muli %arg1, %mul3A_1 : i32
    %mul3A_3 = arith.constant 632 : i32
    %mul3A_4 = arith.muli %arg1, %mul3A_3 : i32
    "tpu.region"() ({
      %run_scoped3A_126 = tpu.sem_alloc : memref<!tpu.dma_semaphore, #tpu.memory_space<semaphore_mem>>
      %dma_start3A_127 = arith.constant 0 : i32
      %dma_start3A_128 = tpu.memref_slice %arg32[%mul3A_4, %dma_start3A_127] : memref<10112x16xf32, #tpu.memory_space<vmem_shared>> -> memref<632x16xf32, #tpu.memory_space<vmem_shared>>
      %dma_start3A_129 = arith.constant 0 : i32
      %dma_start3A_130 = tpu.memref_slice %arg4[%mul3A_2, %dma_start3A_129] : memref<10112x16xf32, #tpu.memory_space<hbm>> -> memref<632x16xf32, #tpu.memory_space<hbm>>
      tpu.enqueue_dma source(%dma_start3A_130 : memref<632x16xf32, #tpu.memory_space<hbm>>) target(%dma_start3A_128 : memref<632x16xf32, #tpu.memory_space<vmem_shared>>) target_semaphore(%run_scoped3A_126 : memref<!tpu.dma_semaphore, #tpu.memory_space<semaphore_mem>>)
      %dma_wait3A_131 = arith.constant 0 : i32
      %dma_wait3A_132 = tpu.memref_slice %arg32[%mul3A_4, %dma_wait3A_131] : memref<10112x16xf32, #tpu.memory_space<vmem_shared>> -> memref<632x16xf32, #tpu.memory_space<vmem_shared>>
      %dma_wait3A_133 = arith.constant 0 : i32
      %dma_wait3A_134 = tpu.memref_slice %arg4[%mul3A_2, %dma_wait3A_133] : memref<10112x16xf32, #tpu.memory_space<hbm>> -> memref<632x16xf32, #tpu.memory_space<hbm>>
      tpu.wait_dma2 semaphore(%run_scoped3A_126 : memref<!tpu.dma_semaphore, #tpu.memory_space<semaphore_mem>>) src(%dma_wait3A_134 : memref<632x16xf32, #tpu.memory_space<hbm>>) dst(%dma_wait3A_132 : memref<632x16xf32, #tpu.memory_space<vmem_shared>>)
      tpu.yield
    }) : () -> ()
    %run_scoped3A = arith.constant 0 : i32
    "tpu.region"() ({
      %run_scoped3A_126 = tpu.sem_alloc : memref<!tpu.dma_semaphore, #tpu.memory_space<semaphore_mem>>
      %dma_start3A_127 = arith.constant 0 : i32
      %dma_start3A_128 = arith.constant 0 : i32
      %dma_start3A_129 = tpu.memref_slice %arg3[%run_scoped3A, %add3A, %dma_start3A_127, %dma_start3A_128] : memref<2x32x40x250xi32, #tpu.memory_space<hbm>> -> memref<1x1x40x250xi32, #tpu.memory_space<hbm>>
      %dma_start3A_130 = tpu.memref_squeeze %dma_start3A_129 : memref<1x1x40x250xi32, #tpu.memory_space<hbm>> -> memref<40x250xi32, #tpu.memory_space<hbm>>
      %dma_start3A_131 = arith.constant 0 : i32
      %dma_start3A_132 = arith.constant 0 : i32
      %dma_start3A_133 = tpu.memref_slice %arg3[%run_scoped3A, %add3A, %dma_start3A_131, %dma_start3A_132] : memref<2x32x40x250xi32, #tpu.memory_space<hbm>> -> memref<1x1x40x250xi32, #tpu.memory_space<hbm>>
      %dma_start3A_134 = tpu.memref_squeeze %dma_start3A_133 : memref<1x1x40x250xi32, #tpu.memory_space<hbm>> -> memref<40x250xi32, #tpu.memory_space<hbm>>
      tpu.enqueue_dma source(%dma_start3A_134 : memref<40x250xi32, #tpu.memory_space<hbm>>) target(%arg6 : memref<40x250xi32, #tpu.memory_space<vmem>>) target_semaphore(%run_scoped3A_126 : memref<!tpu.dma_semaphore, #tpu.memory_space<semaphore_mem>>)
      %dma_wait3A_135 = arith.constant 0 : i32
      %dma_wait3A_136 = arith.constant 0 : i32
      %dma_wait3A_137 = tpu.memref_slice %arg3[%run_scoped3A, %add3A, %dma_wait3A_135, %dma_wait3A_136] : memref<2x32x40x250xi32, #tpu.memory_space<hbm>> -> memref<1x1x40x250xi32, #tpu.memory_space<hbm>>
      %dma_wait3A_138 = tpu.memref_squeeze %dma_wait3A_137 : memref<1x1x40x250xi32, #tpu.memory_space<hbm>> -> memref<40x250xi32, #tpu.memory_space<hbm>>
      %dma_wait3A_139 = arith.constant 0 : i32
      %dma_wait3A_140 = arith.constant 0 : i32
      %dma_wait3A_141 = tpu.memref_slice %arg3[%run_scoped3A, %add3A, %dma_wait3A_139, %dma_wait3A_140] : memref<2x32x40x250xi32, #tpu.memory_space<hbm>> -> memref<1x1x40x250xi32, #tpu.memory_space<hbm>>
      %dma_wait3A_142 = tpu.memref_squeeze %dma_wait3A_141 : memref<1x1x40x250xi32, #tpu.memory_space<hbm>> -> memref<40x250xi32, #tpu.memory_space<hbm>>
      tpu.wait_dma2 semaphore(%run_scoped3A_126 : memref<!tpu.dma_semaphore, #tpu.memory_space<semaphore_mem>>) src(%dma_wait3A_142 : memref<40x250xi32, #tpu.memory_space<hbm>>) dst(%arg6 : memref<40x250xi32, #tpu.memory_space<vmem>>)
      tpu.yield
    }) : () -> ()
    %run_scoped3A_5 = arith.constant 1 : i32
    "tpu.region"() ({
      %run_scoped3A_126 = tpu.sem_alloc : memref<!tpu.dma_semaphore, #tpu.memory_space<semaphore_mem>>
      %dma_start3A_127 = arith.constant 0 : i32
      %dma_start3A_128 = arith.constant 0 : i32
      %dma_start3A_129 = tpu.memref_slice %arg3[%run_scoped3A_5, %add3A, %dma_start3A_127, %dma_start3A_128] : memref<2x32x40x250xi32, #tpu.memory_space<hbm>> -> memref<1x1x40x250xi32, #tpu.memory_space<hbm>>
      %dma_start3A_130 = tpu.memref_squeeze %dma_start3A_129 : memref<1x1x40x250xi32, #tpu.memory_space<hbm>> -> memref<40x250xi32, #tpu.memory_space<hbm>>
      %dma_start3A_131 = arith.constant 0 : i32
      %dma_start3A_132 = arith.constant 0 : i32
      %dma_start3A_133 = tpu.memref_slice %arg3[%run_scoped3A_5, %add3A, %dma_start3A_131, %dma_start3A_132] : memref<2x32x40x250xi32, #tpu.memory_space<hbm>> -> memref<1x1x40x250xi32, #tpu.memory_space<hbm>>
      %dma_start3A_134 = tpu.memref_squeeze %dma_start3A_133 : memref<1x1x40x250xi32, #tpu.memory_space<hbm>> -> memref<40x250xi32, #tpu.memory_space<hbm>>
      tpu.enqueue_dma source(%dma_start3A_134 : memref<40x250xi32, #tpu.memory_space<hbm>>) target(%arg7 : memref<40x250xi32, #tpu.memory_space<vmem>>) target_semaphore(%run_scoped3A_126 : memref<!tpu.dma_semaphore, #tpu.memory_space<semaphore_mem>>)
      %dma_wait3A_135 = arith.constant 0 : i32
      %dma_wait3A_136 = arith.constant 0 : i32
      %dma_wait3A_137 = tpu.memref_slice %arg3[%run_scoped3A_5, %add3A, %dma_wait3A_135, %dma_wait3A_136] : memref<2x32x40x250xi32, #tpu.memory_space<hbm>> -> memref<1x1x40x250xi32, #tpu.memory_space<hbm>>
      %dma_wait3A_138 = tpu.memref_squeeze %dma_wait3A_137 : memref<1x1x40x250xi32, #tpu.memory_space<hbm>> -> memref<40x250xi32, #tpu.memory_space<hbm>>
      %dma_wait3A_139 = arith.constant 0 : i32
      %dma_wait3A_140 = arith.constant 0 : i32
      %dma_wait3A_141 = tpu.memref_slice %arg3[%run_scoped3A_5, %add3A, %dma_wait3A_139, %dma_wait3A_140] : memref<2x32x40x250xi32, #tpu.memory_space<hbm>> -> memref<1x1x40x250xi32, #tpu.memory_space<hbm>>
      %dma_wait3A_142 = tpu.memref_squeeze %dma_wait3A_141 : memref<1x1x40x250xi32, #tpu.memory_space<hbm>> -> memref<40x250xi32, #tpu.memory_space<hbm>>
      tpu.wait_dma2 semaphore(%run_scoped3A_126 : memref<!tpu.dma_semaphore, #tpu.memory_space<semaphore_mem>>) src(%dma_wait3A_142 : memref<40x250xi32, #tpu.memory_space<hbm>>) dst(%arg7 : memref<40x250xi32, #tpu.memory_space<vmem>>)
      tpu.yield
    }) : () -> ()
    %barrier3A = arith.constant 0 : index
    tpu.barrier barrier_id(%barrier3A)
    %dma_start3A = arith.constant 0 : i32
    %dma_start3A_6 = arith.constant 0 : i32
    %dma_start3A_7 = tpu.memref_slice %arg6[%dma_start3A, %dma_start3A_6] : memref<40x250xi32, #tpu.memory_space<vmem>> -> memref<1x250xi32, #tpu.memory_space<vmem>>
    %dma_start3A_8 = tpu.memref_squeeze %dma_start3A_7 : memref<1x250xi32, #tpu.memory_space<vmem>> -> memref<250xi32, #tpu.memory_space<vmem>>
    %dma_start3A_9 = arith.constant 0 : i32
    %dma_start3A_10 = arith.constant 0 : i32
    %dma_start3A_11 = tpu.memref_slice %arg2[%dma_start3A_9, %dma_start3A_10] : memref<10000x16xf32, #tpu.memory_space<hbm>> -> memref<10000x16xf32, #tpu.memory_space<hbm>>
    tpu.enqueue_indirect_dma source(%dma_start3A_11 : memref<10000x16xf32, #tpu.memory_space<hbm>>) target(%arg8 : memref<250x16xf32, #tpu.memory_space<vmem>>) offsets(%dma_start3A_8 : memref<250xi32, #tpu.memory_space<vmem>>) semaphore(%arg16 : memref<!tpu.dma_semaphore, #tpu.memory_space<semaphore_mem>>)
    %dma_start3A_12 = arith.constant 1 : i32
    %dma_start3A_13 = arith.constant 0 : i32
    %dma_start3A_14 = tpu.memref_slice %arg6[%dma_start3A_12, %dma_start3A_13] : memref<40x250xi32, #tpu.memory_space<vmem>> -> memref<1x250xi32, #tpu.memory_space<vmem>>
    %dma_start3A_15 = tpu.memref_squeeze %dma_start3A_14 : memref<1x250xi32, #tpu.memory_space<vmem>> -> memref<250xi32, #tpu.memory_space<vmem>>
    %dma_start3A_16 = arith.constant 0 : i32
    %dma_start3A_17 = arith.constant 0 : i32
    %dma_start3A_18 = tpu.memref_slice %arg2[%dma_start3A_16, %dma_start3A_17] : memref<10000x16xf32, #tpu.memory_space<hbm>> -> memref<10000x16xf32, #tpu.memory_space<hbm>>
    tpu.enqueue_indirect_dma source(%dma_start3A_18 : memref<10000x16xf32, #tpu.memory_space<hbm>>) target(%arg9 : memref<250x16xf32, #tpu.memory_space<vmem>>) offsets(%dma_start3A_15 : memref<250xi32, #tpu.memory_space<vmem>>) semaphore(%arg17 : memref<!tpu.dma_semaphore, #tpu.memory_space<semaphore_mem>>)
    %dma_start3A_19 = arith.constant 2 : i32
    %dma_start3A_20 = arith.constant 0 : i32
    %dma_start3A_21 = tpu.memref_slice %arg6[%dma_start3A_19, %dma_start3A_20] : memref<40x250xi32, #tpu.memory_space<vmem>> -> memref<1x250xi32, #tpu.memory_space<vmem>>
    %dma_start3A_22 = tpu.memref_squeeze %dma_start3A_21 : memref<1x250xi32, #tpu.memory_space<vmem>> -> memref<250xi32, #tpu.memory_space<vmem>>
    %dma_start3A_23 = arith.constant 0 : i32
    %dma_start3A_24 = arith.constant 0 : i32
    %dma_start3A_25 = tpu.memref_slice %arg2[%dma_start3A_23, %dma_start3A_24] : memref<10000x16xf32, #tpu.memory_space<hbm>> -> memref<10000x16xf32, #tpu.memory_space<hbm>>
    tpu.enqueue_indirect_dma source(%dma_start3A_25 : memref<10000x16xf32, #tpu.memory_space<hbm>>) target(%arg10 : memref<250x16xf32, #tpu.memory_space<vmem>>) offsets(%dma_start3A_22 : memref<250xi32, #tpu.memory_space<vmem>>) semaphore(%arg18 : memref<!tpu.dma_semaphore, #tpu.memory_space<semaphore_mem>>)
    %dma_start3A_26 = arith.constant 3 : i32
    %dma_start3A_27 = arith.constant 0 : i32
    %dma_start3A_28 = tpu.memref_slice %arg6[%dma_start3A_26, %dma_start3A_27] : memref<40x250xi32, #tpu.memory_space<vmem>> -> memref<1x250xi32, #tpu.memory_space<vmem>>
    %dma_start3A_29 = tpu.memref_squeeze %dma_start3A_28 : memref<1x250xi32, #tpu.memory_space<vmem>> -> memref<250xi32, #tpu.memory_space<vmem>>
    %dma_start3A_30 = arith.constant 0 : i32
    %dma_start3A_31 = arith.constant 0 : i32
    %dma_start3A_32 = tpu.memref_slice %arg2[%dma_start3A_30, %dma_start3A_31] : memref<10000x16xf32, #tpu.memory_space<hbm>> -> memref<10000x16xf32, #tpu.memory_space<hbm>>
    tpu.enqueue_indirect_dma source(%dma_start3A_32 : memref<10000x16xf32, #tpu.memory_space<hbm>>) target(%arg11 : memref<250x16xf32, #tpu.memory_space<vmem>>) offsets(%dma_start3A_29 : memref<250xi32, #tpu.memory_space<vmem>>) semaphore(%arg19 : memref<!tpu.dma_semaphore, #tpu.memory_space<semaphore_mem>>)
    %dma_start3A_33 = arith.constant 4 : i32
    %dma_start3A_34 = arith.constant 0 : i32
    %dma_start3A_35 = tpu.memref_slice %arg6[%dma_start3A_33, %dma_start3A_34] : memref<40x250xi32, #tpu.memory_space<vmem>> -> memref<1x250xi32, #tpu.memory_space<vmem>>
    %dma_start3A_36 = tpu.memref_squeeze %dma_start3A_35 : memref<1x250xi32, #tpu.memory_space<vmem>> -> memref<250xi32, #tpu.memory_space<vmem>>
    %dma_start3A_37 = arith.constant 0 : i32
    %dma_start3A_38 = arith.constant 0 : i32
    %dma_start3A_39 = tpu.memref_slice %arg2[%dma_start3A_37, %dma_start3A_38] : memref<10000x16xf32, #tpu.memory_space<hbm>> -> memref<10000x16xf32, #tpu.memory_space<hbm>>
    tpu.enqueue_indirect_dma source(%dma_start3A_39 : memref<10000x16xf32, #tpu.memory_space<hbm>>) target(%arg12 : memref<250x16xf32, #tpu.memory_space<vmem>>) offsets(%dma_start3A_36 : memref<250xi32, #tpu.memory_space<vmem>>) semaphore(%arg20 : memref<!tpu.dma_semaphore, #tpu.memory_space<semaphore_mem>>)
    %dma_start3A_40 = arith.constant 5 : i32
    %dma_start3A_41 = arith.constant 0 : i32
    %dma_start3A_42 = tpu.memref_slice %arg6[%dma_start3A_40, %dma_start3A_41] : memref<40x250xi32, #tpu.memory_space<vmem>> -> memref<1x250xi32, #tpu.memory_space<vmem>>
    %dma_start3A_43 = tpu.memref_squeeze %dma_start3A_42 : memref<1x250xi32, #tpu.memory_space<vmem>> -> memref<250xi32, #tpu.memory_space<vmem>>
    %dma_start3A_44 = arith.constant 0 : i32
    %dma_start3A_45 = arith.constant 0 : i32
    %dma_start3A_46 = tpu.memref_slice %arg2[%dma_start3A_44, %dma_start3A_45] : memref<10000x16xf32, #tpu.memory_space<hbm>> -> memref<10000x16xf32, #tpu.memory_space<hbm>>
    tpu.enqueue_indirect_dma source(%dma_start3A_46 : memref<10000x16xf32, #tpu.memory_space<hbm>>) target(%arg13 : memref<250x16xf32, #tpu.memory_space<vmem>>) offsets(%dma_start3A_43 : memref<250xi32, #tpu.memory_space<vmem>>) semaphore(%arg21 : memref<!tpu.dma_semaphore, #tpu.memory_space<semaphore_mem>>)
    %dma_start3A_47 = arith.constant 6 : i32
    %dma_start3A_48 = arith.constant 0 : i32
    %dma_start3A_49 = tpu.memref_slice %arg6[%dma_start3A_47, %dma_start3A_48] : memref<40x250xi32, #tpu.memory_space<vmem>> -> memref<1x250xi32, #tpu.memory_space<vmem>>
    %dma_start3A_50 = tpu.memref_squeeze %dma_start3A_49 : memref<1x250xi32, #tpu.memory_space<vmem>> -> memref<250xi32, #tpu.memory_space<vmem>>
    %dma_start3A_51 = arith.constant 0 : i32
    %dma_start3A_52 = arith.constant 0 : i32
    %dma_start3A_53 = tpu.memref_slice %arg2[%dma_start3A_51, %dma_start3A_52] : memref<10000x16xf32, #tpu.memory_space<hbm>> -> memref<10000x16xf32, #tpu.memory_space<hbm>>
    tpu.enqueue_indirect_dma source(%dma_start3A_53 : memref<10000x16xf32, #tpu.memory_space<hbm>>) target(%arg14 : memref<250x16xf32, #tpu.memory_space<vmem>>) offsets(%dma_start3A_50 : memref<250xi32, #tpu.memory_space<vmem>>) semaphore(%arg22 : memref<!tpu.dma_semaphore, #tpu.memory_space<semaphore_mem>>)
    %dma_start3A_54 = arith.constant 7 : i32
    %dma_start3A_55 = arith.constant 0 : i32
    %dma_start3A_56 = tpu.memref_slice %arg6[%dma_start3A_54, %dma_start3A_55] : memref<40x250xi32, #tpu.memory_space<vmem>> -> memref<1x250xi32, #tpu.memory_space<vmem>>
    %dma_start3A_57 = tpu.memref_squeeze %dma_start3A_56 : memref<1x250xi32, #tpu.memory_space<vmem>> -> memref<250xi32, #tpu.memory_space<vmem>>
    %dma_start3A_58 = arith.constant 0 : i32
    %dma_start3A_59 = arith.constant 0 : i32
    %dma_start3A_60 = tpu.memref_slice %arg2[%dma_start3A_58, %dma_start3A_59] : memref<10000x16xf32, #tpu.memory_space<hbm>> -> memref<10000x16xf32, #tpu.memory_space<hbm>>
    tpu.enqueue_indirect_dma source(%dma_start3A_60 : memref<10000x16xf32, #tpu.memory_space<hbm>>) target(%arg15 : memref<250x16xf32, #tpu.memory_space<vmem>>) offsets(%dma_start3A_57 : memref<250xi32, #tpu.memory_space<vmem>>) semaphore(%arg23 : memref<!tpu.dma_semaphore, #tpu.memory_space<semaphore_mem>>)
    %scan3A = arith.constant 0 : i32
    %scan3A_61 = arith.constant 0 : i32
    %scan3A_62 = arith.constant 5 : i32
    %scan3A_63 = arith.addi %scan3A_61, %scan3A_62 : i32
    %scan3A_64 = arith.constant 1 : i32
    scf.for %scan3A_126 = %scan3A_61 to %scan3A_63 step %scan3A_64  : i32 {
      %mul3A_127 = arith.constant 8 : i32
      %mul3A_128 = arith.muli %scan3A_126, %mul3A_127 : i32
      %add3A_129 = arith.constant 0 : i32
      %add3A_130 = arith.addi %mul3A_128, %add3A_129 : i32
      %dma_wait3A_131 = arith.constant 0 : i32
      %dma_wait3A_132 = tpu.memref_slice %arg6[%add3A_130, %dma_wait3A_131] : memref<40x250xi32, #tpu.memory_space<vmem>> -> memref<1x250xi32, #tpu.memory_space<vmem>>
      %dma_wait3A_133 = tpu.memref_squeeze %dma_wait3A_132 : memref<1x250xi32, #tpu.memory_space<vmem>> -> memref<250xi32, #tpu.memory_space<vmem>>
      %dma_wait3A_134 = arith.constant 0 : i32
      %dma_wait3A_135 = arith.constant 0 : i32
      %dma_wait3A_136 = tpu.memref_slice %arg2[%dma_wait3A_134, %dma_wait3A_135] : memref<10000x16xf32, #tpu.memory_space<hbm>> -> memref<10000x16xf32, #tpu.memory_space<hbm>>
      tpu.wait_indirect_dma semaphore(%arg16 : memref<!tpu.dma_semaphore, #tpu.memory_space<semaphore_mem>>) src(%dma_wait3A_136 : memref<10000x16xf32, #tpu.memory_space<hbm>>) dst(%arg8 : memref<250x16xf32, #tpu.memory_space<vmem>>)
      %dma_start3A_137 = arith.constant 0 : i32
      %dma_start3A_138 = tpu.memref_slice %arg7[%add3A_130, %dma_start3A_137] : memref<40x250xi32, #tpu.memory_space<vmem>> -> memref<1x250xi32, #tpu.memory_space<vmem>>
      %dma_start3A_139 = tpu.memref_squeeze %dma_start3A_138 : memref<1x250xi32, #tpu.memory_space<vmem>> -> memref<250xi32, #tpu.memory_space<vmem>>
      %dma_start3A_140 = arith.constant 0 : i32
      %dma_start3A_141 = arith.constant 0 : i32
      %dma_start3A_142 = tpu.memref_slice %arg32[%dma_start3A_140, %dma_start3A_141] : memref<10112x16xf32, #tpu.memory_space<vmem_shared>> -> memref<10112x16xf32, #tpu.memory_space<vmem_shared>>
      tpu.enqueue_indirect_dma source(%arg8 : memref<250x16xf32, #tpu.memory_space<vmem>>) target(%dma_start3A_142 : memref<10112x16xf32, #tpu.memory_space<vmem_shared>>) offsets(%dma_start3A_139 : memref<250xi32, #tpu.memory_space<vmem>>) semaphore(%arg24 : memref<!tpu.dma_semaphore, #tpu.memory_space<semaphore_mem>>) {add = true}
      %add3A_143 = arith.constant 1 : i32
      %add3A_144 = arith.addi %mul3A_128, %add3A_143 : i32
      %dma_wait3A_145 = arith.constant 0 : i32
      %dma_wait3A_146 = tpu.memref_slice %arg6[%add3A_144, %dma_wait3A_145] : memref<40x250xi32, #tpu.memory_space<vmem>> -> memref<1x250xi32, #tpu.memory_space<vmem>>
      %dma_wait3A_147 = tpu.memref_squeeze %dma_wait3A_146 : memref<1x250xi32, #tpu.memory_space<vmem>> -> memref<250xi32, #tpu.memory_space<vmem>>
      %dma_wait3A_148 = arith.constant 0 : i32
      %dma_wait3A_149 = arith.constant 0 : i32
      %dma_wait3A_150 = tpu.memref_slice %arg2[%dma_wait3A_148, %dma_wait3A_149] : memref<10000x16xf32, #tpu.memory_space<hbm>> -> memref<10000x16xf32, #tpu.memory_space<hbm>>
      tpu.wait_indirect_dma semaphore(%arg17 : memref<!tpu.dma_semaphore, #tpu.memory_space<semaphore_mem>>) src(%dma_wait3A_150 : memref<10000x16xf32, #tpu.memory_space<hbm>>) dst(%arg9 : memref<250x16xf32, #tpu.memory_space<vmem>>)
      %dma_start3A_151 = arith.constant 0 : i32
      %dma_start3A_152 = tpu.memref_slice %arg7[%add3A_144, %dma_start3A_151] : memref<40x250xi32, #tpu.memory_space<vmem>> -> memref<1x250xi32, #tpu.memory_space<vmem>>
      %dma_start3A_153 = tpu.memref_squeeze %dma_start3A_152 : memref<1x250xi32, #tpu.memory_space<vmem>> -> memref<250xi32, #tpu.memory_space<vmem>>
      %dma_start3A_154 = arith.constant 0 : i32
      %dma_start3A_155 = arith.constant 0 : i32
      %dma_start3A_156 = tpu.memref_slice %arg32[%dma_start3A_154, %dma_start3A_155] : memref<10112x16xf32, #tpu.memory_space<vmem_shared>> -> memref<10112x16xf32, #tpu.memory_space<vmem_shared>>
      tpu.enqueue_indirect_dma source(%arg9 : memref<250x16xf32, #tpu.memory_space<vmem>>) target(%dma_start3A_156 : memref<10112x16xf32, #tpu.memory_space<vmem_shared>>) offsets(%dma_start3A_153 : memref<250xi32, #tpu.memory_space<vmem>>) semaphore(%arg25 : memref<!tpu.dma_semaphore, #tpu.memory_space<semaphore_mem>>) {add = true}
      %add3A_157 = arith.constant 2 : i32
      %add3A_158 = arith.addi %mul3A_128, %add3A_157 : i32
      %dma_wait3A_159 = arith.constant 0 : i32
      %dma_wait3A_160 = tpu.memref_slice %arg6[%add3A_158, %dma_wait3A_159] : memref<40x250xi32, #tpu.memory_space<vmem>> -> memref<1x250xi32, #tpu.memory_space<vmem>>
      %dma_wait3A_161 = tpu.memref_squeeze %dma_wait3A_160 : memref<1x250xi32, #tpu.memory_space<vmem>> -> memref<250xi32, #tpu.memory_space<vmem>>
      %dma_wait3A_162 = arith.constant 0 : i32
      %dma_wait3A_163 = arith.constant 0 : i32
      %dma_wait3A_164 = tpu.memref_slice %arg2[%dma_wait3A_162, %dma_wait3A_163] : memref<10000x16xf32, #tpu.memory_space<hbm>> -> memref<10000x16xf32, #tpu.memory_space<hbm>>
      tpu.wait_indirect_dma semaphore(%arg18 : memref<!tpu.dma_semaphore, #tpu.memory_space<semaphore_mem>>) src(%dma_wait3A_164 : memref<10000x16xf32, #tpu.memory_space<hbm>>) dst(%arg10 : memref<250x16xf32, #tpu.memory_space<vmem>>)
      %dma_start3A_165 = arith.constant 0 : i32
      %dma_start3A_166 = tpu.memref_slice %arg7[%add3A_158, %dma_start3A_165] : memref<40x250xi32, #tpu.memory_space<vmem>> -> memref<1x250xi32, #tpu.memory_space<vmem>>
      %dma_start3A_167 = tpu.memref_squeeze %dma_start3A_166 : memref<1x250xi32, #tpu.memory_space<vmem>> -> memref<250xi32, #tpu.memory_space<vmem>>
      %dma_start3A_168 = arith.constant 0 : i32
      %dma_start3A_169 = arith.constant 0 : i32
      %dma_start3A_170 = tpu.memref_slice %arg32[%dma_start3A_168, %dma_start3A_169] : memref<10112x16xf32, #tpu.memory_space<vmem_shared>> -> memref<10112x16xf32, #tpu.memory_space<vmem_shared>>
      tpu.enqueue_indirect_dma source(%arg10 : memref<250x16xf32, #tpu.memory_space<vmem>>) target(%dma_start3A_170 : memref<10112x16xf32, #tpu.memory_space<vmem_shared>>) offsets(%dma_start3A_167 : memref<250xi32, #tpu.memory_space<vmem>>) semaphore(%arg26 : memref<!tpu.dma_semaphore, #tpu.memory_space<semaphore_mem>>) {add = true}
      %add3A_171 = arith.constant 3 : i32
      %add3A_172 = arith.addi %mul3A_128, %add3A_171 : i32
      %dma_wait3A_173 = arith.constant 0 : i32
      %dma_wait3A_174 = tpu.memref_slice %arg6[%add3A_172, %dma_wait3A_173] : memref<40x250xi32, #tpu.memory_space<vmem>> -> memref<1x250xi32, #tpu.memory_space<vmem>>
      %dma_wait3A_175 = tpu.memref_squeeze %dma_wait3A_174 : memref<1x250xi32, #tpu.memory_space<vmem>> -> memref<250xi32, #tpu.memory_space<vmem>>
      %dma_wait3A_176 = arith.constant 0 : i32
      %dma_wait3A_177 = arith.constant 0 : i32
      %dma_wait3A_178 = tpu.memref_slice %arg2[%dma_wait3A_176, %dma_wait3A_177] : memref<10000x16xf32, #tpu.memory_space<hbm>> -> memref<10000x16xf32, #tpu.memory_space<hbm>>
      tpu.wait_indirect_dma semaphore(%arg19 : memref<!tpu.dma_semaphore, #tpu.memory_space<semaphore_mem>>) src(%dma_wait3A_178 : memref<10000x16xf32, #tpu.memory_space<hbm>>) dst(%arg11 : memref<250x16xf32, #tpu.memory_space<vmem>>)
      %dma_start3A_179 = arith.constant 0 : i32
      %dma_start3A_180 = tpu.memref_slice %arg7[%add3A_172, %dma_start3A_179] : memref<40x250xi32, #tpu.memory_space<vmem>> -> memref<1x250xi32, #tpu.memory_space<vmem>>
      %dma_start3A_181 = tpu.memref_squeeze %dma_start3A_180 : memref<1x250xi32, #tpu.memory_space<vmem>> -> memref<250xi32, #tpu.memory_space<vmem>>
      %dma_start3A_182 = arith.constant 0 : i32
      %dma_start3A_183 = arith.constant 0 : i32
      %dma_start3A_184 = tpu.memref_slice %arg32[%dma_start3A_182, %dma_start3A_183] : memref<10112x16xf32, #tpu.memory_space<vmem_shared>> -> memref<10112x16xf32, #tpu.memory_space<vmem_shared>>
      tpu.enqueue_indirect_dma source(%arg11 : memref<250x16xf32, #tpu.memory_space<vmem>>) target(%dma_start3A_184 : memref<10112x16xf32, #tpu.memory_space<vmem_shared>>) offsets(%dma_start3A_181 : memref<250xi32, #tpu.memory_space<vmem>>) semaphore(%arg27 : memref<!tpu.dma_semaphore, #tpu.memory_space<semaphore_mem>>) {add = true}
      %add3A_185 = arith.constant 4 : i32
      %add3A_186 = arith.addi %mul3A_128, %add3A_185 : i32
      %dma_wait3A_187 = arith.constant 0 : i32
      %dma_wait3A_188 = tpu.memref_slice %arg6[%add3A_186, %dma_wait3A_187] : memref<40x250xi32, #tpu.memory_space<vmem>> -> memref<1x250xi32, #tpu.memory_space<vmem>>
      %dma_wait3A_189 = tpu.memref_squeeze %dma_wait3A_188 : memref<1x250xi32, #tpu.memory_space<vmem>> -> memref<250xi32, #tpu.memory_space<vmem>>
      %dma_wait3A_190 = arith.constant 0 : i32
      %dma_wait3A_191 = arith.constant 0 : i32
      %dma_wait3A_192 = tpu.memref_slice %arg2[%dma_wait3A_190, %dma_wait3A_191] : memref<10000x16xf32, #tpu.memory_space<hbm>> -> memref<10000x16xf32, #tpu.memory_space<hbm>>
      tpu.wait_indirect_dma semaphore(%arg20 : memref<!tpu.dma_semaphore, #tpu.memory_space<semaphore_mem>>) src(%dma_wait3A_192 : memref<10000x16xf32, #tpu.memory_space<hbm>>) dst(%arg12 : memref<250x16xf32, #tpu.memory_space<vmem>>)
      %dma_start3A_193 = arith.constant 0 : i32
      %dma_start3A_194 = tpu.memref_slice %arg7[%add3A_186, %dma_start3A_193] : memref<40x250xi32, #tpu.memory_space<vmem>> -> memref<1x250xi32, #tpu.memory_space<vmem>>
      %dma_start3A_195 = tpu.memref_squeeze %dma_start3A_194 : memref<1x250xi32, #tpu.memory_space<vmem>> -> memref<250xi32, #tpu.memory_space<vmem>>
      %dma_start3A_196 = arith.constant 0 : i32
      %dma_start3A_197 = arith.constant 0 : i32
      %dma_start3A_198 = tpu.memref_slice %arg32[%dma_start3A_196, %dma_start3A_197] : memref<10112x16xf32, #tpu.memory_space<vmem_shared>> -> memref<10112x16xf32, #tpu.memory_space<vmem_shared>>
      tpu.enqueue_indirect_dma source(%arg12 : memref<250x16xf32, #tpu.memory_space<vmem>>) target(%dma_start3A_198 : memref<10112x16xf32, #tpu.memory_space<vmem_shared>>) offsets(%dma_start3A_195 : memref<250xi32, #tpu.memory_space<vmem>>) semaphore(%arg28 : memref<!tpu.dma_semaphore, #tpu.memory_space<semaphore_mem>>) {add = true}
      %add3A_199 = arith.constant 5 : i32
      %add3A_200 = arith.addi %mul3A_128, %add3A_199 : i32
      %dma_wait3A_201 = arith.constant 0 : i32
      %dma_wait3A_202 = tpu.memref_slice %arg6[%add3A_200, %dma_wait3A_201] : memref<40x250xi32, #tpu.memory_space<vmem>> -> memref<1x250xi32, #tpu.memory_space<vmem>>
      %dma_wait3A_203 = tpu.memref_squeeze %dma_wait3A_202 : memref<1x250xi32, #tpu.memory_space<vmem>> -> memref<250xi32, #tpu.memory_space<vmem>>
      %dma_wait3A_204 = arith.constant 0 : i32
      %dma_wait3A_205 = arith.constant 0 : i32
      %dma_wait3A_206 = tpu.memref_slice %arg2[%dma_wait3A_204, %dma_wait3A_205] : memref<10000x16xf32, #tpu.memory_space<hbm>> -> memref<10000x16xf32, #tpu.memory_space<hbm>>
      tpu.wait_indirect_dma semaphore(%arg21 : memref<!tpu.dma_semaphore, #tpu.memory_space<semaphore_mem>>) src(%dma_wait3A_206 : memref<10000x16xf32, #tpu.memory_space<hbm>>) dst(%arg13 : memref<250x16xf32, #tpu.memory_space<vmem>>)
      %dma_start3A_207 = arith.constant 0 : i32
      %dma_start3A_208 = tpu.memref_slice %arg7[%add3A_200, %dma_start3A_207] : memref<40x250xi32, #tpu.memory_space<vmem>> -> memref<1x250xi32, #tpu.memory_space<vmem>>
      %dma_start3A_209 = tpu.memref_squeeze %dma_start3A_208 : memref<1x250xi32, #tpu.memory_space<vmem>> -> memref<250xi32, #tpu.memory_space<vmem>>
      %dma_start3A_210 = arith.constant 0 : i32
      %dma_start3A_211 = arith.constant 0 : i32
      %dma_start3A_212 = tpu.memref_slice %arg32[%dma_start3A_210, %dma_start3A_211] : memref<10112x16xf32, #tpu.memory_space<vmem_shared>> -> memref<10112x16xf32, #tpu.memory_space<vmem_shared>>
      tpu.enqueue_indirect_dma source(%arg13 : memref<250x16xf32, #tpu.memory_space<vmem>>) target(%dma_start3A_212 : memref<10112x16xf32, #tpu.memory_space<vmem_shared>>) offsets(%dma_start3A_209 : memref<250xi32, #tpu.memory_space<vmem>>) semaphore(%arg29 : memref<!tpu.dma_semaphore, #tpu.memory_space<semaphore_mem>>) {add = true}
      %add3A_213 = arith.constant 6 : i32
      %add3A_214 = arith.addi %mul3A_128, %add3A_213 : i32
      %dma_wait3A_215 = arith.constant 0 : i32
      %dma_wait3A_216 = tpu.memref_slice %arg6[%add3A_214, %dma_wait3A_215] : memref<40x250xi32, #tpu.memory_space<vmem>> -> memref<1x250xi32, #tpu.memory_space<vmem>>
      %dma_wait3A_217 = tpu.memref_squeeze %dma_wait3A_216 : memref<1x250xi32, #tpu.memory_space<vmem>> -> memref<250xi32, #tpu.memory_space<vmem>>
      %dma_wait3A_218 = arith.constant 0 : i32
      %dma_wait3A_219 = arith.constant 0 : i32
      %dma_wait3A_220 = tpu.memref_slice %arg2[%dma_wait3A_218, %dma_wait3A_219] : memref<10000x16xf32, #tpu.memory_space<hbm>> -> memref<10000x16xf32, #tpu.memory_space<hbm>>
      tpu.wait_indirect_dma semaphore(%arg22 : memref<!tpu.dma_semaphore, #tpu.memory_space<semaphore_mem>>) src(%dma_wait3A_220 : memref<10000x16xf32, #tpu.memory_space<hbm>>) dst(%arg14 : memref<250x16xf32, #tpu.memory_space<vmem>>)
      %dma_start3A_221 = arith.constant 0 : i32
      %dma_start3A_222 = tpu.memref_slice %arg7[%add3A_214, %dma_start3A_221] : memref<40x250xi32, #tpu.memory_space<vmem>> -> memref<1x250xi32, #tpu.memory_space<vmem>>
      %dma_start3A_223 = tpu.memref_squeeze %dma_start3A_222 : memref<1x250xi32, #tpu.memory_space<vmem>> -> memref<250xi32, #tpu.memory_space<vmem>>
      %dma_start3A_224 = arith.constant 0 : i32
      %dma_start3A_225 = arith.constant 0 : i32
      %dma_start3A_226 = tpu.memref_slice %arg32[%dma_start3A_224, %dma_start3A_225] : memref<10112x16xf32, #tpu.memory_space<vmem_shared>> -> memref<10112x16xf32, #tpu.memory_space<vmem_shared>>
      tpu.enqueue_indirect_dma source(%arg14 : memref<250x16xf32, #tpu.memory_space<vmem>>) target(%dma_start3A_226 : memref<10112x16xf32, #tpu.memory_space<vmem_shared>>) offsets(%dma_start3A_223 : memref<250xi32, #tpu.memory_space<vmem>>) semaphore(%arg30 : memref<!tpu.dma_semaphore, #tpu.memory_space<semaphore_mem>>) {add = true}
      %add3A_227 = arith.constant 7 : i32
      %add3A_228 = arith.addi %mul3A_128, %add3A_227 : i32
      %dma_wait3A_229 = arith.constant 0 : i32
      %dma_wait3A_230 = tpu.memref_slice %arg6[%add3A_228, %dma_wait3A_229] : memref<40x250xi32, #tpu.memory_space<vmem>> -> memref<1x250xi32, #tpu.memory_space<vmem>>
      %dma_wait3A_231 = tpu.memref_squeeze %dma_wait3A_230 : memref<1x250xi32, #tpu.memory_space<vmem>> -> memref<250xi32, #tpu.memory_space<vmem>>
      %dma_wait3A_232 = arith.constant 0 : i32
      %dma_wait3A_233 = arith.constant 0 : i32
      %dma_wait3A_234 = tpu.memref_slice %arg2[%dma_wait3A_232, %dma_wait3A_233] : memref<10000x16xf32, #tpu.memory_space<hbm>> -> memref<10000x16xf32, #tpu.memory_space<hbm>>
      tpu.wait_indirect_dma semaphore(%arg23 : memref<!tpu.dma_semaphore, #tpu.memory_space<semaphore_mem>>) src(%dma_wait3A_234 : memref<10000x16xf32, #tpu.memory_space<hbm>>) dst(%arg15 : memref<250x16xf32, #tpu.memory_space<vmem>>)
      %dma_start3A_235 = arith.constant 0 : i32
      %dma_start3A_236 = tpu.memref_slice %arg7[%add3A_228, %dma_start3A_235] : memref<40x250xi32, #tpu.memory_space<vmem>> -> memref<1x250xi32, #tpu.memory_space<vmem>>
      %dma_start3A_237 = tpu.memref_squeeze %dma_start3A_236 : memref<1x250xi32, #tpu.memory_space<vmem>> -> memref<250xi32, #tpu.memory_space<vmem>>
      %dma_start3A_238 = arith.constant 0 : i32
      %dma_start3A_239 = arith.constant 0 : i32
      %dma_start3A_240 = tpu.memref_slice %arg32[%dma_start3A_238, %dma_start3A_239] : memref<10112x16xf32, #tpu.memory_space<vmem_shared>> -> memref<10112x16xf32, #tpu.memory_space<vmem_shared>>
      tpu.enqueue_indirect_dma source(%arg15 : memref<250x16xf32, #tpu.memory_space<vmem>>) target(%dma_start3A_240 : memref<10112x16xf32, #tpu.memory_space<vmem_shared>>) offsets(%dma_start3A_237 : memref<250xi32, #tpu.memory_space<vmem>>) semaphore(%arg31 : memref<!tpu.dma_semaphore, #tpu.memory_space<semaphore_mem>>) {add = true}
      %add3A_241 = arith.constant 1 : i32
      %add3A_242 = arith.addi %scan3A_126, %add3A_241 : i32
      %lt3A = arith.constant 5 : i32
      %lt3A_243 = arith.cmpi slt, %add3A_242, %lt3A : i32
      %convert_element_type3A = arith.extui %lt3A_243 : i1 to i32
      %cond3A = arith.constant 0 : i32
      %cond3A_244 = arith.cmpi ne, %convert_element_type3A, %cond3A : i32
      scf.if %cond3A_244 {
        %add3A_245 = arith.constant 0 : i32
        %add3A_246 = arith.addi %mul3A_128, %add3A_245 : i32
        %dma_wait3A_247 = arith.constant 0 : i32
        %dma_wait3A_248 = tpu.memref_slice %arg7[%add3A_246, %dma_wait3A_247] : memref<40x250xi32, #tpu.memory_space<vmem>> -> memref<1x250xi32, #tpu.memory_space<vmem>>
        %dma_wait3A_249 = tpu.memref_squeeze %dma_wait3A_248 : memref<1x250xi32, #tpu.memory_space<vmem>> -> memref<250xi32, #tpu.memory_space<vmem>>
        %dma_wait3A_250 = arith.constant 0 : i32
        %dma_wait3A_251 = arith.constant 0 : i32
        %dma_wait3A_252 = tpu.memref_slice %arg32[%dma_wait3A_250, %dma_wait3A_251] : memref<10112x16xf32, #tpu.memory_space<vmem_shared>> -> memref<10112x16xf32, #tpu.memory_space<vmem_shared>>
        tpu.wait_indirect_dma semaphore(%arg24 : memref<!tpu.dma_semaphore, #tpu.memory_space<semaphore_mem>>) src(%arg8 : memref<250x16xf32, #tpu.memory_space<vmem>>) dst(%dma_wait3A_252 : memref<10112x16xf32, #tpu.memory_space<vmem_shared>>)
        %add3A_253 = arith.constant 8 : i32
        %add3A_254 = arith.addi %add3A_246, %add3A_253 : i32
        %dma_start3A_255 = arith.constant 0 : i32
        %dma_start3A_256 = tpu.memref_slice %arg6[%add3A_254, %dma_start3A_255] : memref<40x250xi32, #tpu.memory_space<vmem>> -> memref<1x250xi32, #tpu.memory_space<vmem>>
        %dma_start3A_257 = tpu.memref_squeeze %dma_start3A_256 : memref<1x250xi32, #tpu.memory_space<vmem>> -> memref<250xi32, #tpu.memory_space<vmem>>
        %dma_start3A_258 = arith.constant 0 : i32
        %dma_start3A_259 = arith.constant 0 : i32
        %dma_start3A_260 = tpu.memref_slice %arg2[%dma_start3A_258, %dma_start3A_259] : memref<10000x16xf32, #tpu.memory_space<hbm>> -> memref<10000x16xf32, #tpu.memory_space<hbm>>
        tpu.enqueue_indirect_dma source(%dma_start3A_260 : memref<10000x16xf32, #tpu.memory_space<hbm>>) target(%arg8 : memref<250x16xf32, #tpu.memory_space<vmem>>) offsets(%dma_start3A_257 : memref<250xi32, #tpu.memory_space<vmem>>) semaphore(%arg16 : memref<!tpu.dma_semaphore, #tpu.memory_space<semaphore_mem>>)
        %add3A_261 = arith.constant 1 : i32
        %add3A_262 = arith.addi %mul3A_128, %add3A_261 : i32
        %dma_wait3A_263 = arith.constant 0 : i32
        %dma_wait3A_264 = tpu.memref_slice %arg7[%add3A_262, %dma_wait3A_263] : memref<40x250xi32, #tpu.memory_space<vmem>> -> memref<1x250xi32, #tpu.memory_space<vmem>>
        %dma_wait3A_265 = tpu.memref_squeeze %dma_wait3A_264 : memref<1x250xi32, #tpu.memory_space<vmem>> -> memref<250xi32, #tpu.memory_space<vmem>>
        %dma_wait3A_266 = arith.constant 0 : i32
        %dma_wait3A_267 = arith.constant 0 : i32
        %dma_wait3A_268 = tpu.memref_slice %arg32[%dma_wait3A_266, %dma_wait3A_267] : memref<10112x16xf32, #tpu.memory_space<vmem_shared>> -> memref<10112x16xf32, #tpu.memory_space<vmem_shared>>
        tpu.wait_indirect_dma semaphore(%arg25 : memref<!tpu.dma_semaphore, #tpu.memory_space<semaphore_mem>>) src(%arg9 : memref<250x16xf32, #tpu.memory_space<vmem>>) dst(%dma_wait3A_268 : memref<10112x16xf32, #tpu.memory_space<vmem_shared>>)
        %add3A_269 = arith.constant 8 : i32
        %add3A_270 = arith.addi %add3A_262, %add3A_269 : i32
        %dma_start3A_271 = arith.constant 0 : i32
        %dma_start3A_272 = tpu.memref_slice %arg6[%add3A_270, %dma_start3A_271] : memref<40x250xi32, #tpu.memory_space<vmem>> -> memref<1x250xi32, #tpu.memory_space<vmem>>
        %dma_start3A_273 = tpu.memref_squeeze %dma_start3A_272 : memref<1x250xi32, #tpu.memory_space<vmem>> -> memref<250xi32, #tpu.memory_space<vmem>>
        %dma_start3A_274 = arith.constant 0 : i32
        %dma_start3A_275 = arith.constant 0 : i32
        %dma_start3A_276 = tpu.memref_slice %arg2[%dma_start3A_274, %dma_start3A_275] : memref<10000x16xf32, #tpu.memory_space<hbm>> -> memref<10000x16xf32, #tpu.memory_space<hbm>>
        tpu.enqueue_indirect_dma source(%dma_start3A_276 : memref<10000x16xf32, #tpu.memory_space<hbm>>) target(%arg9 : memref<250x16xf32, #tpu.memory_space<vmem>>) offsets(%dma_start3A_273 : memref<250xi32, #tpu.memory_space<vmem>>) semaphore(%arg17 : memref<!tpu.dma_semaphore, #tpu.memory_space<semaphore_mem>>)
        %add3A_277 = arith.constant 2 : i32
        %add3A_278 = arith.addi %mul3A_128, %add3A_277 : i32
        %dma_wait3A_279 = arith.constant 0 : i32
        %dma_wait3A_280 = tpu.memref_slice %arg7[%add3A_278, %dma_wait3A_279] : memref<40x250xi32, #tpu.memory_space<vmem>> -> memref<1x250xi32, #tpu.memory_space<vmem>>
        %dma_wait3A_281 = tpu.memref_squeeze %dma_wait3A_280 : memref<1x250xi32, #tpu.memory_space<vmem>> -> memref<250xi32, #tpu.memory_space<vmem>>
        %dma_wait3A_282 = arith.constant 0 : i32
        %dma_wait3A_283 = arith.constant 0 : i32
        %dma_wait3A_284 = tpu.memref_slice %arg32[%dma_wait3A_282, %dma_wait3A_283] : memref<10112x16xf32, #tpu.memory_space<vmem_shared>> -> memref<10112x16xf32, #tpu.memory_space<vmem_shared>>
        tpu.wait_indirect_dma semaphore(%arg26 : memref<!tpu.dma_semaphore, #tpu.memory_space<semaphore_mem>>) src(%arg10 : memref<250x16xf32, #tpu.memory_space<vmem>>) dst(%dma_wait3A_284 : memref<10112x16xf32, #tpu.memory_space<vmem_shared>>)
        %add3A_285 = arith.constant 8 : i32
        %add3A_286 = arith.addi %add3A_278, %add3A_285 : i32
        %dma_start3A_287 = arith.constant 0 : i32
        %dma_start3A_288 = tpu.memref_slice %arg6[%add3A_286, %dma_start3A_287] : memref<40x250xi32, #tpu.memory_space<vmem>> -> memref<1x250xi32, #tpu.memory_space<vmem>>
        %dma_start3A_289 = tpu.memref_squeeze %dma_start3A_288 : memref<1x250xi32, #tpu.memory_space<vmem>> -> memref<250xi32, #tpu.memory_space<vmem>>
        %dma_start3A_290 = arith.constant 0 : i32
        %dma_start3A_291 = arith.constant 0 : i32
        %dma_start3A_292 = tpu.memref_slice %arg2[%dma_start3A_290, %dma_start3A_291] : memref<10000x16xf32, #tpu.memory_space<hbm>> -> memref<10000x16xf32, #tpu.memory_space<hbm>>
        tpu.enqueue_indirect_dma source(%dma_start3A_292 : memref<10000x16xf32, #tpu.memory_space<hbm>>) target(%arg10 : memref<250x16xf32, #tpu.memory_space<vmem>>) offsets(%dma_start3A_289 : memref<250xi32, #tpu.memory_space<vmem>>) semaphore(%arg18 : memref<!tpu.dma_semaphore, #tpu.memory_space<semaphore_mem>>)
        %add3A_293 = arith.constant 3 : i32
        %add3A_294 = arith.addi %mul3A_128, %add3A_293 : i32
        %dma_wait3A_295 = arith.constant 0 : i32
        %dma_wait3A_296 = tpu.memref_slice %arg7[%add3A_294, %dma_wait3A_295] : memref<40x250xi32, #tpu.memory_space<vmem>> -> memref<1x250xi32, #tpu.memory_space<vmem>>
        %dma_wait3A_297 = tpu.memref_squeeze %dma_wait3A_296 : memref<1x250xi32, #tpu.memory_space<vmem>> -> memref<250xi32, #tpu.memory_space<vmem>>
        %dma_wait3A_298 = arith.constant 0 : i32
        %dma_wait3A_299 = arith.constant 0 : i32
        %dma_wait3A_300 = tpu.memref_slice %arg32[%dma_wait3A_298, %dma_wait3A_299] : memref<10112x16xf32, #tpu.memory_space<vmem_shared>> -> memref<10112x16xf32, #tpu.memory_space<vmem_shared>>
        tpu.wait_indirect_dma semaphore(%arg27 : memref<!tpu.dma_semaphore, #tpu.memory_space<semaphore_mem>>) src(%arg11 : memref<250x16xf32, #tpu.memory_space<vmem>>) dst(%dma_wait3A_300 : memref<10112x16xf32, #tpu.memory_space<vmem_shared>>)
        %add3A_301 = arith.constant 8 : i32
        %add3A_302 = arith.addi %add3A_294, %add3A_301 : i32
        %dma_start3A_303 = arith.constant 0 : i32
        %dma_start3A_304 = tpu.memref_slice %arg6[%add3A_302, %dma_start3A_303] : memref<40x250xi32, #tpu.memory_space<vmem>> -> memref<1x250xi32, #tpu.memory_space<vmem>>
        %dma_start3A_305 = tpu.memref_squeeze %dma_start3A_304 : memref<1x250xi32, #tpu.memory_space<vmem>> -> memref<250xi32, #tpu.memory_space<vmem>>
        %dma_start3A_306 = arith.constant 0 : i32
        %dma_start3A_307 = arith.constant 0 : i32
        %dma_start3A_308 = tpu.memref_slice %arg2[%dma_start3A_306, %dma_start3A_307] : memref<10000x16xf32, #tpu.memory_space<hbm>> -> memref<10000x16xf32, #tpu.memory_space<hbm>>
        tpu.enqueue_indirect_dma source(%dma_start3A_308 : memref<10000x16xf32, #tpu.memory_space<hbm>>) target(%arg11 : memref<250x16xf32, #tpu.memory_space<vmem>>) offsets(%dma_start3A_305 : memref<250xi32, #tpu.memory_space<vmem>>) semaphore(%arg19 : memref<!tpu.dma_semaphore, #tpu.memory_space<semaphore_mem>>)
        %add3A_309 = arith.constant 4 : i32
        %add3A_310 = arith.addi %mul3A_128, %add3A_309 : i32
        %dma_wait3A_311 = arith.constant 0 : i32
        %dma_wait3A_312 = tpu.memref_slice %arg7[%add3A_310, %dma_wait3A_311] : memref<40x250xi32, #tpu.memory_space<vmem>> -> memref<1x250xi32, #tpu.memory_space<vmem>>
        %dma_wait3A_313 = tpu.memref_squeeze %dma_wait3A_312 : memref<1x250xi32, #tpu.memory_space<vmem>> -> memref<250xi32, #tpu.memory_space<vmem>>
        %dma_wait3A_314 = arith.constant 0 : i32
        %dma_wait3A_315 = arith.constant 0 : i32
        %dma_wait3A_316 = tpu.memref_slice %arg32[%dma_wait3A_314, %dma_wait3A_315] : memref<10112x16xf32, #tpu.memory_space<vmem_shared>> -> memref<10112x16xf32, #tpu.memory_space<vmem_shared>>
        tpu.wait_indirect_dma semaphore(%arg28 : memref<!tpu.dma_semaphore, #tpu.memory_space<semaphore_mem>>) src(%arg12 : memref<250x16xf32, #tpu.memory_space<vmem>>) dst(%dma_wait3A_316 : memref<10112x16xf32, #tpu.memory_space<vmem_shared>>)
        %add3A_317 = arith.constant 8 : i32
        %add3A_318 = arith.addi %add3A_310, %add3A_317 : i32
        %dma_start3A_319 = arith.constant 0 : i32
        %dma_start3A_320 = tpu.memref_slice %arg6[%add3A_318, %dma_start3A_319] : memref<40x250xi32, #tpu.memory_space<vmem>> -> memref<1x250xi32, #tpu.memory_space<vmem>>
        %dma_start3A_321 = tpu.memref_squeeze %dma_start3A_320 : memref<1x250xi32, #tpu.memory_space<vmem>> -> memref<250xi32, #tpu.memory_space<vmem>>
        %dma_start3A_322 = arith.constant 0 : i32
        %dma_start3A_323 = arith.constant 0 : i32
        %dma_start3A_324 = tpu.memref_slice %arg2[%dma_start3A_322, %dma_start3A_323] : memref<10000x16xf32, #tpu.memory_space<hbm>> -> memref<10000x16xf32, #tpu.memory_space<hbm>>
        tpu.enqueue_indirect_dma source(%dma_start3A_324 : memref<10000x16xf32, #tpu.memory_space<hbm>>) target(%arg12 : memref<250x16xf32, #tpu.memory_space<vmem>>) offsets(%dma_start3A_321 : memref<250xi32, #tpu.memory_space<vmem>>) semaphore(%arg20 : memref<!tpu.dma_semaphore, #tpu.memory_space<semaphore_mem>>)
        %add3A_325 = arith.constant 5 : i32
        %add3A_326 = arith.addi %mul3A_128, %add3A_325 : i32
        %dma_wait3A_327 = arith.constant 0 : i32
        %dma_wait3A_328 = tpu.memref_slice %arg7[%add3A_326, %dma_wait3A_327] : memref<40x250xi32, #tpu.memory_space<vmem>> -> memref<1x250xi32, #tpu.memory_space<vmem>>
        %dma_wait3A_329 = tpu.memref_squeeze %dma_wait3A_328 : memref<1x250xi32, #tpu.memory_space<vmem>> -> memref<250xi32, #tpu.memory_space<vmem>>
        %dma_wait3A_330 = arith.constant 0 : i32
        %dma_wait3A_331 = arith.constant 0 : i32
        %dma_wait3A_332 = tpu.memref_slice %arg32[%dma_wait3A_330, %dma_wait3A_331] : memref<10112x16xf32, #tpu.memory_space<vmem_shared>> -> memref<10112x16xf32, #tpu.memory_space<vmem_shared>>
        tpu.wait_indirect_dma semaphore(%arg29 : memref<!tpu.dma_semaphore, #tpu.memory_space<semaphore_mem>>) src(%arg13 : memref<250x16xf32, #tpu.memory_space<vmem>>) dst(%dma_wait3A_332 : memref<10112x16xf32, #tpu.memory_space<vmem_shared>>)
        %add3A_333 = arith.constant 8 : i32
        %add3A_334 = arith.addi %add3A_326, %add3A_333 : i32
        %dma_start3A_335 = arith.constant 0 : i32
        %dma_start3A_336 = tpu.memref_slice %arg6[%add3A_334, %dma_start3A_335] : memref<40x250xi32, #tpu.memory_space<vmem>> -> memref<1x250xi32, #tpu.memory_space<vmem>>
        %dma_start3A_337 = tpu.memref_squeeze %dma_start3A_336 : memref<1x250xi32, #tpu.memory_space<vmem>> -> memref<250xi32, #tpu.memory_space<vmem>>
        %dma_start3A_338 = arith.constant 0 : i32
        %dma_start3A_339 = arith.constant 0 : i32
        %dma_start3A_340 = tpu.memref_slice %arg2[%dma_start3A_338, %dma_start3A_339] : memref<10000x16xf32, #tpu.memory_space<hbm>> -> memref<10000x16xf32, #tpu.memory_space<hbm>>
        tpu.enqueue_indirect_dma source(%dma_start3A_340 : memref<10000x16xf32, #tpu.memory_space<hbm>>) target(%arg13 : memref<250x16xf32, #tpu.memory_space<vmem>>) offsets(%dma_start3A_337 : memref<250xi32, #tpu.memory_space<vmem>>) semaphore(%arg21 : memref<!tpu.dma_semaphore, #tpu.memory_space<semaphore_mem>>)
        %add3A_341 = arith.constant 6 : i32
        %add3A_342 = arith.addi %mul3A_128, %add3A_341 : i32
        %dma_wait3A_343 = arith.constant 0 : i32
        %dma_wait3A_344 = tpu.memref_slice %arg7[%add3A_342, %dma_wait3A_343] : memref<40x250xi32, #tpu.memory_space<vmem>> -> memref<1x250xi32, #tpu.memory_space<vmem>>
        %dma_wait3A_345 = tpu.memref_squeeze %dma_wait3A_344 : memref<1x250xi32, #tpu.memory_space<vmem>> -> memref<250xi32, #tpu.memory_space<vmem>>
        %dma_wait3A_346 = arith.constant 0 : i32
        %dma_wait3A_347 = arith.constant 0 : i32
        %dma_wait3A_348 = tpu.memref_slice %arg32[%dma_wait3A_346, %dma_wait3A_347] : memref<10112x16xf32, #tpu.memory_space<vmem_shared>> -> memref<10112x16xf32, #tpu.memory_space<vmem_shared>>
        tpu.wait_indirect_dma semaphore(%arg30 : memref<!tpu.dma_semaphore, #tpu.memory_space<semaphore_mem>>) src(%arg14 : memref<250x16xf32, #tpu.memory_space<vmem>>) dst(%dma_wait3A_348 : memref<10112x16xf32, #tpu.memory_space<vmem_shared>>)
        %add3A_349 = arith.constant 8 : i32
        %add3A_350 = arith.addi %add3A_342, %add3A_349 : i32
        %dma_start3A_351 = arith.constant 0 : i32
        %dma_start3A_352 = tpu.memref_slice %arg6[%add3A_350, %dma_start3A_351] : memref<40x250xi32, #tpu.memory_space<vmem>> -> memref<1x250xi32, #tpu.memory_space<vmem>>
        %dma_start3A_353 = tpu.memref_squeeze %dma_start3A_352 : memref<1x250xi32, #tpu.memory_space<vmem>> -> memref<250xi32, #tpu.memory_space<vmem>>
        %dma_start3A_354 = arith.constant 0 : i32
        %dma_start3A_355 = arith.constant 0 : i32
        %dma_start3A_356 = tpu.memref_slice %arg2[%dma_start3A_354, %dma_start3A_355] : memref<10000x16xf32, #tpu.memory_space<hbm>> -> memref<10000x16xf32, #tpu.memory_space<hbm>>
        tpu.enqueue_indirect_dma source(%dma_start3A_356 : memref<10000x16xf32, #tpu.memory_space<hbm>>) target(%arg14 : memref<250x16xf32, #tpu.memory_space<vmem>>) offsets(%dma_start3A_353 : memref<250xi32, #tpu.memory_space<vmem>>) semaphore(%arg22 : memref<!tpu.dma_semaphore, #tpu.memory_space<semaphore_mem>>)
        %add3A_357 = arith.constant 7 : i32
        %add3A_358 = arith.addi %mul3A_128, %add3A_357 : i32
        %dma_wait3A_359 = arith.constant 0 : i32
        %dma_wait3A_360 = tpu.memref_slice %arg7[%add3A_358, %dma_wait3A_359] : memref<40x250xi32, #tpu.memory_space<vmem>> -> memref<1x250xi32, #tpu.memory_space<vmem>>
        %dma_wait3A_361 = tpu.memref_squeeze %dma_wait3A_360 : memref<1x250xi32, #tpu.memory_space<vmem>> -> memref<250xi32, #tpu.memory_space<vmem>>
        %dma_wait3A_362 = arith.constant 0 : i32
        %dma_wait3A_363 = arith.constant 0 : i32
        %dma_wait3A_364 = tpu.memref_slice %arg32[%dma_wait3A_362, %dma_wait3A_363] : memref<10112x16xf32, #tpu.memory_space<vmem_shared>> -> memref<10112x16xf32, #tpu.memory_space<vmem_shared>>
        tpu.wait_indirect_dma semaphore(%arg31 : memref<!tpu.dma_semaphore, #tpu.memory_space<semaphore_mem>>) src(%arg15 : memref<250x16xf32, #tpu.memory_space<vmem>>) dst(%dma_wait3A_364 : memref<10112x16xf32, #tpu.memory_space<vmem_shared>>)
        %add3A_365 = arith.constant 8 : i32
        %add3A_366 = arith.addi %add3A_358, %add3A_365 : i32
        %dma_start3A_367 = arith.constant 0 : i32
        %dma_start3A_368 = tpu.memref_slice %arg6[%add3A_366, %dma_start3A_367] : memref<40x250xi32, #tpu.memory_space<vmem>> -> memref<1x250xi32, #tpu.memory_space<vmem>>
        %dma_start3A_369 = tpu.memref_squeeze %dma_start3A_368 : memref<1x250xi32, #tpu.memory_space<vmem>> -> memref<250xi32, #tpu.memory_space<vmem>>
        %dma_start3A_370 = arith.constant 0 : i32
        %dma_start3A_371 = arith.constant 0 : i32
        %dma_start3A_372 = tpu.memref_slice %arg2[%dma_start3A_370, %dma_start3A_371] : memref<10000x16xf32, #tpu.memory_space<hbm>> -> memref<10000x16xf32, #tpu.memory_space<hbm>>
        tpu.enqueue_indirect_dma source(%dma_start3A_372 : memref<10000x16xf32, #tpu.memory_space<hbm>>) target(%arg15 : memref<250x16xf32, #tpu.memory_space<vmem>>) offsets(%dma_start3A_369 : memref<250xi32, #tpu.memory_space<vmem>>) semaphore(%arg23 : memref<!tpu.dma_semaphore, #tpu.memory_space<semaphore_mem>>)
      } else {
      }
    }
    %scan3A_65 = arith.constant 5 : i32
    %dma_wait3A = arith.constant 32 : i32
    %dma_wait3A_66 = arith.constant 0 : i32
    %dma_wait3A_67 = tpu.memref_slice %arg7[%dma_wait3A, %dma_wait3A_66] : memref<40x250xi32, #tpu.memory_space<vmem>> -> memref<1x250xi32, #tpu.memory_space<vmem>>
    %dma_wait3A_68 = tpu.memref_squeeze %dma_wait3A_67 : memref<1x250xi32, #tpu.memory_space<vmem>> -> memref<250xi32, #tpu.memory_space<vmem>>
    %dma_wait3A_69 = arith.constant 0 : i32
    %dma_wait3A_70 = arith.constant 0 : i32
    %dma_wait3A_71 = tpu.memref_slice %arg32[%dma_wait3A_69, %dma_wait3A_70] : memref<10112x16xf32, #tpu.memory_space<vmem_shared>> -> memref<10112x16xf32, #tpu.memory_space<vmem_shared>>
    tpu.wait_indirect_dma semaphore(%arg24 : memref<!tpu.dma_semaphore, #tpu.memory_space<semaphore_mem>>) src(%arg8 : memref<250x16xf32, #tpu.memory_space<vmem>>) dst(%dma_wait3A_71 : memref<10112x16xf32, #tpu.memory_space<vmem_shared>>)
    %dma_wait3A_72 = arith.constant 33 : i32
    %dma_wait3A_73 = arith.constant 0 : i32
    %dma_wait3A_74 = tpu.memref_slice %arg7[%dma_wait3A_72, %dma_wait3A_73] : memref<40x250xi32, #tpu.memory_space<vmem>> -> memref<1x250xi32, #tpu.memory_space<vmem>>
    %dma_wait3A_75 = tpu.memref_squeeze %dma_wait3A_74 : memref<1x250xi32, #tpu.memory_space<vmem>> -> memref<250xi32, #tpu.memory_space<vmem>>
    %dma_wait3A_76 = arith.constant 0 : i32
    %dma_wait3A_77 = arith.constant 0 : i32
    %dma_wait3A_78 = tpu.memref_slice %arg32[%dma_wait3A_76, %dma_wait3A_77] : memref<10112x16xf32, #tpu.memory_space<vmem_shared>> -> memref<10112x16xf32, #tpu.memory_space<vmem_shared>>
    tpu.wait_indirect_dma semaphore(%arg25 : memref<!tpu.dma_semaphore, #tpu.memory_space<semaphore_mem>>) src(%arg9 : memref<250x16xf32, #tpu.memory_space<vmem>>) dst(%dma_wait3A_78 : memref<10112x16xf32, #tpu.memory_space<vmem_shared>>)
    %dma_wait3A_79 = arith.constant 34 : i32
    %dma_wait3A_80 = arith.constant 0 : i32
    %dma_wait3A_81 = tpu.memref_slice %arg7[%dma_wait3A_79, %dma_wait3A_80] : memref<40x250xi32, #tpu.memory_space<vmem>> -> memref<1x250xi32, #tpu.memory_space<vmem>>
    %dma_wait3A_82 = tpu.memref_squeeze %dma_wait3A_81 : memref<1x250xi32, #tpu.memory_space<vmem>> -> memref<250xi32, #tpu.memory_space<vmem>>
    %dma_wait3A_83 = arith.constant 0 : i32
    %dma_wait3A_84 = arith.constant 0 : i32
    %dma_wait3A_85 = tpu.memref_slice %arg32[%dma_wait3A_83, %dma_wait3A_84] : memref<10112x16xf32, #tpu.memory_space<vmem_shared>> -> memref<10112x16xf32, #tpu.memory_space<vmem_shared>>
    tpu.wait_indirect_dma semaphore(%arg26 : memref<!tpu.dma_semaphore, #tpu.memory_space<semaphore_mem>>) src(%arg10 : memref<250x16xf32, #tpu.memory_space<vmem>>) dst(%dma_wait3A_85 : memref<10112x16xf32, #tpu.memory_space<vmem_shared>>)
    %dma_wait3A_86 = arith.constant 35 : i32
    %dma_wait3A_87 = arith.constant 0 : i32
    %dma_wait3A_88 = tpu.memref_slice %arg7[%dma_wait3A_86, %dma_wait3A_87] : memref<40x250xi32, #tpu.memory_space<vmem>> -> memref<1x250xi32, #tpu.memory_space<vmem>>
    %dma_wait3A_89 = tpu.memref_squeeze %dma_wait3A_88 : memref<1x250xi32, #tpu.memory_space<vmem>> -> memref<250xi32, #tpu.memory_space<vmem>>
    %dma_wait3A_90 = arith.constant 0 : i32
    %dma_wait3A_91 = arith.constant 0 : i32
    %dma_wait3A_92 = tpu.memref_slice %arg32[%dma_wait3A_90, %dma_wait3A_91] : memref<10112x16xf32, #tpu.memory_space<vmem_shared>> -> memref<10112x16xf32, #tpu.memory_space<vmem_shared>>
    tpu.wait_indirect_dma semaphore(%arg27 : memref<!tpu.dma_semaphore, #tpu.memory_space<semaphore_mem>>) src(%arg11 : memref<250x16xf32, #tpu.memory_space<vmem>>) dst(%dma_wait3A_92 : memref<10112x16xf32, #tpu.memory_space<vmem_shared>>)
    %dma_wait3A_93 = arith.constant 36 : i32
    %dma_wait3A_94 = arith.constant 0 : i32
    %dma_wait3A_95 = tpu.memref_slice %arg7[%dma_wait3A_93, %dma_wait3A_94] : memref<40x250xi32, #tpu.memory_space<vmem>> -> memref<1x250xi32, #tpu.memory_space<vmem>>
    %dma_wait3A_96 = tpu.memref_squeeze %dma_wait3A_95 : memref<1x250xi32, #tpu.memory_space<vmem>> -> memref<250xi32, #tpu.memory_space<vmem>>
    %dma_wait3A_97 = arith.constant 0 : i32
    %dma_wait3A_98 = arith.constant 0 : i32
    %dma_wait3A_99 = tpu.memref_slice %arg32[%dma_wait3A_97, %dma_wait3A_98] : memref<10112x16xf32, #tpu.memory_space<vmem_shared>> -> memref<10112x16xf32, #tpu.memory_space<vmem_shared>>
    tpu.wait_indirect_dma semaphore(%arg28 : memref<!tpu.dma_semaphore, #tpu.memory_space<semaphore_mem>>) src(%arg12 : memref<250x16xf32, #tpu.memory_space<vmem>>) dst(%dma_wait3A_99 : memref<10112x16xf32, #tpu.memory_space<vmem_shared>>)
    %dma_wait3A_100 = arith.constant 37 : i32
    %dma_wait3A_101 = arith.constant 0 : i32
    %dma_wait3A_102 = tpu.memref_slice %arg7[%dma_wait3A_100, %dma_wait3A_101] : memref<40x250xi32, #tpu.memory_space<vmem>> -> memref<1x250xi32, #tpu.memory_space<vmem>>
    %dma_wait3A_103 = tpu.memref_squeeze %dma_wait3A_102 : memref<1x250xi32, #tpu.memory_space<vmem>> -> memref<250xi32, #tpu.memory_space<vmem>>
    %dma_wait3A_104 = arith.constant 0 : i32
    %dma_wait3A_105 = arith.constant 0 : i32
    %dma_wait3A_106 = tpu.memref_slice %arg32[%dma_wait3A_104, %dma_wait3A_105] : memref<10112x16xf32, #tpu.memory_space<vmem_shared>> -> memref<10112x16xf32, #tpu.memory_space<vmem_shared>>
    tpu.wait_indirect_dma semaphore(%arg29 : memref<!tpu.dma_semaphore, #tpu.memory_space<semaphore_mem>>) src(%arg13 : memref<250x16xf32, #tpu.memory_space<vmem>>) dst(%dma_wait3A_106 : memref<10112x16xf32, #tpu.memory_space<vmem_shared>>)
    %dma_wait3A_107 = arith.constant 38 : i32
    %dma_wait3A_108 = arith.constant 0 : i32
    %dma_wait3A_109 = tpu.memref_slice %arg7[%dma_wait3A_107, %dma_wait3A_108] : memref<40x250xi32, #tpu.memory_space<vmem>> -> memref<1x250xi32, #tpu.memory_space<vmem>>
    %dma_wait3A_110 = tpu.memref_squeeze %dma_wait3A_109 : memref<1x250xi32, #tpu.memory_space<vmem>> -> memref<250xi32, #tpu.memory_space<vmem>>
    %dma_wait3A_111 = arith.constant 0 : i32
    %dma_wait3A_112 = arith.constant 0 : i32
    %dma_wait3A_113 = tpu.memref_slice %arg32[%dma_wait3A_111, %dma_wait3A_112] : memref<10112x16xf32, #tpu.memory_space<vmem_shared>> -> memref<10112x16xf32, #tpu.memory_space<vmem_shared>>
    tpu.wait_indirect_dma semaphore(%arg30 : memref<!tpu.dma_semaphore, #tpu.memory_space<semaphore_mem>>) src(%arg14 : memref<250x16xf32, #tpu.memory_space<vmem>>) dst(%dma_wait3A_113 : memref<10112x16xf32, #tpu.memory_space<vmem_shared>>)
    %dma_wait3A_114 = arith.constant 39 : i32
    %dma_wait3A_115 = arith.constant 0 : i32
    %dma_wait3A_116 = tpu.memref_slice %arg7[%dma_wait3A_114, %dma_wait3A_115] : memref<40x250xi32, #tpu.memory_space<vmem>> -> memref<1x250xi32, #tpu.memory_space<vmem>>
    %dma_wait3A_117 = tpu.memref_squeeze %dma_wait3A_116 : memref<1x250xi32, #tpu.memory_space<vmem>> -> memref<250xi32, #tpu.memory_space<vmem>>
    %dma_wait3A_118 = arith.constant 0 : i32
    %dma_wait3A_119 = arith.constant 0 : i32
    %dma_wait3A_120 = tpu.memref_slice %arg32[%dma_wait3A_118, %dma_wait3A_119] : memref<10112x16xf32, #tpu.memory_space<vmem_shared>> -> memref<10112x16xf32, #tpu.memory_space<vmem_shared>>
    tpu.wait_indirect_dma semaphore(%arg31 : memref<!tpu.dma_semaphore, #tpu.memory_space<semaphore_mem>>) src(%arg15 : memref<250x16xf32, #tpu.memory_space<vmem>>) dst(%dma_wait3A_120 : memref<10112x16xf32, #tpu.memory_space<vmem_shared>>)
    %barrier3A_121 = arith.constant 0 : index
    tpu.barrier barrier_id(%barrier3A_121)
    %mul3A_122 = arith.constant 632 : i32
    %mul3A_123 = arith.muli %arg1, %mul3A_122 : i32
    %mul3A_124 = arith.constant 632 : i32
    %mul3A_125 = arith.muli %arg1, %mul3A_124 : i32
    "tpu.region"() ({
      %run_scoped3A_126 = tpu.sem_alloc : memref<!tpu.dma_semaphore, #tpu.memory_space<semaphore_mem>>
      %dma_start3A_127 = arith.constant 0 : i32
      %dma_start3A_128 = tpu.memref_slice %arg5[%arg0, %mul3A_125, %dma_start3A_127] : memref<2x10112x16xf32, #tpu.memory_space<hbm>> -> memref<1x632x16xf32, #tpu.memory_space<hbm>>
      %dma_start3A_129 = tpu.memref_squeeze %dma_start3A_128 : memref<1x632x16xf32, #tpu.memory_space<hbm>> -> memref<632x16xf32, #tpu.memory_space<hbm>>
      %dma_start3A_130 = arith.constant 0 : i32
      %dma_start3A_131 = tpu.memref_slice %arg32[%mul3A_123, %dma_start3A_130] : memref<10112x16xf32, #tpu.memory_space<vmem_shared>> -> memref<632x16xf32, #tpu.memory_space<vmem_shared>>
      tpu.enqueue_dma source(%dma_start3A_131 : memref<632x16xf32, #tpu.memory_space<vmem_shared>>) target(%dma_start3A_129 : memref<632x16xf32, #tpu.memory_space<hbm>>) target_semaphore(%run_scoped3A_126 : memref<!tpu.dma_semaphore, #tpu.memory_space<semaphore_mem>>)
      %dma_wait3A_132 = arith.constant 0 : i32
      %dma_wait3A_133 = tpu.memref_slice %arg5[%arg0, %mul3A_125, %dma_wait3A_132] : memref<2x10112x16xf32, #tpu.memory_space<hbm>> -> memref<1x632x16xf32, #tpu.memory_space<hbm>>
      %dma_wait3A_134 = tpu.memref_squeeze %dma_wait3A_133 : memref<1x632x16xf32, #tpu.memory_space<hbm>> -> memref<632x16xf32, #tpu.memory_space<hbm>>
      %dma_wait3A_135 = arith.constant 0 : i32
      %dma_wait3A_136 = tpu.memref_slice %arg32[%mul3A_123, %dma_wait3A_135] : memref<10112x16xf32, #tpu.memory_space<vmem_shared>> -> memref<632x16xf32, #tpu.memory_space<vmem_shared>>
      tpu.wait_dma2 semaphore(%run_scoped3A_126 : memref<!tpu.dma_semaphore, #tpu.memory_space<semaphore_mem>>) src(%dma_wait3A_136 : memref<632x16xf32, #tpu.memory_space<vmem_shared>>) dst(%dma_wait3A_134 : memref<632x16xf32, #tpu.memory_space<hbm>>)
      tpu.yield
    }) : () -> ()
    return
  }
}

#map = affine_map<(d0, d1) -> (0, 0)>
#map1 = affine_map<(d0, d1) -> (0, 0, 0, 0)>
#map2 = affine_map<(d0, d1) -> (0, 0, 0)>
module attributes {stable_mosaic.version = 14 : i64} {
  func.func @seg_sum(%arg0: i32, %arg1: i32, %arg2: memref<10000x64xf32, #tpu.memory_space<hbm>>, %arg3: memref<2x32x40x250xi32, #tpu.memory_space<hbm>>, %arg4: memref<10112x64xf32, #tpu.memory_space<hbm>>, %arg5: memref<2x10112x64xf32, #tpu.memory_space<hbm>>, %arg6: memref<40x250xi32, #tpu.memory_space<vmem>>, %arg7: memref<40x250xi32, #tpu.memory_space<vmem>>, %arg8: memref<250x64xf32, #tpu.memory_space<vmem>>, %arg9: memref<250x64xf32, #tpu.memory_space<vmem>>, %arg10: memref<250x64xf32, #tpu.memory_space<vmem>>, %arg11: memref<250x64xf32, #tpu.memory_space<vmem>>, %arg12: memref<!tpu.dma_semaphore, #tpu.memory_space<semaphore_mem>>, %arg13: memref<!tpu.dma_semaphore, #tpu.memory_space<semaphore_mem>>, %arg14: memref<!tpu.dma_semaphore, #tpu.memory_space<semaphore_mem>>, %arg15: memref<!tpu.dma_semaphore, #tpu.memory_space<semaphore_mem>>, %arg16: memref<!tpu.dma_semaphore, #tpu.memory_space<semaphore_mem>>, %arg17: memref<!tpu.dma_semaphore, #tpu.memory_space<semaphore_mem>>, %arg18: memref<!tpu.dma_semaphore, #tpu.memory_space<semaphore_mem>>, %arg19: memref<!tpu.dma_semaphore, #tpu.memory_space<semaphore_mem>>, %arg20: memref<10112x64xf32, #tpu.memory_space<vmem_shared>>) attributes {dimension_semantics = [#tpu.dimension_semantics<core_parallel>, #tpu.dimension_semantics<subcore_parallel>], iteration_bounds = array<i64: 2, 16>, scalar_prefetch = 0 : i64, scratch_operands = 15 : i64, tpu.core_type = #tpu.core_type<sc_vector_subcore>, window_params = [{transform_indices = #map}, {transform_indices = #map1}, {transform_indices = #map}, {transform_indices = #map2}]} {
    %mul3A = arith.constant 2 : i32
    %mul3A_0 = arith.muli %arg1, %mul3A : i32
    %add3A = arith.addi %mul3A_0, %arg0 : i32
    %mul3A_1 = arith.constant 632 : i32
    %mul3A_2 = arith.muli %arg1, %mul3A_1 : i32
    %mul3A_3 = arith.constant 632 : i32
    %mul3A_4 = arith.muli %arg1, %mul3A_3 : i32
    "tpu.region"() ({
      %run_scoped3A_70 = tpu.sem_alloc : memref<!tpu.dma_semaphore, #tpu.memory_space<semaphore_mem>>
      %dma_start3A_71 = arith.constant 0 : i32
      %dma_start3A_72 = tpu.memref_slice %arg20[%mul3A_4, %dma_start3A_71] : memref<10112x64xf32, #tpu.memory_space<vmem_shared>> -> memref<632x64xf32, #tpu.memory_space<vmem_shared>>
      %dma_start3A_73 = arith.constant 0 : i32
      %dma_start3A_74 = tpu.memref_slice %arg4[%mul3A_2, %dma_start3A_73] : memref<10112x64xf32, #tpu.memory_space<hbm>> -> memref<632x64xf32, #tpu.memory_space<hbm>>
      tpu.enqueue_dma source(%dma_start3A_74 : memref<632x64xf32, #tpu.memory_space<hbm>>) target(%dma_start3A_72 : memref<632x64xf32, #tpu.memory_space<vmem_shared>>) target_semaphore(%run_scoped3A_70 : memref<!tpu.dma_semaphore, #tpu.memory_space<semaphore_mem>>)
      %dma_wait3A_75 = arith.constant 0 : i32
      %dma_wait3A_76 = tpu.memref_slice %arg20[%mul3A_4, %dma_wait3A_75] : memref<10112x64xf32, #tpu.memory_space<vmem_shared>> -> memref<632x64xf32, #tpu.memory_space<vmem_shared>>
      %dma_wait3A_77 = arith.constant 0 : i32
      %dma_wait3A_78 = tpu.memref_slice %arg4[%mul3A_2, %dma_wait3A_77] : memref<10112x64xf32, #tpu.memory_space<hbm>> -> memref<632x64xf32, #tpu.memory_space<hbm>>
      tpu.wait_dma2 semaphore(%run_scoped3A_70 : memref<!tpu.dma_semaphore, #tpu.memory_space<semaphore_mem>>) src(%dma_wait3A_78 : memref<632x64xf32, #tpu.memory_space<hbm>>) dst(%dma_wait3A_76 : memref<632x64xf32, #tpu.memory_space<vmem_shared>>)
      tpu.yield
    }) : () -> ()
    %run_scoped3A = arith.constant 0 : i32
    "tpu.region"() ({
      %run_scoped3A_70 = tpu.sem_alloc : memref<!tpu.dma_semaphore, #tpu.memory_space<semaphore_mem>>
      %dma_start3A_71 = arith.constant 0 : i32
      %dma_start3A_72 = arith.constant 0 : i32
      %dma_start3A_73 = tpu.memref_slice %arg3[%run_scoped3A, %add3A, %dma_start3A_71, %dma_start3A_72] : memref<2x32x40x250xi32, #tpu.memory_space<hbm>> -> memref<1x1x40x250xi32, #tpu.memory_space<hbm>>
      %dma_start3A_74 = tpu.memref_squeeze %dma_start3A_73 : memref<1x1x40x250xi32, #tpu.memory_space<hbm>> -> memref<40x250xi32, #tpu.memory_space<hbm>>
      %dma_start3A_75 = arith.constant 0 : i32
      %dma_start3A_76 = arith.constant 0 : i32
      %dma_start3A_77 = tpu.memref_slice %arg3[%run_scoped3A, %add3A, %dma_start3A_75, %dma_start3A_76] : memref<2x32x40x250xi32, #tpu.memory_space<hbm>> -> memref<1x1x40x250xi32, #tpu.memory_space<hbm>>
      %dma_start3A_78 = tpu.memref_squeeze %dma_start3A_77 : memref<1x1x40x250xi32, #tpu.memory_space<hbm>> -> memref<40x250xi32, #tpu.memory_space<hbm>>
      tpu.enqueue_dma source(%dma_start3A_78 : memref<40x250xi32, #tpu.memory_space<hbm>>) target(%arg6 : memref<40x250xi32, #tpu.memory_space<vmem>>) target_semaphore(%run_scoped3A_70 : memref<!tpu.dma_semaphore, #tpu.memory_space<semaphore_mem>>)
      %dma_wait3A_79 = arith.constant 0 : i32
      %dma_wait3A_80 = arith.constant 0 : i32
      %dma_wait3A_81 = tpu.memref_slice %arg3[%run_scoped3A, %add3A, %dma_wait3A_79, %dma_wait3A_80] : memref<2x32x40x250xi32, #tpu.memory_space<hbm>> -> memref<1x1x40x250xi32, #tpu.memory_space<hbm>>
      %dma_wait3A_82 = tpu.memref_squeeze %dma_wait3A_81 : memref<1x1x40x250xi32, #tpu.memory_space<hbm>> -> memref<40x250xi32, #tpu.memory_space<hbm>>
      %dma_wait3A_83 = arith.constant 0 : i32
      %dma_wait3A_84 = arith.constant 0 : i32
      %dma_wait3A_85 = tpu.memref_slice %arg3[%run_scoped3A, %add3A, %dma_wait3A_83, %dma_wait3A_84] : memref<2x32x40x250xi32, #tpu.memory_space<hbm>> -> memref<1x1x40x250xi32, #tpu.memory_space<hbm>>
      %dma_wait3A_86 = tpu.memref_squeeze %dma_wait3A_85 : memref<1x1x40x250xi32, #tpu.memory_space<hbm>> -> memref<40x250xi32, #tpu.memory_space<hbm>>
      tpu.wait_dma2 semaphore(%run_scoped3A_70 : memref<!tpu.dma_semaphore, #tpu.memory_space<semaphore_mem>>) src(%dma_wait3A_86 : memref<40x250xi32, #tpu.memory_space<hbm>>) dst(%arg6 : memref<40x250xi32, #tpu.memory_space<vmem>>)
      tpu.yield
    }) : () -> ()
    %run_scoped3A_5 = arith.constant 1 : i32
    "tpu.region"() ({
      %run_scoped3A_70 = tpu.sem_alloc : memref<!tpu.dma_semaphore, #tpu.memory_space<semaphore_mem>>
      %dma_start3A_71 = arith.constant 0 : i32
      %dma_start3A_72 = arith.constant 0 : i32
      %dma_start3A_73 = tpu.memref_slice %arg3[%run_scoped3A_5, %add3A, %dma_start3A_71, %dma_start3A_72] : memref<2x32x40x250xi32, #tpu.memory_space<hbm>> -> memref<1x1x40x250xi32, #tpu.memory_space<hbm>>
      %dma_start3A_74 = tpu.memref_squeeze %dma_start3A_73 : memref<1x1x40x250xi32, #tpu.memory_space<hbm>> -> memref<40x250xi32, #tpu.memory_space<hbm>>
      %dma_start3A_75 = arith.constant 0 : i32
      %dma_start3A_76 = arith.constant 0 : i32
      %dma_start3A_77 = tpu.memref_slice %arg3[%run_scoped3A_5, %add3A, %dma_start3A_75, %dma_start3A_76] : memref<2x32x40x250xi32, #tpu.memory_space<hbm>> -> memref<1x1x40x250xi32, #tpu.memory_space<hbm>>
      %dma_start3A_78 = tpu.memref_squeeze %dma_start3A_77 : memref<1x1x40x250xi32, #tpu.memory_space<hbm>> -> memref<40x250xi32, #tpu.memory_space<hbm>>
      tpu.enqueue_dma source(%dma_start3A_78 : memref<40x250xi32, #tpu.memory_space<hbm>>) target(%arg7 : memref<40x250xi32, #tpu.memory_space<vmem>>) target_semaphore(%run_scoped3A_70 : memref<!tpu.dma_semaphore, #tpu.memory_space<semaphore_mem>>)
      %dma_wait3A_79 = arith.constant 0 : i32
      %dma_wait3A_80 = arith.constant 0 : i32
      %dma_wait3A_81 = tpu.memref_slice %arg3[%run_scoped3A_5, %add3A, %dma_wait3A_79, %dma_wait3A_80] : memref<2x32x40x250xi32, #tpu.memory_space<hbm>> -> memref<1x1x40x250xi32, #tpu.memory_space<hbm>>
      %dma_wait3A_82 = tpu.memref_squeeze %dma_wait3A_81 : memref<1x1x40x250xi32, #tpu.memory_space<hbm>> -> memref<40x250xi32, #tpu.memory_space<hbm>>
      %dma_wait3A_83 = arith.constant 0 : i32
      %dma_wait3A_84 = arith.constant 0 : i32
      %dma_wait3A_85 = tpu.memref_slice %arg3[%run_scoped3A_5, %add3A, %dma_wait3A_83, %dma_wait3A_84] : memref<2x32x40x250xi32, #tpu.memory_space<hbm>> -> memref<1x1x40x250xi32, #tpu.memory_space<hbm>>
      %dma_wait3A_86 = tpu.memref_squeeze %dma_wait3A_85 : memref<1x1x40x250xi32, #tpu.memory_space<hbm>> -> memref<40x250xi32, #tpu.memory_space<hbm>>
      tpu.wait_dma2 semaphore(%run_scoped3A_70 : memref<!tpu.dma_semaphore, #tpu.memory_space<semaphore_mem>>) src(%dma_wait3A_86 : memref<40x250xi32, #tpu.memory_space<hbm>>) dst(%arg7 : memref<40x250xi32, #tpu.memory_space<vmem>>)
      tpu.yield
    }) : () -> ()
    %barrier3A = arith.constant 0 : index
    tpu.barrier barrier_id(%barrier3A)
    %dma_start3A = arith.constant 0 : i32
    %dma_start3A_6 = arith.constant 0 : i32
    %dma_start3A_7 = tpu.memref_slice %arg6[%dma_start3A, %dma_start3A_6] : memref<40x250xi32, #tpu.memory_space<vmem>> -> memref<1x250xi32, #tpu.memory_space<vmem>>
    %dma_start3A_8 = tpu.memref_squeeze %dma_start3A_7 : memref<1x250xi32, #tpu.memory_space<vmem>> -> memref<250xi32, #tpu.memory_space<vmem>>
    %dma_start3A_9 = arith.constant 0 : i32
    %dma_start3A_10 = arith.constant 0 : i32
    %dma_start3A_11 = tpu.memref_slice %arg2[%dma_start3A_9, %dma_start3A_10] : memref<10000x64xf32, #tpu.memory_space<hbm>> -> memref<10000x64xf32, #tpu.memory_space<hbm>>
    tpu.enqueue_indirect_dma source(%dma_start3A_11 : memref<10000x64xf32, #tpu.memory_space<hbm>>) target(%arg8 : memref<250x64xf32, #tpu.memory_space<vmem>>) offsets(%dma_start3A_8 : memref<250xi32, #tpu.memory_space<vmem>>) semaphore(%arg12 : memref<!tpu.dma_semaphore, #tpu.memory_space<semaphore_mem>>)
    %dma_start3A_12 = arith.constant 1 : i32
    %dma_start3A_13 = arith.constant 0 : i32
    %dma_start3A_14 = tpu.memref_slice %arg6[%dma_start3A_12, %dma_start3A_13] : memref<40x250xi32, #tpu.memory_space<vmem>> -> memref<1x250xi32, #tpu.memory_space<vmem>>
    %dma_start3A_15 = tpu.memref_squeeze %dma_start3A_14 : memref<1x250xi32, #tpu.memory_space<vmem>> -> memref<250xi32, #tpu.memory_space<vmem>>
    %dma_start3A_16 = arith.constant 0 : i32
    %dma_start3A_17 = arith.constant 0 : i32
    %dma_start3A_18 = tpu.memref_slice %arg2[%dma_start3A_16, %dma_start3A_17] : memref<10000x64xf32, #tpu.memory_space<hbm>> -> memref<10000x64xf32, #tpu.memory_space<hbm>>
    tpu.enqueue_indirect_dma source(%dma_start3A_18 : memref<10000x64xf32, #tpu.memory_space<hbm>>) target(%arg9 : memref<250x64xf32, #tpu.memory_space<vmem>>) offsets(%dma_start3A_15 : memref<250xi32, #tpu.memory_space<vmem>>) semaphore(%arg13 : memref<!tpu.dma_semaphore, #tpu.memory_space<semaphore_mem>>)
    %dma_start3A_19 = arith.constant 2 : i32
    %dma_start3A_20 = arith.constant 0 : i32
    %dma_start3A_21 = tpu.memref_slice %arg6[%dma_start3A_19, %dma_start3A_20] : memref<40x250xi32, #tpu.memory_space<vmem>> -> memref<1x250xi32, #tpu.memory_space<vmem>>
    %dma_start3A_22 = tpu.memref_squeeze %dma_start3A_21 : memref<1x250xi32, #tpu.memory_space<vmem>> -> memref<250xi32, #tpu.memory_space<vmem>>
    %dma_start3A_23 = arith.constant 0 : i32
    %dma_start3A_24 = arith.constant 0 : i32
    %dma_start3A_25 = tpu.memref_slice %arg2[%dma_start3A_23, %dma_start3A_24] : memref<10000x64xf32, #tpu.memory_space<hbm>> -> memref<10000x64xf32, #tpu.memory_space<hbm>>
    tpu.enqueue_indirect_dma source(%dma_start3A_25 : memref<10000x64xf32, #tpu.memory_space<hbm>>) target(%arg10 : memref<250x64xf32, #tpu.memory_space<vmem>>) offsets(%dma_start3A_22 : memref<250xi32, #tpu.memory_space<vmem>>) semaphore(%arg14 : memref<!tpu.dma_semaphore, #tpu.memory_space<semaphore_mem>>)
    %dma_start3A_26 = arith.constant 3 : i32
    %dma_start3A_27 = arith.constant 0 : i32
    %dma_start3A_28 = tpu.memref_slice %arg6[%dma_start3A_26, %dma_start3A_27] : memref<40x250xi32, #tpu.memory_space<vmem>> -> memref<1x250xi32, #tpu.memory_space<vmem>>
    %dma_start3A_29 = tpu.memref_squeeze %dma_start3A_28 : memref<1x250xi32, #tpu.memory_space<vmem>> -> memref<250xi32, #tpu.memory_space<vmem>>
    %dma_start3A_30 = arith.constant 0 : i32
    %dma_start3A_31 = arith.constant 0 : i32
    %dma_start3A_32 = tpu.memref_slice %arg2[%dma_start3A_30, %dma_start3A_31] : memref<10000x64xf32, #tpu.memory_space<hbm>> -> memref<10000x64xf32, #tpu.memory_space<hbm>>
    tpu.enqueue_indirect_dma source(%dma_start3A_32 : memref<10000x64xf32, #tpu.memory_space<hbm>>) target(%arg11 : memref<250x64xf32, #tpu.memory_space<vmem>>) offsets(%dma_start3A_29 : memref<250xi32, #tpu.memory_space<vmem>>) semaphore(%arg15 : memref<!tpu.dma_semaphore, #tpu.memory_space<semaphore_mem>>)
    %scan3A = arith.constant 0 : i32
    %scan3A_33 = arith.constant 0 : i32
    %scan3A_34 = arith.constant 10 : i32
    %scan3A_35 = arith.addi %scan3A_33, %scan3A_34 : i32
    %scan3A_36 = arith.constant 1 : i32
    scf.for %scan3A_70 = %scan3A_33 to %scan3A_35 step %scan3A_36  : i32 {
      %mul3A_71 = arith.constant 4 : i32
      %mul3A_72 = arith.muli %scan3A_70, %mul3A_71 : i32
      %add3A_73 = arith.constant 0 : i32
      %add3A_74 = arith.addi %mul3A_72, %add3A_73 : i32
      %dma_wait3A_75 = arith.constant 0 : i32
      %dma_wait3A_76 = tpu.memref_slice %arg6[%add3A_74, %dma_wait3A_75] : memref<40x250xi32, #tpu.memory_space<vmem>> -> memref<1x250xi32, #tpu.memory_space<vmem>>
      %dma_wait3A_77 = tpu.memref_squeeze %dma_wait3A_76 : memref<1x250xi32, #tpu.memory_space<vmem>> -> memref<250xi32, #tpu.memory_space<vmem>>
      %dma_wait3A_78 = arith.constant 0 : i32
      %dma_wait3A_79 = arith.constant 0 : i32
      %dma_wait3A_80 = tpu.memref_slice %arg2[%dma_wait3A_78, %dma_wait3A_79] : memref<10000x64xf32, #tpu.memory_space<hbm>> -> memref<10000x64xf32, #tpu.memory_space<hbm>>
      tpu.wait_indirect_dma semaphore(%arg12 : memref<!tpu.dma_semaphore, #tpu.memory_space<semaphore_mem>>) src(%dma_wait3A_80 : memref<10000x64xf32, #tpu.memory_space<hbm>>) dst(%arg8 : memref<250x64xf32, #tpu.memory_space<vmem>>)
      %dma_start3A_81 = arith.constant 0 : i32
      %dma_start3A_82 = tpu.memref_slice %arg7[%add3A_74, %dma_start3A_81] : memref<40x250xi32, #tpu.memory_space<vmem>> -> memref<1x250xi32, #tpu.memory_space<vmem>>
      %dma_start3A_83 = tpu.memref_squeeze %dma_start3A_82 : memref<1x250xi32, #tpu.memory_space<vmem>> -> memref<250xi32, #tpu.memory_space<vmem>>
      %dma_start3A_84 = arith.constant 0 : i32
      %dma_start3A_85 = arith.constant 0 : i32
      %dma_start3A_86 = tpu.memref_slice %arg20[%dma_start3A_84, %dma_start3A_85] : memref<10112x64xf32, #tpu.memory_space<vmem_shared>> -> memref<10112x64xf32, #tpu.memory_space<vmem_shared>>
      tpu.enqueue_indirect_dma source(%arg8 : memref<250x64xf32, #tpu.memory_space<vmem>>) target(%dma_start3A_86 : memref<10112x64xf32, #tpu.memory_space<vmem_shared>>) offsets(%dma_start3A_83 : memref<250xi32, #tpu.memory_space<vmem>>) semaphore(%arg16 : memref<!tpu.dma_semaphore, #tpu.memory_space<semaphore_mem>>) {add = true}
      %add3A_87 = arith.constant 1 : i32
      %add3A_88 = arith.addi %mul3A_72, %add3A_87 : i32
      %dma_wait3A_89 = arith.constant 0 : i32
      %dma_wait3A_90 = tpu.memref_slice %arg6[%add3A_88, %dma_wait3A_89] : memref<40x250xi32, #tpu.memory_space<vmem>> -> memref<1x250xi32, #tpu.memory_space<vmem>>
      %dma_wait3A_91 = tpu.memref_squeeze %dma_wait3A_90 : memref<1x250xi32, #tpu.memory_space<vmem>> -> memref<250xi32, #tpu.memory_space<vmem>>
      %dma_wait3A_92 = arith.constant 0 : i32
      %dma_wait3A_93 = arith.constant 0 : i32
      %dma_wait3A_94 = tpu.memref_slice %arg2[%dma_wait3A_92, %dma_wait3A_93] : memref<10000x64xf32, #tpu.memory_space<hbm>> -> memref<10000x64xf32, #tpu.memory_space<hbm>>
      tpu.wait_indirect_dma semaphore(%arg13 : memref<!tpu.dma_semaphore, #tpu.memory_space<semaphore_mem>>) src(%dma_wait3A_94 : memref<10000x64xf32, #tpu.memory_space<hbm>>) dst(%arg9 : memref<250x64xf32, #tpu.memory_space<vmem>>)
      %dma_start3A_95 = arith.constant 0 : i32
      %dma_start3A_96 = tpu.memref_slice %arg7[%add3A_88, %dma_start3A_95] : memref<40x250xi32, #tpu.memory_space<vmem>> -> memref<1x250xi32, #tpu.memory_space<vmem>>
      %dma_start3A_97 = tpu.memref_squeeze %dma_start3A_96 : memref<1x250xi32, #tpu.memory_space<vmem>> -> memref<250xi32, #tpu.memory_space<vmem>>
      %dma_start3A_98 = arith.constant 0 : i32
      %dma_start3A_99 = arith.constant 0 : i32
      %dma_start3A_100 = tpu.memref_slice %arg20[%dma_start3A_98, %dma_start3A_99] : memref<10112x64xf32, #tpu.memory_space<vmem_shared>> -> memref<10112x64xf32, #tpu.memory_space<vmem_shared>>
      tpu.enqueue_indirect_dma source(%arg9 : memref<250x64xf32, #tpu.memory_space<vmem>>) target(%dma_start3A_100 : memref<10112x64xf32, #tpu.memory_space<vmem_shared>>) offsets(%dma_start3A_97 : memref<250xi32, #tpu.memory_space<vmem>>) semaphore(%arg17 : memref<!tpu.dma_semaphore, #tpu.memory_space<semaphore_mem>>) {add = true}
      %add3A_101 = arith.constant 2 : i32
      %add3A_102 = arith.addi %mul3A_72, %add3A_101 : i32
      %dma_wait3A_103 = arith.constant 0 : i32
      %dma_wait3A_104 = tpu.memref_slice %arg6[%add3A_102, %dma_wait3A_103] : memref<40x250xi32, #tpu.memory_space<vmem>> -> memref<1x250xi32, #tpu.memory_space<vmem>>
      %dma_wait3A_105 = tpu.memref_squeeze %dma_wait3A_104 : memref<1x250xi32, #tpu.memory_space<vmem>> -> memref<250xi32, #tpu.memory_space<vmem>>
      %dma_wait3A_106 = arith.constant 0 : i32
      %dma_wait3A_107 = arith.constant 0 : i32
      %dma_wait3A_108 = tpu.memref_slice %arg2[%dma_wait3A_106, %dma_wait3A_107] : memref<10000x64xf32, #tpu.memory_space<hbm>> -> memref<10000x64xf32, #tpu.memory_space<hbm>>
      tpu.wait_indirect_dma semaphore(%arg14 : memref<!tpu.dma_semaphore, #tpu.memory_space<semaphore_mem>>) src(%dma_wait3A_108 : memref<10000x64xf32, #tpu.memory_space<hbm>>) dst(%arg10 : memref<250x64xf32, #tpu.memory_space<vmem>>)
      %dma_start3A_109 = arith.constant 0 : i32
      %dma_start3A_110 = tpu.memref_slice %arg7[%add3A_102, %dma_start3A_109] : memref<40x250xi32, #tpu.memory_space<vmem>> -> memref<1x250xi32, #tpu.memory_space<vmem>>
      %dma_start3A_111 = tpu.memref_squeeze %dma_start3A_110 : memref<1x250xi32, #tpu.memory_space<vmem>> -> memref<250xi32, #tpu.memory_space<vmem>>
      %dma_start3A_112 = arith.constant 0 : i32
      %dma_start3A_113 = arith.constant 0 : i32
      %dma_start3A_114 = tpu.memref_slice %arg20[%dma_start3A_112, %dma_start3A_113] : memref<10112x64xf32, #tpu.memory_space<vmem_shared>> -> memref<10112x64xf32, #tpu.memory_space<vmem_shared>>
      tpu.enqueue_indirect_dma source(%arg10 : memref<250x64xf32, #tpu.memory_space<vmem>>) target(%dma_start3A_114 : memref<10112x64xf32, #tpu.memory_space<vmem_shared>>) offsets(%dma_start3A_111 : memref<250xi32, #tpu.memory_space<vmem>>) semaphore(%arg18 : memref<!tpu.dma_semaphore, #tpu.memory_space<semaphore_mem>>) {add = true}
      %add3A_115 = arith.constant 3 : i32
      %add3A_116 = arith.addi %mul3A_72, %add3A_115 : i32
      %dma_wait3A_117 = arith.constant 0 : i32
      %dma_wait3A_118 = tpu.memref_slice %arg6[%add3A_116, %dma_wait3A_117] : memref<40x250xi32, #tpu.memory_space<vmem>> -> memref<1x250xi32, #tpu.memory_space<vmem>>
      %dma_wait3A_119 = tpu.memref_squeeze %dma_wait3A_118 : memref<1x250xi32, #tpu.memory_space<vmem>> -> memref<250xi32, #tpu.memory_space<vmem>>
      %dma_wait3A_120 = arith.constant 0 : i32
      %dma_wait3A_121 = arith.constant 0 : i32
      %dma_wait3A_122 = tpu.memref_slice %arg2[%dma_wait3A_120, %dma_wait3A_121] : memref<10000x64xf32, #tpu.memory_space<hbm>> -> memref<10000x64xf32, #tpu.memory_space<hbm>>
      tpu.wait_indirect_dma semaphore(%arg15 : memref<!tpu.dma_semaphore, #tpu.memory_space<semaphore_mem>>) src(%dma_wait3A_122 : memref<10000x64xf32, #tpu.memory_space<hbm>>) dst(%arg11 : memref<250x64xf32, #tpu.memory_space<vmem>>)
      %dma_start3A_123 = arith.constant 0 : i32
      %dma_start3A_124 = tpu.memref_slice %arg7[%add3A_116, %dma_start3A_123] : memref<40x250xi32, #tpu.memory_space<vmem>> -> memref<1x250xi32, #tpu.memory_space<vmem>>
      %dma_start3A_125 = tpu.memref_squeeze %dma_start3A_124 : memref<1x250xi32, #tpu.memory_space<vmem>> -> memref<250xi32, #tpu.memory_space<vmem>>
      %dma_start3A_126 = arith.constant 0 : i32
      %dma_start3A_127 = arith.constant 0 : i32
      %dma_start3A_128 = tpu.memref_slice %arg20[%dma_start3A_126, %dma_start3A_127] : memref<10112x64xf32, #tpu.memory_space<vmem_shared>> -> memref<10112x64xf32, #tpu.memory_space<vmem_shared>>
      tpu.enqueue_indirect_dma source(%arg11 : memref<250x64xf32, #tpu.memory_space<vmem>>) target(%dma_start3A_128 : memref<10112x64xf32, #tpu.memory_space<vmem_shared>>) offsets(%dma_start3A_125 : memref<250xi32, #tpu.memory_space<vmem>>) semaphore(%arg19 : memref<!tpu.dma_semaphore, #tpu.memory_space<semaphore_mem>>) {add = true}
      %add3A_129 = arith.constant 1 : i32
      %add3A_130 = arith.addi %scan3A_70, %add3A_129 : i32
      %lt3A = arith.constant 10 : i32
      %lt3A_131 = arith.cmpi slt, %add3A_130, %lt3A : i32
      %convert_element_type3A = arith.extui %lt3A_131 : i1 to i32
      %cond3A = arith.constant 0 : i32
      %cond3A_132 = arith.cmpi ne, %convert_element_type3A, %cond3A : i32
      scf.if %cond3A_132 {
        %add3A_133 = arith.constant 0 : i32
        %add3A_134 = arith.addi %mul3A_72, %add3A_133 : i32
        %dma_wait3A_135 = arith.constant 0 : i32
        %dma_wait3A_136 = tpu.memref_slice %arg7[%add3A_134, %dma_wait3A_135] : memref<40x250xi32, #tpu.memory_space<vmem>> -> memref<1x250xi32, #tpu.memory_space<vmem>>
        %dma_wait3A_137 = tpu.memref_squeeze %dma_wait3A_136 : memref<1x250xi32, #tpu.memory_space<vmem>> -> memref<250xi32, #tpu.memory_space<vmem>>
        %dma_wait3A_138 = arith.constant 0 : i32
        %dma_wait3A_139 = arith.constant 0 : i32
        %dma_wait3A_140 = tpu.memref_slice %arg20[%dma_wait3A_138, %dma_wait3A_139] : memref<10112x64xf32, #tpu.memory_space<vmem_shared>> -> memref<10112x64xf32, #tpu.memory_space<vmem_shared>>
        tpu.wait_indirect_dma semaphore(%arg16 : memref<!tpu.dma_semaphore, #tpu.memory_space<semaphore_mem>>) src(%arg8 : memref<250x64xf32, #tpu.memory_space<vmem>>) dst(%dma_wait3A_140 : memref<10112x64xf32, #tpu.memory_space<vmem_shared>>)
        %add3A_141 = arith.constant 4 : i32
        %add3A_142 = arith.addi %add3A_134, %add3A_141 : i32
        %dma_start3A_143 = arith.constant 0 : i32
        %dma_start3A_144 = tpu.memref_slice %arg6[%add3A_142, %dma_start3A_143] : memref<40x250xi32, #tpu.memory_space<vmem>> -> memref<1x250xi32, #tpu.memory_space<vmem>>
        %dma_start3A_145 = tpu.memref_squeeze %dma_start3A_144 : memref<1x250xi32, #tpu.memory_space<vmem>> -> memref<250xi32, #tpu.memory_space<vmem>>
        %dma_start3A_146 = arith.constant 0 : i32
        %dma_start3A_147 = arith.constant 0 : i32
        %dma_start3A_148 = tpu.memref_slice %arg2[%dma_start3A_146, %dma_start3A_147] : memref<10000x64xf32, #tpu.memory_space<hbm>> -> memref<10000x64xf32, #tpu.memory_space<hbm>>
        tpu.enqueue_indirect_dma source(%dma_start3A_148 : memref<10000x64xf32, #tpu.memory_space<hbm>>) target(%arg8 : memref<250x64xf32, #tpu.memory_space<vmem>>) offsets(%dma_start3A_145 : memref<250xi32, #tpu.memory_space<vmem>>) semaphore(%arg12 : memref<!tpu.dma_semaphore, #tpu.memory_space<semaphore_mem>>)
        %add3A_149 = arith.constant 1 : i32
        %add3A_150 = arith.addi %mul3A_72, %add3A_149 : i32
        %dma_wait3A_151 = arith.constant 0 : i32
        %dma_wait3A_152 = tpu.memref_slice %arg7[%add3A_150, %dma_wait3A_151] : memref<40x250xi32, #tpu.memory_space<vmem>> -> memref<1x250xi32, #tpu.memory_space<vmem>>
        %dma_wait3A_153 = tpu.memref_squeeze %dma_wait3A_152 : memref<1x250xi32, #tpu.memory_space<vmem>> -> memref<250xi32, #tpu.memory_space<vmem>>
        %dma_wait3A_154 = arith.constant 0 : i32
        %dma_wait3A_155 = arith.constant 0 : i32
        %dma_wait3A_156 = tpu.memref_slice %arg20[%dma_wait3A_154, %dma_wait3A_155] : memref<10112x64xf32, #tpu.memory_space<vmem_shared>> -> memref<10112x64xf32, #tpu.memory_space<vmem_shared>>
        tpu.wait_indirect_dma semaphore(%arg17 : memref<!tpu.dma_semaphore, #tpu.memory_space<semaphore_mem>>) src(%arg9 : memref<250x64xf32, #tpu.memory_space<vmem>>) dst(%dma_wait3A_156 : memref<10112x64xf32, #tpu.memory_space<vmem_shared>>)
        %add3A_157 = arith.constant 4 : i32
        %add3A_158 = arith.addi %add3A_150, %add3A_157 : i32
        %dma_start3A_159 = arith.constant 0 : i32
        %dma_start3A_160 = tpu.memref_slice %arg6[%add3A_158, %dma_start3A_159] : memref<40x250xi32, #tpu.memory_space<vmem>> -> memref<1x250xi32, #tpu.memory_space<vmem>>
        %dma_start3A_161 = tpu.memref_squeeze %dma_start3A_160 : memref<1x250xi32, #tpu.memory_space<vmem>> -> memref<250xi32, #tpu.memory_space<vmem>>
        %dma_start3A_162 = arith.constant 0 : i32
        %dma_start3A_163 = arith.constant 0 : i32
        %dma_start3A_164 = tpu.memref_slice %arg2[%dma_start3A_162, %dma_start3A_163] : memref<10000x64xf32, #tpu.memory_space<hbm>> -> memref<10000x64xf32, #tpu.memory_space<hbm>>
        tpu.enqueue_indirect_dma source(%dma_start3A_164 : memref<10000x64xf32, #tpu.memory_space<hbm>>) target(%arg9 : memref<250x64xf32, #tpu.memory_space<vmem>>) offsets(%dma_start3A_161 : memref<250xi32, #tpu.memory_space<vmem>>) semaphore(%arg13 : memref<!tpu.dma_semaphore, #tpu.memory_space<semaphore_mem>>)
        %add3A_165 = arith.constant 2 : i32
        %add3A_166 = arith.addi %mul3A_72, %add3A_165 : i32
        %dma_wait3A_167 = arith.constant 0 : i32
        %dma_wait3A_168 = tpu.memref_slice %arg7[%add3A_166, %dma_wait3A_167] : memref<40x250xi32, #tpu.memory_space<vmem>> -> memref<1x250xi32, #tpu.memory_space<vmem>>
        %dma_wait3A_169 = tpu.memref_squeeze %dma_wait3A_168 : memref<1x250xi32, #tpu.memory_space<vmem>> -> memref<250xi32, #tpu.memory_space<vmem>>
        %dma_wait3A_170 = arith.constant 0 : i32
        %dma_wait3A_171 = arith.constant 0 : i32
        %dma_wait3A_172 = tpu.memref_slice %arg20[%dma_wait3A_170, %dma_wait3A_171] : memref<10112x64xf32, #tpu.memory_space<vmem_shared>> -> memref<10112x64xf32, #tpu.memory_space<vmem_shared>>
        tpu.wait_indirect_dma semaphore(%arg18 : memref<!tpu.dma_semaphore, #tpu.memory_space<semaphore_mem>>) src(%arg10 : memref<250x64xf32, #tpu.memory_space<vmem>>) dst(%dma_wait3A_172 : memref<10112x64xf32, #tpu.memory_space<vmem_shared>>)
        %add3A_173 = arith.constant 4 : i32
        %add3A_174 = arith.addi %add3A_166, %add3A_173 : i32
        %dma_start3A_175 = arith.constant 0 : i32
        %dma_start3A_176 = tpu.memref_slice %arg6[%add3A_174, %dma_start3A_175] : memref<40x250xi32, #tpu.memory_space<vmem>> -> memref<1x250xi32, #tpu.memory_space<vmem>>
        %dma_start3A_177 = tpu.memref_squeeze %dma_start3A_176 : memref<1x250xi32, #tpu.memory_space<vmem>> -> memref<250xi32, #tpu.memory_space<vmem>>
        %dma_start3A_178 = arith.constant 0 : i32
        %dma_start3A_179 = arith.constant 0 : i32
        %dma_start3A_180 = tpu.memref_slice %arg2[%dma_start3A_178, %dma_start3A_179] : memref<10000x64xf32, #tpu.memory_space<hbm>> -> memref<10000x64xf32, #tpu.memory_space<hbm>>
        tpu.enqueue_indirect_dma source(%dma_start3A_180 : memref<10000x64xf32, #tpu.memory_space<hbm>>) target(%arg10 : memref<250x64xf32, #tpu.memory_space<vmem>>) offsets(%dma_start3A_177 : memref<250xi32, #tpu.memory_space<vmem>>) semaphore(%arg14 : memref<!tpu.dma_semaphore, #tpu.memory_space<semaphore_mem>>)
        %add3A_181 = arith.constant 3 : i32
        %add3A_182 = arith.addi %mul3A_72, %add3A_181 : i32
        %dma_wait3A_183 = arith.constant 0 : i32
        %dma_wait3A_184 = tpu.memref_slice %arg7[%add3A_182, %dma_wait3A_183] : memref<40x250xi32, #tpu.memory_space<vmem>> -> memref<1x250xi32, #tpu.memory_space<vmem>>
        %dma_wait3A_185 = tpu.memref_squeeze %dma_wait3A_184 : memref<1x250xi32, #tpu.memory_space<vmem>> -> memref<250xi32, #tpu.memory_space<vmem>>
        %dma_wait3A_186 = arith.constant 0 : i32
        %dma_wait3A_187 = arith.constant 0 : i32
        %dma_wait3A_188 = tpu.memref_slice %arg20[%dma_wait3A_186, %dma_wait3A_187] : memref<10112x64xf32, #tpu.memory_space<vmem_shared>> -> memref<10112x64xf32, #tpu.memory_space<vmem_shared>>
        tpu.wait_indirect_dma semaphore(%arg19 : memref<!tpu.dma_semaphore, #tpu.memory_space<semaphore_mem>>) src(%arg11 : memref<250x64xf32, #tpu.memory_space<vmem>>) dst(%dma_wait3A_188 : memref<10112x64xf32, #tpu.memory_space<vmem_shared>>)
        %add3A_189 = arith.constant 4 : i32
        %add3A_190 = arith.addi %add3A_182, %add3A_189 : i32
        %dma_start3A_191 = arith.constant 0 : i32
        %dma_start3A_192 = tpu.memref_slice %arg6[%add3A_190, %dma_start3A_191] : memref<40x250xi32, #tpu.memory_space<vmem>> -> memref<1x250xi32, #tpu.memory_space<vmem>>
        %dma_start3A_193 = tpu.memref_squeeze %dma_start3A_192 : memref<1x250xi32, #tpu.memory_space<vmem>> -> memref<250xi32, #tpu.memory_space<vmem>>
        %dma_start3A_194 = arith.constant 0 : i32
        %dma_start3A_195 = arith.constant 0 : i32
        %dma_start3A_196 = tpu.memref_slice %arg2[%dma_start3A_194, %dma_start3A_195] : memref<10000x64xf32, #tpu.memory_space<hbm>> -> memref<10000x64xf32, #tpu.memory_space<hbm>>
        tpu.enqueue_indirect_dma source(%dma_start3A_196 : memref<10000x64xf32, #tpu.memory_space<hbm>>) target(%arg11 : memref<250x64xf32, #tpu.memory_space<vmem>>) offsets(%dma_start3A_193 : memref<250xi32, #tpu.memory_space<vmem>>) semaphore(%arg15 : memref<!tpu.dma_semaphore, #tpu.memory_space<semaphore_mem>>)
      } else {
      }
    }
    %scan3A_37 = arith.constant 10 : i32
    %dma_wait3A = arith.constant 36 : i32
    %dma_wait3A_38 = arith.constant 0 : i32
    %dma_wait3A_39 = tpu.memref_slice %arg7[%dma_wait3A, %dma_wait3A_38] : memref<40x250xi32, #tpu.memory_space<vmem>> -> memref<1x250xi32, #tpu.memory_space<vmem>>
    %dma_wait3A_40 = tpu.memref_squeeze %dma_wait3A_39 : memref<1x250xi32, #tpu.memory_space<vmem>> -> memref<250xi32, #tpu.memory_space<vmem>>
    %dma_wait3A_41 = arith.constant 0 : i32
    %dma_wait3A_42 = arith.constant 0 : i32
    %dma_wait3A_43 = tpu.memref_slice %arg20[%dma_wait3A_41, %dma_wait3A_42] : memref<10112x64xf32, #tpu.memory_space<vmem_shared>> -> memref<10112x64xf32, #tpu.memory_space<vmem_shared>>
    tpu.wait_indirect_dma semaphore(%arg16 : memref<!tpu.dma_semaphore, #tpu.memory_space<semaphore_mem>>) src(%arg8 : memref<250x64xf32, #tpu.memory_space<vmem>>) dst(%dma_wait3A_43 : memref<10112x64xf32, #tpu.memory_space<vmem_shared>>)
    %dma_wait3A_44 = arith.constant 37 : i32
    %dma_wait3A_45 = arith.constant 0 : i32
    %dma_wait3A_46 = tpu.memref_slice %arg7[%dma_wait3A_44, %dma_wait3A_45] : memref<40x250xi32, #tpu.memory_space<vmem>> -> memref<1x250xi32, #tpu.memory_space<vmem>>
    %dma_wait3A_47 = tpu.memref_squeeze %dma_wait3A_46 : memref<1x250xi32, #tpu.memory_space<vmem>> -> memref<250xi32, #tpu.memory_space<vmem>>
    %dma_wait3A_48 = arith.constant 0 : i32
    %dma_wait3A_49 = arith.constant 0 : i32
    %dma_wait3A_50 = tpu.memref_slice %arg20[%dma_wait3A_48, %dma_wait3A_49] : memref<10112x64xf32, #tpu.memory_space<vmem_shared>> -> memref<10112x64xf32, #tpu.memory_space<vmem_shared>>
    tpu.wait_indirect_dma semaphore(%arg17 : memref<!tpu.dma_semaphore, #tpu.memory_space<semaphore_mem>>) src(%arg9 : memref<250x64xf32, #tpu.memory_space<vmem>>) dst(%dma_wait3A_50 : memref<10112x64xf32, #tpu.memory_space<vmem_shared>>)
    %dma_wait3A_51 = arith.constant 38 : i32
    %dma_wait3A_52 = arith.constant 0 : i32
    %dma_wait3A_53 = tpu.memref_slice %arg7[%dma_wait3A_51, %dma_wait3A_52] : memref<40x250xi32, #tpu.memory_space<vmem>> -> memref<1x250xi32, #tpu.memory_space<vmem>>
    %dma_wait3A_54 = tpu.memref_squeeze %dma_wait3A_53 : memref<1x250xi32, #tpu.memory_space<vmem>> -> memref<250xi32, #tpu.memory_space<vmem>>
    %dma_wait3A_55 = arith.constant 0 : i32
    %dma_wait3A_56 = arith.constant 0 : i32
    %dma_wait3A_57 = tpu.memref_slice %arg20[%dma_wait3A_55, %dma_wait3A_56] : memref<10112x64xf32, #tpu.memory_space<vmem_shared>> -> memref<10112x64xf32, #tpu.memory_space<vmem_shared>>
    tpu.wait_indirect_dma semaphore(%arg18 : memref<!tpu.dma_semaphore, #tpu.memory_space<semaphore_mem>>) src(%arg10 : memref<250x64xf32, #tpu.memory_space<vmem>>) dst(%dma_wait3A_57 : memref<10112x64xf32, #tpu.memory_space<vmem_shared>>)
    %dma_wait3A_58 = arith.constant 39 : i32
    %dma_wait3A_59 = arith.constant 0 : i32
    %dma_wait3A_60 = tpu.memref_slice %arg7[%dma_wait3A_58, %dma_wait3A_59] : memref<40x250xi32, #tpu.memory_space<vmem>> -> memref<1x250xi32, #tpu.memory_space<vmem>>
    %dma_wait3A_61 = tpu.memref_squeeze %dma_wait3A_60 : memref<1x250xi32, #tpu.memory_space<vmem>> -> memref<250xi32, #tpu.memory_space<vmem>>
    %dma_wait3A_62 = arith.constant 0 : i32
    %dma_wait3A_63 = arith.constant 0 : i32
    %dma_wait3A_64 = tpu.memref_slice %arg20[%dma_wait3A_62, %dma_wait3A_63] : memref<10112x64xf32, #tpu.memory_space<vmem_shared>> -> memref<10112x64xf32, #tpu.memory_space<vmem_shared>>
    tpu.wait_indirect_dma semaphore(%arg19 : memref<!tpu.dma_semaphore, #tpu.memory_space<semaphore_mem>>) src(%arg11 : memref<250x64xf32, #tpu.memory_space<vmem>>) dst(%dma_wait3A_64 : memref<10112x64xf32, #tpu.memory_space<vmem_shared>>)
    %barrier3A_65 = arith.constant 0 : index
    tpu.barrier barrier_id(%barrier3A_65)
    %mul3A_66 = arith.constant 632 : i32
    %mul3A_67 = arith.muli %arg1, %mul3A_66 : i32
    %mul3A_68 = arith.constant 632 : i32
    %mul3A_69 = arith.muli %arg1, %mul3A_68 : i32
    "tpu.region"() ({
      %run_scoped3A_70 = tpu.sem_alloc : memref<!tpu.dma_semaphore, #tpu.memory_space<semaphore_mem>>
      %dma_start3A_71 = arith.constant 0 : i32
      %dma_start3A_72 = tpu.memref_slice %arg5[%arg0, %mul3A_69, %dma_start3A_71] : memref<2x10112x64xf32, #tpu.memory_space<hbm>> -> memref<1x632x64xf32, #tpu.memory_space<hbm>>
      %dma_start3A_73 = tpu.memref_squeeze %dma_start3A_72 : memref<1x632x64xf32, #tpu.memory_space<hbm>> -> memref<632x64xf32, #tpu.memory_space<hbm>>
      %dma_start3A_74 = arith.constant 0 : i32
      %dma_start3A_75 = tpu.memref_slice %arg20[%mul3A_67, %dma_start3A_74] : memref<10112x64xf32, #tpu.memory_space<vmem_shared>> -> memref<632x64xf32, #tpu.memory_space<vmem_shared>>
      tpu.enqueue_dma source(%dma_start3A_75 : memref<632x64xf32, #tpu.memory_space<vmem_shared>>) target(%dma_start3A_73 : memref<632x64xf32, #tpu.memory_space<hbm>>) target_semaphore(%run_scoped3A_70 : memref<!tpu.dma_semaphore, #tpu.memory_space<semaphore_mem>>)
      %dma_wait3A_76 = arith.constant 0 : i32
      %dma_wait3A_77 = tpu.memref_slice %arg5[%arg0, %mul3A_69, %dma_wait3A_76] : memref<2x10112x64xf32, #tpu.memory_space<hbm>> -> memref<1x632x64xf32, #tpu.memory_space<hbm>>
      %dma_wait3A_78 = tpu.memref_squeeze %dma_wait3A_77 : memref<1x632x64xf32, #tpu.memory_space<hbm>> -> memref<632x64xf32, #tpu.memory_space<hbm>>
      %dma_wait3A_79 = arith.constant 0 : i32
      %dma_wait3A_80 = tpu.memref_slice %arg20[%mul3A_67, %dma_wait3A_79] : memref<10112x64xf32, #tpu.memory_space<vmem_shared>> -> memref<632x64xf32, #tpu.memory_space<vmem_shared>>
      tpu.wait_dma2 semaphore(%run_scoped3A_70 : memref<!tpu.dma_semaphore, #tpu.memory_space<semaphore_mem>>) src(%dma_wait3A_80 : memref<632x64xf32, #tpu.memory_space<vmem_shared>>) dst(%dma_wait3A_78 : memref<632x64xf32, #tpu.memory_space<hbm>>)
      tpu.yield
    }) : () -> ()
    return
  }
}

#map = affine_map<(d0, d1) -> (0, 0)>
#map1 = affine_map<(d0, d1) -> (0, 0, 0, 0)>
#map2 = affine_map<(d0, d1) -> (0, 0, 0)>
module attributes {stable_mosaic.version = 14 : i64} {
  func.func @seg_sum(%arg0: i32, %arg1: i32, %arg2: memref<10000x32xf32, #tpu.memory_space<hbm>>, %arg3: memref<2x32x40x250xi32, #tpu.memory_space<hbm>>, %arg4: memref<10112x32xf32, #tpu.memory_space<hbm>>, %arg5: memref<2x10112x32xf32, #tpu.memory_space<hbm>>, %arg6: memref<40x250xi32, #tpu.memory_space<vmem>>, %arg7: memref<40x250xi32, #tpu.memory_space<vmem>>, %arg8: memref<250x32xf32, #tpu.memory_space<vmem>>, %arg9: memref<250x32xf32, #tpu.memory_space<vmem>>, %arg10: memref<250x32xf32, #tpu.memory_space<vmem>>, %arg11: memref<250x32xf32, #tpu.memory_space<vmem>>, %arg12: memref<250x32xf32, #tpu.memory_space<vmem>>, %arg13: memref<250x32xf32, #tpu.memory_space<vmem>>, %arg14: memref<250x32xf32, #tpu.memory_space<vmem>>, %arg15: memref<250x32xf32, #tpu.memory_space<vmem>>, %arg16: memref<!tpu.dma_semaphore, #tpu.memory_space<semaphore_mem>>, %arg17: memref<!tpu.dma_semaphore, #tpu.memory_space<semaphore_mem>>, %arg18: memref<!tpu.dma_semaphore, #tpu.memory_space<semaphore_mem>>, %arg19: memref<!tpu.dma_semaphore, #tpu.memory_space<semaphore_mem>>, %arg20: memref<!tpu.dma_semaphore, #tpu.memory_space<semaphore_mem>>, %arg21: memref<!tpu.dma_semaphore, #tpu.memory_space<semaphore_mem>>, %arg22: memref<!tpu.dma_semaphore, #tpu.memory_space<semaphore_mem>>, %arg23: memref<!tpu.dma_semaphore, #tpu.memory_space<semaphore_mem>>, %arg24: memref<!tpu.dma_semaphore, #tpu.memory_space<semaphore_mem>>, %arg25: memref<!tpu.dma_semaphore, #tpu.memory_space<semaphore_mem>>, %arg26: memref<!tpu.dma_semaphore, #tpu.memory_space<semaphore_mem>>, %arg27: memref<!tpu.dma_semaphore, #tpu.memory_space<semaphore_mem>>, %arg28: memref<!tpu.dma_semaphore, #tpu.memory_space<semaphore_mem>>, %arg29: memref<!tpu.dma_semaphore, #tpu.memory_space<semaphore_mem>>, %arg30: memref<!tpu.dma_semaphore, #tpu.memory_space<semaphore_mem>>, %arg31: memref<!tpu.dma_semaphore, #tpu.memory_space<semaphore_mem>>, %arg32: memref<10112x32xf32, #tpu.memory_space<vmem_shared>>) attributes {dimension_semantics = [#tpu.dimension_semantics<core_parallel>, #tpu.dimension_semantics<subcore_parallel>], iteration_bounds = array<i64: 2, 16>, scalar_prefetch = 0 : i64, scratch_operands = 27 : i64, tpu.core_type = #tpu.core_type<sc_vector_subcore>, window_params = [{transform_indices = #map}, {transform_indices = #map1}, {transform_indices = #map}, {transform_indices = #map2}]} {
    %mul3A = arith.constant 2 : i32
    %mul3A_0 = arith.muli %arg1, %mul3A : i32
    %add3A = arith.addi %mul3A_0, %arg0 : i32
    %mul3A_1 = arith.constant 632 : i32
    %mul3A_2 = arith.muli %arg1, %mul3A_1 : i32
    %mul3A_3 = arith.constant 632 : i32
    %mul3A_4 = arith.muli %arg1, %mul3A_3 : i32
    "tpu.region"() ({
      %run_scoped3A_126 = tpu.sem_alloc : memref<!tpu.dma_semaphore, #tpu.memory_space<semaphore_mem>>
      %dma_start3A_127 = arith.constant 0 : i32
      %dma_start3A_128 = tpu.memref_slice %arg32[%mul3A_4, %dma_start3A_127] : memref<10112x32xf32, #tpu.memory_space<vmem_shared>> -> memref<632x32xf32, #tpu.memory_space<vmem_shared>>
      %dma_start3A_129 = arith.constant 0 : i32
      %dma_start3A_130 = tpu.memref_slice %arg4[%mul3A_2, %dma_start3A_129] : memref<10112x32xf32, #tpu.memory_space<hbm>> -> memref<632x32xf32, #tpu.memory_space<hbm>>
      tpu.enqueue_dma source(%dma_start3A_130 : memref<632x32xf32, #tpu.memory_space<hbm>>) target(%dma_start3A_128 : memref<632x32xf32, #tpu.memory_space<vmem_shared>>) target_semaphore(%run_scoped3A_126 : memref<!tpu.dma_semaphore, #tpu.memory_space<semaphore_mem>>)
      %dma_wait3A_131 = arith.constant 0 : i32
      %dma_wait3A_132 = tpu.memref_slice %arg32[%mul3A_4, %dma_wait3A_131] : memref<10112x32xf32, #tpu.memory_space<vmem_shared>> -> memref<632x32xf32, #tpu.memory_space<vmem_shared>>
      %dma_wait3A_133 = arith.constant 0 : i32
      %dma_wait3A_134 = tpu.memref_slice %arg4[%mul3A_2, %dma_wait3A_133] : memref<10112x32xf32, #tpu.memory_space<hbm>> -> memref<632x32xf32, #tpu.memory_space<hbm>>
      tpu.wait_dma2 semaphore(%run_scoped3A_126 : memref<!tpu.dma_semaphore, #tpu.memory_space<semaphore_mem>>) src(%dma_wait3A_134 : memref<632x32xf32, #tpu.memory_space<hbm>>) dst(%dma_wait3A_132 : memref<632x32xf32, #tpu.memory_space<vmem_shared>>)
      tpu.yield
    }) : () -> ()
    %run_scoped3A = arith.constant 0 : i32
    "tpu.region"() ({
      %run_scoped3A_126 = tpu.sem_alloc : memref<!tpu.dma_semaphore, #tpu.memory_space<semaphore_mem>>
      %dma_start3A_127 = arith.constant 0 : i32
      %dma_start3A_128 = arith.constant 0 : i32
      %dma_start3A_129 = tpu.memref_slice %arg3[%run_scoped3A, %add3A, %dma_start3A_127, %dma_start3A_128] : memref<2x32x40x250xi32, #tpu.memory_space<hbm>> -> memref<1x1x40x250xi32, #tpu.memory_space<hbm>>
      %dma_start3A_130 = tpu.memref_squeeze %dma_start3A_129 : memref<1x1x40x250xi32, #tpu.memory_space<hbm>> -> memref<40x250xi32, #tpu.memory_space<hbm>>
      %dma_start3A_131 = arith.constant 0 : i32
      %dma_start3A_132 = arith.constant 0 : i32
      %dma_start3A_133 = tpu.memref_slice %arg3[%run_scoped3A, %add3A, %dma_start3A_131, %dma_start3A_132] : memref<2x32x40x250xi32, #tpu.memory_space<hbm>> -> memref<1x1x40x250xi32, #tpu.memory_space<hbm>>
      %dma_start3A_134 = tpu.memref_squeeze %dma_start3A_133 : memref<1x1x40x250xi32, #tpu.memory_space<hbm>> -> memref<40x250xi32, #tpu.memory_space<hbm>>
      tpu.enqueue_dma source(%dma_start3A_134 : memref<40x250xi32, #tpu.memory_space<hbm>>) target(%arg6 : memref<40x250xi32, #tpu.memory_space<vmem>>) target_semaphore(%run_scoped3A_126 : memref<!tpu.dma_semaphore, #tpu.memory_space<semaphore_mem>>)
      %dma_wait3A_135 = arith.constant 0 : i32
      %dma_wait3A_136 = arith.constant 0 : i32
      %dma_wait3A_137 = tpu.memref_slice %arg3[%run_scoped3A, %add3A, %dma_wait3A_135, %dma_wait3A_136] : memref<2x32x40x250xi32, #tpu.memory_space<hbm>> -> memref<1x1x40x250xi32, #tpu.memory_space<hbm>>
      %dma_wait3A_138 = tpu.memref_squeeze %dma_wait3A_137 : memref<1x1x40x250xi32, #tpu.memory_space<hbm>> -> memref<40x250xi32, #tpu.memory_space<hbm>>
      %dma_wait3A_139 = arith.constant 0 : i32
      %dma_wait3A_140 = arith.constant 0 : i32
      %dma_wait3A_141 = tpu.memref_slice %arg3[%run_scoped3A, %add3A, %dma_wait3A_139, %dma_wait3A_140] : memref<2x32x40x250xi32, #tpu.memory_space<hbm>> -> memref<1x1x40x250xi32, #tpu.memory_space<hbm>>
      %dma_wait3A_142 = tpu.memref_squeeze %dma_wait3A_141 : memref<1x1x40x250xi32, #tpu.memory_space<hbm>> -> memref<40x250xi32, #tpu.memory_space<hbm>>
      tpu.wait_dma2 semaphore(%run_scoped3A_126 : memref<!tpu.dma_semaphore, #tpu.memory_space<semaphore_mem>>) src(%dma_wait3A_142 : memref<40x250xi32, #tpu.memory_space<hbm>>) dst(%arg6 : memref<40x250xi32, #tpu.memory_space<vmem>>)
      tpu.yield
    }) : () -> ()
    %run_scoped3A_5 = arith.constant 1 : i32
    "tpu.region"() ({
      %run_scoped3A_126 = tpu.sem_alloc : memref<!tpu.dma_semaphore, #tpu.memory_space<semaphore_mem>>
      %dma_start3A_127 = arith.constant 0 : i32
      %dma_start3A_128 = arith.constant 0 : i32
      %dma_start3A_129 = tpu.memref_slice %arg3[%run_scoped3A_5, %add3A, %dma_start3A_127, %dma_start3A_128] : memref<2x32x40x250xi32, #tpu.memory_space<hbm>> -> memref<1x1x40x250xi32, #tpu.memory_space<hbm>>
      %dma_start3A_130 = tpu.memref_squeeze %dma_start3A_129 : memref<1x1x40x250xi32, #tpu.memory_space<hbm>> -> memref<40x250xi32, #tpu.memory_space<hbm>>
      %dma_start3A_131 = arith.constant 0 : i32
      %dma_start3A_132 = arith.constant 0 : i32
      %dma_start3A_133 = tpu.memref_slice %arg3[%run_scoped3A_5, %add3A, %dma_start3A_131, %dma_start3A_132] : memref<2x32x40x250xi32, #tpu.memory_space<hbm>> -> memref<1x1x40x250xi32, #tpu.memory_space<hbm>>
      %dma_start3A_134 = tpu.memref_squeeze %dma_start3A_133 : memref<1x1x40x250xi32, #tpu.memory_space<hbm>> -> memref<40x250xi32, #tpu.memory_space<hbm>>
      tpu.enqueue_dma source(%dma_start3A_134 : memref<40x250xi32, #tpu.memory_space<hbm>>) target(%arg7 : memref<40x250xi32, #tpu.memory_space<vmem>>) target_semaphore(%run_scoped3A_126 : memref<!tpu.dma_semaphore, #tpu.memory_space<semaphore_mem>>)
      %dma_wait3A_135 = arith.constant 0 : i32
      %dma_wait3A_136 = arith.constant 0 : i32
      %dma_wait3A_137 = tpu.memref_slice %arg3[%run_scoped3A_5, %add3A, %dma_wait3A_135, %dma_wait3A_136] : memref<2x32x40x250xi32, #tpu.memory_space<hbm>> -> memref<1x1x40x250xi32, #tpu.memory_space<hbm>>
      %dma_wait3A_138 = tpu.memref_squeeze %dma_wait3A_137 : memref<1x1x40x250xi32, #tpu.memory_space<hbm>> -> memref<40x250xi32, #tpu.memory_space<hbm>>
      %dma_wait3A_139 = arith.constant 0 : i32
      %dma_wait3A_140 = arith.constant 0 : i32
      %dma_wait3A_141 = tpu.memref_slice %arg3[%run_scoped3A_5, %add3A, %dma_wait3A_139, %dma_wait3A_140] : memref<2x32x40x250xi32, #tpu.memory_space<hbm>> -> memref<1x1x40x250xi32, #tpu.memory_space<hbm>>
      %dma_wait3A_142 = tpu.memref_squeeze %dma_wait3A_141 : memref<1x1x40x250xi32, #tpu.memory_space<hbm>> -> memref<40x250xi32, #tpu.memory_space<hbm>>
      tpu.wait_dma2 semaphore(%run_scoped3A_126 : memref<!tpu.dma_semaphore, #tpu.memory_space<semaphore_mem>>) src(%dma_wait3A_142 : memref<40x250xi32, #tpu.memory_space<hbm>>) dst(%arg7 : memref<40x250xi32, #tpu.memory_space<vmem>>)
      tpu.yield
    }) : () -> ()
    %barrier3A = arith.constant 0 : index
    tpu.barrier barrier_id(%barrier3A)
    %dma_start3A = arith.constant 0 : i32
    %dma_start3A_6 = arith.constant 0 : i32
    %dma_start3A_7 = tpu.memref_slice %arg6[%dma_start3A, %dma_start3A_6] : memref<40x250xi32, #tpu.memory_space<vmem>> -> memref<1x250xi32, #tpu.memory_space<vmem>>
    %dma_start3A_8 = tpu.memref_squeeze %dma_start3A_7 : memref<1x250xi32, #tpu.memory_space<vmem>> -> memref<250xi32, #tpu.memory_space<vmem>>
    %dma_start3A_9 = arith.constant 0 : i32
    %dma_start3A_10 = arith.constant 0 : i32
    %dma_start3A_11 = tpu.memref_slice %arg2[%dma_start3A_9, %dma_start3A_10] : memref<10000x32xf32, #tpu.memory_space<hbm>> -> memref<10000x32xf32, #tpu.memory_space<hbm>>
    tpu.enqueue_indirect_dma source(%dma_start3A_11 : memref<10000x32xf32, #tpu.memory_space<hbm>>) target(%arg8 : memref<250x32xf32, #tpu.memory_space<vmem>>) offsets(%dma_start3A_8 : memref<250xi32, #tpu.memory_space<vmem>>) semaphore(%arg16 : memref<!tpu.dma_semaphore, #tpu.memory_space<semaphore_mem>>)
    %dma_start3A_12 = arith.constant 1 : i32
    %dma_start3A_13 = arith.constant 0 : i32
    %dma_start3A_14 = tpu.memref_slice %arg6[%dma_start3A_12, %dma_start3A_13] : memref<40x250xi32, #tpu.memory_space<vmem>> -> memref<1x250xi32, #tpu.memory_space<vmem>>
    %dma_start3A_15 = tpu.memref_squeeze %dma_start3A_14 : memref<1x250xi32, #tpu.memory_space<vmem>> -> memref<250xi32, #tpu.memory_space<vmem>>
    %dma_start3A_16 = arith.constant 0 : i32
    %dma_start3A_17 = arith.constant 0 : i32
    %dma_start3A_18 = tpu.memref_slice %arg2[%dma_start3A_16, %dma_start3A_17] : memref<10000x32xf32, #tpu.memory_space<hbm>> -> memref<10000x32xf32, #tpu.memory_space<hbm>>
    tpu.enqueue_indirect_dma source(%dma_start3A_18 : memref<10000x32xf32, #tpu.memory_space<hbm>>) target(%arg9 : memref<250x32xf32, #tpu.memory_space<vmem>>) offsets(%dma_start3A_15 : memref<250xi32, #tpu.memory_space<vmem>>) semaphore(%arg17 : memref<!tpu.dma_semaphore, #tpu.memory_space<semaphore_mem>>)
    %dma_start3A_19 = arith.constant 2 : i32
    %dma_start3A_20 = arith.constant 0 : i32
    %dma_start3A_21 = tpu.memref_slice %arg6[%dma_start3A_19, %dma_start3A_20] : memref<40x250xi32, #tpu.memory_space<vmem>> -> memref<1x250xi32, #tpu.memory_space<vmem>>
    %dma_start3A_22 = tpu.memref_squeeze %dma_start3A_21 : memref<1x250xi32, #tpu.memory_space<vmem>> -> memref<250xi32, #tpu.memory_space<vmem>>
    %dma_start3A_23 = arith.constant 0 : i32
    %dma_start3A_24 = arith.constant 0 : i32
    %dma_start3A_25 = tpu.memref_slice %arg2[%dma_start3A_23, %dma_start3A_24] : memref<10000x32xf32, #tpu.memory_space<hbm>> -> memref<10000x32xf32, #tpu.memory_space<hbm>>
    tpu.enqueue_indirect_dma source(%dma_start3A_25 : memref<10000x32xf32, #tpu.memory_space<hbm>>) target(%arg10 : memref<250x32xf32, #tpu.memory_space<vmem>>) offsets(%dma_start3A_22 : memref<250xi32, #tpu.memory_space<vmem>>) semaphore(%arg18 : memref<!tpu.dma_semaphore, #tpu.memory_space<semaphore_mem>>)
    %dma_start3A_26 = arith.constant 3 : i32
    %dma_start3A_27 = arith.constant 0 : i32
    %dma_start3A_28 = tpu.memref_slice %arg6[%dma_start3A_26, %dma_start3A_27] : memref<40x250xi32, #tpu.memory_space<vmem>> -> memref<1x250xi32, #tpu.memory_space<vmem>>
    %dma_start3A_29 = tpu.memref_squeeze %dma_start3A_28 : memref<1x250xi32, #tpu.memory_space<vmem>> -> memref<250xi32, #tpu.memory_space<vmem>>
    %dma_start3A_30 = arith.constant 0 : i32
    %dma_start3A_31 = arith.constant 0 : i32
    %dma_start3A_32 = tpu.memref_slice %arg2[%dma_start3A_30, %dma_start3A_31] : memref<10000x32xf32, #tpu.memory_space<hbm>> -> memref<10000x32xf32, #tpu.memory_space<hbm>>
    tpu.enqueue_indirect_dma source(%dma_start3A_32 : memref<10000x32xf32, #tpu.memory_space<hbm>>) target(%arg11 : memref<250x32xf32, #tpu.memory_space<vmem>>) offsets(%dma_start3A_29 : memref<250xi32, #tpu.memory_space<vmem>>) semaphore(%arg19 : memref<!tpu.dma_semaphore, #tpu.memory_space<semaphore_mem>>)
    %dma_start3A_33 = arith.constant 4 : i32
    %dma_start3A_34 = arith.constant 0 : i32
    %dma_start3A_35 = tpu.memref_slice %arg6[%dma_start3A_33, %dma_start3A_34] : memref<40x250xi32, #tpu.memory_space<vmem>> -> memref<1x250xi32, #tpu.memory_space<vmem>>
    %dma_start3A_36 = tpu.memref_squeeze %dma_start3A_35 : memref<1x250xi32, #tpu.memory_space<vmem>> -> memref<250xi32, #tpu.memory_space<vmem>>
    %dma_start3A_37 = arith.constant 0 : i32
    %dma_start3A_38 = arith.constant 0 : i32
    %dma_start3A_39 = tpu.memref_slice %arg2[%dma_start3A_37, %dma_start3A_38] : memref<10000x32xf32, #tpu.memory_space<hbm>> -> memref<10000x32xf32, #tpu.memory_space<hbm>>
    tpu.enqueue_indirect_dma source(%dma_start3A_39 : memref<10000x32xf32, #tpu.memory_space<hbm>>) target(%arg12 : memref<250x32xf32, #tpu.memory_space<vmem>>) offsets(%dma_start3A_36 : memref<250xi32, #tpu.memory_space<vmem>>) semaphore(%arg20 : memref<!tpu.dma_semaphore, #tpu.memory_space<semaphore_mem>>)
    %dma_start3A_40 = arith.constant 5 : i32
    %dma_start3A_41 = arith.constant 0 : i32
    %dma_start3A_42 = tpu.memref_slice %arg6[%dma_start3A_40, %dma_start3A_41] : memref<40x250xi32, #tpu.memory_space<vmem>> -> memref<1x250xi32, #tpu.memory_space<vmem>>
    %dma_start3A_43 = tpu.memref_squeeze %dma_start3A_42 : memref<1x250xi32, #tpu.memory_space<vmem>> -> memref<250xi32, #tpu.memory_space<vmem>>
    %dma_start3A_44 = arith.constant 0 : i32
    %dma_start3A_45 = arith.constant 0 : i32
    %dma_start3A_46 = tpu.memref_slice %arg2[%dma_start3A_44, %dma_start3A_45] : memref<10000x32xf32, #tpu.memory_space<hbm>> -> memref<10000x32xf32, #tpu.memory_space<hbm>>
    tpu.enqueue_indirect_dma source(%dma_start3A_46 : memref<10000x32xf32, #tpu.memory_space<hbm>>) target(%arg13 : memref<250x32xf32, #tpu.memory_space<vmem>>) offsets(%dma_start3A_43 : memref<250xi32, #tpu.memory_space<vmem>>) semaphore(%arg21 : memref<!tpu.dma_semaphore, #tpu.memory_space<semaphore_mem>>)
    %dma_start3A_47 = arith.constant 6 : i32
    %dma_start3A_48 = arith.constant 0 : i32
    %dma_start3A_49 = tpu.memref_slice %arg6[%dma_start3A_47, %dma_start3A_48] : memref<40x250xi32, #tpu.memory_space<vmem>> -> memref<1x250xi32, #tpu.memory_space<vmem>>
    %dma_start3A_50 = tpu.memref_squeeze %dma_start3A_49 : memref<1x250xi32, #tpu.memory_space<vmem>> -> memref<250xi32, #tpu.memory_space<vmem>>
    %dma_start3A_51 = arith.constant 0 : i32
    %dma_start3A_52 = arith.constant 0 : i32
    %dma_start3A_53 = tpu.memref_slice %arg2[%dma_start3A_51, %dma_start3A_52] : memref<10000x32xf32, #tpu.memory_space<hbm>> -> memref<10000x32xf32, #tpu.memory_space<hbm>>
    tpu.enqueue_indirect_dma source(%dma_start3A_53 : memref<10000x32xf32, #tpu.memory_space<hbm>>) target(%arg14 : memref<250x32xf32, #tpu.memory_space<vmem>>) offsets(%dma_start3A_50 : memref<250xi32, #tpu.memory_space<vmem>>) semaphore(%arg22 : memref<!tpu.dma_semaphore, #tpu.memory_space<semaphore_mem>>)
    %dma_start3A_54 = arith.constant 7 : i32
    %dma_start3A_55 = arith.constant 0 : i32
    %dma_start3A_56 = tpu.memref_slice %arg6[%dma_start3A_54, %dma_start3A_55] : memref<40x250xi32, #tpu.memory_space<vmem>> -> memref<1x250xi32, #tpu.memory_space<vmem>>
    %dma_start3A_57 = tpu.memref_squeeze %dma_start3A_56 : memref<1x250xi32, #tpu.memory_space<vmem>> -> memref<250xi32, #tpu.memory_space<vmem>>
    %dma_start3A_58 = arith.constant 0 : i32
    %dma_start3A_59 = arith.constant 0 : i32
    %dma_start3A_60 = tpu.memref_slice %arg2[%dma_start3A_58, %dma_start3A_59] : memref<10000x32xf32, #tpu.memory_space<hbm>> -> memref<10000x32xf32, #tpu.memory_space<hbm>>
    tpu.enqueue_indirect_dma source(%dma_start3A_60 : memref<10000x32xf32, #tpu.memory_space<hbm>>) target(%arg15 : memref<250x32xf32, #tpu.memory_space<vmem>>) offsets(%dma_start3A_57 : memref<250xi32, #tpu.memory_space<vmem>>) semaphore(%arg23 : memref<!tpu.dma_semaphore, #tpu.memory_space<semaphore_mem>>)
    %scan3A = arith.constant 0 : i32
    %scan3A_61 = arith.constant 0 : i32
    %scan3A_62 = arith.constant 5 : i32
    %scan3A_63 = arith.addi %scan3A_61, %scan3A_62 : i32
    %scan3A_64 = arith.constant 1 : i32
    scf.for %scan3A_126 = %scan3A_61 to %scan3A_63 step %scan3A_64  : i32 {
      %mul3A_127 = arith.constant 8 : i32
      %mul3A_128 = arith.muli %scan3A_126, %mul3A_127 : i32
      %add3A_129 = arith.constant 0 : i32
      %add3A_130 = arith.addi %mul3A_128, %add3A_129 : i32
      %dma_wait3A_131 = arith.constant 0 : i32
      %dma_wait3A_132 = tpu.memref_slice %arg6[%add3A_130, %dma_wait3A_131] : memref<40x250xi32, #tpu.memory_space<vmem>> -> memref<1x250xi32, #tpu.memory_space<vmem>>
      %dma_wait3A_133 = tpu.memref_squeeze %dma_wait3A_132 : memref<1x250xi32, #tpu.memory_space<vmem>> -> memref<250xi32, #tpu.memory_space<vmem>>
      %dma_wait3A_134 = arith.constant 0 : i32
      %dma_wait3A_135 = arith.constant 0 : i32
      %dma_wait3A_136 = tpu.memref_slice %arg2[%dma_wait3A_134, %dma_wait3A_135] : memref<10000x32xf32, #tpu.memory_space<hbm>> -> memref<10000x32xf32, #tpu.memory_space<hbm>>
      tpu.wait_indirect_dma semaphore(%arg16 : memref<!tpu.dma_semaphore, #tpu.memory_space<semaphore_mem>>) src(%dma_wait3A_136 : memref<10000x32xf32, #tpu.memory_space<hbm>>) dst(%arg8 : memref<250x32xf32, #tpu.memory_space<vmem>>)
      %dma_start3A_137 = arith.constant 0 : i32
      %dma_start3A_138 = tpu.memref_slice %arg7[%add3A_130, %dma_start3A_137] : memref<40x250xi32, #tpu.memory_space<vmem>> -> memref<1x250xi32, #tpu.memory_space<vmem>>
      %dma_start3A_139 = tpu.memref_squeeze %dma_start3A_138 : memref<1x250xi32, #tpu.memory_space<vmem>> -> memref<250xi32, #tpu.memory_space<vmem>>
      %dma_start3A_140 = arith.constant 0 : i32
      %dma_start3A_141 = arith.constant 0 : i32
      %dma_start3A_142 = tpu.memref_slice %arg32[%dma_start3A_140, %dma_start3A_141] : memref<10112x32xf32, #tpu.memory_space<vmem_shared>> -> memref<10112x32xf32, #tpu.memory_space<vmem_shared>>
      tpu.enqueue_indirect_dma source(%arg8 : memref<250x32xf32, #tpu.memory_space<vmem>>) target(%dma_start3A_142 : memref<10112x32xf32, #tpu.memory_space<vmem_shared>>) offsets(%dma_start3A_139 : memref<250xi32, #tpu.memory_space<vmem>>) semaphore(%arg24 : memref<!tpu.dma_semaphore, #tpu.memory_space<semaphore_mem>>) {add = true}
      %add3A_143 = arith.constant 1 : i32
      %add3A_144 = arith.addi %mul3A_128, %add3A_143 : i32
      %dma_wait3A_145 = arith.constant 0 : i32
      %dma_wait3A_146 = tpu.memref_slice %arg6[%add3A_144, %dma_wait3A_145] : memref<40x250xi32, #tpu.memory_space<vmem>> -> memref<1x250xi32, #tpu.memory_space<vmem>>
      %dma_wait3A_147 = tpu.memref_squeeze %dma_wait3A_146 : memref<1x250xi32, #tpu.memory_space<vmem>> -> memref<250xi32, #tpu.memory_space<vmem>>
      %dma_wait3A_148 = arith.constant 0 : i32
      %dma_wait3A_149 = arith.constant 0 : i32
      %dma_wait3A_150 = tpu.memref_slice %arg2[%dma_wait3A_148, %dma_wait3A_149] : memref<10000x32xf32, #tpu.memory_space<hbm>> -> memref<10000x32xf32, #tpu.memory_space<hbm>>
      tpu.wait_indirect_dma semaphore(%arg17 : memref<!tpu.dma_semaphore, #tpu.memory_space<semaphore_mem>>) src(%dma_wait3A_150 : memref<10000x32xf32, #tpu.memory_space<hbm>>) dst(%arg9 : memref<250x32xf32, #tpu.memory_space<vmem>>)
      %dma_start3A_151 = arith.constant 0 : i32
      %dma_start3A_152 = tpu.memref_slice %arg7[%add3A_144, %dma_start3A_151] : memref<40x250xi32, #tpu.memory_space<vmem>> -> memref<1x250xi32, #tpu.memory_space<vmem>>
      %dma_start3A_153 = tpu.memref_squeeze %dma_start3A_152 : memref<1x250xi32, #tpu.memory_space<vmem>> -> memref<250xi32, #tpu.memory_space<vmem>>
      %dma_start3A_154 = arith.constant 0 : i32
      %dma_start3A_155 = arith.constant 0 : i32
      %dma_start3A_156 = tpu.memref_slice %arg32[%dma_start3A_154, %dma_start3A_155] : memref<10112x32xf32, #tpu.memory_space<vmem_shared>> -> memref<10112x32xf32, #tpu.memory_space<vmem_shared>>
      tpu.enqueue_indirect_dma source(%arg9 : memref<250x32xf32, #tpu.memory_space<vmem>>) target(%dma_start3A_156 : memref<10112x32xf32, #tpu.memory_space<vmem_shared>>) offsets(%dma_start3A_153 : memref<250xi32, #tpu.memory_space<vmem>>) semaphore(%arg25 : memref<!tpu.dma_semaphore, #tpu.memory_space<semaphore_mem>>) {add = true}
      %add3A_157 = arith.constant 2 : i32
      %add3A_158 = arith.addi %mul3A_128, %add3A_157 : i32
      %dma_wait3A_159 = arith.constant 0 : i32
      %dma_wait3A_160 = tpu.memref_slice %arg6[%add3A_158, %dma_wait3A_159] : memref<40x250xi32, #tpu.memory_space<vmem>> -> memref<1x250xi32, #tpu.memory_space<vmem>>
      %dma_wait3A_161 = tpu.memref_squeeze %dma_wait3A_160 : memref<1x250xi32, #tpu.memory_space<vmem>> -> memref<250xi32, #tpu.memory_space<vmem>>
      %dma_wait3A_162 = arith.constant 0 : i32
      %dma_wait3A_163 = arith.constant 0 : i32
      %dma_wait3A_164 = tpu.memref_slice %arg2[%dma_wait3A_162, %dma_wait3A_163] : memref<10000x32xf32, #tpu.memory_space<hbm>> -> memref<10000x32xf32, #tpu.memory_space<hbm>>
      tpu.wait_indirect_dma semaphore(%arg18 : memref<!tpu.dma_semaphore, #tpu.memory_space<semaphore_mem>>) src(%dma_wait3A_164 : memref<10000x32xf32, #tpu.memory_space<hbm>>) dst(%arg10 : memref<250x32xf32, #tpu.memory_space<vmem>>)
      %dma_start3A_165 = arith.constant 0 : i32
      %dma_start3A_166 = tpu.memref_slice %arg7[%add3A_158, %dma_start3A_165] : memref<40x250xi32, #tpu.memory_space<vmem>> -> memref<1x250xi32, #tpu.memory_space<vmem>>
      %dma_start3A_167 = tpu.memref_squeeze %dma_start3A_166 : memref<1x250xi32, #tpu.memory_space<vmem>> -> memref<250xi32, #tpu.memory_space<vmem>>
      %dma_start3A_168 = arith.constant 0 : i32
      %dma_start3A_169 = arith.constant 0 : i32
      %dma_start3A_170 = tpu.memref_slice %arg32[%dma_start3A_168, %dma_start3A_169] : memref<10112x32xf32, #tpu.memory_space<vmem_shared>> -> memref<10112x32xf32, #tpu.memory_space<vmem_shared>>
      tpu.enqueue_indirect_dma source(%arg10 : memref<250x32xf32, #tpu.memory_space<vmem>>) target(%dma_start3A_170 : memref<10112x32xf32, #tpu.memory_space<vmem_shared>>) offsets(%dma_start3A_167 : memref<250xi32, #tpu.memory_space<vmem>>) semaphore(%arg26 : memref<!tpu.dma_semaphore, #tpu.memory_space<semaphore_mem>>) {add = true}
      %add3A_171 = arith.constant 3 : i32
      %add3A_172 = arith.addi %mul3A_128, %add3A_171 : i32
      %dma_wait3A_173 = arith.constant 0 : i32
      %dma_wait3A_174 = tpu.memref_slice %arg6[%add3A_172, %dma_wait3A_173] : memref<40x250xi32, #tpu.memory_space<vmem>> -> memref<1x250xi32, #tpu.memory_space<vmem>>
      %dma_wait3A_175 = tpu.memref_squeeze %dma_wait3A_174 : memref<1x250xi32, #tpu.memory_space<vmem>> -> memref<250xi32, #tpu.memory_space<vmem>>
      %dma_wait3A_176 = arith.constant 0 : i32
      %dma_wait3A_177 = arith.constant 0 : i32
      %dma_wait3A_178 = tpu.memref_slice %arg2[%dma_wait3A_176, %dma_wait3A_177] : memref<10000x32xf32, #tpu.memory_space<hbm>> -> memref<10000x32xf32, #tpu.memory_space<hbm>>
      tpu.wait_indirect_dma semaphore(%arg19 : memref<!tpu.dma_semaphore, #tpu.memory_space<semaphore_mem>>) src(%dma_wait3A_178 : memref<10000x32xf32, #tpu.memory_space<hbm>>) dst(%arg11 : memref<250x32xf32, #tpu.memory_space<vmem>>)
      %dma_start3A_179 = arith.constant 0 : i32
      %dma_start3A_180 = tpu.memref_slice %arg7[%add3A_172, %dma_start3A_179] : memref<40x250xi32, #tpu.memory_space<vmem>> -> memref<1x250xi32, #tpu.memory_space<vmem>>
      %dma_start3A_181 = tpu.memref_squeeze %dma_start3A_180 : memref<1x250xi32, #tpu.memory_space<vmem>> -> memref<250xi32, #tpu.memory_space<vmem>>
      %dma_start3A_182 = arith.constant 0 : i32
      %dma_start3A_183 = arith.constant 0 : i32
      %dma_start3A_184 = tpu.memref_slice %arg32[%dma_start3A_182, %dma_start3A_183] : memref<10112x32xf32, #tpu.memory_space<vmem_shared>> -> memref<10112x32xf32, #tpu.memory_space<vmem_shared>>
      tpu.enqueue_indirect_dma source(%arg11 : memref<250x32xf32, #tpu.memory_space<vmem>>) target(%dma_start3A_184 : memref<10112x32xf32, #tpu.memory_space<vmem_shared>>) offsets(%dma_start3A_181 : memref<250xi32, #tpu.memory_space<vmem>>) semaphore(%arg27 : memref<!tpu.dma_semaphore, #tpu.memory_space<semaphore_mem>>) {add = true}
      %add3A_185 = arith.constant 4 : i32
      %add3A_186 = arith.addi %mul3A_128, %add3A_185 : i32
      %dma_wait3A_187 = arith.constant 0 : i32
      %dma_wait3A_188 = tpu.memref_slice %arg6[%add3A_186, %dma_wait3A_187] : memref<40x250xi32, #tpu.memory_space<vmem>> -> memref<1x250xi32, #tpu.memory_space<vmem>>
      %dma_wait3A_189 = tpu.memref_squeeze %dma_wait3A_188 : memref<1x250xi32, #tpu.memory_space<vmem>> -> memref<250xi32, #tpu.memory_space<vmem>>
      %dma_wait3A_190 = arith.constant 0 : i32
      %dma_wait3A_191 = arith.constant 0 : i32
      %dma_wait3A_192 = tpu.memref_slice %arg2[%dma_wait3A_190, %dma_wait3A_191] : memref<10000x32xf32, #tpu.memory_space<hbm>> -> memref<10000x32xf32, #tpu.memory_space<hbm>>
      tpu.wait_indirect_dma semaphore(%arg20 : memref<!tpu.dma_semaphore, #tpu.memory_space<semaphore_mem>>) src(%dma_wait3A_192 : memref<10000x32xf32, #tpu.memory_space<hbm>>) dst(%arg12 : memref<250x32xf32, #tpu.memory_space<vmem>>)
      %dma_start3A_193 = arith.constant 0 : i32
      %dma_start3A_194 = tpu.memref_slice %arg7[%add3A_186, %dma_start3A_193] : memref<40x250xi32, #tpu.memory_space<vmem>> -> memref<1x250xi32, #tpu.memory_space<vmem>>
      %dma_start3A_195 = tpu.memref_squeeze %dma_start3A_194 : memref<1x250xi32, #tpu.memory_space<vmem>> -> memref<250xi32, #tpu.memory_space<vmem>>
      %dma_start3A_196 = arith.constant 0 : i32
      %dma_start3A_197 = arith.constant 0 : i32
      %dma_start3A_198 = tpu.memref_slice %arg32[%dma_start3A_196, %dma_start3A_197] : memref<10112x32xf32, #tpu.memory_space<vmem_shared>> -> memref<10112x32xf32, #tpu.memory_space<vmem_shared>>
      tpu.enqueue_indirect_dma source(%arg12 : memref<250x32xf32, #tpu.memory_space<vmem>>) target(%dma_start3A_198 : memref<10112x32xf32, #tpu.memory_space<vmem_shared>>) offsets(%dma_start3A_195 : memref<250xi32, #tpu.memory_space<vmem>>) semaphore(%arg28 : memref<!tpu.dma_semaphore, #tpu.memory_space<semaphore_mem>>) {add = true}
      %add3A_199 = arith.constant 5 : i32
      %add3A_200 = arith.addi %mul3A_128, %add3A_199 : i32
      %dma_wait3A_201 = arith.constant 0 : i32
      %dma_wait3A_202 = tpu.memref_slice %arg6[%add3A_200, %dma_wait3A_201] : memref<40x250xi32, #tpu.memory_space<vmem>> -> memref<1x250xi32, #tpu.memory_space<vmem>>
      %dma_wait3A_203 = tpu.memref_squeeze %dma_wait3A_202 : memref<1x250xi32, #tpu.memory_space<vmem>> -> memref<250xi32, #tpu.memory_space<vmem>>
      %dma_wait3A_204 = arith.constant 0 : i32
      %dma_wait3A_205 = arith.constant 0 : i32
      %dma_wait3A_206 = tpu.memref_slice %arg2[%dma_wait3A_204, %dma_wait3A_205] : memref<10000x32xf32, #tpu.memory_space<hbm>> -> memref<10000x32xf32, #tpu.memory_space<hbm>>
      tpu.wait_indirect_dma semaphore(%arg21 : memref<!tpu.dma_semaphore, #tpu.memory_space<semaphore_mem>>) src(%dma_wait3A_206 : memref<10000x32xf32, #tpu.memory_space<hbm>>) dst(%arg13 : memref<250x32xf32, #tpu.memory_space<vmem>>)
      %dma_start3A_207 = arith.constant 0 : i32
      %dma_start3A_208 = tpu.memref_slice %arg7[%add3A_200, %dma_start3A_207] : memref<40x250xi32, #tpu.memory_space<vmem>> -> memref<1x250xi32, #tpu.memory_space<vmem>>
      %dma_start3A_209 = tpu.memref_squeeze %dma_start3A_208 : memref<1x250xi32, #tpu.memory_space<vmem>> -> memref<250xi32, #tpu.memory_space<vmem>>
      %dma_start3A_210 = arith.constant 0 : i32
      %dma_start3A_211 = arith.constant 0 : i32
      %dma_start3A_212 = tpu.memref_slice %arg32[%dma_start3A_210, %dma_start3A_211] : memref<10112x32xf32, #tpu.memory_space<vmem_shared>> -> memref<10112x32xf32, #tpu.memory_space<vmem_shared>>
      tpu.enqueue_indirect_dma source(%arg13 : memref<250x32xf32, #tpu.memory_space<vmem>>) target(%dma_start3A_212 : memref<10112x32xf32, #tpu.memory_space<vmem_shared>>) offsets(%dma_start3A_209 : memref<250xi32, #tpu.memory_space<vmem>>) semaphore(%arg29 : memref<!tpu.dma_semaphore, #tpu.memory_space<semaphore_mem>>) {add = true}
      %add3A_213 = arith.constant 6 : i32
      %add3A_214 = arith.addi %mul3A_128, %add3A_213 : i32
      %dma_wait3A_215 = arith.constant 0 : i32
      %dma_wait3A_216 = tpu.memref_slice %arg6[%add3A_214, %dma_wait3A_215] : memref<40x250xi32, #tpu.memory_space<vmem>> -> memref<1x250xi32, #tpu.memory_space<vmem>>
      %dma_wait3A_217 = tpu.memref_squeeze %dma_wait3A_216 : memref<1x250xi32, #tpu.memory_space<vmem>> -> memref<250xi32, #tpu.memory_space<vmem>>
      %dma_wait3A_218 = arith.constant 0 : i32
      %dma_wait3A_219 = arith.constant 0 : i32
      %dma_wait3A_220 = tpu.memref_slice %arg2[%dma_wait3A_218, %dma_wait3A_219] : memref<10000x32xf32, #tpu.memory_space<hbm>> -> memref<10000x32xf32, #tpu.memory_space<hbm>>
      tpu.wait_indirect_dma semaphore(%arg22 : memref<!tpu.dma_semaphore, #tpu.memory_space<semaphore_mem>>) src(%dma_wait3A_220 : memref<10000x32xf32, #tpu.memory_space<hbm>>) dst(%arg14 : memref<250x32xf32, #tpu.memory_space<vmem>>)
      %dma_start3A_221 = arith.constant 0 : i32
      %dma_start3A_222 = tpu.memref_slice %arg7[%add3A_214, %dma_start3A_221] : memref<40x250xi32, #tpu.memory_space<vmem>> -> memref<1x250xi32, #tpu.memory_space<vmem>>
      %dma_start3A_223 = tpu.memref_squeeze %dma_start3A_222 : memref<1x250xi32, #tpu.memory_space<vmem>> -> memref<250xi32, #tpu.memory_space<vmem>>
      %dma_start3A_224 = arith.constant 0 : i32
      %dma_start3A_225 = arith.constant 0 : i32
      %dma_start3A_226 = tpu.memref_slice %arg32[%dma_start3A_224, %dma_start3A_225] : memref<10112x32xf32, #tpu.memory_space<vmem_shared>> -> memref<10112x32xf32, #tpu.memory_space<vmem_shared>>
      tpu.enqueue_indirect_dma source(%arg14 : memref<250x32xf32, #tpu.memory_space<vmem>>) target(%dma_start3A_226 : memref<10112x32xf32, #tpu.memory_space<vmem_shared>>) offsets(%dma_start3A_223 : memref<250xi32, #tpu.memory_space<vmem>>) semaphore(%arg30 : memref<!tpu.dma_semaphore, #tpu.memory_space<semaphore_mem>>) {add = true}
      %add3A_227 = arith.constant 7 : i32
      %add3A_228 = arith.addi %mul3A_128, %add3A_227 : i32
      %dma_wait3A_229 = arith.constant 0 : i32
      %dma_wait3A_230 = tpu.memref_slice %arg6[%add3A_228, %dma_wait3A_229] : memref<40x250xi32, #tpu.memory_space<vmem>> -> memref<1x250xi32, #tpu.memory_space<vmem>>
      %dma_wait3A_231 = tpu.memref_squeeze %dma_wait3A_230 : memref<1x250xi32, #tpu.memory_space<vmem>> -> memref<250xi32, #tpu.memory_space<vmem>>
      %dma_wait3A_232 = arith.constant 0 : i32
      %dma_wait3A_233 = arith.constant 0 : i32
      %dma_wait3A_234 = tpu.memref_slice %arg2[%dma_wait3A_232, %dma_wait3A_233] : memref<10000x32xf32, #tpu.memory_space<hbm>> -> memref<10000x32xf32, #tpu.memory_space<hbm>>
      tpu.wait_indirect_dma semaphore(%arg23 : memref<!tpu.dma_semaphore, #tpu.memory_space<semaphore_mem>>) src(%dma_wait3A_234 : memref<10000x32xf32, #tpu.memory_space<hbm>>) dst(%arg15 : memref<250x32xf32, #tpu.memory_space<vmem>>)
      %dma_start3A_235 = arith.constant 0 : i32
      %dma_start3A_236 = tpu.memref_slice %arg7[%add3A_228, %dma_start3A_235] : memref<40x250xi32, #tpu.memory_space<vmem>> -> memref<1x250xi32, #tpu.memory_space<vmem>>
      %dma_start3A_237 = tpu.memref_squeeze %dma_start3A_236 : memref<1x250xi32, #tpu.memory_space<vmem>> -> memref<250xi32, #tpu.memory_space<vmem>>
      %dma_start3A_238 = arith.constant 0 : i32
      %dma_start3A_239 = arith.constant 0 : i32
      %dma_start3A_240 = tpu.memref_slice %arg32[%dma_start3A_238, %dma_start3A_239] : memref<10112x32xf32, #tpu.memory_space<vmem_shared>> -> memref<10112x32xf32, #tpu.memory_space<vmem_shared>>
      tpu.enqueue_indirect_dma source(%arg15 : memref<250x32xf32, #tpu.memory_space<vmem>>) target(%dma_start3A_240 : memref<10112x32xf32, #tpu.memory_space<vmem_shared>>) offsets(%dma_start3A_237 : memref<250xi32, #tpu.memory_space<vmem>>) semaphore(%arg31 : memref<!tpu.dma_semaphore, #tpu.memory_space<semaphore_mem>>) {add = true}
      %add3A_241 = arith.constant 1 : i32
      %add3A_242 = arith.addi %scan3A_126, %add3A_241 : i32
      %lt3A = arith.constant 5 : i32
      %lt3A_243 = arith.cmpi slt, %add3A_242, %lt3A : i32
      %convert_element_type3A = arith.extui %lt3A_243 : i1 to i32
      %cond3A = arith.constant 0 : i32
      %cond3A_244 = arith.cmpi ne, %convert_element_type3A, %cond3A : i32
      scf.if %cond3A_244 {
        %add3A_245 = arith.constant 0 : i32
        %add3A_246 = arith.addi %mul3A_128, %add3A_245 : i32
        %dma_wait3A_247 = arith.constant 0 : i32
        %dma_wait3A_248 = tpu.memref_slice %arg7[%add3A_246, %dma_wait3A_247] : memref<40x250xi32, #tpu.memory_space<vmem>> -> memref<1x250xi32, #tpu.memory_space<vmem>>
        %dma_wait3A_249 = tpu.memref_squeeze %dma_wait3A_248 : memref<1x250xi32, #tpu.memory_space<vmem>> -> memref<250xi32, #tpu.memory_space<vmem>>
        %dma_wait3A_250 = arith.constant 0 : i32
        %dma_wait3A_251 = arith.constant 0 : i32
        %dma_wait3A_252 = tpu.memref_slice %arg32[%dma_wait3A_250, %dma_wait3A_251] : memref<10112x32xf32, #tpu.memory_space<vmem_shared>> -> memref<10112x32xf32, #tpu.memory_space<vmem_shared>>
        tpu.wait_indirect_dma semaphore(%arg24 : memref<!tpu.dma_semaphore, #tpu.memory_space<semaphore_mem>>) src(%arg8 : memref<250x32xf32, #tpu.memory_space<vmem>>) dst(%dma_wait3A_252 : memref<10112x32xf32, #tpu.memory_space<vmem_shared>>)
        %add3A_253 = arith.constant 8 : i32
        %add3A_254 = arith.addi %add3A_246, %add3A_253 : i32
        %dma_start3A_255 = arith.constant 0 : i32
        %dma_start3A_256 = tpu.memref_slice %arg6[%add3A_254, %dma_start3A_255] : memref<40x250xi32, #tpu.memory_space<vmem>> -> memref<1x250xi32, #tpu.memory_space<vmem>>
        %dma_start3A_257 = tpu.memref_squeeze %dma_start3A_256 : memref<1x250xi32, #tpu.memory_space<vmem>> -> memref<250xi32, #tpu.memory_space<vmem>>
        %dma_start3A_258 = arith.constant 0 : i32
        %dma_start3A_259 = arith.constant 0 : i32
        %dma_start3A_260 = tpu.memref_slice %arg2[%dma_start3A_258, %dma_start3A_259] : memref<10000x32xf32, #tpu.memory_space<hbm>> -> memref<10000x32xf32, #tpu.memory_space<hbm>>
        tpu.enqueue_indirect_dma source(%dma_start3A_260 : memref<10000x32xf32, #tpu.memory_space<hbm>>) target(%arg8 : memref<250x32xf32, #tpu.memory_space<vmem>>) offsets(%dma_start3A_257 : memref<250xi32, #tpu.memory_space<vmem>>) semaphore(%arg16 : memref<!tpu.dma_semaphore, #tpu.memory_space<semaphore_mem>>)
        %add3A_261 = arith.constant 1 : i32
        %add3A_262 = arith.addi %mul3A_128, %add3A_261 : i32
        %dma_wait3A_263 = arith.constant 0 : i32
        %dma_wait3A_264 = tpu.memref_slice %arg7[%add3A_262, %dma_wait3A_263] : memref<40x250xi32, #tpu.memory_space<vmem>> -> memref<1x250xi32, #tpu.memory_space<vmem>>
        %dma_wait3A_265 = tpu.memref_squeeze %dma_wait3A_264 : memref<1x250xi32, #tpu.memory_space<vmem>> -> memref<250xi32, #tpu.memory_space<vmem>>
        %dma_wait3A_266 = arith.constant 0 : i32
        %dma_wait3A_267 = arith.constant 0 : i32
        %dma_wait3A_268 = tpu.memref_slice %arg32[%dma_wait3A_266, %dma_wait3A_267] : memref<10112x32xf32, #tpu.memory_space<vmem_shared>> -> memref<10112x32xf32, #tpu.memory_space<vmem_shared>>
        tpu.wait_indirect_dma semaphore(%arg25 : memref<!tpu.dma_semaphore, #tpu.memory_space<semaphore_mem>>) src(%arg9 : memref<250x32xf32, #tpu.memory_space<vmem>>) dst(%dma_wait3A_268 : memref<10112x32xf32, #tpu.memory_space<vmem_shared>>)
        %add3A_269 = arith.constant 8 : i32
        %add3A_270 = arith.addi %add3A_262, %add3A_269 : i32
        %dma_start3A_271 = arith.constant 0 : i32
        %dma_start3A_272 = tpu.memref_slice %arg6[%add3A_270, %dma_start3A_271] : memref<40x250xi32, #tpu.memory_space<vmem>> -> memref<1x250xi32, #tpu.memory_space<vmem>>
        %dma_start3A_273 = tpu.memref_squeeze %dma_start3A_272 : memref<1x250xi32, #tpu.memory_space<vmem>> -> memref<250xi32, #tpu.memory_space<vmem>>
        %dma_start3A_274 = arith.constant 0 : i32
        %dma_start3A_275 = arith.constant 0 : i32
        %dma_start3A_276 = tpu.memref_slice %arg2[%dma_start3A_274, %dma_start3A_275] : memref<10000x32xf32, #tpu.memory_space<hbm>> -> memref<10000x32xf32, #tpu.memory_space<hbm>>
        tpu.enqueue_indirect_dma source(%dma_start3A_276 : memref<10000x32xf32, #tpu.memory_space<hbm>>) target(%arg9 : memref<250x32xf32, #tpu.memory_space<vmem>>) offsets(%dma_start3A_273 : memref<250xi32, #tpu.memory_space<vmem>>) semaphore(%arg17 : memref<!tpu.dma_semaphore, #tpu.memory_space<semaphore_mem>>)
        %add3A_277 = arith.constant 2 : i32
        %add3A_278 = arith.addi %mul3A_128, %add3A_277 : i32
        %dma_wait3A_279 = arith.constant 0 : i32
        %dma_wait3A_280 = tpu.memref_slice %arg7[%add3A_278, %dma_wait3A_279] : memref<40x250xi32, #tpu.memory_space<vmem>> -> memref<1x250xi32, #tpu.memory_space<vmem>>
        %dma_wait3A_281 = tpu.memref_squeeze %dma_wait3A_280 : memref<1x250xi32, #tpu.memory_space<vmem>> -> memref<250xi32, #tpu.memory_space<vmem>>
        %dma_wait3A_282 = arith.constant 0 : i32
        %dma_wait3A_283 = arith.constant 0 : i32
        %dma_wait3A_284 = tpu.memref_slice %arg32[%dma_wait3A_282, %dma_wait3A_283] : memref<10112x32xf32, #tpu.memory_space<vmem_shared>> -> memref<10112x32xf32, #tpu.memory_space<vmem_shared>>
        tpu.wait_indirect_dma semaphore(%arg26 : memref<!tpu.dma_semaphore, #tpu.memory_space<semaphore_mem>>) src(%arg10 : memref<250x32xf32, #tpu.memory_space<vmem>>) dst(%dma_wait3A_284 : memref<10112x32xf32, #tpu.memory_space<vmem_shared>>)
        %add3A_285 = arith.constant 8 : i32
        %add3A_286 = arith.addi %add3A_278, %add3A_285 : i32
        %dma_start3A_287 = arith.constant 0 : i32
        %dma_start3A_288 = tpu.memref_slice %arg6[%add3A_286, %dma_start3A_287] : memref<40x250xi32, #tpu.memory_space<vmem>> -> memref<1x250xi32, #tpu.memory_space<vmem>>
        %dma_start3A_289 = tpu.memref_squeeze %dma_start3A_288 : memref<1x250xi32, #tpu.memory_space<vmem>> -> memref<250xi32, #tpu.memory_space<vmem>>
        %dma_start3A_290 = arith.constant 0 : i32
        %dma_start3A_291 = arith.constant 0 : i32
        %dma_start3A_292 = tpu.memref_slice %arg2[%dma_start3A_290, %dma_start3A_291] : memref<10000x32xf32, #tpu.memory_space<hbm>> -> memref<10000x32xf32, #tpu.memory_space<hbm>>
        tpu.enqueue_indirect_dma source(%dma_start3A_292 : memref<10000x32xf32, #tpu.memory_space<hbm>>) target(%arg10 : memref<250x32xf32, #tpu.memory_space<vmem>>) offsets(%dma_start3A_289 : memref<250xi32, #tpu.memory_space<vmem>>) semaphore(%arg18 : memref<!tpu.dma_semaphore, #tpu.memory_space<semaphore_mem>>)
        %add3A_293 = arith.constant 3 : i32
        %add3A_294 = arith.addi %mul3A_128, %add3A_293 : i32
        %dma_wait3A_295 = arith.constant 0 : i32
        %dma_wait3A_296 = tpu.memref_slice %arg7[%add3A_294, %dma_wait3A_295] : memref<40x250xi32, #tpu.memory_space<vmem>> -> memref<1x250xi32, #tpu.memory_space<vmem>>
        %dma_wait3A_297 = tpu.memref_squeeze %dma_wait3A_296 : memref<1x250xi32, #tpu.memory_space<vmem>> -> memref<250xi32, #tpu.memory_space<vmem>>
        %dma_wait3A_298 = arith.constant 0 : i32
        %dma_wait3A_299 = arith.constant 0 : i32
        %dma_wait3A_300 = tpu.memref_slice %arg32[%dma_wait3A_298, %dma_wait3A_299] : memref<10112x32xf32, #tpu.memory_space<vmem_shared>> -> memref<10112x32xf32, #tpu.memory_space<vmem_shared>>
        tpu.wait_indirect_dma semaphore(%arg27 : memref<!tpu.dma_semaphore, #tpu.memory_space<semaphore_mem>>) src(%arg11 : memref<250x32xf32, #tpu.memory_space<vmem>>) dst(%dma_wait3A_300 : memref<10112x32xf32, #tpu.memory_space<vmem_shared>>)
        %add3A_301 = arith.constant 8 : i32
        %add3A_302 = arith.addi %add3A_294, %add3A_301 : i32
        %dma_start3A_303 = arith.constant 0 : i32
        %dma_start3A_304 = tpu.memref_slice %arg6[%add3A_302, %dma_start3A_303] : memref<40x250xi32, #tpu.memory_space<vmem>> -> memref<1x250xi32, #tpu.memory_space<vmem>>
        %dma_start3A_305 = tpu.memref_squeeze %dma_start3A_304 : memref<1x250xi32, #tpu.memory_space<vmem>> -> memref<250xi32, #tpu.memory_space<vmem>>
        %dma_start3A_306 = arith.constant 0 : i32
        %dma_start3A_307 = arith.constant 0 : i32
        %dma_start3A_308 = tpu.memref_slice %arg2[%dma_start3A_306, %dma_start3A_307] : memref<10000x32xf32, #tpu.memory_space<hbm>> -> memref<10000x32xf32, #tpu.memory_space<hbm>>
        tpu.enqueue_indirect_dma source(%dma_start3A_308 : memref<10000x32xf32, #tpu.memory_space<hbm>>) target(%arg11 : memref<250x32xf32, #tpu.memory_space<vmem>>) offsets(%dma_start3A_305 : memref<250xi32, #tpu.memory_space<vmem>>) semaphore(%arg19 : memref<!tpu.dma_semaphore, #tpu.memory_space<semaphore_mem>>)
        %add3A_309 = arith.constant 4 : i32
        %add3A_310 = arith.addi %mul3A_128, %add3A_309 : i32
        %dma_wait3A_311 = arith.constant 0 : i32
        %dma_wait3A_312 = tpu.memref_slice %arg7[%add3A_310, %dma_wait3A_311] : memref<40x250xi32, #tpu.memory_space<vmem>> -> memref<1x250xi32, #tpu.memory_space<vmem>>
        %dma_wait3A_313 = tpu.memref_squeeze %dma_wait3A_312 : memref<1x250xi32, #tpu.memory_space<vmem>> -> memref<250xi32, #tpu.memory_space<vmem>>
        %dma_wait3A_314 = arith.constant 0 : i32
        %dma_wait3A_315 = arith.constant 0 : i32
        %dma_wait3A_316 = tpu.memref_slice %arg32[%dma_wait3A_314, %dma_wait3A_315] : memref<10112x32xf32, #tpu.memory_space<vmem_shared>> -> memref<10112x32xf32, #tpu.memory_space<vmem_shared>>
        tpu.wait_indirect_dma semaphore(%arg28 : memref<!tpu.dma_semaphore, #tpu.memory_space<semaphore_mem>>) src(%arg12 : memref<250x32xf32, #tpu.memory_space<vmem>>) dst(%dma_wait3A_316 : memref<10112x32xf32, #tpu.memory_space<vmem_shared>>)
        %add3A_317 = arith.constant 8 : i32
        %add3A_318 = arith.addi %add3A_310, %add3A_317 : i32
        %dma_start3A_319 = arith.constant 0 : i32
        %dma_start3A_320 = tpu.memref_slice %arg6[%add3A_318, %dma_start3A_319] : memref<40x250xi32, #tpu.memory_space<vmem>> -> memref<1x250xi32, #tpu.memory_space<vmem>>
        %dma_start3A_321 = tpu.memref_squeeze %dma_start3A_320 : memref<1x250xi32, #tpu.memory_space<vmem>> -> memref<250xi32, #tpu.memory_space<vmem>>
        %dma_start3A_322 = arith.constant 0 : i32
        %dma_start3A_323 = arith.constant 0 : i32
        %dma_start3A_324 = tpu.memref_slice %arg2[%dma_start3A_322, %dma_start3A_323] : memref<10000x32xf32, #tpu.memory_space<hbm>> -> memref<10000x32xf32, #tpu.memory_space<hbm>>
        tpu.enqueue_indirect_dma source(%dma_start3A_324 : memref<10000x32xf32, #tpu.memory_space<hbm>>) target(%arg12 : memref<250x32xf32, #tpu.memory_space<vmem>>) offsets(%dma_start3A_321 : memref<250xi32, #tpu.memory_space<vmem>>) semaphore(%arg20 : memref<!tpu.dma_semaphore, #tpu.memory_space<semaphore_mem>>)
        %add3A_325 = arith.constant 5 : i32
        %add3A_326 = arith.addi %mul3A_128, %add3A_325 : i32
        %dma_wait3A_327 = arith.constant 0 : i32
        %dma_wait3A_328 = tpu.memref_slice %arg7[%add3A_326, %dma_wait3A_327] : memref<40x250xi32, #tpu.memory_space<vmem>> -> memref<1x250xi32, #tpu.memory_space<vmem>>
        %dma_wait3A_329 = tpu.memref_squeeze %dma_wait3A_328 : memref<1x250xi32, #tpu.memory_space<vmem>> -> memref<250xi32, #tpu.memory_space<vmem>>
        %dma_wait3A_330 = arith.constant 0 : i32
        %dma_wait3A_331 = arith.constant 0 : i32
        %dma_wait3A_332 = tpu.memref_slice %arg32[%dma_wait3A_330, %dma_wait3A_331] : memref<10112x32xf32, #tpu.memory_space<vmem_shared>> -> memref<10112x32xf32, #tpu.memory_space<vmem_shared>>
        tpu.wait_indirect_dma semaphore(%arg29 : memref<!tpu.dma_semaphore, #tpu.memory_space<semaphore_mem>>) src(%arg13 : memref<250x32xf32, #tpu.memory_space<vmem>>) dst(%dma_wait3A_332 : memref<10112x32xf32, #tpu.memory_space<vmem_shared>>)
        %add3A_333 = arith.constant 8 : i32
        %add3A_334 = arith.addi %add3A_326, %add3A_333 : i32
        %dma_start3A_335 = arith.constant 0 : i32
        %dma_start3A_336 = tpu.memref_slice %arg6[%add3A_334, %dma_start3A_335] : memref<40x250xi32, #tpu.memory_space<vmem>> -> memref<1x250xi32, #tpu.memory_space<vmem>>
        %dma_start3A_337 = tpu.memref_squeeze %dma_start3A_336 : memref<1x250xi32, #tpu.memory_space<vmem>> -> memref<250xi32, #tpu.memory_space<vmem>>
        %dma_start3A_338 = arith.constant 0 : i32
        %dma_start3A_339 = arith.constant 0 : i32
        %dma_start3A_340 = tpu.memref_slice %arg2[%dma_start3A_338, %dma_start3A_339] : memref<10000x32xf32, #tpu.memory_space<hbm>> -> memref<10000x32xf32, #tpu.memory_space<hbm>>
        tpu.enqueue_indirect_dma source(%dma_start3A_340 : memref<10000x32xf32, #tpu.memory_space<hbm>>) target(%arg13 : memref<250x32xf32, #tpu.memory_space<vmem>>) offsets(%dma_start3A_337 : memref<250xi32, #tpu.memory_space<vmem>>) semaphore(%arg21 : memref<!tpu.dma_semaphore, #tpu.memory_space<semaphore_mem>>)
        %add3A_341 = arith.constant 6 : i32
        %add3A_342 = arith.addi %mul3A_128, %add3A_341 : i32
        %dma_wait3A_343 = arith.constant 0 : i32
        %dma_wait3A_344 = tpu.memref_slice %arg7[%add3A_342, %dma_wait3A_343] : memref<40x250xi32, #tpu.memory_space<vmem>> -> memref<1x250xi32, #tpu.memory_space<vmem>>
        %dma_wait3A_345 = tpu.memref_squeeze %dma_wait3A_344 : memref<1x250xi32, #tpu.memory_space<vmem>> -> memref<250xi32, #tpu.memory_space<vmem>>
        %dma_wait3A_346 = arith.constant 0 : i32
        %dma_wait3A_347 = arith.constant 0 : i32
        %dma_wait3A_348 = tpu.memref_slice %arg32[%dma_wait3A_346, %dma_wait3A_347] : memref<10112x32xf32, #tpu.memory_space<vmem_shared>> -> memref<10112x32xf32, #tpu.memory_space<vmem_shared>>
        tpu.wait_indirect_dma semaphore(%arg30 : memref<!tpu.dma_semaphore, #tpu.memory_space<semaphore_mem>>) src(%arg14 : memref<250x32xf32, #tpu.memory_space<vmem>>) dst(%dma_wait3A_348 : memref<10112x32xf32, #tpu.memory_space<vmem_shared>>)
        %add3A_349 = arith.constant 8 : i32
        %add3A_350 = arith.addi %add3A_342, %add3A_349 : i32
        %dma_start3A_351 = arith.constant 0 : i32
        %dma_start3A_352 = tpu.memref_slice %arg6[%add3A_350, %dma_start3A_351] : memref<40x250xi32, #tpu.memory_space<vmem>> -> memref<1x250xi32, #tpu.memory_space<vmem>>
        %dma_start3A_353 = tpu.memref_squeeze %dma_start3A_352 : memref<1x250xi32, #tpu.memory_space<vmem>> -> memref<250xi32, #tpu.memory_space<vmem>>
        %dma_start3A_354 = arith.constant 0 : i32
        %dma_start3A_355 = arith.constant 0 : i32
        %dma_start3A_356 = tpu.memref_slice %arg2[%dma_start3A_354, %dma_start3A_355] : memref<10000x32xf32, #tpu.memory_space<hbm>> -> memref<10000x32xf32, #tpu.memory_space<hbm>>
        tpu.enqueue_indirect_dma source(%dma_start3A_356 : memref<10000x32xf32, #tpu.memory_space<hbm>>) target(%arg14 : memref<250x32xf32, #tpu.memory_space<vmem>>) offsets(%dma_start3A_353 : memref<250xi32, #tpu.memory_space<vmem>>) semaphore(%arg22 : memref<!tpu.dma_semaphore, #tpu.memory_space<semaphore_mem>>)
        %add3A_357 = arith.constant 7 : i32
        %add3A_358 = arith.addi %mul3A_128, %add3A_357 : i32
        %dma_wait3A_359 = arith.constant 0 : i32
        %dma_wait3A_360 = tpu.memref_slice %arg7[%add3A_358, %dma_wait3A_359] : memref<40x250xi32, #tpu.memory_space<vmem>> -> memref<1x250xi32, #tpu.memory_space<vmem>>
        %dma_wait3A_361 = tpu.memref_squeeze %dma_wait3A_360 : memref<1x250xi32, #tpu.memory_space<vmem>> -> memref<250xi32, #tpu.memory_space<vmem>>
        %dma_wait3A_362 = arith.constant 0 : i32
        %dma_wait3A_363 = arith.constant 0 : i32
        %dma_wait3A_364 = tpu.memref_slice %arg32[%dma_wait3A_362, %dma_wait3A_363] : memref<10112x32xf32, #tpu.memory_space<vmem_shared>> -> memref<10112x32xf32, #tpu.memory_space<vmem_shared>>
        tpu.wait_indirect_dma semaphore(%arg31 : memref<!tpu.dma_semaphore, #tpu.memory_space<semaphore_mem>>) src(%arg15 : memref<250x32xf32, #tpu.memory_space<vmem>>) dst(%dma_wait3A_364 : memref<10112x32xf32, #tpu.memory_space<vmem_shared>>)
        %add3A_365 = arith.constant 8 : i32
        %add3A_366 = arith.addi %add3A_358, %add3A_365 : i32
        %dma_start3A_367 = arith.constant 0 : i32
        %dma_start3A_368 = tpu.memref_slice %arg6[%add3A_366, %dma_start3A_367] : memref<40x250xi32, #tpu.memory_space<vmem>> -> memref<1x250xi32, #tpu.memory_space<vmem>>
        %dma_start3A_369 = tpu.memref_squeeze %dma_start3A_368 : memref<1x250xi32, #tpu.memory_space<vmem>> -> memref<250xi32, #tpu.memory_space<vmem>>
        %dma_start3A_370 = arith.constant 0 : i32
        %dma_start3A_371 = arith.constant 0 : i32
        %dma_start3A_372 = tpu.memref_slice %arg2[%dma_start3A_370, %dma_start3A_371] : memref<10000x32xf32, #tpu.memory_space<hbm>> -> memref<10000x32xf32, #tpu.memory_space<hbm>>
        tpu.enqueue_indirect_dma source(%dma_start3A_372 : memref<10000x32xf32, #tpu.memory_space<hbm>>) target(%arg15 : memref<250x32xf32, #tpu.memory_space<vmem>>) offsets(%dma_start3A_369 : memref<250xi32, #tpu.memory_space<vmem>>) semaphore(%arg23 : memref<!tpu.dma_semaphore, #tpu.memory_space<semaphore_mem>>)
      } else {
      }
    }
    %scan3A_65 = arith.constant 5 : i32
    %dma_wait3A = arith.constant 32 : i32
    %dma_wait3A_66 = arith.constant 0 : i32
    %dma_wait3A_67 = tpu.memref_slice %arg7[%dma_wait3A, %dma_wait3A_66] : memref<40x250xi32, #tpu.memory_space<vmem>> -> memref<1x250xi32, #tpu.memory_space<vmem>>
    %dma_wait3A_68 = tpu.memref_squeeze %dma_wait3A_67 : memref<1x250xi32, #tpu.memory_space<vmem>> -> memref<250xi32, #tpu.memory_space<vmem>>
    %dma_wait3A_69 = arith.constant 0 : i32
    %dma_wait3A_70 = arith.constant 0 : i32
    %dma_wait3A_71 = tpu.memref_slice %arg32[%dma_wait3A_69, %dma_wait3A_70] : memref<10112x32xf32, #tpu.memory_space<vmem_shared>> -> memref<10112x32xf32, #tpu.memory_space<vmem_shared>>
    tpu.wait_indirect_dma semaphore(%arg24 : memref<!tpu.dma_semaphore, #tpu.memory_space<semaphore_mem>>) src(%arg8 : memref<250x32xf32, #tpu.memory_space<vmem>>) dst(%dma_wait3A_71 : memref<10112x32xf32, #tpu.memory_space<vmem_shared>>)
    %dma_wait3A_72 = arith.constant 33 : i32
    %dma_wait3A_73 = arith.constant 0 : i32
    %dma_wait3A_74 = tpu.memref_slice %arg7[%dma_wait3A_72, %dma_wait3A_73] : memref<40x250xi32, #tpu.memory_space<vmem>> -> memref<1x250xi32, #tpu.memory_space<vmem>>
    %dma_wait3A_75 = tpu.memref_squeeze %dma_wait3A_74 : memref<1x250xi32, #tpu.memory_space<vmem>> -> memref<250xi32, #tpu.memory_space<vmem>>
    %dma_wait3A_76 = arith.constant 0 : i32
    %dma_wait3A_77 = arith.constant 0 : i32
    %dma_wait3A_78 = tpu.memref_slice %arg32[%dma_wait3A_76, %dma_wait3A_77] : memref<10112x32xf32, #tpu.memory_space<vmem_shared>> -> memref<10112x32xf32, #tpu.memory_space<vmem_shared>>
    tpu.wait_indirect_dma semaphore(%arg25 : memref<!tpu.dma_semaphore, #tpu.memory_space<semaphore_mem>>) src(%arg9 : memref<250x32xf32, #tpu.memory_space<vmem>>) dst(%dma_wait3A_78 : memref<10112x32xf32, #tpu.memory_space<vmem_shared>>)
    %dma_wait3A_79 = arith.constant 34 : i32
    %dma_wait3A_80 = arith.constant 0 : i32
    %dma_wait3A_81 = tpu.memref_slice %arg7[%dma_wait3A_79, %dma_wait3A_80] : memref<40x250xi32, #tpu.memory_space<vmem>> -> memref<1x250xi32, #tpu.memory_space<vmem>>
    %dma_wait3A_82 = tpu.memref_squeeze %dma_wait3A_81 : memref<1x250xi32, #tpu.memory_space<vmem>> -> memref<250xi32, #tpu.memory_space<vmem>>
    %dma_wait3A_83 = arith.constant 0 : i32
    %dma_wait3A_84 = arith.constant 0 : i32
    %dma_wait3A_85 = tpu.memref_slice %arg32[%dma_wait3A_83, %dma_wait3A_84] : memref<10112x32xf32, #tpu.memory_space<vmem_shared>> -> memref<10112x32xf32, #tpu.memory_space<vmem_shared>>
    tpu.wait_indirect_dma semaphore(%arg26 : memref<!tpu.dma_semaphore, #tpu.memory_space<semaphore_mem>>) src(%arg10 : memref<250x32xf32, #tpu.memory_space<vmem>>) dst(%dma_wait3A_85 : memref<10112x32xf32, #tpu.memory_space<vmem_shared>>)
    %dma_wait3A_86 = arith.constant 35 : i32
    %dma_wait3A_87 = arith.constant 0 : i32
    %dma_wait3A_88 = tpu.memref_slice %arg7[%dma_wait3A_86, %dma_wait3A_87] : memref<40x250xi32, #tpu.memory_space<vmem>> -> memref<1x250xi32, #tpu.memory_space<vmem>>
    %dma_wait3A_89 = tpu.memref_squeeze %dma_wait3A_88 : memref<1x250xi32, #tpu.memory_space<vmem>> -> memref<250xi32, #tpu.memory_space<vmem>>
    %dma_wait3A_90 = arith.constant 0 : i32
    %dma_wait3A_91 = arith.constant 0 : i32
    %dma_wait3A_92 = tpu.memref_slice %arg32[%dma_wait3A_90, %dma_wait3A_91] : memref<10112x32xf32, #tpu.memory_space<vmem_shared>> -> memref<10112x32xf32, #tpu.memory_space<vmem_shared>>
    tpu.wait_indirect_dma semaphore(%arg27 : memref<!tpu.dma_semaphore, #tpu.memory_space<semaphore_mem>>) src(%arg11 : memref<250x32xf32, #tpu.memory_space<vmem>>) dst(%dma_wait3A_92 : memref<10112x32xf32, #tpu.memory_space<vmem_shared>>)
    %dma_wait3A_93 = arith.constant 36 : i32
    %dma_wait3A_94 = arith.constant 0 : i32
    %dma_wait3A_95 = tpu.memref_slice %arg7[%dma_wait3A_93, %dma_wait3A_94] : memref<40x250xi32, #tpu.memory_space<vmem>> -> memref<1x250xi32, #tpu.memory_space<vmem>>
    %dma_wait3A_96 = tpu.memref_squeeze %dma_wait3A_95 : memref<1x250xi32, #tpu.memory_space<vmem>> -> memref<250xi32, #tpu.memory_space<vmem>>
    %dma_wait3A_97 = arith.constant 0 : i32
    %dma_wait3A_98 = arith.constant 0 : i32
    %dma_wait3A_99 = tpu.memref_slice %arg32[%dma_wait3A_97, %dma_wait3A_98] : memref<10112x32xf32, #tpu.memory_space<vmem_shared>> -> memref<10112x32xf32, #tpu.memory_space<vmem_shared>>
    tpu.wait_indirect_dma semaphore(%arg28 : memref<!tpu.dma_semaphore, #tpu.memory_space<semaphore_mem>>) src(%arg12 : memref<250x32xf32, #tpu.memory_space<vmem>>) dst(%dma_wait3A_99 : memref<10112x32xf32, #tpu.memory_space<vmem_shared>>)
    %dma_wait3A_100 = arith.constant 37 : i32
    %dma_wait3A_101 = arith.constant 0 : i32
    %dma_wait3A_102 = tpu.memref_slice %arg7[%dma_wait3A_100, %dma_wait3A_101] : memref<40x250xi32, #tpu.memory_space<vmem>> -> memref<1x250xi32, #tpu.memory_space<vmem>>
    %dma_wait3A_103 = tpu.memref_squeeze %dma_wait3A_102 : memref<1x250xi32, #tpu.memory_space<vmem>> -> memref<250xi32, #tpu.memory_space<vmem>>
    %dma_wait3A_104 = arith.constant 0 : i32
    %dma_wait3A_105 = arith.constant 0 : i32
    %dma_wait3A_106 = tpu.memref_slice %arg32[%dma_wait3A_104, %dma_wait3A_105] : memref<10112x32xf32, #tpu.memory_space<vmem_shared>> -> memref<10112x32xf32, #tpu.memory_space<vmem_shared>>
    tpu.wait_indirect_dma semaphore(%arg29 : memref<!tpu.dma_semaphore, #tpu.memory_space<semaphore_mem>>) src(%arg13 : memref<250x32xf32, #tpu.memory_space<vmem>>) dst(%dma_wait3A_106 : memref<10112x32xf32, #tpu.memory_space<vmem_shared>>)
    %dma_wait3A_107 = arith.constant 38 : i32
    %dma_wait3A_108 = arith.constant 0 : i32
    %dma_wait3A_109 = tpu.memref_slice %arg7[%dma_wait3A_107, %dma_wait3A_108] : memref<40x250xi32, #tpu.memory_space<vmem>> -> memref<1x250xi32, #tpu.memory_space<vmem>>
    %dma_wait3A_110 = tpu.memref_squeeze %dma_wait3A_109 : memref<1x250xi32, #tpu.memory_space<vmem>> -> memref<250xi32, #tpu.memory_space<vmem>>
    %dma_wait3A_111 = arith.constant 0 : i32
    %dma_wait3A_112 = arith.constant 0 : i32
    %dma_wait3A_113 = tpu.memref_slice %arg32[%dma_wait3A_111, %dma_wait3A_112] : memref<10112x32xf32, #tpu.memory_space<vmem_shared>> -> memref<10112x32xf32, #tpu.memory_space<vmem_shared>>
    tpu.wait_indirect_dma semaphore(%arg30 : memref<!tpu.dma_semaphore, #tpu.memory_space<semaphore_mem>>) src(%arg14 : memref<250x32xf32, #tpu.memory_space<vmem>>) dst(%dma_wait3A_113 : memref<10112x32xf32, #tpu.memory_space<vmem_shared>>)
    %dma_wait3A_114 = arith.constant 39 : i32
    %dma_wait3A_115 = arith.constant 0 : i32
    %dma_wait3A_116 = tpu.memref_slice %arg7[%dma_wait3A_114, %dma_wait3A_115] : memref<40x250xi32, #tpu.memory_space<vmem>> -> memref<1x250xi32, #tpu.memory_space<vmem>>
    %dma_wait3A_117 = tpu.memref_squeeze %dma_wait3A_116 : memref<1x250xi32, #tpu.memory_space<vmem>> -> memref<250xi32, #tpu.memory_space<vmem>>
    %dma_wait3A_118 = arith.constant 0 : i32
    %dma_wait3A_119 = arith.constant 0 : i32
    %dma_wait3A_120 = tpu.memref_slice %arg32[%dma_wait3A_118, %dma_wait3A_119] : memref<10112x32xf32, #tpu.memory_space<vmem_shared>> -> memref<10112x32xf32, #tpu.memory_space<vmem_shared>>
    tpu.wait_indirect_dma semaphore(%arg31 : memref<!tpu.dma_semaphore, #tpu.memory_space<semaphore_mem>>) src(%arg15 : memref<250x32xf32, #tpu.memory_space<vmem>>) dst(%dma_wait3A_120 : memref<10112x32xf32, #tpu.memory_space<vmem_shared>>)
    %barrier3A_121 = arith.constant 0 : index
    tpu.barrier barrier_id(%barrier3A_121)
    %mul3A_122 = arith.constant 632 : i32
    %mul3A_123 = arith.muli %arg1, %mul3A_122 : i32
    %mul3A_124 = arith.constant 632 : i32
    %mul3A_125 = arith.muli %arg1, %mul3A_124 : i32
    "tpu.region"() ({
      %run_scoped3A_126 = tpu.sem_alloc : memref<!tpu.dma_semaphore, #tpu.memory_space<semaphore_mem>>
      %dma_start3A_127 = arith.constant 0 : i32
      %dma_start3A_128 = tpu.memref_slice %arg5[%arg0, %mul3A_125, %dma_start3A_127] : memref<2x10112x32xf32, #tpu.memory_space<hbm>> -> memref<1x632x32xf32, #tpu.memory_space<hbm>>
      %dma_start3A_129 = tpu.memref_squeeze %dma_start3A_128 : memref<1x632x32xf32, #tpu.memory_space<hbm>> -> memref<632x32xf32, #tpu.memory_space<hbm>>
      %dma_start3A_130 = arith.constant 0 : i32
      %dma_start3A_131 = tpu.memref_slice %arg32[%mul3A_123, %dma_start3A_130] : memref<10112x32xf32, #tpu.memory_space<vmem_shared>> -> memref<632x32xf32, #tpu.memory_space<vmem_shared>>
      tpu.enqueue_dma source(%dma_start3A_131 : memref<632x32xf32, #tpu.memory_space<vmem_shared>>) target(%dma_start3A_129 : memref<632x32xf32, #tpu.memory_space<hbm>>) target_semaphore(%run_scoped3A_126 : memref<!tpu.dma_semaphore, #tpu.memory_space<semaphore_mem>>)
      %dma_wait3A_132 = arith.constant 0 : i32
      %dma_wait3A_133 = tpu.memref_slice %arg5[%arg0, %mul3A_125, %dma_wait3A_132] : memref<2x10112x32xf32, #tpu.memory_space<hbm>> -> memref<1x632x32xf32, #tpu.memory_space<hbm>>
      %dma_wait3A_134 = tpu.memref_squeeze %dma_wait3A_133 : memref<1x632x32xf32, #tpu.memory_space<hbm>> -> memref<632x32xf32, #tpu.memory_space<hbm>>
      %dma_wait3A_135 = arith.constant 0 : i32
      %dma_wait3A_136 = tpu.memref_slice %arg32[%mul3A_123, %dma_wait3A_135] : memref<10112x32xf32, #tpu.memory_space<vmem_shared>> -> memref<632x32xf32, #tpu.memory_space<vmem_shared>>
      tpu.wait_dma2 semaphore(%run_scoped3A_126 : memref<!tpu.dma_semaphore, #tpu.memory_space<semaphore_mem>>) src(%dma_wait3A_136 : memref<632x32xf32, #tpu.memory_space<vmem_shared>>) dst(%dma_wait3A_134 : memref<632x32xf32, #tpu.memory_space<hbm>>)
      tpu.yield
    }) : () -> ()
    return
  }
}

#map = affine_map<(d0, d1) -> (0, 0)>
#map1 = affine_map<(d0, d1) -> (0, 0, 0, 0)>
#map2 = affine_map<(d0, d1) -> (0, 0, 0)>
module attributes {stable_mosaic.version = 14 : i64} {
  func.func @seg_sum(%arg0: i32, %arg1: i32, %arg2: memref<10000x16xf32, #tpu.memory_space<hbm>>, %arg3: memref<2x32x40x250xi32, #tpu.memory_space<hbm>>, %arg4: memref<10112x16xf32, #tpu.memory_space<hbm>>, %arg5: memref<2x10112x16xf32, #tpu.memory_space<hbm>>, %arg6: memref<40x250xi32, #tpu.memory_space<vmem>>, %arg7: memref<40x250xi32, #tpu.memory_space<vmem>>, %arg8: memref<250x16xf32, #tpu.memory_space<vmem>>, %arg9: memref<250x16xf32, #tpu.memory_space<vmem>>, %arg10: memref<250x16xf32, #tpu.memory_space<vmem>>, %arg11: memref<250x16xf32, #tpu.memory_space<vmem>>, %arg12: memref<250x16xf32, #tpu.memory_space<vmem>>, %arg13: memref<250x16xf32, #tpu.memory_space<vmem>>, %arg14: memref<250x16xf32, #tpu.memory_space<vmem>>, %arg15: memref<250x16xf32, #tpu.memory_space<vmem>>, %arg16: memref<!tpu.dma_semaphore, #tpu.memory_space<semaphore_mem>>, %arg17: memref<!tpu.dma_semaphore, #tpu.memory_space<semaphore_mem>>, %arg18: memref<!tpu.dma_semaphore, #tpu.memory_space<semaphore_mem>>, %arg19: memref<!tpu.dma_semaphore, #tpu.memory_space<semaphore_mem>>, %arg20: memref<!tpu.dma_semaphore, #tpu.memory_space<semaphore_mem>>, %arg21: memref<!tpu.dma_semaphore, #tpu.memory_space<semaphore_mem>>, %arg22: memref<!tpu.dma_semaphore, #tpu.memory_space<semaphore_mem>>, %arg23: memref<!tpu.dma_semaphore, #tpu.memory_space<semaphore_mem>>, %arg24: memref<!tpu.dma_semaphore, #tpu.memory_space<semaphore_mem>>, %arg25: memref<!tpu.dma_semaphore, #tpu.memory_space<semaphore_mem>>, %arg26: memref<!tpu.dma_semaphore, #tpu.memory_space<semaphore_mem>>, %arg27: memref<!tpu.dma_semaphore, #tpu.memory_space<semaphore_mem>>, %arg28: memref<!tpu.dma_semaphore, #tpu.memory_space<semaphore_mem>>, %arg29: memref<!tpu.dma_semaphore, #tpu.memory_space<semaphore_mem>>, %arg30: memref<!tpu.dma_semaphore, #tpu.memory_space<semaphore_mem>>, %arg31: memref<!tpu.dma_semaphore, #tpu.memory_space<semaphore_mem>>, %arg32: memref<10112x16xf32, #tpu.memory_space<vmem_shared>>) attributes {dimension_semantics = [#tpu.dimension_semantics<core_parallel>, #tpu.dimension_semantics<subcore_parallel>], iteration_bounds = array<i64: 2, 16>, scalar_prefetch = 0 : i64, scratch_operands = 27 : i64, tpu.core_type = #tpu.core_type<sc_vector_subcore>, window_params = [{transform_indices = #map}, {transform_indices = #map1}, {transform_indices = #map}, {transform_indices = #map2}]} {
    %mul3A = arith.constant 2 : i32
    %mul3A_0 = arith.muli %arg1, %mul3A : i32
    %add3A = arith.addi %mul3A_0, %arg0 : i32
    %mul3A_1 = arith.constant 632 : i32
    %mul3A_2 = arith.muli %arg1, %mul3A_1 : i32
    %mul3A_3 = arith.constant 632 : i32
    %mul3A_4 = arith.muli %arg1, %mul3A_3 : i32
    "tpu.region"() ({
      %run_scoped3A_126 = tpu.sem_alloc : memref<!tpu.dma_semaphore, #tpu.memory_space<semaphore_mem>>
      %dma_start3A_127 = arith.constant 0 : i32
      %dma_start3A_128 = tpu.memref_slice %arg32[%mul3A_4, %dma_start3A_127] : memref<10112x16xf32, #tpu.memory_space<vmem_shared>> -> memref<632x16xf32, #tpu.memory_space<vmem_shared>>
      %dma_start3A_129 = arith.constant 0 : i32
      %dma_start3A_130 = tpu.memref_slice %arg4[%mul3A_2, %dma_start3A_129] : memref<10112x16xf32, #tpu.memory_space<hbm>> -> memref<632x16xf32, #tpu.memory_space<hbm>>
      tpu.enqueue_dma source(%dma_start3A_130 : memref<632x16xf32, #tpu.memory_space<hbm>>) target(%dma_start3A_128 : memref<632x16xf32, #tpu.memory_space<vmem_shared>>) target_semaphore(%run_scoped3A_126 : memref<!tpu.dma_semaphore, #tpu.memory_space<semaphore_mem>>)
      %dma_wait3A_131 = arith.constant 0 : i32
      %dma_wait3A_132 = tpu.memref_slice %arg32[%mul3A_4, %dma_wait3A_131] : memref<10112x16xf32, #tpu.memory_space<vmem_shared>> -> memref<632x16xf32, #tpu.memory_space<vmem_shared>>
      %dma_wait3A_133 = arith.constant 0 : i32
      %dma_wait3A_134 = tpu.memref_slice %arg4[%mul3A_2, %dma_wait3A_133] : memref<10112x16xf32, #tpu.memory_space<hbm>> -> memref<632x16xf32, #tpu.memory_space<hbm>>
      tpu.wait_dma2 semaphore(%run_scoped3A_126 : memref<!tpu.dma_semaphore, #tpu.memory_space<semaphore_mem>>) src(%dma_wait3A_134 : memref<632x16xf32, #tpu.memory_space<hbm>>) dst(%dma_wait3A_132 : memref<632x16xf32, #tpu.memory_space<vmem_shared>>)
      tpu.yield
    }) : () -> ()
    %run_scoped3A = arith.constant 0 : i32
    "tpu.region"() ({
      %run_scoped3A_126 = tpu.sem_alloc : memref<!tpu.dma_semaphore, #tpu.memory_space<semaphore_mem>>
      %dma_start3A_127 = arith.constant 0 : i32
      %dma_start3A_128 = arith.constant 0 : i32
      %dma_start3A_129 = tpu.memref_slice %arg3[%run_scoped3A, %add3A, %dma_start3A_127, %dma_start3A_128] : memref<2x32x40x250xi32, #tpu.memory_space<hbm>> -> memref<1x1x40x250xi32, #tpu.memory_space<hbm>>
      %dma_start3A_130 = tpu.memref_squeeze %dma_start3A_129 : memref<1x1x40x250xi32, #tpu.memory_space<hbm>> -> memref<40x250xi32, #tpu.memory_space<hbm>>
      %dma_start3A_131 = arith.constant 0 : i32
      %dma_start3A_132 = arith.constant 0 : i32
      %dma_start3A_133 = tpu.memref_slice %arg3[%run_scoped3A, %add3A, %dma_start3A_131, %dma_start3A_132] : memref<2x32x40x250xi32, #tpu.memory_space<hbm>> -> memref<1x1x40x250xi32, #tpu.memory_space<hbm>>
      %dma_start3A_134 = tpu.memref_squeeze %dma_start3A_133 : memref<1x1x40x250xi32, #tpu.memory_space<hbm>> -> memref<40x250xi32, #tpu.memory_space<hbm>>
      tpu.enqueue_dma source(%dma_start3A_134 : memref<40x250xi32, #tpu.memory_space<hbm>>) target(%arg6 : memref<40x250xi32, #tpu.memory_space<vmem>>) target_semaphore(%run_scoped3A_126 : memref<!tpu.dma_semaphore, #tpu.memory_space<semaphore_mem>>)
      %dma_wait3A_135 = arith.constant 0 : i32
      %dma_wait3A_136 = arith.constant 0 : i32
      %dma_wait3A_137 = tpu.memref_slice %arg3[%run_scoped3A, %add3A, %dma_wait3A_135, %dma_wait3A_136] : memref<2x32x40x250xi32, #tpu.memory_space<hbm>> -> memref<1x1x40x250xi32, #tpu.memory_space<hbm>>
      %dma_wait3A_138 = tpu.memref_squeeze %dma_wait3A_137 : memref<1x1x40x250xi32, #tpu.memory_space<hbm>> -> memref<40x250xi32, #tpu.memory_space<hbm>>
      %dma_wait3A_139 = arith.constant 0 : i32
      %dma_wait3A_140 = arith.constant 0 : i32
      %dma_wait3A_141 = tpu.memref_slice %arg3[%run_scoped3A, %add3A, %dma_wait3A_139, %dma_wait3A_140] : memref<2x32x40x250xi32, #tpu.memory_space<hbm>> -> memref<1x1x40x250xi32, #tpu.memory_space<hbm>>
      %dma_wait3A_142 = tpu.memref_squeeze %dma_wait3A_141 : memref<1x1x40x250xi32, #tpu.memory_space<hbm>> -> memref<40x250xi32, #tpu.memory_space<hbm>>
      tpu.wait_dma2 semaphore(%run_scoped3A_126 : memref<!tpu.dma_semaphore, #tpu.memory_space<semaphore_mem>>) src(%dma_wait3A_142 : memref<40x250xi32, #tpu.memory_space<hbm>>) dst(%arg6 : memref<40x250xi32, #tpu.memory_space<vmem>>)
      tpu.yield
    }) : () -> ()
    %run_scoped3A_5 = arith.constant 1 : i32
    "tpu.region"() ({
      %run_scoped3A_126 = tpu.sem_alloc : memref<!tpu.dma_semaphore, #tpu.memory_space<semaphore_mem>>
      %dma_start3A_127 = arith.constant 0 : i32
      %dma_start3A_128 = arith.constant 0 : i32
      %dma_start3A_129 = tpu.memref_slice %arg3[%run_scoped3A_5, %add3A, %dma_start3A_127, %dma_start3A_128] : memref<2x32x40x250xi32, #tpu.memory_space<hbm>> -> memref<1x1x40x250xi32, #tpu.memory_space<hbm>>
      %dma_start3A_130 = tpu.memref_squeeze %dma_start3A_129 : memref<1x1x40x250xi32, #tpu.memory_space<hbm>> -> memref<40x250xi32, #tpu.memory_space<hbm>>
      %dma_start3A_131 = arith.constant 0 : i32
      %dma_start3A_132 = arith.constant 0 : i32
      %dma_start3A_133 = tpu.memref_slice %arg3[%run_scoped3A_5, %add3A, %dma_start3A_131, %dma_start3A_132] : memref<2x32x40x250xi32, #tpu.memory_space<hbm>> -> memref<1x1x40x250xi32, #tpu.memory_space<hbm>>
      %dma_start3A_134 = tpu.memref_squeeze %dma_start3A_133 : memref<1x1x40x250xi32, #tpu.memory_space<hbm>> -> memref<40x250xi32, #tpu.memory_space<hbm>>
      tpu.enqueue_dma source(%dma_start3A_134 : memref<40x250xi32, #tpu.memory_space<hbm>>) target(%arg7 : memref<40x250xi32, #tpu.memory_space<vmem>>) target_semaphore(%run_scoped3A_126 : memref<!tpu.dma_semaphore, #tpu.memory_space<semaphore_mem>>)
      %dma_wait3A_135 = arith.constant 0 : i32
      %dma_wait3A_136 = arith.constant 0 : i32
      %dma_wait3A_137 = tpu.memref_slice %arg3[%run_scoped3A_5, %add3A, %dma_wait3A_135, %dma_wait3A_136] : memref<2x32x40x250xi32, #tpu.memory_space<hbm>> -> memref<1x1x40x250xi32, #tpu.memory_space<hbm>>
      %dma_wait3A_138 = tpu.memref_squeeze %dma_wait3A_137 : memref<1x1x40x250xi32, #tpu.memory_space<hbm>> -> memref<40x250xi32, #tpu.memory_space<hbm>>
      %dma_wait3A_139 = arith.constant 0 : i32
      %dma_wait3A_140 = arith.constant 0 : i32
      %dma_wait3A_141 = tpu.memref_slice %arg3[%run_scoped3A_5, %add3A, %dma_wait3A_139, %dma_wait3A_140] : memref<2x32x40x250xi32, #tpu.memory_space<hbm>> -> memref<1x1x40x250xi32, #tpu.memory_space<hbm>>
      %dma_wait3A_142 = tpu.memref_squeeze %dma_wait3A_141 : memref<1x1x40x250xi32, #tpu.memory_space<hbm>> -> memref<40x250xi32, #tpu.memory_space<hbm>>
      tpu.wait_dma2 semaphore(%run_scoped3A_126 : memref<!tpu.dma_semaphore, #tpu.memory_space<semaphore_mem>>) src(%dma_wait3A_142 : memref<40x250xi32, #tpu.memory_space<hbm>>) dst(%arg7 : memref<40x250xi32, #tpu.memory_space<vmem>>)
      tpu.yield
    }) : () -> ()
    %barrier3A = arith.constant 0 : index
    tpu.barrier barrier_id(%barrier3A)
    %dma_start3A = arith.constant 0 : i32
    %dma_start3A_6 = arith.constant 0 : i32
    %dma_start3A_7 = tpu.memref_slice %arg6[%dma_start3A, %dma_start3A_6] : memref<40x250xi32, #tpu.memory_space<vmem>> -> memref<1x250xi32, #tpu.memory_space<vmem>>
    %dma_start3A_8 = tpu.memref_squeeze %dma_start3A_7 : memref<1x250xi32, #tpu.memory_space<vmem>> -> memref<250xi32, #tpu.memory_space<vmem>>
    %dma_start3A_9 = arith.constant 0 : i32
    %dma_start3A_10 = arith.constant 0 : i32
    %dma_start3A_11 = tpu.memref_slice %arg2[%dma_start3A_9, %dma_start3A_10] : memref<10000x16xf32, #tpu.memory_space<hbm>> -> memref<10000x16xf32, #tpu.memory_space<hbm>>
    tpu.enqueue_indirect_dma source(%dma_start3A_11 : memref<10000x16xf32, #tpu.memory_space<hbm>>) target(%arg8 : memref<250x16xf32, #tpu.memory_space<vmem>>) offsets(%dma_start3A_8 : memref<250xi32, #tpu.memory_space<vmem>>) semaphore(%arg16 : memref<!tpu.dma_semaphore, #tpu.memory_space<semaphore_mem>>)
    %dma_start3A_12 = arith.constant 1 : i32
    %dma_start3A_13 = arith.constant 0 : i32
    %dma_start3A_14 = tpu.memref_slice %arg6[%dma_start3A_12, %dma_start3A_13] : memref<40x250xi32, #tpu.memory_space<vmem>> -> memref<1x250xi32, #tpu.memory_space<vmem>>
    %dma_start3A_15 = tpu.memref_squeeze %dma_start3A_14 : memref<1x250xi32, #tpu.memory_space<vmem>> -> memref<250xi32, #tpu.memory_space<vmem>>
    %dma_start3A_16 = arith.constant 0 : i32
    %dma_start3A_17 = arith.constant 0 : i32
    %dma_start3A_18 = tpu.memref_slice %arg2[%dma_start3A_16, %dma_start3A_17] : memref<10000x16xf32, #tpu.memory_space<hbm>> -> memref<10000x16xf32, #tpu.memory_space<hbm>>
    tpu.enqueue_indirect_dma source(%dma_start3A_18 : memref<10000x16xf32, #tpu.memory_space<hbm>>) target(%arg9 : memref<250x16xf32, #tpu.memory_space<vmem>>) offsets(%dma_start3A_15 : memref<250xi32, #tpu.memory_space<vmem>>) semaphore(%arg17 : memref<!tpu.dma_semaphore, #tpu.memory_space<semaphore_mem>>)
    %dma_start3A_19 = arith.constant 2 : i32
    %dma_start3A_20 = arith.constant 0 : i32
    %dma_start3A_21 = tpu.memref_slice %arg6[%dma_start3A_19, %dma_start3A_20] : memref<40x250xi32, #tpu.memory_space<vmem>> -> memref<1x250xi32, #tpu.memory_space<vmem>>
    %dma_start3A_22 = tpu.memref_squeeze %dma_start3A_21 : memref<1x250xi32, #tpu.memory_space<vmem>> -> memref<250xi32, #tpu.memory_space<vmem>>
    %dma_start3A_23 = arith.constant 0 : i32
    %dma_start3A_24 = arith.constant 0 : i32
    %dma_start3A_25 = tpu.memref_slice %arg2[%dma_start3A_23, %dma_start3A_24] : memref<10000x16xf32, #tpu.memory_space<hbm>> -> memref<10000x16xf32, #tpu.memory_space<hbm>>
    tpu.enqueue_indirect_dma source(%dma_start3A_25 : memref<10000x16xf32, #tpu.memory_space<hbm>>) target(%arg10 : memref<250x16xf32, #tpu.memory_space<vmem>>) offsets(%dma_start3A_22 : memref<250xi32, #tpu.memory_space<vmem>>) semaphore(%arg18 : memref<!tpu.dma_semaphore, #tpu.memory_space<semaphore_mem>>)
    %dma_start3A_26 = arith.constant 3 : i32
    %dma_start3A_27 = arith.constant 0 : i32
    %dma_start3A_28 = tpu.memref_slice %arg6[%dma_start3A_26, %dma_start3A_27] : memref<40x250xi32, #tpu.memory_space<vmem>> -> memref<1x250xi32, #tpu.memory_space<vmem>>
    %dma_start3A_29 = tpu.memref_squeeze %dma_start3A_28 : memref<1x250xi32, #tpu.memory_space<vmem>> -> memref<250xi32, #tpu.memory_space<vmem>>
    %dma_start3A_30 = arith.constant 0 : i32
    %dma_start3A_31 = arith.constant 0 : i32
    %dma_start3A_32 = tpu.memref_slice %arg2[%dma_start3A_30, %dma_start3A_31] : memref<10000x16xf32, #tpu.memory_space<hbm>> -> memref<10000x16xf32, #tpu.memory_space<hbm>>
    tpu.enqueue_indirect_dma source(%dma_start3A_32 : memref<10000x16xf32, #tpu.memory_space<hbm>>) target(%arg11 : memref<250x16xf32, #tpu.memory_space<vmem>>) offsets(%dma_start3A_29 : memref<250xi32, #tpu.memory_space<vmem>>) semaphore(%arg19 : memref<!tpu.dma_semaphore, #tpu.memory_space<semaphore_mem>>)
    %dma_start3A_33 = arith.constant 4 : i32
    %dma_start3A_34 = arith.constant 0 : i32
    %dma_start3A_35 = tpu.memref_slice %arg6[%dma_start3A_33, %dma_start3A_34] : memref<40x250xi32, #tpu.memory_space<vmem>> -> memref<1x250xi32, #tpu.memory_space<vmem>>
    %dma_start3A_36 = tpu.memref_squeeze %dma_start3A_35 : memref<1x250xi32, #tpu.memory_space<vmem>> -> memref<250xi32, #tpu.memory_space<vmem>>
    %dma_start3A_37 = arith.constant 0 : i32
    %dma_start3A_38 = arith.constant 0 : i32
    %dma_start3A_39 = tpu.memref_slice %arg2[%dma_start3A_37, %dma_start3A_38] : memref<10000x16xf32, #tpu.memory_space<hbm>> -> memref<10000x16xf32, #tpu.memory_space<hbm>>
    tpu.enqueue_indirect_dma source(%dma_start3A_39 : memref<10000x16xf32, #tpu.memory_space<hbm>>) target(%arg12 : memref<250x16xf32, #tpu.memory_space<vmem>>) offsets(%dma_start3A_36 : memref<250xi32, #tpu.memory_space<vmem>>) semaphore(%arg20 : memref<!tpu.dma_semaphore, #tpu.memory_space<semaphore_mem>>)
    %dma_start3A_40 = arith.constant 5 : i32
    %dma_start3A_41 = arith.constant 0 : i32
    %dma_start3A_42 = tpu.memref_slice %arg6[%dma_start3A_40, %dma_start3A_41] : memref<40x250xi32, #tpu.memory_space<vmem>> -> memref<1x250xi32, #tpu.memory_space<vmem>>
    %dma_start3A_43 = tpu.memref_squeeze %dma_start3A_42 : memref<1x250xi32, #tpu.memory_space<vmem>> -> memref<250xi32, #tpu.memory_space<vmem>>
    %dma_start3A_44 = arith.constant 0 : i32
    %dma_start3A_45 = arith.constant 0 : i32
    %dma_start3A_46 = tpu.memref_slice %arg2[%dma_start3A_44, %dma_start3A_45] : memref<10000x16xf32, #tpu.memory_space<hbm>> -> memref<10000x16xf32, #tpu.memory_space<hbm>>
    tpu.enqueue_indirect_dma source(%dma_start3A_46 : memref<10000x16xf32, #tpu.memory_space<hbm>>) target(%arg13 : memref<250x16xf32, #tpu.memory_space<vmem>>) offsets(%dma_start3A_43 : memref<250xi32, #tpu.memory_space<vmem>>) semaphore(%arg21 : memref<!tpu.dma_semaphore, #tpu.memory_space<semaphore_mem>>)
    %dma_start3A_47 = arith.constant 6 : i32
    %dma_start3A_48 = arith.constant 0 : i32
    %dma_start3A_49 = tpu.memref_slice %arg6[%dma_start3A_47, %dma_start3A_48] : memref<40x250xi32, #tpu.memory_space<vmem>> -> memref<1x250xi32, #tpu.memory_space<vmem>>
    %dma_start3A_50 = tpu.memref_squeeze %dma_start3A_49 : memref<1x250xi32, #tpu.memory_space<vmem>> -> memref<250xi32, #tpu.memory_space<vmem>>
    %dma_start3A_51 = arith.constant 0 : i32
    %dma_start3A_52 = arith.constant 0 : i32
    %dma_start3A_53 = tpu.memref_slice %arg2[%dma_start3A_51, %dma_start3A_52] : memref<10000x16xf32, #tpu.memory_space<hbm>> -> memref<10000x16xf32, #tpu.memory_space<hbm>>
    tpu.enqueue_indirect_dma source(%dma_start3A_53 : memref<10000x16xf32, #tpu.memory_space<hbm>>) target(%arg14 : memref<250x16xf32, #tpu.memory_space<vmem>>) offsets(%dma_start3A_50 : memref<250xi32, #tpu.memory_space<vmem>>) semaphore(%arg22 : memref<!tpu.dma_semaphore, #tpu.memory_space<semaphore_mem>>)
    %dma_start3A_54 = arith.constant 7 : i32
    %dma_start3A_55 = arith.constant 0 : i32
    %dma_start3A_56 = tpu.memref_slice %arg6[%dma_start3A_54, %dma_start3A_55] : memref<40x250xi32, #tpu.memory_space<vmem>> -> memref<1x250xi32, #tpu.memory_space<vmem>>
    %dma_start3A_57 = tpu.memref_squeeze %dma_start3A_56 : memref<1x250xi32, #tpu.memory_space<vmem>> -> memref<250xi32, #tpu.memory_space<vmem>>
    %dma_start3A_58 = arith.constant 0 : i32
    %dma_start3A_59 = arith.constant 0 : i32
    %dma_start3A_60 = tpu.memref_slice %arg2[%dma_start3A_58, %dma_start3A_59] : memref<10000x16xf32, #tpu.memory_space<hbm>> -> memref<10000x16xf32, #tpu.memory_space<hbm>>
    tpu.enqueue_indirect_dma source(%dma_start3A_60 : memref<10000x16xf32, #tpu.memory_space<hbm>>) target(%arg15 : memref<250x16xf32, #tpu.memory_space<vmem>>) offsets(%dma_start3A_57 : memref<250xi32, #tpu.memory_space<vmem>>) semaphore(%arg23 : memref<!tpu.dma_semaphore, #tpu.memory_space<semaphore_mem>>)
    %scan3A = arith.constant 0 : i32
    %scan3A_61 = arith.constant 0 : i32
    %scan3A_62 = arith.constant 5 : i32
    %scan3A_63 = arith.addi %scan3A_61, %scan3A_62 : i32
    %scan3A_64 = arith.constant 1 : i32
    scf.for %scan3A_126 = %scan3A_61 to %scan3A_63 step %scan3A_64  : i32 {
      %mul3A_127 = arith.constant 8 : i32
      %mul3A_128 = arith.muli %scan3A_126, %mul3A_127 : i32
      %add3A_129 = arith.constant 0 : i32
      %add3A_130 = arith.addi %mul3A_128, %add3A_129 : i32
      %dma_wait3A_131 = arith.constant 0 : i32
      %dma_wait3A_132 = tpu.memref_slice %arg6[%add3A_130, %dma_wait3A_131] : memref<40x250xi32, #tpu.memory_space<vmem>> -> memref<1x250xi32, #tpu.memory_space<vmem>>
      %dma_wait3A_133 = tpu.memref_squeeze %dma_wait3A_132 : memref<1x250xi32, #tpu.memory_space<vmem>> -> memref<250xi32, #tpu.memory_space<vmem>>
      %dma_wait3A_134 = arith.constant 0 : i32
      %dma_wait3A_135 = arith.constant 0 : i32
      %dma_wait3A_136 = tpu.memref_slice %arg2[%dma_wait3A_134, %dma_wait3A_135] : memref<10000x16xf32, #tpu.memory_space<hbm>> -> memref<10000x16xf32, #tpu.memory_space<hbm>>
      tpu.wait_indirect_dma semaphore(%arg16 : memref<!tpu.dma_semaphore, #tpu.memory_space<semaphore_mem>>) src(%dma_wait3A_136 : memref<10000x16xf32, #tpu.memory_space<hbm>>) dst(%arg8 : memref<250x16xf32, #tpu.memory_space<vmem>>)
      %dma_start3A_137 = arith.constant 0 : i32
      %dma_start3A_138 = tpu.memref_slice %arg7[%add3A_130, %dma_start3A_137] : memref<40x250xi32, #tpu.memory_space<vmem>> -> memref<1x250xi32, #tpu.memory_space<vmem>>
      %dma_start3A_139 = tpu.memref_squeeze %dma_start3A_138 : memref<1x250xi32, #tpu.memory_space<vmem>> -> memref<250xi32, #tpu.memory_space<vmem>>
      %dma_start3A_140 = arith.constant 0 : i32
      %dma_start3A_141 = arith.constant 0 : i32
      %dma_start3A_142 = tpu.memref_slice %arg32[%dma_start3A_140, %dma_start3A_141] : memref<10112x16xf32, #tpu.memory_space<vmem_shared>> -> memref<10112x16xf32, #tpu.memory_space<vmem_shared>>
      tpu.enqueue_indirect_dma source(%arg8 : memref<250x16xf32, #tpu.memory_space<vmem>>) target(%dma_start3A_142 : memref<10112x16xf32, #tpu.memory_space<vmem_shared>>) offsets(%dma_start3A_139 : memref<250xi32, #tpu.memory_space<vmem>>) semaphore(%arg24 : memref<!tpu.dma_semaphore, #tpu.memory_space<semaphore_mem>>) {add = true}
      %add3A_143 = arith.constant 1 : i32
      %add3A_144 = arith.addi %mul3A_128, %add3A_143 : i32
      %dma_wait3A_145 = arith.constant 0 : i32
      %dma_wait3A_146 = tpu.memref_slice %arg6[%add3A_144, %dma_wait3A_145] : memref<40x250xi32, #tpu.memory_space<vmem>> -> memref<1x250xi32, #tpu.memory_space<vmem>>
      %dma_wait3A_147 = tpu.memref_squeeze %dma_wait3A_146 : memref<1x250xi32, #tpu.memory_space<vmem>> -> memref<250xi32, #tpu.memory_space<vmem>>
      %dma_wait3A_148 = arith.constant 0 : i32
      %dma_wait3A_149 = arith.constant 0 : i32
      %dma_wait3A_150 = tpu.memref_slice %arg2[%dma_wait3A_148, %dma_wait3A_149] : memref<10000x16xf32, #tpu.memory_space<hbm>> -> memref<10000x16xf32, #tpu.memory_space<hbm>>
      tpu.wait_indirect_dma semaphore(%arg17 : memref<!tpu.dma_semaphore, #tpu.memory_space<semaphore_mem>>) src(%dma_wait3A_150 : memref<10000x16xf32, #tpu.memory_space<hbm>>) dst(%arg9 : memref<250x16xf32, #tpu.memory_space<vmem>>)
      %dma_start3A_151 = arith.constant 0 : i32
      %dma_start3A_152 = tpu.memref_slice %arg7[%add3A_144, %dma_start3A_151] : memref<40x250xi32, #tpu.memory_space<vmem>> -> memref<1x250xi32, #tpu.memory_space<vmem>>
      %dma_start3A_153 = tpu.memref_squeeze %dma_start3A_152 : memref<1x250xi32, #tpu.memory_space<vmem>> -> memref<250xi32, #tpu.memory_space<vmem>>
      %dma_start3A_154 = arith.constant 0 : i32
      %dma_start3A_155 = arith.constant 0 : i32
      %dma_start3A_156 = tpu.memref_slice %arg32[%dma_start3A_154, %dma_start3A_155] : memref<10112x16xf32, #tpu.memory_space<vmem_shared>> -> memref<10112x16xf32, #tpu.memory_space<vmem_shared>>
      tpu.enqueue_indirect_dma source(%arg9 : memref<250x16xf32, #tpu.memory_space<vmem>>) target(%dma_start3A_156 : memref<10112x16xf32, #tpu.memory_space<vmem_shared>>) offsets(%dma_start3A_153 : memref<250xi32, #tpu.memory_space<vmem>>) semaphore(%arg25 : memref<!tpu.dma_semaphore, #tpu.memory_space<semaphore_mem>>) {add = true}
      %add3A_157 = arith.constant 2 : i32
      %add3A_158 = arith.addi %mul3A_128, %add3A_157 : i32
      %dma_wait3A_159 = arith.constant 0 : i32
      %dma_wait3A_160 = tpu.memref_slice %arg6[%add3A_158, %dma_wait3A_159] : memref<40x250xi32, #tpu.memory_space<vmem>> -> memref<1x250xi32, #tpu.memory_space<vmem>>
      %dma_wait3A_161 = tpu.memref_squeeze %dma_wait3A_160 : memref<1x250xi32, #tpu.memory_space<vmem>> -> memref<250xi32, #tpu.memory_space<vmem>>
      %dma_wait3A_162 = arith.constant 0 : i32
      %dma_wait3A_163 = arith.constant 0 : i32
      %dma_wait3A_164 = tpu.memref_slice %arg2[%dma_wait3A_162, %dma_wait3A_163] : memref<10000x16xf32, #tpu.memory_space<hbm>> -> memref<10000x16xf32, #tpu.memory_space<hbm>>
      tpu.wait_indirect_dma semaphore(%arg18 : memref<!tpu.dma_semaphore, #tpu.memory_space<semaphore_mem>>) src(%dma_wait3A_164 : memref<10000x16xf32, #tpu.memory_space<hbm>>) dst(%arg10 : memref<250x16xf32, #tpu.memory_space<vmem>>)
      %dma_start3A_165 = arith.constant 0 : i32
      %dma_start3A_166 = tpu.memref_slice %arg7[%add3A_158, %dma_start3A_165] : memref<40x250xi32, #tpu.memory_space<vmem>> -> memref<1x250xi32, #tpu.memory_space<vmem>>
      %dma_start3A_167 = tpu.memref_squeeze %dma_start3A_166 : memref<1x250xi32, #tpu.memory_space<vmem>> -> memref<250xi32, #tpu.memory_space<vmem>>
      %dma_start3A_168 = arith.constant 0 : i32
      %dma_start3A_169 = arith.constant 0 : i32
      %dma_start3A_170 = tpu.memref_slice %arg32[%dma_start3A_168, %dma_start3A_169] : memref<10112x16xf32, #tpu.memory_space<vmem_shared>> -> memref<10112x16xf32, #tpu.memory_space<vmem_shared>>
      tpu.enqueue_indirect_dma source(%arg10 : memref<250x16xf32, #tpu.memory_space<vmem>>) target(%dma_start3A_170 : memref<10112x16xf32, #tpu.memory_space<vmem_shared>>) offsets(%dma_start3A_167 : memref<250xi32, #tpu.memory_space<vmem>>) semaphore(%arg26 : memref<!tpu.dma_semaphore, #tpu.memory_space<semaphore_mem>>) {add = true}
      %add3A_171 = arith.constant 3 : i32
      %add3A_172 = arith.addi %mul3A_128, %add3A_171 : i32
      %dma_wait3A_173 = arith.constant 0 : i32
      %dma_wait3A_174 = tpu.memref_slice %arg6[%add3A_172, %dma_wait3A_173] : memref<40x250xi32, #tpu.memory_space<vmem>> -> memref<1x250xi32, #tpu.memory_space<vmem>>
      %dma_wait3A_175 = tpu.memref_squeeze %dma_wait3A_174 : memref<1x250xi32, #tpu.memory_space<vmem>> -> memref<250xi32, #tpu.memory_space<vmem>>
      %dma_wait3A_176 = arith.constant 0 : i32
      %dma_wait3A_177 = arith.constant 0 : i32
      %dma_wait3A_178 = tpu.memref_slice %arg2[%dma_wait3A_176, %dma_wait3A_177] : memref<10000x16xf32, #tpu.memory_space<hbm>> -> memref<10000x16xf32, #tpu.memory_space<hbm>>
      tpu.wait_indirect_dma semaphore(%arg19 : memref<!tpu.dma_semaphore, #tpu.memory_space<semaphore_mem>>) src(%dma_wait3A_178 : memref<10000x16xf32, #tpu.memory_space<hbm>>) dst(%arg11 : memref<250x16xf32, #tpu.memory_space<vmem>>)
      %dma_start3A_179 = arith.constant 0 : i32
      %dma_start3A_180 = tpu.memref_slice %arg7[%add3A_172, %dma_start3A_179] : memref<40x250xi32, #tpu.memory_space<vmem>> -> memref<1x250xi32, #tpu.memory_space<vmem>>
      %dma_start3A_181 = tpu.memref_squeeze %dma_start3A_180 : memref<1x250xi32, #tpu.memory_space<vmem>> -> memref<250xi32, #tpu.memory_space<vmem>>
      %dma_start3A_182 = arith.constant 0 : i32
      %dma_start3A_183 = arith.constant 0 : i32
      %dma_start3A_184 = tpu.memref_slice %arg32[%dma_start3A_182, %dma_start3A_183] : memref<10112x16xf32, #tpu.memory_space<vmem_shared>> -> memref<10112x16xf32, #tpu.memory_space<vmem_shared>>
      tpu.enqueue_indirect_dma source(%arg11 : memref<250x16xf32, #tpu.memory_space<vmem>>) target(%dma_start3A_184 : memref<10112x16xf32, #tpu.memory_space<vmem_shared>>) offsets(%dma_start3A_181 : memref<250xi32, #tpu.memory_space<vmem>>) semaphore(%arg27 : memref<!tpu.dma_semaphore, #tpu.memory_space<semaphore_mem>>) {add = true}
      %add3A_185 = arith.constant 4 : i32
      %add3A_186 = arith.addi %mul3A_128, %add3A_185 : i32
      %dma_wait3A_187 = arith.constant 0 : i32
      %dma_wait3A_188 = tpu.memref_slice %arg6[%add3A_186, %dma_wait3A_187] : memref<40x250xi32, #tpu.memory_space<vmem>> -> memref<1x250xi32, #tpu.memory_space<vmem>>
      %dma_wait3A_189 = tpu.memref_squeeze %dma_wait3A_188 : memref<1x250xi32, #tpu.memory_space<vmem>> -> memref<250xi32, #tpu.memory_space<vmem>>
      %dma_wait3A_190 = arith.constant 0 : i32
      %dma_wait3A_191 = arith.constant 0 : i32
      %dma_wait3A_192 = tpu.memref_slice %arg2[%dma_wait3A_190, %dma_wait3A_191] : memref<10000x16xf32, #tpu.memory_space<hbm>> -> memref<10000x16xf32, #tpu.memory_space<hbm>>
      tpu.wait_indirect_dma semaphore(%arg20 : memref<!tpu.dma_semaphore, #tpu.memory_space<semaphore_mem>>) src(%dma_wait3A_192 : memref<10000x16xf32, #tpu.memory_space<hbm>>) dst(%arg12 : memref<250x16xf32, #tpu.memory_space<vmem>>)
      %dma_start3A_193 = arith.constant 0 : i32
      %dma_start3A_194 = tpu.memref_slice %arg7[%add3A_186, %dma_start3A_193] : memref<40x250xi32, #tpu.memory_space<vmem>> -> memref<1x250xi32, #tpu.memory_space<vmem>>
      %dma_start3A_195 = tpu.memref_squeeze %dma_start3A_194 : memref<1x250xi32, #tpu.memory_space<vmem>> -> memref<250xi32, #tpu.memory_space<vmem>>
      %dma_start3A_196 = arith.constant 0 : i32
      %dma_start3A_197 = arith.constant 0 : i32
      %dma_start3A_198 = tpu.memref_slice %arg32[%dma_start3A_196, %dma_start3A_197] : memref<10112x16xf32, #tpu.memory_space<vmem_shared>> -> memref<10112x16xf32, #tpu.memory_space<vmem_shared>>
      tpu.enqueue_indirect_dma source(%arg12 : memref<250x16xf32, #tpu.memory_space<vmem>>) target(%dma_start3A_198 : memref<10112x16xf32, #tpu.memory_space<vmem_shared>>) offsets(%dma_start3A_195 : memref<250xi32, #tpu.memory_space<vmem>>) semaphore(%arg28 : memref<!tpu.dma_semaphore, #tpu.memory_space<semaphore_mem>>) {add = true}
      %add3A_199 = arith.constant 5 : i32
      %add3A_200 = arith.addi %mul3A_128, %add3A_199 : i32
      %dma_wait3A_201 = arith.constant 0 : i32
      %dma_wait3A_202 = tpu.memref_slice %arg6[%add3A_200, %dma_wait3A_201] : memref<40x250xi32, #tpu.memory_space<vmem>> -> memref<1x250xi32, #tpu.memory_space<vmem>>
      %dma_wait3A_203 = tpu.memref_squeeze %dma_wait3A_202 : memref<1x250xi32, #tpu.memory_space<vmem>> -> memref<250xi32, #tpu.memory_space<vmem>>
      %dma_wait3A_204 = arith.constant 0 : i32
      %dma_wait3A_205 = arith.constant 0 : i32
      %dma_wait3A_206 = tpu.memref_slice %arg2[%dma_wait3A_204, %dma_wait3A_205] : memref<10000x16xf32, #tpu.memory_space<hbm>> -> memref<10000x16xf32, #tpu.memory_space<hbm>>
      tpu.wait_indirect_dma semaphore(%arg21 : memref<!tpu.dma_semaphore, #tpu.memory_space<semaphore_mem>>) src(%dma_wait3A_206 : memref<10000x16xf32, #tpu.memory_space<hbm>>) dst(%arg13 : memref<250x16xf32, #tpu.memory_space<vmem>>)
      %dma_start3A_207 = arith.constant 0 : i32
      %dma_start3A_208 = tpu.memref_slice %arg7[%add3A_200, %dma_start3A_207] : memref<40x250xi32, #tpu.memory_space<vmem>> -> memref<1x250xi32, #tpu.memory_space<vmem>>
      %dma_start3A_209 = tpu.memref_squeeze %dma_start3A_208 : memref<1x250xi32, #tpu.memory_space<vmem>> -> memref<250xi32, #tpu.memory_space<vmem>>
      %dma_start3A_210 = arith.constant 0 : i32
      %dma_start3A_211 = arith.constant 0 : i32
      %dma_start3A_212 = tpu.memref_slice %arg32[%dma_start3A_210, %dma_start3A_211] : memref<10112x16xf32, #tpu.memory_space<vmem_shared>> -> memref<10112x16xf32, #tpu.memory_space<vmem_shared>>
      tpu.enqueue_indirect_dma source(%arg13 : memref<250x16xf32, #tpu.memory_space<vmem>>) target(%dma_start3A_212 : memref<10112x16xf32, #tpu.memory_space<vmem_shared>>) offsets(%dma_start3A_209 : memref<250xi32, #tpu.memory_space<vmem>>) semaphore(%arg29 : memref<!tpu.dma_semaphore, #tpu.memory_space<semaphore_mem>>) {add = true}
      %add3A_213 = arith.constant 6 : i32
      %add3A_214 = arith.addi %mul3A_128, %add3A_213 : i32
      %dma_wait3A_215 = arith.constant 0 : i32
      %dma_wait3A_216 = tpu.memref_slice %arg6[%add3A_214, %dma_wait3A_215] : memref<40x250xi32, #tpu.memory_space<vmem>> -> memref<1x250xi32, #tpu.memory_space<vmem>>
      %dma_wait3A_217 = tpu.memref_squeeze %dma_wait3A_216 : memref<1x250xi32, #tpu.memory_space<vmem>> -> memref<250xi32, #tpu.memory_space<vmem>>
      %dma_wait3A_218 = arith.constant 0 : i32
      %dma_wait3A_219 = arith.constant 0 : i32
      %dma_wait3A_220 = tpu.memref_slice %arg2[%dma_wait3A_218, %dma_wait3A_219] : memref<10000x16xf32, #tpu.memory_space<hbm>> -> memref<10000x16xf32, #tpu.memory_space<hbm>>
      tpu.wait_indirect_dma semaphore(%arg22 : memref<!tpu.dma_semaphore, #tpu.memory_space<semaphore_mem>>) src(%dma_wait3A_220 : memref<10000x16xf32, #tpu.memory_space<hbm>>) dst(%arg14 : memref<250x16xf32, #tpu.memory_space<vmem>>)
      %dma_start3A_221 = arith.constant 0 : i32
      %dma_start3A_222 = tpu.memref_slice %arg7[%add3A_214, %dma_start3A_221] : memref<40x250xi32, #tpu.memory_space<vmem>> -> memref<1x250xi32, #tpu.memory_space<vmem>>
      %dma_start3A_223 = tpu.memref_squeeze %dma_start3A_222 : memref<1x250xi32, #tpu.memory_space<vmem>> -> memref<250xi32, #tpu.memory_space<vmem>>
      %dma_start3A_224 = arith.constant 0 : i32
      %dma_start3A_225 = arith.constant 0 : i32
      %dma_start3A_226 = tpu.memref_slice %arg32[%dma_start3A_224, %dma_start3A_225] : memref<10112x16xf32, #tpu.memory_space<vmem_shared>> -> memref<10112x16xf32, #tpu.memory_space<vmem_shared>>
      tpu.enqueue_indirect_dma source(%arg14 : memref<250x16xf32, #tpu.memory_space<vmem>>) target(%dma_start3A_226 : memref<10112x16xf32, #tpu.memory_space<vmem_shared>>) offsets(%dma_start3A_223 : memref<250xi32, #tpu.memory_space<vmem>>) semaphore(%arg30 : memref<!tpu.dma_semaphore, #tpu.memory_space<semaphore_mem>>) {add = true}
      %add3A_227 = arith.constant 7 : i32
      %add3A_228 = arith.addi %mul3A_128, %add3A_227 : i32
      %dma_wait3A_229 = arith.constant 0 : i32
      %dma_wait3A_230 = tpu.memref_slice %arg6[%add3A_228, %dma_wait3A_229] : memref<40x250xi32, #tpu.memory_space<vmem>> -> memref<1x250xi32, #tpu.memory_space<vmem>>
      %dma_wait3A_231 = tpu.memref_squeeze %dma_wait3A_230 : memref<1x250xi32, #tpu.memory_space<vmem>> -> memref<250xi32, #tpu.memory_space<vmem>>
      %dma_wait3A_232 = arith.constant 0 : i32
      %dma_wait3A_233 = arith.constant 0 : i32
      %dma_wait3A_234 = tpu.memref_slice %arg2[%dma_wait3A_232, %dma_wait3A_233] : memref<10000x16xf32, #tpu.memory_space<hbm>> -> memref<10000x16xf32, #tpu.memory_space<hbm>>
      tpu.wait_indirect_dma semaphore(%arg23 : memref<!tpu.dma_semaphore, #tpu.memory_space<semaphore_mem>>) src(%dma_wait3A_234 : memref<10000x16xf32, #tpu.memory_space<hbm>>) dst(%arg15 : memref<250x16xf32, #tpu.memory_space<vmem>>)
      %dma_start3A_235 = arith.constant 0 : i32
      %dma_start3A_236 = tpu.memref_slice %arg7[%add3A_228, %dma_start3A_235] : memref<40x250xi32, #tpu.memory_space<vmem>> -> memref<1x250xi32, #tpu.memory_space<vmem>>
      %dma_start3A_237 = tpu.memref_squeeze %dma_start3A_236 : memref<1x250xi32, #tpu.memory_space<vmem>> -> memref<250xi32, #tpu.memory_space<vmem>>
      %dma_start3A_238 = arith.constant 0 : i32
      %dma_start3A_239 = arith.constant 0 : i32
      %dma_start3A_240 = tpu.memref_slice %arg32[%dma_start3A_238, %dma_start3A_239] : memref<10112x16xf32, #tpu.memory_space<vmem_shared>> -> memref<10112x16xf32, #tpu.memory_space<vmem_shared>>
      tpu.enqueue_indirect_dma source(%arg15 : memref<250x16xf32, #tpu.memory_space<vmem>>) target(%dma_start3A_240 : memref<10112x16xf32, #tpu.memory_space<vmem_shared>>) offsets(%dma_start3A_237 : memref<250xi32, #tpu.memory_space<vmem>>) semaphore(%arg31 : memref<!tpu.dma_semaphore, #tpu.memory_space<semaphore_mem>>) {add = true}
      %add3A_241 = arith.constant 1 : i32
      %add3A_242 = arith.addi %scan3A_126, %add3A_241 : i32
      %lt3A = arith.constant 5 : i32
      %lt3A_243 = arith.cmpi slt, %add3A_242, %lt3A : i32
      %convert_element_type3A = arith.extui %lt3A_243 : i1 to i32
      %cond3A = arith.constant 0 : i32
      %cond3A_244 = arith.cmpi ne, %convert_element_type3A, %cond3A : i32
      scf.if %cond3A_244 {
        %add3A_245 = arith.constant 0 : i32
        %add3A_246 = arith.addi %mul3A_128, %add3A_245 : i32
        %dma_wait3A_247 = arith.constant 0 : i32
        %dma_wait3A_248 = tpu.memref_slice %arg7[%add3A_246, %dma_wait3A_247] : memref<40x250xi32, #tpu.memory_space<vmem>> -> memref<1x250xi32, #tpu.memory_space<vmem>>
        %dma_wait3A_249 = tpu.memref_squeeze %dma_wait3A_248 : memref<1x250xi32, #tpu.memory_space<vmem>> -> memref<250xi32, #tpu.memory_space<vmem>>
        %dma_wait3A_250 = arith.constant 0 : i32
        %dma_wait3A_251 = arith.constant 0 : i32
        %dma_wait3A_252 = tpu.memref_slice %arg32[%dma_wait3A_250, %dma_wait3A_251] : memref<10112x16xf32, #tpu.memory_space<vmem_shared>> -> memref<10112x16xf32, #tpu.memory_space<vmem_shared>>
        tpu.wait_indirect_dma semaphore(%arg24 : memref<!tpu.dma_semaphore, #tpu.memory_space<semaphore_mem>>) src(%arg8 : memref<250x16xf32, #tpu.memory_space<vmem>>) dst(%dma_wait3A_252 : memref<10112x16xf32, #tpu.memory_space<vmem_shared>>)
        %add3A_253 = arith.constant 8 : i32
        %add3A_254 = arith.addi %add3A_246, %add3A_253 : i32
        %dma_start3A_255 = arith.constant 0 : i32
        %dma_start3A_256 = tpu.memref_slice %arg6[%add3A_254, %dma_start3A_255] : memref<40x250xi32, #tpu.memory_space<vmem>> -> memref<1x250xi32, #tpu.memory_space<vmem>>
        %dma_start3A_257 = tpu.memref_squeeze %dma_start3A_256 : memref<1x250xi32, #tpu.memory_space<vmem>> -> memref<250xi32, #tpu.memory_space<vmem>>
        %dma_start3A_258 = arith.constant 0 : i32
        %dma_start3A_259 = arith.constant 0 : i32
        %dma_start3A_260 = tpu.memref_slice %arg2[%dma_start3A_258, %dma_start3A_259] : memref<10000x16xf32, #tpu.memory_space<hbm>> -> memref<10000x16xf32, #tpu.memory_space<hbm>>
        tpu.enqueue_indirect_dma source(%dma_start3A_260 : memref<10000x16xf32, #tpu.memory_space<hbm>>) target(%arg8 : memref<250x16xf32, #tpu.memory_space<vmem>>) offsets(%dma_start3A_257 : memref<250xi32, #tpu.memory_space<vmem>>) semaphore(%arg16 : memref<!tpu.dma_semaphore, #tpu.memory_space<semaphore_mem>>)
        %add3A_261 = arith.constant 1 : i32
        %add3A_262 = arith.addi %mul3A_128, %add3A_261 : i32
        %dma_wait3A_263 = arith.constant 0 : i32
        %dma_wait3A_264 = tpu.memref_slice %arg7[%add3A_262, %dma_wait3A_263] : memref<40x250xi32, #tpu.memory_space<vmem>> -> memref<1x250xi32, #tpu.memory_space<vmem>>
        %dma_wait3A_265 = tpu.memref_squeeze %dma_wait3A_264 : memref<1x250xi32, #tpu.memory_space<vmem>> -> memref<250xi32, #tpu.memory_space<vmem>>
        %dma_wait3A_266 = arith.constant 0 : i32
        %dma_wait3A_267 = arith.constant 0 : i32
        %dma_wait3A_268 = tpu.memref_slice %arg32[%dma_wait3A_266, %dma_wait3A_267] : memref<10112x16xf32, #tpu.memory_space<vmem_shared>> -> memref<10112x16xf32, #tpu.memory_space<vmem_shared>>
        tpu.wait_indirect_dma semaphore(%arg25 : memref<!tpu.dma_semaphore, #tpu.memory_space<semaphore_mem>>) src(%arg9 : memref<250x16xf32, #tpu.memory_space<vmem>>) dst(%dma_wait3A_268 : memref<10112x16xf32, #tpu.memory_space<vmem_shared>>)
        %add3A_269 = arith.constant 8 : i32
        %add3A_270 = arith.addi %add3A_262, %add3A_269 : i32
        %dma_start3A_271 = arith.constant 0 : i32
        %dma_start3A_272 = tpu.memref_slice %arg6[%add3A_270, %dma_start3A_271] : memref<40x250xi32, #tpu.memory_space<vmem>> -> memref<1x250xi32, #tpu.memory_space<vmem>>
        %dma_start3A_273 = tpu.memref_squeeze %dma_start3A_272 : memref<1x250xi32, #tpu.memory_space<vmem>> -> memref<250xi32, #tpu.memory_space<vmem>>
        %dma_start3A_274 = arith.constant 0 : i32
        %dma_start3A_275 = arith.constant 0 : i32
        %dma_start3A_276 = tpu.memref_slice %arg2[%dma_start3A_274, %dma_start3A_275] : memref<10000x16xf32, #tpu.memory_space<hbm>> -> memref<10000x16xf32, #tpu.memory_space<hbm>>
        tpu.enqueue_indirect_dma source(%dma_start3A_276 : memref<10000x16xf32, #tpu.memory_space<hbm>>) target(%arg9 : memref<250x16xf32, #tpu.memory_space<vmem>>) offsets(%dma_start3A_273 : memref<250xi32, #tpu.memory_space<vmem>>) semaphore(%arg17 : memref<!tpu.dma_semaphore, #tpu.memory_space<semaphore_mem>>)
        %add3A_277 = arith.constant 2 : i32
        %add3A_278 = arith.addi %mul3A_128, %add3A_277 : i32
        %dma_wait3A_279 = arith.constant 0 : i32
        %dma_wait3A_280 = tpu.memref_slice %arg7[%add3A_278, %dma_wait3A_279] : memref<40x250xi32, #tpu.memory_space<vmem>> -> memref<1x250xi32, #tpu.memory_space<vmem>>
        %dma_wait3A_281 = tpu.memref_squeeze %dma_wait3A_280 : memref<1x250xi32, #tpu.memory_space<vmem>> -> memref<250xi32, #tpu.memory_space<vmem>>
        %dma_wait3A_282 = arith.constant 0 : i32
        %dma_wait3A_283 = arith.constant 0 : i32
        %dma_wait3A_284 = tpu.memref_slice %arg32[%dma_wait3A_282, %dma_wait3A_283] : memref<10112x16xf32, #tpu.memory_space<vmem_shared>> -> memref<10112x16xf32, #tpu.memory_space<vmem_shared>>
        tpu.wait_indirect_dma semaphore(%arg26 : memref<!tpu.dma_semaphore, #tpu.memory_space<semaphore_mem>>) src(%arg10 : memref<250x16xf32, #tpu.memory_space<vmem>>) dst(%dma_wait3A_284 : memref<10112x16xf32, #tpu.memory_space<vmem_shared>>)
        %add3A_285 = arith.constant 8 : i32
        %add3A_286 = arith.addi %add3A_278, %add3A_285 : i32
        %dma_start3A_287 = arith.constant 0 : i32
        %dma_start3A_288 = tpu.memref_slice %arg6[%add3A_286, %dma_start3A_287] : memref<40x250xi32, #tpu.memory_space<vmem>> -> memref<1x250xi32, #tpu.memory_space<vmem>>
        %dma_start3A_289 = tpu.memref_squeeze %dma_start3A_288 : memref<1x250xi32, #tpu.memory_space<vmem>> -> memref<250xi32, #tpu.memory_space<vmem>>
        %dma_start3A_290 = arith.constant 0 : i32
        %dma_start3A_291 = arith.constant 0 : i32
        %dma_start3A_292 = tpu.memref_slice %arg2[%dma_start3A_290, %dma_start3A_291] : memref<10000x16xf32, #tpu.memory_space<hbm>> -> memref<10000x16xf32, #tpu.memory_space<hbm>>
        tpu.enqueue_indirect_dma source(%dma_start3A_292 : memref<10000x16xf32, #tpu.memory_space<hbm>>) target(%arg10 : memref<250x16xf32, #tpu.memory_space<vmem>>) offsets(%dma_start3A_289 : memref<250xi32, #tpu.memory_space<vmem>>) semaphore(%arg18 : memref<!tpu.dma_semaphore, #tpu.memory_space<semaphore_mem>>)
        %add3A_293 = arith.constant 3 : i32
        %add3A_294 = arith.addi %mul3A_128, %add3A_293 : i32
        %dma_wait3A_295 = arith.constant 0 : i32
        %dma_wait3A_296 = tpu.memref_slice %arg7[%add3A_294, %dma_wait3A_295] : memref<40x250xi32, #tpu.memory_space<vmem>> -> memref<1x250xi32, #tpu.memory_space<vmem>>
        %dma_wait3A_297 = tpu.memref_squeeze %dma_wait3A_296 : memref<1x250xi32, #tpu.memory_space<vmem>> -> memref<250xi32, #tpu.memory_space<vmem>>
        %dma_wait3A_298 = arith.constant 0 : i32
        %dma_wait3A_299 = arith.constant 0 : i32
        %dma_wait3A_300 = tpu.memref_slice %arg32[%dma_wait3A_298, %dma_wait3A_299] : memref<10112x16xf32, #tpu.memory_space<vmem_shared>> -> memref<10112x16xf32, #tpu.memory_space<vmem_shared>>
        tpu.wait_indirect_dma semaphore(%arg27 : memref<!tpu.dma_semaphore, #tpu.memory_space<semaphore_mem>>) src(%arg11 : memref<250x16xf32, #tpu.memory_space<vmem>>) dst(%dma_wait3A_300 : memref<10112x16xf32, #tpu.memory_space<vmem_shared>>)
        %add3A_301 = arith.constant 8 : i32
        %add3A_302 = arith.addi %add3A_294, %add3A_301 : i32
        %dma_start3A_303 = arith.constant 0 : i32
        %dma_start3A_304 = tpu.memref_slice %arg6[%add3A_302, %dma_start3A_303] : memref<40x250xi32, #tpu.memory_space<vmem>> -> memref<1x250xi32, #tpu.memory_space<vmem>>
        %dma_start3A_305 = tpu.memref_squeeze %dma_start3A_304 : memref<1x250xi32, #tpu.memory_space<vmem>> -> memref<250xi32, #tpu.memory_space<vmem>>
        %dma_start3A_306 = arith.constant 0 : i32
        %dma_start3A_307 = arith.constant 0 : i32
        %dma_start3A_308 = tpu.memref_slice %arg2[%dma_start3A_306, %dma_start3A_307] : memref<10000x16xf32, #tpu.memory_space<hbm>> -> memref<10000x16xf32, #tpu.memory_space<hbm>>
        tpu.enqueue_indirect_dma source(%dma_start3A_308 : memref<10000x16xf32, #tpu.memory_space<hbm>>) target(%arg11 : memref<250x16xf32, #tpu.memory_space<vmem>>) offsets(%dma_start3A_305 : memref<250xi32, #tpu.memory_space<vmem>>) semaphore(%arg19 : memref<!tpu.dma_semaphore, #tpu.memory_space<semaphore_mem>>)
        %add3A_309 = arith.constant 4 : i32
        %add3A_310 = arith.addi %mul3A_128, %add3A_309 : i32
        %dma_wait3A_311 = arith.constant 0 : i32
        %dma_wait3A_312 = tpu.memref_slice %arg7[%add3A_310, %dma_wait3A_311] : memref<40x250xi32, #tpu.memory_space<vmem>> -> memref<1x250xi32, #tpu.memory_space<vmem>>
        %dma_wait3A_313 = tpu.memref_squeeze %dma_wait3A_312 : memref<1x250xi32, #tpu.memory_space<vmem>> -> memref<250xi32, #tpu.memory_space<vmem>>
        %dma_wait3A_314 = arith.constant 0 : i32
        %dma_wait3A_315 = arith.constant 0 : i32
        %dma_wait3A_316 = tpu.memref_slice %arg32[%dma_wait3A_314, %dma_wait3A_315] : memref<10112x16xf32, #tpu.memory_space<vmem_shared>> -> memref<10112x16xf32, #tpu.memory_space<vmem_shared>>
        tpu.wait_indirect_dma semaphore(%arg28 : memref<!tpu.dma_semaphore, #tpu.memory_space<semaphore_mem>>) src(%arg12 : memref<250x16xf32, #tpu.memory_space<vmem>>) dst(%dma_wait3A_316 : memref<10112x16xf32, #tpu.memory_space<vmem_shared>>)
        %add3A_317 = arith.constant 8 : i32
        %add3A_318 = arith.addi %add3A_310, %add3A_317 : i32
        %dma_start3A_319 = arith.constant 0 : i32
        %dma_start3A_320 = tpu.memref_slice %arg6[%add3A_318, %dma_start3A_319] : memref<40x250xi32, #tpu.memory_space<vmem>> -> memref<1x250xi32, #tpu.memory_space<vmem>>
        %dma_start3A_321 = tpu.memref_squeeze %dma_start3A_320 : memref<1x250xi32, #tpu.memory_space<vmem>> -> memref<250xi32, #tpu.memory_space<vmem>>
        %dma_start3A_322 = arith.constant 0 : i32
        %dma_start3A_323 = arith.constant 0 : i32
        %dma_start3A_324 = tpu.memref_slice %arg2[%dma_start3A_322, %dma_start3A_323] : memref<10000x16xf32, #tpu.memory_space<hbm>> -> memref<10000x16xf32, #tpu.memory_space<hbm>>
        tpu.enqueue_indirect_dma source(%dma_start3A_324 : memref<10000x16xf32, #tpu.memory_space<hbm>>) target(%arg12 : memref<250x16xf32, #tpu.memory_space<vmem>>) offsets(%dma_start3A_321 : memref<250xi32, #tpu.memory_space<vmem>>) semaphore(%arg20 : memref<!tpu.dma_semaphore, #tpu.memory_space<semaphore_mem>>)
        %add3A_325 = arith.constant 5 : i32
        %add3A_326 = arith.addi %mul3A_128, %add3A_325 : i32
        %dma_wait3A_327 = arith.constant 0 : i32
        %dma_wait3A_328 = tpu.memref_slice %arg7[%add3A_326, %dma_wait3A_327] : memref<40x250xi32, #tpu.memory_space<vmem>> -> memref<1x250xi32, #tpu.memory_space<vmem>>
        %dma_wait3A_329 = tpu.memref_squeeze %dma_wait3A_328 : memref<1x250xi32, #tpu.memory_space<vmem>> -> memref<250xi32, #tpu.memory_space<vmem>>
        %dma_wait3A_330 = arith.constant 0 : i32
        %dma_wait3A_331 = arith.constant 0 : i32
        %dma_wait3A_332 = tpu.memref_slice %arg32[%dma_wait3A_330, %dma_wait3A_331] : memref<10112x16xf32, #tpu.memory_space<vmem_shared>> -> memref<10112x16xf32, #tpu.memory_space<vmem_shared>>
        tpu.wait_indirect_dma semaphore(%arg29 : memref<!tpu.dma_semaphore, #tpu.memory_space<semaphore_mem>>) src(%arg13 : memref<250x16xf32, #tpu.memory_space<vmem>>) dst(%dma_wait3A_332 : memref<10112x16xf32, #tpu.memory_space<vmem_shared>>)
        %add3A_333 = arith.constant 8 : i32
        %add3A_334 = arith.addi %add3A_326, %add3A_333 : i32
        %dma_start3A_335 = arith.constant 0 : i32
        %dma_start3A_336 = tpu.memref_slice %arg6[%add3A_334, %dma_start3A_335] : memref<40x250xi32, #tpu.memory_space<vmem>> -> memref<1x250xi32, #tpu.memory_space<vmem>>
        %dma_start3A_337 = tpu.memref_squeeze %dma_start3A_336 : memref<1x250xi32, #tpu.memory_space<vmem>> -> memref<250xi32, #tpu.memory_space<vmem>>
        %dma_start3A_338 = arith.constant 0 : i32
        %dma_start3A_339 = arith.constant 0 : i32
        %dma_start3A_340 = tpu.memref_slice %arg2[%dma_start3A_338, %dma_start3A_339] : memref<10000x16xf32, #tpu.memory_space<hbm>> -> memref<10000x16xf32, #tpu.memory_space<hbm>>
        tpu.enqueue_indirect_dma source(%dma_start3A_340 : memref<10000x16xf32, #tpu.memory_space<hbm>>) target(%arg13 : memref<250x16xf32, #tpu.memory_space<vmem>>) offsets(%dma_start3A_337 : memref<250xi32, #tpu.memory_space<vmem>>) semaphore(%arg21 : memref<!tpu.dma_semaphore, #tpu.memory_space<semaphore_mem>>)
        %add3A_341 = arith.constant 6 : i32
        %add3A_342 = arith.addi %mul3A_128, %add3A_341 : i32
        %dma_wait3A_343 = arith.constant 0 : i32
        %dma_wait3A_344 = tpu.memref_slice %arg7[%add3A_342, %dma_wait3A_343] : memref<40x250xi32, #tpu.memory_space<vmem>> -> memref<1x250xi32, #tpu.memory_space<vmem>>
        %dma_wait3A_345 = tpu.memref_squeeze %dma_wait3A_344 : memref<1x250xi32, #tpu.memory_space<vmem>> -> memref<250xi32, #tpu.memory_space<vmem>>
        %dma_wait3A_346 = arith.constant 0 : i32
        %dma_wait3A_347 = arith.constant 0 : i32
        %dma_wait3A_348 = tpu.memref_slice %arg32[%dma_wait3A_346, %dma_wait3A_347] : memref<10112x16xf32, #tpu.memory_space<vmem_shared>> -> memref<10112x16xf32, #tpu.memory_space<vmem_shared>>
        tpu.wait_indirect_dma semaphore(%arg30 : memref<!tpu.dma_semaphore, #tpu.memory_space<semaphore_mem>>) src(%arg14 : memref<250x16xf32, #tpu.memory_space<vmem>>) dst(%dma_wait3A_348 : memref<10112x16xf32, #tpu.memory_space<vmem_shared>>)
        %add3A_349 = arith.constant 8 : i32
        %add3A_350 = arith.addi %add3A_342, %add3A_349 : i32
        %dma_start3A_351 = arith.constant 0 : i32
        %dma_start3A_352 = tpu.memref_slice %arg6[%add3A_350, %dma_start3A_351] : memref<40x250xi32, #tpu.memory_space<vmem>> -> memref<1x250xi32, #tpu.memory_space<vmem>>
        %dma_start3A_353 = tpu.memref_squeeze %dma_start3A_352 : memref<1x250xi32, #tpu.memory_space<vmem>> -> memref<250xi32, #tpu.memory_space<vmem>>
        %dma_start3A_354 = arith.constant 0 : i32
        %dma_start3A_355 = arith.constant 0 : i32
        %dma_start3A_356 = tpu.memref_slice %arg2[%dma_start3A_354, %dma_start3A_355] : memref<10000x16xf32, #tpu.memory_space<hbm>> -> memref<10000x16xf32, #tpu.memory_space<hbm>>
        tpu.enqueue_indirect_dma source(%dma_start3A_356 : memref<10000x16xf32, #tpu.memory_space<hbm>>) target(%arg14 : memref<250x16xf32, #tpu.memory_space<vmem>>) offsets(%dma_start3A_353 : memref<250xi32, #tpu.memory_space<vmem>>) semaphore(%arg22 : memref<!tpu.dma_semaphore, #tpu.memory_space<semaphore_mem>>)
        %add3A_357 = arith.constant 7 : i32
        %add3A_358 = arith.addi %mul3A_128, %add3A_357 : i32
        %dma_wait3A_359 = arith.constant 0 : i32
        %dma_wait3A_360 = tpu.memref_slice %arg7[%add3A_358, %dma_wait3A_359] : memref<40x250xi32, #tpu.memory_space<vmem>> -> memref<1x250xi32, #tpu.memory_space<vmem>>
        %dma_wait3A_361 = tpu.memref_squeeze %dma_wait3A_360 : memref<1x250xi32, #tpu.memory_space<vmem>> -> memref<250xi32, #tpu.memory_space<vmem>>
        %dma_wait3A_362 = arith.constant 0 : i32
        %dma_wait3A_363 = arith.constant 0 : i32
        %dma_wait3A_364 = tpu.memref_slice %arg32[%dma_wait3A_362, %dma_wait3A_363] : memref<10112x16xf32, #tpu.memory_space<vmem_shared>> -> memref<10112x16xf32, #tpu.memory_space<vmem_shared>>
        tpu.wait_indirect_dma semaphore(%arg31 : memref<!tpu.dma_semaphore, #tpu.memory_space<semaphore_mem>>) src(%arg15 : memref<250x16xf32, #tpu.memory_space<vmem>>) dst(%dma_wait3A_364 : memref<10112x16xf32, #tpu.memory_space<vmem_shared>>)
        %add3A_365 = arith.constant 8 : i32
        %add3A_366 = arith.addi %add3A_358, %add3A_365 : i32
        %dma_start3A_367 = arith.constant 0 : i32
        %dma_start3A_368 = tpu.memref_slice %arg6[%add3A_366, %dma_start3A_367] : memref<40x250xi32, #tpu.memory_space<vmem>> -> memref<1x250xi32, #tpu.memory_space<vmem>>
        %dma_start3A_369 = tpu.memref_squeeze %dma_start3A_368 : memref<1x250xi32, #tpu.memory_space<vmem>> -> memref<250xi32, #tpu.memory_space<vmem>>
        %dma_start3A_370 = arith.constant 0 : i32
        %dma_start3A_371 = arith.constant 0 : i32
        %dma_start3A_372 = tpu.memref_slice %arg2[%dma_start3A_370, %dma_start3A_371] : memref<10000x16xf32, #tpu.memory_space<hbm>> -> memref<10000x16xf32, #tpu.memory_space<hbm>>
        tpu.enqueue_indirect_dma source(%dma_start3A_372 : memref<10000x16xf32, #tpu.memory_space<hbm>>) target(%arg15 : memref<250x16xf32, #tpu.memory_space<vmem>>) offsets(%dma_start3A_369 : memref<250xi32, #tpu.memory_space<vmem>>) semaphore(%arg23 : memref<!tpu.dma_semaphore, #tpu.memory_space<semaphore_mem>>)
      } else {
      }
    }
    %scan3A_65 = arith.constant 5 : i32
    %dma_wait3A = arith.constant 32 : i32
    %dma_wait3A_66 = arith.constant 0 : i32
    %dma_wait3A_67 = tpu.memref_slice %arg7[%dma_wait3A, %dma_wait3A_66] : memref<40x250xi32, #tpu.memory_space<vmem>> -> memref<1x250xi32, #tpu.memory_space<vmem>>
    %dma_wait3A_68 = tpu.memref_squeeze %dma_wait3A_67 : memref<1x250xi32, #tpu.memory_space<vmem>> -> memref<250xi32, #tpu.memory_space<vmem>>
    %dma_wait3A_69 = arith.constant 0 : i32
    %dma_wait3A_70 = arith.constant 0 : i32
    %dma_wait3A_71 = tpu.memref_slice %arg32[%dma_wait3A_69, %dma_wait3A_70] : memref<10112x16xf32, #tpu.memory_space<vmem_shared>> -> memref<10112x16xf32, #tpu.memory_space<vmem_shared>>
    tpu.wait_indirect_dma semaphore(%arg24 : memref<!tpu.dma_semaphore, #tpu.memory_space<semaphore_mem>>) src(%arg8 : memref<250x16xf32, #tpu.memory_space<vmem>>) dst(%dma_wait3A_71 : memref<10112x16xf32, #tpu.memory_space<vmem_shared>>)
    %dma_wait3A_72 = arith.constant 33 : i32
    %dma_wait3A_73 = arith.constant 0 : i32
    %dma_wait3A_74 = tpu.memref_slice %arg7[%dma_wait3A_72, %dma_wait3A_73] : memref<40x250xi32, #tpu.memory_space<vmem>> -> memref<1x250xi32, #tpu.memory_space<vmem>>
    %dma_wait3A_75 = tpu.memref_squeeze %dma_wait3A_74 : memref<1x250xi32, #tpu.memory_space<vmem>> -> memref<250xi32, #tpu.memory_space<vmem>>
    %dma_wait3A_76 = arith.constant 0 : i32
    %dma_wait3A_77 = arith.constant 0 : i32
    %dma_wait3A_78 = tpu.memref_slice %arg32[%dma_wait3A_76, %dma_wait3A_77] : memref<10112x16xf32, #tpu.memory_space<vmem_shared>> -> memref<10112x16xf32, #tpu.memory_space<vmem_shared>>
    tpu.wait_indirect_dma semaphore(%arg25 : memref<!tpu.dma_semaphore, #tpu.memory_space<semaphore_mem>>) src(%arg9 : memref<250x16xf32, #tpu.memory_space<vmem>>) dst(%dma_wait3A_78 : memref<10112x16xf32, #tpu.memory_space<vmem_shared>>)
    %dma_wait3A_79 = arith.constant 34 : i32
    %dma_wait3A_80 = arith.constant 0 : i32
    %dma_wait3A_81 = tpu.memref_slice %arg7[%dma_wait3A_79, %dma_wait3A_80] : memref<40x250xi32, #tpu.memory_space<vmem>> -> memref<1x250xi32, #tpu.memory_space<vmem>>
    %dma_wait3A_82 = tpu.memref_squeeze %dma_wait3A_81 : memref<1x250xi32, #tpu.memory_space<vmem>> -> memref<250xi32, #tpu.memory_space<vmem>>
    %dma_wait3A_83 = arith.constant 0 : i32
    %dma_wait3A_84 = arith.constant 0 : i32
    %dma_wait3A_85 = tpu.memref_slice %arg32[%dma_wait3A_83, %dma_wait3A_84] : memref<10112x16xf32, #tpu.memory_space<vmem_shared>> -> memref<10112x16xf32, #tpu.memory_space<vmem_shared>>
    tpu.wait_indirect_dma semaphore(%arg26 : memref<!tpu.dma_semaphore, #tpu.memory_space<semaphore_mem>>) src(%arg10 : memref<250x16xf32, #tpu.memory_space<vmem>>) dst(%dma_wait3A_85 : memref<10112x16xf32, #tpu.memory_space<vmem_shared>>)
    %dma_wait3A_86 = arith.constant 35 : i32
    %dma_wait3A_87 = arith.constant 0 : i32
    %dma_wait3A_88 = tpu.memref_slice %arg7[%dma_wait3A_86, %dma_wait3A_87] : memref<40x250xi32, #tpu.memory_space<vmem>> -> memref<1x250xi32, #tpu.memory_space<vmem>>
    %dma_wait3A_89 = tpu.memref_squeeze %dma_wait3A_88 : memref<1x250xi32, #tpu.memory_space<vmem>> -> memref<250xi32, #tpu.memory_space<vmem>>
    %dma_wait3A_90 = arith.constant 0 : i32
    %dma_wait3A_91 = arith.constant 0 : i32
    %dma_wait3A_92 = tpu.memref_slice %arg32[%dma_wait3A_90, %dma_wait3A_91] : memref<10112x16xf32, #tpu.memory_space<vmem_shared>> -> memref<10112x16xf32, #tpu.memory_space<vmem_shared>>
    tpu.wait_indirect_dma semaphore(%arg27 : memref<!tpu.dma_semaphore, #tpu.memory_space<semaphore_mem>>) src(%arg11 : memref<250x16xf32, #tpu.memory_space<vmem>>) dst(%dma_wait3A_92 : memref<10112x16xf32, #tpu.memory_space<vmem_shared>>)
    %dma_wait3A_93 = arith.constant 36 : i32
    %dma_wait3A_94 = arith.constant 0 : i32
    %dma_wait3A_95 = tpu.memref_slice %arg7[%dma_wait3A_93, %dma_wait3A_94] : memref<40x250xi32, #tpu.memory_space<vmem>> -> memref<1x250xi32, #tpu.memory_space<vmem>>
    %dma_wait3A_96 = tpu.memref_squeeze %dma_wait3A_95 : memref<1x250xi32, #tpu.memory_space<vmem>> -> memref<250xi32, #tpu.memory_space<vmem>>
    %dma_wait3A_97 = arith.constant 0 : i32
    %dma_wait3A_98 = arith.constant 0 : i32
    %dma_wait3A_99 = tpu.memref_slice %arg32[%dma_wait3A_97, %dma_wait3A_98] : memref<10112x16xf32, #tpu.memory_space<vmem_shared>> -> memref<10112x16xf32, #tpu.memory_space<vmem_shared>>
    tpu.wait_indirect_dma semaphore(%arg28 : memref<!tpu.dma_semaphore, #tpu.memory_space<semaphore_mem>>) src(%arg12 : memref<250x16xf32, #tpu.memory_space<vmem>>) dst(%dma_wait3A_99 : memref<10112x16xf32, #tpu.memory_space<vmem_shared>>)
    %dma_wait3A_100 = arith.constant 37 : i32
    %dma_wait3A_101 = arith.constant 0 : i32
    %dma_wait3A_102 = tpu.memref_slice %arg7[%dma_wait3A_100, %dma_wait3A_101] : memref<40x250xi32, #tpu.memory_space<vmem>> -> memref<1x250xi32, #tpu.memory_space<vmem>>
    %dma_wait3A_103 = tpu.memref_squeeze %dma_wait3A_102 : memref<1x250xi32, #tpu.memory_space<vmem>> -> memref<250xi32, #tpu.memory_space<vmem>>
    %dma_wait3A_104 = arith.constant 0 : i32
    %dma_wait3A_105 = arith.constant 0 : i32
    %dma_wait3A_106 = tpu.memref_slice %arg32[%dma_wait3A_104, %dma_wait3A_105] : memref<10112x16xf32, #tpu.memory_space<vmem_shared>> -> memref<10112x16xf32, #tpu.memory_space<vmem_shared>>
    tpu.wait_indirect_dma semaphore(%arg29 : memref<!tpu.dma_semaphore, #tpu.memory_space<semaphore_mem>>) src(%arg13 : memref<250x16xf32, #tpu.memory_space<vmem>>) dst(%dma_wait3A_106 : memref<10112x16xf32, #tpu.memory_space<vmem_shared>>)
    %dma_wait3A_107 = arith.constant 38 : i32
    %dma_wait3A_108 = arith.constant 0 : i32
    %dma_wait3A_109 = tpu.memref_slice %arg7[%dma_wait3A_107, %dma_wait3A_108] : memref<40x250xi32, #tpu.memory_space<vmem>> -> memref<1x250xi32, #tpu.memory_space<vmem>>
    %dma_wait3A_110 = tpu.memref_squeeze %dma_wait3A_109 : memref<1x250xi32, #tpu.memory_space<vmem>> -> memref<250xi32, #tpu.memory_space<vmem>>
    %dma_wait3A_111 = arith.constant 0 : i32
    %dma_wait3A_112 = arith.constant 0 : i32
    %dma_wait3A_113 = tpu.memref_slice %arg32[%dma_wait3A_111, %dma_wait3A_112] : memref<10112x16xf32, #tpu.memory_space<vmem_shared>> -> memref<10112x16xf32, #tpu.memory_space<vmem_shared>>
    tpu.wait_indirect_dma semaphore(%arg30 : memref<!tpu.dma_semaphore, #tpu.memory_space<semaphore_mem>>) src(%arg14 : memref<250x16xf32, #tpu.memory_space<vmem>>) dst(%dma_wait3A_113 : memref<10112x16xf32, #tpu.memory_space<vmem_shared>>)
    %dma_wait3A_114 = arith.constant 39 : i32
    %dma_wait3A_115 = arith.constant 0 : i32
    %dma_wait3A_116 = tpu.memref_slice %arg7[%dma_wait3A_114, %dma_wait3A_115] : memref<40x250xi32, #tpu.memory_space<vmem>> -> memref<1x250xi32, #tpu.memory_space<vmem>>
    %dma_wait3A_117 = tpu.memref_squeeze %dma_wait3A_116 : memref<1x250xi32, #tpu.memory_space<vmem>> -> memref<250xi32, #tpu.memory_space<vmem>>
    %dma_wait3A_118 = arith.constant 0 : i32
    %dma_wait3A_119 = arith.constant 0 : i32
    %dma_wait3A_120 = tpu.memref_slice %arg32[%dma_wait3A_118, %dma_wait3A_119] : memref<10112x16xf32, #tpu.memory_space<vmem_shared>> -> memref<10112x16xf32, #tpu.memory_space<vmem_shared>>
    tpu.wait_indirect_dma semaphore(%arg31 : memref<!tpu.dma_semaphore, #tpu.memory_space<semaphore_mem>>) src(%arg15 : memref<250x16xf32, #tpu.memory_space<vmem>>) dst(%dma_wait3A_120 : memref<10112x16xf32, #tpu.memory_space<vmem_shared>>)
    %barrier3A_121 = arith.constant 0 : index
    tpu.barrier barrier_id(%barrier3A_121)
    %mul3A_122 = arith.constant 632 : i32
    %mul3A_123 = arith.muli %arg1, %mul3A_122 : i32
    %mul3A_124 = arith.constant 632 : i32
    %mul3A_125 = arith.muli %arg1, %mul3A_124 : i32
    "tpu.region"() ({
      %run_scoped3A_126 = tpu.sem_alloc : memref<!tpu.dma_semaphore, #tpu.memory_space<semaphore_mem>>
      %dma_start3A_127 = arith.constant 0 : i32
      %dma_start3A_128 = tpu.memref_slice %arg5[%arg0, %mul3A_125, %dma_start3A_127] : memref<2x10112x16xf32, #tpu.memory_space<hbm>> -> memref<1x632x16xf32, #tpu.memory_space<hbm>>
      %dma_start3A_129 = tpu.memref_squeeze %dma_start3A_128 : memref<1x632x16xf32, #tpu.memory_space<hbm>> -> memref<632x16xf32, #tpu.memory_space<hbm>>
      %dma_start3A_130 = arith.constant 0 : i32
      %dma_start3A_131 = tpu.memref_slice %arg32[%mul3A_123, %dma_start3A_130] : memref<10112x16xf32, #tpu.memory_space<vmem_shared>> -> memref<632x16xf32, #tpu.memory_space<vmem_shared>>
      tpu.enqueue_dma source(%dma_start3A_131 : memref<632x16xf32, #tpu.memory_space<vmem_shared>>) target(%dma_start3A_129 : memref<632x16xf32, #tpu.memory_space<hbm>>) target_semaphore(%run_scoped3A_126 : memref<!tpu.dma_semaphore, #tpu.memory_space<semaphore_mem>>)
      %dma_wait3A_132 = arith.constant 0 : i32
      %dma_wait3A_133 = tpu.memref_slice %arg5[%arg0, %mul3A_125, %dma_wait3A_132] : memref<2x10112x16xf32, #tpu.memory_space<hbm>> -> memref<1x632x16xf32, #tpu.memory_space<hbm>>
      %dma_wait3A_134 = tpu.memref_squeeze %dma_wait3A_133 : memref<1x632x16xf32, #tpu.memory_space<hbm>> -> memref<632x16xf32, #tpu.memory_space<hbm>>
      %dma_wait3A_135 = arith.constant 0 : i32
      %dma_wait3A_136 = tpu.memref_slice %arg32[%mul3A_123, %dma_wait3A_135] : memref<10112x16xf32, #tpu.memory_space<vmem_shared>> -> memref<632x16xf32, #tpu.memory_space<vmem_shared>>
      tpu.wait_dma2 semaphore(%run_scoped3A_126 : memref<!tpu.dma_semaphore, #tpu.memory_space<semaphore_mem>>) src(%dma_wait3A_136 : memref<632x16xf32, #tpu.memory_space<vmem_shared>>) dst(%dma_wait3A_134 : memref<632x16xf32, #tpu.memory_space<hbm>>)
      tpu.yield
    }) : () -> ()
    return
  }
}

#map = affine_map<(d0, d1) -> (0, 0)>
#map1 = affine_map<(d0, d1) -> (0, 0, 0, 0)>
#map2 = affine_map<(d0, d1) -> (0, 0, 0)>
module attributes {stable_mosaic.version = 14 : i64} {
  func.func @seg_sum(%arg0: i32, %arg1: i32, %arg2: memref<10000x16xf32, #tpu.memory_space<hbm>>, %arg3: memref<2x32x40x250xi32, #tpu.memory_space<hbm>>, %arg4: memref<10112x16xf32, #tpu.memory_space<hbm>>, %arg5: memref<2x10112x16xf32, #tpu.memory_space<hbm>>, %arg6: memref<40x250xi32, #tpu.memory_space<vmem>>, %arg7: memref<40x250xi32, #tpu.memory_space<vmem>>, %arg8: memref<250x16xf32, #tpu.memory_space<vmem>>, %arg9: memref<250x16xf32, #tpu.memory_space<vmem>>, %arg10: memref<250x16xf32, #tpu.memory_space<vmem>>, %arg11: memref<250x16xf32, #tpu.memory_space<vmem>>, %arg12: memref<250x16xf32, #tpu.memory_space<vmem>>, %arg13: memref<250x16xf32, #tpu.memory_space<vmem>>, %arg14: memref<250x16xf32, #tpu.memory_space<vmem>>, %arg15: memref<250x16xf32, #tpu.memory_space<vmem>>, %arg16: memref<!tpu.dma_semaphore, #tpu.memory_space<semaphore_mem>>, %arg17: memref<!tpu.dma_semaphore, #tpu.memory_space<semaphore_mem>>, %arg18: memref<!tpu.dma_semaphore, #tpu.memory_space<semaphore_mem>>, %arg19: memref<!tpu.dma_semaphore, #tpu.memory_space<semaphore_mem>>, %arg20: memref<!tpu.dma_semaphore, #tpu.memory_space<semaphore_mem>>, %arg21: memref<!tpu.dma_semaphore, #tpu.memory_space<semaphore_mem>>, %arg22: memref<!tpu.dma_semaphore, #tpu.memory_space<semaphore_mem>>, %arg23: memref<!tpu.dma_semaphore, #tpu.memory_space<semaphore_mem>>, %arg24: memref<!tpu.dma_semaphore, #tpu.memory_space<semaphore_mem>>, %arg25: memref<!tpu.dma_semaphore, #tpu.memory_space<semaphore_mem>>, %arg26: memref<!tpu.dma_semaphore, #tpu.memory_space<semaphore_mem>>, %arg27: memref<!tpu.dma_semaphore, #tpu.memory_space<semaphore_mem>>, %arg28: memref<!tpu.dma_semaphore, #tpu.memory_space<semaphore_mem>>, %arg29: memref<!tpu.dma_semaphore, #tpu.memory_space<semaphore_mem>>, %arg30: memref<!tpu.dma_semaphore, #tpu.memory_space<semaphore_mem>>, %arg31: memref<!tpu.dma_semaphore, #tpu.memory_space<semaphore_mem>>, %arg32: memref<10112x16xf32, #tpu.memory_space<vmem_shared>>) attributes {dimension_semantics = [#tpu.dimension_semantics<core_parallel>, #tpu.dimension_semantics<subcore_parallel>], iteration_bounds = array<i64: 2, 16>, scalar_prefetch = 0 : i64, scratch_operands = 27 : i64, tpu.core_type = #tpu.core_type<sc_vector_subcore>, window_params = [{transform_indices = #map}, {transform_indices = #map1}, {transform_indices = #map}, {transform_indices = #map2}]} {
    %mul3A = arith.constant 2 : i32
    %mul3A_0 = arith.muli %arg1, %mul3A : i32
    %add3A = arith.addi %mul3A_0, %arg0 : i32
    %mul3A_1 = arith.constant 632 : i32
    %mul3A_2 = arith.muli %arg1, %mul3A_1 : i32
    %mul3A_3 = arith.constant 632 : i32
    %mul3A_4 = arith.muli %arg1, %mul3A_3 : i32
    "tpu.region"() ({
      %run_scoped3A_126 = tpu.sem_alloc : memref<!tpu.dma_semaphore, #tpu.memory_space<semaphore_mem>>
      %dma_start3A_127 = arith.constant 0 : i32
      %dma_start3A_128 = tpu.memref_slice %arg32[%mul3A_4, %dma_start3A_127] : memref<10112x16xf32, #tpu.memory_space<vmem_shared>> -> memref<632x16xf32, #tpu.memory_space<vmem_shared>>
      %dma_start3A_129 = arith.constant 0 : i32
      %dma_start3A_130 = tpu.memref_slice %arg4[%mul3A_2, %dma_start3A_129] : memref<10112x16xf32, #tpu.memory_space<hbm>> -> memref<632x16xf32, #tpu.memory_space<hbm>>
      tpu.enqueue_dma source(%dma_start3A_130 : memref<632x16xf32, #tpu.memory_space<hbm>>) target(%dma_start3A_128 : memref<632x16xf32, #tpu.memory_space<vmem_shared>>) target_semaphore(%run_scoped3A_126 : memref<!tpu.dma_semaphore, #tpu.memory_space<semaphore_mem>>)
      %dma_wait3A_131 = arith.constant 0 : i32
      %dma_wait3A_132 = tpu.memref_slice %arg32[%mul3A_4, %dma_wait3A_131] : memref<10112x16xf32, #tpu.memory_space<vmem_shared>> -> memref<632x16xf32, #tpu.memory_space<vmem_shared>>
      %dma_wait3A_133 = arith.constant 0 : i32
      %dma_wait3A_134 = tpu.memref_slice %arg4[%mul3A_2, %dma_wait3A_133] : memref<10112x16xf32, #tpu.memory_space<hbm>> -> memref<632x16xf32, #tpu.memory_space<hbm>>
      tpu.wait_dma2 semaphore(%run_scoped3A_126 : memref<!tpu.dma_semaphore, #tpu.memory_space<semaphore_mem>>) src(%dma_wait3A_134 : memref<632x16xf32, #tpu.memory_space<hbm>>) dst(%dma_wait3A_132 : memref<632x16xf32, #tpu.memory_space<vmem_shared>>)
      tpu.yield
    }) : () -> ()
    %run_scoped3A = arith.constant 0 : i32
    "tpu.region"() ({
      %run_scoped3A_126 = tpu.sem_alloc : memref<!tpu.dma_semaphore, #tpu.memory_space<semaphore_mem>>
      %dma_start3A_127 = arith.constant 0 : i32
      %dma_start3A_128 = arith.constant 0 : i32
      %dma_start3A_129 = tpu.memref_slice %arg3[%run_scoped3A, %add3A, %dma_start3A_127, %dma_start3A_128] : memref<2x32x40x250xi32, #tpu.memory_space<hbm>> -> memref<1x1x40x250xi32, #tpu.memory_space<hbm>>
      %dma_start3A_130 = tpu.memref_squeeze %dma_start3A_129 : memref<1x1x40x250xi32, #tpu.memory_space<hbm>> -> memref<40x250xi32, #tpu.memory_space<hbm>>
      %dma_start3A_131 = arith.constant 0 : i32
      %dma_start3A_132 = arith.constant 0 : i32
      %dma_start3A_133 = tpu.memref_slice %arg3[%run_scoped3A, %add3A, %dma_start3A_131, %dma_start3A_132] : memref<2x32x40x250xi32, #tpu.memory_space<hbm>> -> memref<1x1x40x250xi32, #tpu.memory_space<hbm>>
      %dma_start3A_134 = tpu.memref_squeeze %dma_start3A_133 : memref<1x1x40x250xi32, #tpu.memory_space<hbm>> -> memref<40x250xi32, #tpu.memory_space<hbm>>
      tpu.enqueue_dma source(%dma_start3A_134 : memref<40x250xi32, #tpu.memory_space<hbm>>) target(%arg6 : memref<40x250xi32, #tpu.memory_space<vmem>>) target_semaphore(%run_scoped3A_126 : memref<!tpu.dma_semaphore, #tpu.memory_space<semaphore_mem>>)
      %dma_wait3A_135 = arith.constant 0 : i32
      %dma_wait3A_136 = arith.constant 0 : i32
      %dma_wait3A_137 = tpu.memref_slice %arg3[%run_scoped3A, %add3A, %dma_wait3A_135, %dma_wait3A_136] : memref<2x32x40x250xi32, #tpu.memory_space<hbm>> -> memref<1x1x40x250xi32, #tpu.memory_space<hbm>>
      %dma_wait3A_138 = tpu.memref_squeeze %dma_wait3A_137 : memref<1x1x40x250xi32, #tpu.memory_space<hbm>> -> memref<40x250xi32, #tpu.memory_space<hbm>>
      %dma_wait3A_139 = arith.constant 0 : i32
      %dma_wait3A_140 = arith.constant 0 : i32
      %dma_wait3A_141 = tpu.memref_slice %arg3[%run_scoped3A, %add3A, %dma_wait3A_139, %dma_wait3A_140] : memref<2x32x40x250xi32, #tpu.memory_space<hbm>> -> memref<1x1x40x250xi32, #tpu.memory_space<hbm>>
      %dma_wait3A_142 = tpu.memref_squeeze %dma_wait3A_141 : memref<1x1x40x250xi32, #tpu.memory_space<hbm>> -> memref<40x250xi32, #tpu.memory_space<hbm>>
      tpu.wait_dma2 semaphore(%run_scoped3A_126 : memref<!tpu.dma_semaphore, #tpu.memory_space<semaphore_mem>>) src(%dma_wait3A_142 : memref<40x250xi32, #tpu.memory_space<hbm>>) dst(%arg6 : memref<40x250xi32, #tpu.memory_space<vmem>>)
      tpu.yield
    }) : () -> ()
    %run_scoped3A_5 = arith.constant 1 : i32
    "tpu.region"() ({
      %run_scoped3A_126 = tpu.sem_alloc : memref<!tpu.dma_semaphore, #tpu.memory_space<semaphore_mem>>
      %dma_start3A_127 = arith.constant 0 : i32
      %dma_start3A_128 = arith.constant 0 : i32
      %dma_start3A_129 = tpu.memref_slice %arg3[%run_scoped3A_5, %add3A, %dma_start3A_127, %dma_start3A_128] : memref<2x32x40x250xi32, #tpu.memory_space<hbm>> -> memref<1x1x40x250xi32, #tpu.memory_space<hbm>>
      %dma_start3A_130 = tpu.memref_squeeze %dma_start3A_129 : memref<1x1x40x250xi32, #tpu.memory_space<hbm>> -> memref<40x250xi32, #tpu.memory_space<hbm>>
      %dma_start3A_131 = arith.constant 0 : i32
      %dma_start3A_132 = arith.constant 0 : i32
      %dma_start3A_133 = tpu.memref_slice %arg3[%run_scoped3A_5, %add3A, %dma_start3A_131, %dma_start3A_132] : memref<2x32x40x250xi32, #tpu.memory_space<hbm>> -> memref<1x1x40x250xi32, #tpu.memory_space<hbm>>
      %dma_start3A_134 = tpu.memref_squeeze %dma_start3A_133 : memref<1x1x40x250xi32, #tpu.memory_space<hbm>> -> memref<40x250xi32, #tpu.memory_space<hbm>>
      tpu.enqueue_dma source(%dma_start3A_134 : memref<40x250xi32, #tpu.memory_space<hbm>>) target(%arg7 : memref<40x250xi32, #tpu.memory_space<vmem>>) target_semaphore(%run_scoped3A_126 : memref<!tpu.dma_semaphore, #tpu.memory_space<semaphore_mem>>)
      %dma_wait3A_135 = arith.constant 0 : i32
      %dma_wait3A_136 = arith.constant 0 : i32
      %dma_wait3A_137 = tpu.memref_slice %arg3[%run_scoped3A_5, %add3A, %dma_wait3A_135, %dma_wait3A_136] : memref<2x32x40x250xi32, #tpu.memory_space<hbm>> -> memref<1x1x40x250xi32, #tpu.memory_space<hbm>>
      %dma_wait3A_138 = tpu.memref_squeeze %dma_wait3A_137 : memref<1x1x40x250xi32, #tpu.memory_space<hbm>> -> memref<40x250xi32, #tpu.memory_space<hbm>>
      %dma_wait3A_139 = arith.constant 0 : i32
      %dma_wait3A_140 = arith.constant 0 : i32
      %dma_wait3A_141 = tpu.memref_slice %arg3[%run_scoped3A_5, %add3A, %dma_wait3A_139, %dma_wait3A_140] : memref<2x32x40x250xi32, #tpu.memory_space<hbm>> -> memref<1x1x40x250xi32, #tpu.memory_space<hbm>>
      %dma_wait3A_142 = tpu.memref_squeeze %dma_wait3A_141 : memref<1x1x40x250xi32, #tpu.memory_space<hbm>> -> memref<40x250xi32, #tpu.memory_space<hbm>>
      tpu.wait_dma2 semaphore(%run_scoped3A_126 : memref<!tpu.dma_semaphore, #tpu.memory_space<semaphore_mem>>) src(%dma_wait3A_142 : memref<40x250xi32, #tpu.memory_space<hbm>>) dst(%arg7 : memref<40x250xi32, #tpu.memory_space<vmem>>)
      tpu.yield
    }) : () -> ()
    %barrier3A = arith.constant 0 : index
    tpu.barrier barrier_id(%barrier3A)
    %dma_start3A = arith.constant 0 : i32
    %dma_start3A_6 = arith.constant 0 : i32
    %dma_start3A_7 = tpu.memref_slice %arg6[%dma_start3A, %dma_start3A_6] : memref<40x250xi32, #tpu.memory_space<vmem>> -> memref<1x250xi32, #tpu.memory_space<vmem>>
    %dma_start3A_8 = tpu.memref_squeeze %dma_start3A_7 : memref<1x250xi32, #tpu.memory_space<vmem>> -> memref<250xi32, #tpu.memory_space<vmem>>
    %dma_start3A_9 = arith.constant 0 : i32
    %dma_start3A_10 = arith.constant 0 : i32
    %dma_start3A_11 = tpu.memref_slice %arg2[%dma_start3A_9, %dma_start3A_10] : memref<10000x16xf32, #tpu.memory_space<hbm>> -> memref<10000x16xf32, #tpu.memory_space<hbm>>
    tpu.enqueue_indirect_dma source(%dma_start3A_11 : memref<10000x16xf32, #tpu.memory_space<hbm>>) target(%arg8 : memref<250x16xf32, #tpu.memory_space<vmem>>) offsets(%dma_start3A_8 : memref<250xi32, #tpu.memory_space<vmem>>) semaphore(%arg16 : memref<!tpu.dma_semaphore, #tpu.memory_space<semaphore_mem>>)
    %dma_start3A_12 = arith.constant 1 : i32
    %dma_start3A_13 = arith.constant 0 : i32
    %dma_start3A_14 = tpu.memref_slice %arg6[%dma_start3A_12, %dma_start3A_13] : memref<40x250xi32, #tpu.memory_space<vmem>> -> memref<1x250xi32, #tpu.memory_space<vmem>>
    %dma_start3A_15 = tpu.memref_squeeze %dma_start3A_14 : memref<1x250xi32, #tpu.memory_space<vmem>> -> memref<250xi32, #tpu.memory_space<vmem>>
    %dma_start3A_16 = arith.constant 0 : i32
    %dma_start3A_17 = arith.constant 0 : i32
    %dma_start3A_18 = tpu.memref_slice %arg2[%dma_start3A_16, %dma_start3A_17] : memref<10000x16xf32, #tpu.memory_space<hbm>> -> memref<10000x16xf32, #tpu.memory_space<hbm>>
    tpu.enqueue_indirect_dma source(%dma_start3A_18 : memref<10000x16xf32, #tpu.memory_space<hbm>>) target(%arg9 : memref<250x16xf32, #tpu.memory_space<vmem>>) offsets(%dma_start3A_15 : memref<250xi32, #tpu.memory_space<vmem>>) semaphore(%arg17 : memref<!tpu.dma_semaphore, #tpu.memory_space<semaphore_mem>>)
    %dma_start3A_19 = arith.constant 2 : i32
    %dma_start3A_20 = arith.constant 0 : i32
    %dma_start3A_21 = tpu.memref_slice %arg6[%dma_start3A_19, %dma_start3A_20] : memref<40x250xi32, #tpu.memory_space<vmem>> -> memref<1x250xi32, #tpu.memory_space<vmem>>
    %dma_start3A_22 = tpu.memref_squeeze %dma_start3A_21 : memref<1x250xi32, #tpu.memory_space<vmem>> -> memref<250xi32, #tpu.memory_space<vmem>>
    %dma_start3A_23 = arith.constant 0 : i32
    %dma_start3A_24 = arith.constant 0 : i32
    %dma_start3A_25 = tpu.memref_slice %arg2[%dma_start3A_23, %dma_start3A_24] : memref<10000x16xf32, #tpu.memory_space<hbm>> -> memref<10000x16xf32, #tpu.memory_space<hbm>>
    tpu.enqueue_indirect_dma source(%dma_start3A_25 : memref<10000x16xf32, #tpu.memory_space<hbm>>) target(%arg10 : memref<250x16xf32, #tpu.memory_space<vmem>>) offsets(%dma_start3A_22 : memref<250xi32, #tpu.memory_space<vmem>>) semaphore(%arg18 : memref<!tpu.dma_semaphore, #tpu.memory_space<semaphore_mem>>)
    %dma_start3A_26 = arith.constant 3 : i32
    %dma_start3A_27 = arith.constant 0 : i32
    %dma_start3A_28 = tpu.memref_slice %arg6[%dma_start3A_26, %dma_start3A_27] : memref<40x250xi32, #tpu.memory_space<vmem>> -> memref<1x250xi32, #tpu.memory_space<vmem>>
    %dma_start3A_29 = tpu.memref_squeeze %dma_start3A_28 : memref<1x250xi32, #tpu.memory_space<vmem>> -> memref<250xi32, #tpu.memory_space<vmem>>
    %dma_start3A_30 = arith.constant 0 : i32
    %dma_start3A_31 = arith.constant 0 : i32
    %dma_start3A_32 = tpu.memref_slice %arg2[%dma_start3A_30, %dma_start3A_31] : memref<10000x16xf32, #tpu.memory_space<hbm>> -> memref<10000x16xf32, #tpu.memory_space<hbm>>
    tpu.enqueue_indirect_dma source(%dma_start3A_32 : memref<10000x16xf32, #tpu.memory_space<hbm>>) target(%arg11 : memref<250x16xf32, #tpu.memory_space<vmem>>) offsets(%dma_start3A_29 : memref<250xi32, #tpu.memory_space<vmem>>) semaphore(%arg19 : memref<!tpu.dma_semaphore, #tpu.memory_space<semaphore_mem>>)
    %dma_start3A_33 = arith.constant 4 : i32
    %dma_start3A_34 = arith.constant 0 : i32
    %dma_start3A_35 = tpu.memref_slice %arg6[%dma_start3A_33, %dma_start3A_34] : memref<40x250xi32, #tpu.memory_space<vmem>> -> memref<1x250xi32, #tpu.memory_space<vmem>>
    %dma_start3A_36 = tpu.memref_squeeze %dma_start3A_35 : memref<1x250xi32, #tpu.memory_space<vmem>> -> memref<250xi32, #tpu.memory_space<vmem>>
    %dma_start3A_37 = arith.constant 0 : i32
    %dma_start3A_38 = arith.constant 0 : i32
    %dma_start3A_39 = tpu.memref_slice %arg2[%dma_start3A_37, %dma_start3A_38] : memref<10000x16xf32, #tpu.memory_space<hbm>> -> memref<10000x16xf32, #tpu.memory_space<hbm>>
    tpu.enqueue_indirect_dma source(%dma_start3A_39 : memref<10000x16xf32, #tpu.memory_space<hbm>>) target(%arg12 : memref<250x16xf32, #tpu.memory_space<vmem>>) offsets(%dma_start3A_36 : memref<250xi32, #tpu.memory_space<vmem>>) semaphore(%arg20 : memref<!tpu.dma_semaphore, #tpu.memory_space<semaphore_mem>>)
    %dma_start3A_40 = arith.constant 5 : i32
    %dma_start3A_41 = arith.constant 0 : i32
    %dma_start3A_42 = tpu.memref_slice %arg6[%dma_start3A_40, %dma_start3A_41] : memref<40x250xi32, #tpu.memory_space<vmem>> -> memref<1x250xi32, #tpu.memory_space<vmem>>
    %dma_start3A_43 = tpu.memref_squeeze %dma_start3A_42 : memref<1x250xi32, #tpu.memory_space<vmem>> -> memref<250xi32, #tpu.memory_space<vmem>>
    %dma_start3A_44 = arith.constant 0 : i32
    %dma_start3A_45 = arith.constant 0 : i32
    %dma_start3A_46 = tpu.memref_slice %arg2[%dma_start3A_44, %dma_start3A_45] : memref<10000x16xf32, #tpu.memory_space<hbm>> -> memref<10000x16xf32, #tpu.memory_space<hbm>>
    tpu.enqueue_indirect_dma source(%dma_start3A_46 : memref<10000x16xf32, #tpu.memory_space<hbm>>) target(%arg13 : memref<250x16xf32, #tpu.memory_space<vmem>>) offsets(%dma_start3A_43 : memref<250xi32, #tpu.memory_space<vmem>>) semaphore(%arg21 : memref<!tpu.dma_semaphore, #tpu.memory_space<semaphore_mem>>)
    %dma_start3A_47 = arith.constant 6 : i32
    %dma_start3A_48 = arith.constant 0 : i32
    %dma_start3A_49 = tpu.memref_slice %arg6[%dma_start3A_47, %dma_start3A_48] : memref<40x250xi32, #tpu.memory_space<vmem>> -> memref<1x250xi32, #tpu.memory_space<vmem>>
    %dma_start3A_50 = tpu.memref_squeeze %dma_start3A_49 : memref<1x250xi32, #tpu.memory_space<vmem>> -> memref<250xi32, #tpu.memory_space<vmem>>
    %dma_start3A_51 = arith.constant 0 : i32
    %dma_start3A_52 = arith.constant 0 : i32
    %dma_start3A_53 = tpu.memref_slice %arg2[%dma_start3A_51, %dma_start3A_52] : memref<10000x16xf32, #tpu.memory_space<hbm>> -> memref<10000x16xf32, #tpu.memory_space<hbm>>
    tpu.enqueue_indirect_dma source(%dma_start3A_53 : memref<10000x16xf32, #tpu.memory_space<hbm>>) target(%arg14 : memref<250x16xf32, #tpu.memory_space<vmem>>) offsets(%dma_start3A_50 : memref<250xi32, #tpu.memory_space<vmem>>) semaphore(%arg22 : memref<!tpu.dma_semaphore, #tpu.memory_space<semaphore_mem>>)
    %dma_start3A_54 = arith.constant 7 : i32
    %dma_start3A_55 = arith.constant 0 : i32
    %dma_start3A_56 = tpu.memref_slice %arg6[%dma_start3A_54, %dma_start3A_55] : memref<40x250xi32, #tpu.memory_space<vmem>> -> memref<1x250xi32, #tpu.memory_space<vmem>>
    %dma_start3A_57 = tpu.memref_squeeze %dma_start3A_56 : memref<1x250xi32, #tpu.memory_space<vmem>> -> memref<250xi32, #tpu.memory_space<vmem>>
    %dma_start3A_58 = arith.constant 0 : i32
    %dma_start3A_59 = arith.constant 0 : i32
    %dma_start3A_60 = tpu.memref_slice %arg2[%dma_start3A_58, %dma_start3A_59] : memref<10000x16xf32, #tpu.memory_space<hbm>> -> memref<10000x16xf32, #tpu.memory_space<hbm>>
    tpu.enqueue_indirect_dma source(%dma_start3A_60 : memref<10000x16xf32, #tpu.memory_space<hbm>>) target(%arg15 : memref<250x16xf32, #tpu.memory_space<vmem>>) offsets(%dma_start3A_57 : memref<250xi32, #tpu.memory_space<vmem>>) semaphore(%arg23 : memref<!tpu.dma_semaphore, #tpu.memory_space<semaphore_mem>>)
    %scan3A = arith.constant 0 : i32
    %scan3A_61 = arith.constant 0 : i32
    %scan3A_62 = arith.constant 5 : i32
    %scan3A_63 = arith.addi %scan3A_61, %scan3A_62 : i32
    %scan3A_64 = arith.constant 1 : i32
    scf.for %scan3A_126 = %scan3A_61 to %scan3A_63 step %scan3A_64  : i32 {
      %mul3A_127 = arith.constant 8 : i32
      %mul3A_128 = arith.muli %scan3A_126, %mul3A_127 : i32
      %add3A_129 = arith.constant 0 : i32
      %add3A_130 = arith.addi %mul3A_128, %add3A_129 : i32
      %dma_wait3A_131 = arith.constant 0 : i32
      %dma_wait3A_132 = tpu.memref_slice %arg6[%add3A_130, %dma_wait3A_131] : memref<40x250xi32, #tpu.memory_space<vmem>> -> memref<1x250xi32, #tpu.memory_space<vmem>>
      %dma_wait3A_133 = tpu.memref_squeeze %dma_wait3A_132 : memref<1x250xi32, #tpu.memory_space<vmem>> -> memref<250xi32, #tpu.memory_space<vmem>>
      %dma_wait3A_134 = arith.constant 0 : i32
      %dma_wait3A_135 = arith.constant 0 : i32
      %dma_wait3A_136 = tpu.memref_slice %arg2[%dma_wait3A_134, %dma_wait3A_135] : memref<10000x16xf32, #tpu.memory_space<hbm>> -> memref<10000x16xf32, #tpu.memory_space<hbm>>
      tpu.wait_indirect_dma semaphore(%arg16 : memref<!tpu.dma_semaphore, #tpu.memory_space<semaphore_mem>>) src(%dma_wait3A_136 : memref<10000x16xf32, #tpu.memory_space<hbm>>) dst(%arg8 : memref<250x16xf32, #tpu.memory_space<vmem>>)
      %dma_start3A_137 = arith.constant 0 : i32
      %dma_start3A_138 = tpu.memref_slice %arg7[%add3A_130, %dma_start3A_137] : memref<40x250xi32, #tpu.memory_space<vmem>> -> memref<1x250xi32, #tpu.memory_space<vmem>>
      %dma_start3A_139 = tpu.memref_squeeze %dma_start3A_138 : memref<1x250xi32, #tpu.memory_space<vmem>> -> memref<250xi32, #tpu.memory_space<vmem>>
      %dma_start3A_140 = arith.constant 0 : i32
      %dma_start3A_141 = arith.constant 0 : i32
      %dma_start3A_142 = tpu.memref_slice %arg32[%dma_start3A_140, %dma_start3A_141] : memref<10112x16xf32, #tpu.memory_space<vmem_shared>> -> memref<10112x16xf32, #tpu.memory_space<vmem_shared>>
      tpu.enqueue_indirect_dma source(%arg8 : memref<250x16xf32, #tpu.memory_space<vmem>>) target(%dma_start3A_142 : memref<10112x16xf32, #tpu.memory_space<vmem_shared>>) offsets(%dma_start3A_139 : memref<250xi32, #tpu.memory_space<vmem>>) semaphore(%arg24 : memref<!tpu.dma_semaphore, #tpu.memory_space<semaphore_mem>>) {add = true}
      %add3A_143 = arith.constant 1 : i32
      %add3A_144 = arith.addi %mul3A_128, %add3A_143 : i32
      %dma_wait3A_145 = arith.constant 0 : i32
      %dma_wait3A_146 = tpu.memref_slice %arg6[%add3A_144, %dma_wait3A_145] : memref<40x250xi32, #tpu.memory_space<vmem>> -> memref<1x250xi32, #tpu.memory_space<vmem>>
      %dma_wait3A_147 = tpu.memref_squeeze %dma_wait3A_146 : memref<1x250xi32, #tpu.memory_space<vmem>> -> memref<250xi32, #tpu.memory_space<vmem>>
      %dma_wait3A_148 = arith.constant 0 : i32
      %dma_wait3A_149 = arith.constant 0 : i32
      %dma_wait3A_150 = tpu.memref_slice %arg2[%dma_wait3A_148, %dma_wait3A_149] : memref<10000x16xf32, #tpu.memory_space<hbm>> -> memref<10000x16xf32, #tpu.memory_space<hbm>>
      tpu.wait_indirect_dma semaphore(%arg17 : memref<!tpu.dma_semaphore, #tpu.memory_space<semaphore_mem>>) src(%dma_wait3A_150 : memref<10000x16xf32, #tpu.memory_space<hbm>>) dst(%arg9 : memref<250x16xf32, #tpu.memory_space<vmem>>)
      %dma_start3A_151 = arith.constant 0 : i32
      %dma_start3A_152 = tpu.memref_slice %arg7[%add3A_144, %dma_start3A_151] : memref<40x250xi32, #tpu.memory_space<vmem>> -> memref<1x250xi32, #tpu.memory_space<vmem>>
      %dma_start3A_153 = tpu.memref_squeeze %dma_start3A_152 : memref<1x250xi32, #tpu.memory_space<vmem>> -> memref<250xi32, #tpu.memory_space<vmem>>
      %dma_start3A_154 = arith.constant 0 : i32
      %dma_start3A_155 = arith.constant 0 : i32
      %dma_start3A_156 = tpu.memref_slice %arg32[%dma_start3A_154, %dma_start3A_155] : memref<10112x16xf32, #tpu.memory_space<vmem_shared>> -> memref<10112x16xf32, #tpu.memory_space<vmem_shared>>
      tpu.enqueue_indirect_dma source(%arg9 : memref<250x16xf32, #tpu.memory_space<vmem>>) target(%dma_start3A_156 : memref<10112x16xf32, #tpu.memory_space<vmem_shared>>) offsets(%dma_start3A_153 : memref<250xi32, #tpu.memory_space<vmem>>) semaphore(%arg25 : memref<!tpu.dma_semaphore, #tpu.memory_space<semaphore_mem>>) {add = true}
      %add3A_157 = arith.constant 2 : i32
      %add3A_158 = arith.addi %mul3A_128, %add3A_157 : i32
      %dma_wait3A_159 = arith.constant 0 : i32
      %dma_wait3A_160 = tpu.memref_slice %arg6[%add3A_158, %dma_wait3A_159] : memref<40x250xi32, #tpu.memory_space<vmem>> -> memref<1x250xi32, #tpu.memory_space<vmem>>
      %dma_wait3A_161 = tpu.memref_squeeze %dma_wait3A_160 : memref<1x250xi32, #tpu.memory_space<vmem>> -> memref<250xi32, #tpu.memory_space<vmem>>
      %dma_wait3A_162 = arith.constant 0 : i32
      %dma_wait3A_163 = arith.constant 0 : i32
      %dma_wait3A_164 = tpu.memref_slice %arg2[%dma_wait3A_162, %dma_wait3A_163] : memref<10000x16xf32, #tpu.memory_space<hbm>> -> memref<10000x16xf32, #tpu.memory_space<hbm>>
      tpu.wait_indirect_dma semaphore(%arg18 : memref<!tpu.dma_semaphore, #tpu.memory_space<semaphore_mem>>) src(%dma_wait3A_164 : memref<10000x16xf32, #tpu.memory_space<hbm>>) dst(%arg10 : memref<250x16xf32, #tpu.memory_space<vmem>>)
      %dma_start3A_165 = arith.constant 0 : i32
      %dma_start3A_166 = tpu.memref_slice %arg7[%add3A_158, %dma_start3A_165] : memref<40x250xi32, #tpu.memory_space<vmem>> -> memref<1x250xi32, #tpu.memory_space<vmem>>
      %dma_start3A_167 = tpu.memref_squeeze %dma_start3A_166 : memref<1x250xi32, #tpu.memory_space<vmem>> -> memref<250xi32, #tpu.memory_space<vmem>>
      %dma_start3A_168 = arith.constant 0 : i32
      %dma_start3A_169 = arith.constant 0 : i32
      %dma_start3A_170 = tpu.memref_slice %arg32[%dma_start3A_168, %dma_start3A_169] : memref<10112x16xf32, #tpu.memory_space<vmem_shared>> -> memref<10112x16xf32, #tpu.memory_space<vmem_shared>>
      tpu.enqueue_indirect_dma source(%arg10 : memref<250x16xf32, #tpu.memory_space<vmem>>) target(%dma_start3A_170 : memref<10112x16xf32, #tpu.memory_space<vmem_shared>>) offsets(%dma_start3A_167 : memref<250xi32, #tpu.memory_space<vmem>>) semaphore(%arg26 : memref<!tpu.dma_semaphore, #tpu.memory_space<semaphore_mem>>) {add = true}
      %add3A_171 = arith.constant 3 : i32
      %add3A_172 = arith.addi %mul3A_128, %add3A_171 : i32
      %dma_wait3A_173 = arith.constant 0 : i32
      %dma_wait3A_174 = tpu.memref_slice %arg6[%add3A_172, %dma_wait3A_173] : memref<40x250xi32, #tpu.memory_space<vmem>> -> memref<1x250xi32, #tpu.memory_space<vmem>>
      %dma_wait3A_175 = tpu.memref_squeeze %dma_wait3A_174 : memref<1x250xi32, #tpu.memory_space<vmem>> -> memref<250xi32, #tpu.memory_space<vmem>>
      %dma_wait3A_176 = arith.constant 0 : i32
      %dma_wait3A_177 = arith.constant 0 : i32
      %dma_wait3A_178 = tpu.memref_slice %arg2[%dma_wait3A_176, %dma_wait3A_177] : memref<10000x16xf32, #tpu.memory_space<hbm>> -> memref<10000x16xf32, #tpu.memory_space<hbm>>
      tpu.wait_indirect_dma semaphore(%arg19 : memref<!tpu.dma_semaphore, #tpu.memory_space<semaphore_mem>>) src(%dma_wait3A_178 : memref<10000x16xf32, #tpu.memory_space<hbm>>) dst(%arg11 : memref<250x16xf32, #tpu.memory_space<vmem>>)
      %dma_start3A_179 = arith.constant 0 : i32
      %dma_start3A_180 = tpu.memref_slice %arg7[%add3A_172, %dma_start3A_179] : memref<40x250xi32, #tpu.memory_space<vmem>> -> memref<1x250xi32, #tpu.memory_space<vmem>>
      %dma_start3A_181 = tpu.memref_squeeze %dma_start3A_180 : memref<1x250xi32, #tpu.memory_space<vmem>> -> memref<250xi32, #tpu.memory_space<vmem>>
      %dma_start3A_182 = arith.constant 0 : i32
      %dma_start3A_183 = arith.constant 0 : i32
      %dma_start3A_184 = tpu.memref_slice %arg32[%dma_start3A_182, %dma_start3A_183] : memref<10112x16xf32, #tpu.memory_space<vmem_shared>> -> memref<10112x16xf32, #tpu.memory_space<vmem_shared>>
      tpu.enqueue_indirect_dma source(%arg11 : memref<250x16xf32, #tpu.memory_space<vmem>>) target(%dma_start3A_184 : memref<10112x16xf32, #tpu.memory_space<vmem_shared>>) offsets(%dma_start3A_181 : memref<250xi32, #tpu.memory_space<vmem>>) semaphore(%arg27 : memref<!tpu.dma_semaphore, #tpu.memory_space<semaphore_mem>>) {add = true}
      %add3A_185 = arith.constant 4 : i32
      %add3A_186 = arith.addi %mul3A_128, %add3A_185 : i32
      %dma_wait3A_187 = arith.constant 0 : i32
      %dma_wait3A_188 = tpu.memref_slice %arg6[%add3A_186, %dma_wait3A_187] : memref<40x250xi32, #tpu.memory_space<vmem>> -> memref<1x250xi32, #tpu.memory_space<vmem>>
      %dma_wait3A_189 = tpu.memref_squeeze %dma_wait3A_188 : memref<1x250xi32, #tpu.memory_space<vmem>> -> memref<250xi32, #tpu.memory_space<vmem>>
      %dma_wait3A_190 = arith.constant 0 : i32
      %dma_wait3A_191 = arith.constant 0 : i32
      %dma_wait3A_192 = tpu.memref_slice %arg2[%dma_wait3A_190, %dma_wait3A_191] : memref<10000x16xf32, #tpu.memory_space<hbm>> -> memref<10000x16xf32, #tpu.memory_space<hbm>>
      tpu.wait_indirect_dma semaphore(%arg20 : memref<!tpu.dma_semaphore, #tpu.memory_space<semaphore_mem>>) src(%dma_wait3A_192 : memref<10000x16xf32, #tpu.memory_space<hbm>>) dst(%arg12 : memref<250x16xf32, #tpu.memory_space<vmem>>)
      %dma_start3A_193 = arith.constant 0 : i32
      %dma_start3A_194 = tpu.memref_slice %arg7[%add3A_186, %dma_start3A_193] : memref<40x250xi32, #tpu.memory_space<vmem>> -> memref<1x250xi32, #tpu.memory_space<vmem>>
      %dma_start3A_195 = tpu.memref_squeeze %dma_start3A_194 : memref<1x250xi32, #tpu.memory_space<vmem>> -> memref<250xi32, #tpu.memory_space<vmem>>
      %dma_start3A_196 = arith.constant 0 : i32
      %dma_start3A_197 = arith.constant 0 : i32
      %dma_start3A_198 = tpu.memref_slice %arg32[%dma_start3A_196, %dma_start3A_197] : memref<10112x16xf32, #tpu.memory_space<vmem_shared>> -> memref<10112x16xf32, #tpu.memory_space<vmem_shared>>
      tpu.enqueue_indirect_dma source(%arg12 : memref<250x16xf32, #tpu.memory_space<vmem>>) target(%dma_start3A_198 : memref<10112x16xf32, #tpu.memory_space<vmem_shared>>) offsets(%dma_start3A_195 : memref<250xi32, #tpu.memory_space<vmem>>) semaphore(%arg28 : memref<!tpu.dma_semaphore, #tpu.memory_space<semaphore_mem>>) {add = true}
      %add3A_199 = arith.constant 5 : i32
      %add3A_200 = arith.addi %mul3A_128, %add3A_199 : i32
      %dma_wait3A_201 = arith.constant 0 : i32
      %dma_wait3A_202 = tpu.memref_slice %arg6[%add3A_200, %dma_wait3A_201] : memref<40x250xi32, #tpu.memory_space<vmem>> -> memref<1x250xi32, #tpu.memory_space<vmem>>
      %dma_wait3A_203 = tpu.memref_squeeze %dma_wait3A_202 : memref<1x250xi32, #tpu.memory_space<vmem>> -> memref<250xi32, #tpu.memory_space<vmem>>
      %dma_wait3A_204 = arith.constant 0 : i32
      %dma_wait3A_205 = arith.constant 0 : i32
      %dma_wait3A_206 = tpu.memref_slice %arg2[%dma_wait3A_204, %dma_wait3A_205] : memref<10000x16xf32, #tpu.memory_space<hbm>> -> memref<10000x16xf32, #tpu.memory_space<hbm>>
      tpu.wait_indirect_dma semaphore(%arg21 : memref<!tpu.dma_semaphore, #tpu.memory_space<semaphore_mem>>) src(%dma_wait3A_206 : memref<10000x16xf32, #tpu.memory_space<hbm>>) dst(%arg13 : memref<250x16xf32, #tpu.memory_space<vmem>>)
      %dma_start3A_207 = arith.constant 0 : i32
      %dma_start3A_208 = tpu.memref_slice %arg7[%add3A_200, %dma_start3A_207] : memref<40x250xi32, #tpu.memory_space<vmem>> -> memref<1x250xi32, #tpu.memory_space<vmem>>
      %dma_start3A_209 = tpu.memref_squeeze %dma_start3A_208 : memref<1x250xi32, #tpu.memory_space<vmem>> -> memref<250xi32, #tpu.memory_space<vmem>>
      %dma_start3A_210 = arith.constant 0 : i32
      %dma_start3A_211 = arith.constant 0 : i32
      %dma_start3A_212 = tpu.memref_slice %arg32[%dma_start3A_210, %dma_start3A_211] : memref<10112x16xf32, #tpu.memory_space<vmem_shared>> -> memref<10112x16xf32, #tpu.memory_space<vmem_shared>>
      tpu.enqueue_indirect_dma source(%arg13 : memref<250x16xf32, #tpu.memory_space<vmem>>) target(%dma_start3A_212 : memref<10112x16xf32, #tpu.memory_space<vmem_shared>>) offsets(%dma_start3A_209 : memref<250xi32, #tpu.memory_space<vmem>>) semaphore(%arg29 : memref<!tpu.dma_semaphore, #tpu.memory_space<semaphore_mem>>) {add = true}
      %add3A_213 = arith.constant 6 : i32
      %add3A_214 = arith.addi %mul3A_128, %add3A_213 : i32
      %dma_wait3A_215 = arith.constant 0 : i32
      %dma_wait3A_216 = tpu.memref_slice %arg6[%add3A_214, %dma_wait3A_215] : memref<40x250xi32, #tpu.memory_space<vmem>> -> memref<1x250xi32, #tpu.memory_space<vmem>>
      %dma_wait3A_217 = tpu.memref_squeeze %dma_wait3A_216 : memref<1x250xi32, #tpu.memory_space<vmem>> -> memref<250xi32, #tpu.memory_space<vmem>>
      %dma_wait3A_218 = arith.constant 0 : i32
      %dma_wait3A_219 = arith.constant 0 : i32
      %dma_wait3A_220 = tpu.memref_slice %arg2[%dma_wait3A_218, %dma_wait3A_219] : memref<10000x16xf32, #tpu.memory_space<hbm>> -> memref<10000x16xf32, #tpu.memory_space<hbm>>
      tpu.wait_indirect_dma semaphore(%arg22 : memref<!tpu.dma_semaphore, #tpu.memory_space<semaphore_mem>>) src(%dma_wait3A_220 : memref<10000x16xf32, #tpu.memory_space<hbm>>) dst(%arg14 : memref<250x16xf32, #tpu.memory_space<vmem>>)
      %dma_start3A_221 = arith.constant 0 : i32
      %dma_start3A_222 = tpu.memref_slice %arg7[%add3A_214, %dma_start3A_221] : memref<40x250xi32, #tpu.memory_space<vmem>> -> memref<1x250xi32, #tpu.memory_space<vmem>>
      %dma_start3A_223 = tpu.memref_squeeze %dma_start3A_222 : memref<1x250xi32, #tpu.memory_space<vmem>> -> memref<250xi32, #tpu.memory_space<vmem>>
      %dma_start3A_224 = arith.constant 0 : i32
      %dma_start3A_225 = arith.constant 0 : i32
      %dma_start3A_226 = tpu.memref_slice %arg32[%dma_start3A_224, %dma_start3A_225] : memref<10112x16xf32, #tpu.memory_space<vmem_shared>> -> memref<10112x16xf32, #tpu.memory_space<vmem_shared>>
      tpu.enqueue_indirect_dma source(%arg14 : memref<250x16xf32, #tpu.memory_space<vmem>>) target(%dma_start3A_226 : memref<10112x16xf32, #tpu.memory_space<vmem_shared>>) offsets(%dma_start3A_223 : memref<250xi32, #tpu.memory_space<vmem>>) semaphore(%arg30 : memref<!tpu.dma_semaphore, #tpu.memory_space<semaphore_mem>>) {add = true}
      %add3A_227 = arith.constant 7 : i32
      %add3A_228 = arith.addi %mul3A_128, %add3A_227 : i32
      %dma_wait3A_229 = arith.constant 0 : i32
      %dma_wait3A_230 = tpu.memref_slice %arg6[%add3A_228, %dma_wait3A_229] : memref<40x250xi32, #tpu.memory_space<vmem>> -> memref<1x250xi32, #tpu.memory_space<vmem>>
      %dma_wait3A_231 = tpu.memref_squeeze %dma_wait3A_230 : memref<1x250xi32, #tpu.memory_space<vmem>> -> memref<250xi32, #tpu.memory_space<vmem>>
      %dma_wait3A_232 = arith.constant 0 : i32
      %dma_wait3A_233 = arith.constant 0 : i32
      %dma_wait3A_234 = tpu.memref_slice %arg2[%dma_wait3A_232, %dma_wait3A_233] : memref<10000x16xf32, #tpu.memory_space<hbm>> -> memref<10000x16xf32, #tpu.memory_space<hbm>>
      tpu.wait_indirect_dma semaphore(%arg23 : memref<!tpu.dma_semaphore, #tpu.memory_space<semaphore_mem>>) src(%dma_wait3A_234 : memref<10000x16xf32, #tpu.memory_space<hbm>>) dst(%arg15 : memref<250x16xf32, #tpu.memory_space<vmem>>)
      %dma_start3A_235 = arith.constant 0 : i32
      %dma_start3A_236 = tpu.memref_slice %arg7[%add3A_228, %dma_start3A_235] : memref<40x250xi32, #tpu.memory_space<vmem>> -> memref<1x250xi32, #tpu.memory_space<vmem>>
      %dma_start3A_237 = tpu.memref_squeeze %dma_start3A_236 : memref<1x250xi32, #tpu.memory_space<vmem>> -> memref<250xi32, #tpu.memory_space<vmem>>
      %dma_start3A_238 = arith.constant 0 : i32
      %dma_start3A_239 = arith.constant 0 : i32
      %dma_start3A_240 = tpu.memref_slice %arg32[%dma_start3A_238, %dma_start3A_239] : memref<10112x16xf32, #tpu.memory_space<vmem_shared>> -> memref<10112x16xf32, #tpu.memory_space<vmem_shared>>
      tpu.enqueue_indirect_dma source(%arg15 : memref<250x16xf32, #tpu.memory_space<vmem>>) target(%dma_start3A_240 : memref<10112x16xf32, #tpu.memory_space<vmem_shared>>) offsets(%dma_start3A_237 : memref<250xi32, #tpu.memory_space<vmem>>) semaphore(%arg31 : memref<!tpu.dma_semaphore, #tpu.memory_space<semaphore_mem>>) {add = true}
      %add3A_241 = arith.constant 1 : i32
      %add3A_242 = arith.addi %scan3A_126, %add3A_241 : i32
      %lt3A = arith.constant 5 : i32
      %lt3A_243 = arith.cmpi slt, %add3A_242, %lt3A : i32
      %convert_element_type3A = arith.extui %lt3A_243 : i1 to i32
      %cond3A = arith.constant 0 : i32
      %cond3A_244 = arith.cmpi ne, %convert_element_type3A, %cond3A : i32
      scf.if %cond3A_244 {
        %add3A_245 = arith.constant 0 : i32
        %add3A_246 = arith.addi %mul3A_128, %add3A_245 : i32
        %dma_wait3A_247 = arith.constant 0 : i32
        %dma_wait3A_248 = tpu.memref_slice %arg7[%add3A_246, %dma_wait3A_247] : memref<40x250xi32, #tpu.memory_space<vmem>> -> memref<1x250xi32, #tpu.memory_space<vmem>>
        %dma_wait3A_249 = tpu.memref_squeeze %dma_wait3A_248 : memref<1x250xi32, #tpu.memory_space<vmem>> -> memref<250xi32, #tpu.memory_space<vmem>>
        %dma_wait3A_250 = arith.constant 0 : i32
        %dma_wait3A_251 = arith.constant 0 : i32
        %dma_wait3A_252 = tpu.memref_slice %arg32[%dma_wait3A_250, %dma_wait3A_251] : memref<10112x16xf32, #tpu.memory_space<vmem_shared>> -> memref<10112x16xf32, #tpu.memory_space<vmem_shared>>
        tpu.wait_indirect_dma semaphore(%arg24 : memref<!tpu.dma_semaphore, #tpu.memory_space<semaphore_mem>>) src(%arg8 : memref<250x16xf32, #tpu.memory_space<vmem>>) dst(%dma_wait3A_252 : memref<10112x16xf32, #tpu.memory_space<vmem_shared>>)
        %add3A_253 = arith.constant 8 : i32
        %add3A_254 = arith.addi %add3A_246, %add3A_253 : i32
        %dma_start3A_255 = arith.constant 0 : i32
        %dma_start3A_256 = tpu.memref_slice %arg6[%add3A_254, %dma_start3A_255] : memref<40x250xi32, #tpu.memory_space<vmem>> -> memref<1x250xi32, #tpu.memory_space<vmem>>
        %dma_start3A_257 = tpu.memref_squeeze %dma_start3A_256 : memref<1x250xi32, #tpu.memory_space<vmem>> -> memref<250xi32, #tpu.memory_space<vmem>>
        %dma_start3A_258 = arith.constant 0 : i32
        %dma_start3A_259 = arith.constant 0 : i32
        %dma_start3A_260 = tpu.memref_slice %arg2[%dma_start3A_258, %dma_start3A_259] : memref<10000x16xf32, #tpu.memory_space<hbm>> -> memref<10000x16xf32, #tpu.memory_space<hbm>>
        tpu.enqueue_indirect_dma source(%dma_start3A_260 : memref<10000x16xf32, #tpu.memory_space<hbm>>) target(%arg8 : memref<250x16xf32, #tpu.memory_space<vmem>>) offsets(%dma_start3A_257 : memref<250xi32, #tpu.memory_space<vmem>>) semaphore(%arg16 : memref<!tpu.dma_semaphore, #tpu.memory_space<semaphore_mem>>)
        %add3A_261 = arith.constant 1 : i32
        %add3A_262 = arith.addi %mul3A_128, %add3A_261 : i32
        %dma_wait3A_263 = arith.constant 0 : i32
        %dma_wait3A_264 = tpu.memref_slice %arg7[%add3A_262, %dma_wait3A_263] : memref<40x250xi32, #tpu.memory_space<vmem>> -> memref<1x250xi32, #tpu.memory_space<vmem>>
        %dma_wait3A_265 = tpu.memref_squeeze %dma_wait3A_264 : memref<1x250xi32, #tpu.memory_space<vmem>> -> memref<250xi32, #tpu.memory_space<vmem>>
        %dma_wait3A_266 = arith.constant 0 : i32
        %dma_wait3A_267 = arith.constant 0 : i32
        %dma_wait3A_268 = tpu.memref_slice %arg32[%dma_wait3A_266, %dma_wait3A_267] : memref<10112x16xf32, #tpu.memory_space<vmem_shared>> -> memref<10112x16xf32, #tpu.memory_space<vmem_shared>>
        tpu.wait_indirect_dma semaphore(%arg25 : memref<!tpu.dma_semaphore, #tpu.memory_space<semaphore_mem>>) src(%arg9 : memref<250x16xf32, #tpu.memory_space<vmem>>) dst(%dma_wait3A_268 : memref<10112x16xf32, #tpu.memory_space<vmem_shared>>)
        %add3A_269 = arith.constant 8 : i32
        %add3A_270 = arith.addi %add3A_262, %add3A_269 : i32
        %dma_start3A_271 = arith.constant 0 : i32
        %dma_start3A_272 = tpu.memref_slice %arg6[%add3A_270, %dma_start3A_271] : memref<40x250xi32, #tpu.memory_space<vmem>> -> memref<1x250xi32, #tpu.memory_space<vmem>>
        %dma_start3A_273 = tpu.memref_squeeze %dma_start3A_272 : memref<1x250xi32, #tpu.memory_space<vmem>> -> memref<250xi32, #tpu.memory_space<vmem>>
        %dma_start3A_274 = arith.constant 0 : i32
        %dma_start3A_275 = arith.constant 0 : i32
        %dma_start3A_276 = tpu.memref_slice %arg2[%dma_start3A_274, %dma_start3A_275] : memref<10000x16xf32, #tpu.memory_space<hbm>> -> memref<10000x16xf32, #tpu.memory_space<hbm>>
        tpu.enqueue_indirect_dma source(%dma_start3A_276 : memref<10000x16xf32, #tpu.memory_space<hbm>>) target(%arg9 : memref<250x16xf32, #tpu.memory_space<vmem>>) offsets(%dma_start3A_273 : memref<250xi32, #tpu.memory_space<vmem>>) semaphore(%arg17 : memref<!tpu.dma_semaphore, #tpu.memory_space<semaphore_mem>>)
        %add3A_277 = arith.constant 2 : i32
        %add3A_278 = arith.addi %mul3A_128, %add3A_277 : i32
        %dma_wait3A_279 = arith.constant 0 : i32
        %dma_wait3A_280 = tpu.memref_slice %arg7[%add3A_278, %dma_wait3A_279] : memref<40x250xi32, #tpu.memory_space<vmem>> -> memref<1x250xi32, #tpu.memory_space<vmem>>
        %dma_wait3A_281 = tpu.memref_squeeze %dma_wait3A_280 : memref<1x250xi32, #tpu.memory_space<vmem>> -> memref<250xi32, #tpu.memory_space<vmem>>
        %dma_wait3A_282 = arith.constant 0 : i32
        %dma_wait3A_283 = arith.constant 0 : i32
        %dma_wait3A_284 = tpu.memref_slice %arg32[%dma_wait3A_282, %dma_wait3A_283] : memref<10112x16xf32, #tpu.memory_space<vmem_shared>> -> memref<10112x16xf32, #tpu.memory_space<vmem_shared>>
        tpu.wait_indirect_dma semaphore(%arg26 : memref<!tpu.dma_semaphore, #tpu.memory_space<semaphore_mem>>) src(%arg10 : memref<250x16xf32, #tpu.memory_space<vmem>>) dst(%dma_wait3A_284 : memref<10112x16xf32, #tpu.memory_space<vmem_shared>>)
        %add3A_285 = arith.constant 8 : i32
        %add3A_286 = arith.addi %add3A_278, %add3A_285 : i32
        %dma_start3A_287 = arith.constant 0 : i32
        %dma_start3A_288 = tpu.memref_slice %arg6[%add3A_286, %dma_start3A_287] : memref<40x250xi32, #tpu.memory_space<vmem>> -> memref<1x250xi32, #tpu.memory_space<vmem>>
        %dma_start3A_289 = tpu.memref_squeeze %dma_start3A_288 : memref<1x250xi32, #tpu.memory_space<vmem>> -> memref<250xi32, #tpu.memory_space<vmem>>
        %dma_start3A_290 = arith.constant 0 : i32
        %dma_start3A_291 = arith.constant 0 : i32
        %dma_start3A_292 = tpu.memref_slice %arg2[%dma_start3A_290, %dma_start3A_291] : memref<10000x16xf32, #tpu.memory_space<hbm>> -> memref<10000x16xf32, #tpu.memory_space<hbm>>
        tpu.enqueue_indirect_dma source(%dma_start3A_292 : memref<10000x16xf32, #tpu.memory_space<hbm>>) target(%arg10 : memref<250x16xf32, #tpu.memory_space<vmem>>) offsets(%dma_start3A_289 : memref<250xi32, #tpu.memory_space<vmem>>) semaphore(%arg18 : memref<!tpu.dma_semaphore, #tpu.memory_space<semaphore_mem>>)
        %add3A_293 = arith.constant 3 : i32
        %add3A_294 = arith.addi %mul3A_128, %add3A_293 : i32
        %dma_wait3A_295 = arith.constant 0 : i32
        %dma_wait3A_296 = tpu.memref_slice %arg7[%add3A_294, %dma_wait3A_295] : memref<40x250xi32, #tpu.memory_space<vmem>> -> memref<1x250xi32, #tpu.memory_space<vmem>>
        %dma_wait3A_297 = tpu.memref_squeeze %dma_wait3A_296 : memref<1x250xi32, #tpu.memory_space<vmem>> -> memref<250xi32, #tpu.memory_space<vmem>>
        %dma_wait3A_298 = arith.constant 0 : i32
        %dma_wait3A_299 = arith.constant 0 : i32
        %dma_wait3A_300 = tpu.memref_slice %arg32[%dma_wait3A_298, %dma_wait3A_299] : memref<10112x16xf32, #tpu.memory_space<vmem_shared>> -> memref<10112x16xf32, #tpu.memory_space<vmem_shared>>
        tpu.wait_indirect_dma semaphore(%arg27 : memref<!tpu.dma_semaphore, #tpu.memory_space<semaphore_mem>>) src(%arg11 : memref<250x16xf32, #tpu.memory_space<vmem>>) dst(%dma_wait3A_300 : memref<10112x16xf32, #tpu.memory_space<vmem_shared>>)
        %add3A_301 = arith.constant 8 : i32
        %add3A_302 = arith.addi %add3A_294, %add3A_301 : i32
        %dma_start3A_303 = arith.constant 0 : i32
        %dma_start3A_304 = tpu.memref_slice %arg6[%add3A_302, %dma_start3A_303] : memref<40x250xi32, #tpu.memory_space<vmem>> -> memref<1x250xi32, #tpu.memory_space<vmem>>
        %dma_start3A_305 = tpu.memref_squeeze %dma_start3A_304 : memref<1x250xi32, #tpu.memory_space<vmem>> -> memref<250xi32, #tpu.memory_space<vmem>>
        %dma_start3A_306 = arith.constant 0 : i32
        %dma_start3A_307 = arith.constant 0 : i32
        %dma_start3A_308 = tpu.memref_slice %arg2[%dma_start3A_306, %dma_start3A_307] : memref<10000x16xf32, #tpu.memory_space<hbm>> -> memref<10000x16xf32, #tpu.memory_space<hbm>>
        tpu.enqueue_indirect_dma source(%dma_start3A_308 : memref<10000x16xf32, #tpu.memory_space<hbm>>) target(%arg11 : memref<250x16xf32, #tpu.memory_space<vmem>>) offsets(%dma_start3A_305 : memref<250xi32, #tpu.memory_space<vmem>>) semaphore(%arg19 : memref<!tpu.dma_semaphore, #tpu.memory_space<semaphore_mem>>)
        %add3A_309 = arith.constant 4 : i32
        %add3A_310 = arith.addi %mul3A_128, %add3A_309 : i32
        %dma_wait3A_311 = arith.constant 0 : i32
        %dma_wait3A_312 = tpu.memref_slice %arg7[%add3A_310, %dma_wait3A_311] : memref<40x250xi32, #tpu.memory_space<vmem>> -> memref<1x250xi32, #tpu.memory_space<vmem>>
        %dma_wait3A_313 = tpu.memref_squeeze %dma_wait3A_312 : memref<1x250xi32, #tpu.memory_space<vmem>> -> memref<250xi32, #tpu.memory_space<vmem>>
        %dma_wait3A_314 = arith.constant 0 : i32
        %dma_wait3A_315 = arith.constant 0 : i32
        %dma_wait3A_316 = tpu.memref_slice %arg32[%dma_wait3A_314, %dma_wait3A_315] : memref<10112x16xf32, #tpu.memory_space<vmem_shared>> -> memref<10112x16xf32, #tpu.memory_space<vmem_shared>>
        tpu.wait_indirect_dma semaphore(%arg28 : memref<!tpu.dma_semaphore, #tpu.memory_space<semaphore_mem>>) src(%arg12 : memref<250x16xf32, #tpu.memory_space<vmem>>) dst(%dma_wait3A_316 : memref<10112x16xf32, #tpu.memory_space<vmem_shared>>)
        %add3A_317 = arith.constant 8 : i32
        %add3A_318 = arith.addi %add3A_310, %add3A_317 : i32
        %dma_start3A_319 = arith.constant 0 : i32
        %dma_start3A_320 = tpu.memref_slice %arg6[%add3A_318, %dma_start3A_319] : memref<40x250xi32, #tpu.memory_space<vmem>> -> memref<1x250xi32, #tpu.memory_space<vmem>>
        %dma_start3A_321 = tpu.memref_squeeze %dma_start3A_320 : memref<1x250xi32, #tpu.memory_space<vmem>> -> memref<250xi32, #tpu.memory_space<vmem>>
        %dma_start3A_322 = arith.constant 0 : i32
        %dma_start3A_323 = arith.constant 0 : i32
        %dma_start3A_324 = tpu.memref_slice %arg2[%dma_start3A_322, %dma_start3A_323] : memref<10000x16xf32, #tpu.memory_space<hbm>> -> memref<10000x16xf32, #tpu.memory_space<hbm>>
        tpu.enqueue_indirect_dma source(%dma_start3A_324 : memref<10000x16xf32, #tpu.memory_space<hbm>>) target(%arg12 : memref<250x16xf32, #tpu.memory_space<vmem>>) offsets(%dma_start3A_321 : memref<250xi32, #tpu.memory_space<vmem>>) semaphore(%arg20 : memref<!tpu.dma_semaphore, #tpu.memory_space<semaphore_mem>>)
        %add3A_325 = arith.constant 5 : i32
        %add3A_326 = arith.addi %mul3A_128, %add3A_325 : i32
        %dma_wait3A_327 = arith.constant 0 : i32
        %dma_wait3A_328 = tpu.memref_slice %arg7[%add3A_326, %dma_wait3A_327] : memref<40x250xi32, #tpu.memory_space<vmem>> -> memref<1x250xi32, #tpu.memory_space<vmem>>
        %dma_wait3A_329 = tpu.memref_squeeze %dma_wait3A_328 : memref<1x250xi32, #tpu.memory_space<vmem>> -> memref<250xi32, #tpu.memory_space<vmem>>
        %dma_wait3A_330 = arith.constant 0 : i32
        %dma_wait3A_331 = arith.constant 0 : i32
        %dma_wait3A_332 = tpu.memref_slice %arg32[%dma_wait3A_330, %dma_wait3A_331] : memref<10112x16xf32, #tpu.memory_space<vmem_shared>> -> memref<10112x16xf32, #tpu.memory_space<vmem_shared>>
        tpu.wait_indirect_dma semaphore(%arg29 : memref<!tpu.dma_semaphore, #tpu.memory_space<semaphore_mem>>) src(%arg13 : memref<250x16xf32, #tpu.memory_space<vmem>>) dst(%dma_wait3A_332 : memref<10112x16xf32, #tpu.memory_space<vmem_shared>>)
        %add3A_333 = arith.constant 8 : i32
        %add3A_334 = arith.addi %add3A_326, %add3A_333 : i32
        %dma_start3A_335 = arith.constant 0 : i32
        %dma_start3A_336 = tpu.memref_slice %arg6[%add3A_334, %dma_start3A_335] : memref<40x250xi32, #tpu.memory_space<vmem>> -> memref<1x250xi32, #tpu.memory_space<vmem>>
        %dma_start3A_337 = tpu.memref_squeeze %dma_start3A_336 : memref<1x250xi32, #tpu.memory_space<vmem>> -> memref<250xi32, #tpu.memory_space<vmem>>
        %dma_start3A_338 = arith.constant 0 : i32
        %dma_start3A_339 = arith.constant 0 : i32
        %dma_start3A_340 = tpu.memref_slice %arg2[%dma_start3A_338, %dma_start3A_339] : memref<10000x16xf32, #tpu.memory_space<hbm>> -> memref<10000x16xf32, #tpu.memory_space<hbm>>
        tpu.enqueue_indirect_dma source(%dma_start3A_340 : memref<10000x16xf32, #tpu.memory_space<hbm>>) target(%arg13 : memref<250x16xf32, #tpu.memory_space<vmem>>) offsets(%dma_start3A_337 : memref<250xi32, #tpu.memory_space<vmem>>) semaphore(%arg21 : memref<!tpu.dma_semaphore, #tpu.memory_space<semaphore_mem>>)
        %add3A_341 = arith.constant 6 : i32
        %add3A_342 = arith.addi %mul3A_128, %add3A_341 : i32
        %dma_wait3A_343 = arith.constant 0 : i32
        %dma_wait3A_344 = tpu.memref_slice %arg7[%add3A_342, %dma_wait3A_343] : memref<40x250xi32, #tpu.memory_space<vmem>> -> memref<1x250xi32, #tpu.memory_space<vmem>>
        %dma_wait3A_345 = tpu.memref_squeeze %dma_wait3A_344 : memref<1x250xi32, #tpu.memory_space<vmem>> -> memref<250xi32, #tpu.memory_space<vmem>>
        %dma_wait3A_346 = arith.constant 0 : i32
        %dma_wait3A_347 = arith.constant 0 : i32
        %dma_wait3A_348 = tpu.memref_slice %arg32[%dma_wait3A_346, %dma_wait3A_347] : memref<10112x16xf32, #tpu.memory_space<vmem_shared>> -> memref<10112x16xf32, #tpu.memory_space<vmem_shared>>
        tpu.wait_indirect_dma semaphore(%arg30 : memref<!tpu.dma_semaphore, #tpu.memory_space<semaphore_mem>>) src(%arg14 : memref<250x16xf32, #tpu.memory_space<vmem>>) dst(%dma_wait3A_348 : memref<10112x16xf32, #tpu.memory_space<vmem_shared>>)
        %add3A_349 = arith.constant 8 : i32
        %add3A_350 = arith.addi %add3A_342, %add3A_349 : i32
        %dma_start3A_351 = arith.constant 0 : i32
        %dma_start3A_352 = tpu.memref_slice %arg6[%add3A_350, %dma_start3A_351] : memref<40x250xi32, #tpu.memory_space<vmem>> -> memref<1x250xi32, #tpu.memory_space<vmem>>
        %dma_start3A_353 = tpu.memref_squeeze %dma_start3A_352 : memref<1x250xi32, #tpu.memory_space<vmem>> -> memref<250xi32, #tpu.memory_space<vmem>>
        %dma_start3A_354 = arith.constant 0 : i32
        %dma_start3A_355 = arith.constant 0 : i32
        %dma_start3A_356 = tpu.memref_slice %arg2[%dma_start3A_354, %dma_start3A_355] : memref<10000x16xf32, #tpu.memory_space<hbm>> -> memref<10000x16xf32, #tpu.memory_space<hbm>>
        tpu.enqueue_indirect_dma source(%dma_start3A_356 : memref<10000x16xf32, #tpu.memory_space<hbm>>) target(%arg14 : memref<250x16xf32, #tpu.memory_space<vmem>>) offsets(%dma_start3A_353 : memref<250xi32, #tpu.memory_space<vmem>>) semaphore(%arg22 : memref<!tpu.dma_semaphore, #tpu.memory_space<semaphore_mem>>)
        %add3A_357 = arith.constant 7 : i32
        %add3A_358 = arith.addi %mul3A_128, %add3A_357 : i32
        %dma_wait3A_359 = arith.constant 0 : i32
        %dma_wait3A_360 = tpu.memref_slice %arg7[%add3A_358, %dma_wait3A_359] : memref<40x250xi32, #tpu.memory_space<vmem>> -> memref<1x250xi32, #tpu.memory_space<vmem>>
        %dma_wait3A_361 = tpu.memref_squeeze %dma_wait3A_360 : memref<1x250xi32, #tpu.memory_space<vmem>> -> memref<250xi32, #tpu.memory_space<vmem>>
        %dma_wait3A_362 = arith.constant 0 : i32
        %dma_wait3A_363 = arith.constant 0 : i32
        %dma_wait3A_364 = tpu.memref_slice %arg32[%dma_wait3A_362, %dma_wait3A_363] : memref<10112x16xf32, #tpu.memory_space<vmem_shared>> -> memref<10112x16xf32, #tpu.memory_space<vmem_shared>>
        tpu.wait_indirect_dma semaphore(%arg31 : memref<!tpu.dma_semaphore, #tpu.memory_space<semaphore_mem>>) src(%arg15 : memref<250x16xf32, #tpu.memory_space<vmem>>) dst(%dma_wait3A_364 : memref<10112x16xf32, #tpu.memory_space<vmem_shared>>)
        %add3A_365 = arith.constant 8 : i32
        %add3A_366 = arith.addi %add3A_358, %add3A_365 : i32
        %dma_start3A_367 = arith.constant 0 : i32
        %dma_start3A_368 = tpu.memref_slice %arg6[%add3A_366, %dma_start3A_367] : memref<40x250xi32, #tpu.memory_space<vmem>> -> memref<1x250xi32, #tpu.memory_space<vmem>>
        %dma_start3A_369 = tpu.memref_squeeze %dma_start3A_368 : memref<1x250xi32, #tpu.memory_space<vmem>> -> memref<250xi32, #tpu.memory_space<vmem>>
        %dma_start3A_370 = arith.constant 0 : i32
        %dma_start3A_371 = arith.constant 0 : i32
        %dma_start3A_372 = tpu.memref_slice %arg2[%dma_start3A_370, %dma_start3A_371] : memref<10000x16xf32, #tpu.memory_space<hbm>> -> memref<10000x16xf32, #tpu.memory_space<hbm>>
        tpu.enqueue_indirect_dma source(%dma_start3A_372 : memref<10000x16xf32, #tpu.memory_space<hbm>>) target(%arg15 : memref<250x16xf32, #tpu.memory_space<vmem>>) offsets(%dma_start3A_369 : memref<250xi32, #tpu.memory_space<vmem>>) semaphore(%arg23 : memref<!tpu.dma_semaphore, #tpu.memory_space<semaphore_mem>>)
      } else {
      }
    }
    %scan3A_65 = arith.constant 5 : i32
    %dma_wait3A = arith.constant 32 : i32
    %dma_wait3A_66 = arith.constant 0 : i32
    %dma_wait3A_67 = tpu.memref_slice %arg7[%dma_wait3A, %dma_wait3A_66] : memref<40x250xi32, #tpu.memory_space<vmem>> -> memref<1x250xi32, #tpu.memory_space<vmem>>
    %dma_wait3A_68 = tpu.memref_squeeze %dma_wait3A_67 : memref<1x250xi32, #tpu.memory_space<vmem>> -> memref<250xi32, #tpu.memory_space<vmem>>
    %dma_wait3A_69 = arith.constant 0 : i32
    %dma_wait3A_70 = arith.constant 0 : i32
    %dma_wait3A_71 = tpu.memref_slice %arg32[%dma_wait3A_69, %dma_wait3A_70] : memref<10112x16xf32, #tpu.memory_space<vmem_shared>> -> memref<10112x16xf32, #tpu.memory_space<vmem_shared>>
    tpu.wait_indirect_dma semaphore(%arg24 : memref<!tpu.dma_semaphore, #tpu.memory_space<semaphore_mem>>) src(%arg8 : memref<250x16xf32, #tpu.memory_space<vmem>>) dst(%dma_wait3A_71 : memref<10112x16xf32, #tpu.memory_space<vmem_shared>>)
    %dma_wait3A_72 = arith.constant 33 : i32
    %dma_wait3A_73 = arith.constant 0 : i32
    %dma_wait3A_74 = tpu.memref_slice %arg7[%dma_wait3A_72, %dma_wait3A_73] : memref<40x250xi32, #tpu.memory_space<vmem>> -> memref<1x250xi32, #tpu.memory_space<vmem>>
    %dma_wait3A_75 = tpu.memref_squeeze %dma_wait3A_74 : memref<1x250xi32, #tpu.memory_space<vmem>> -> memref<250xi32, #tpu.memory_space<vmem>>
    %dma_wait3A_76 = arith.constant 0 : i32
    %dma_wait3A_77 = arith.constant 0 : i32
    %dma_wait3A_78 = tpu.memref_slice %arg32[%dma_wait3A_76, %dma_wait3A_77] : memref<10112x16xf32, #tpu.memory_space<vmem_shared>> -> memref<10112x16xf32, #tpu.memory_space<vmem_shared>>
    tpu.wait_indirect_dma semaphore(%arg25 : memref<!tpu.dma_semaphore, #tpu.memory_space<semaphore_mem>>) src(%arg9 : memref<250x16xf32, #tpu.memory_space<vmem>>) dst(%dma_wait3A_78 : memref<10112x16xf32, #tpu.memory_space<vmem_shared>>)
    %dma_wait3A_79 = arith.constant 34 : i32
    %dma_wait3A_80 = arith.constant 0 : i32
    %dma_wait3A_81 = tpu.memref_slice %arg7[%dma_wait3A_79, %dma_wait3A_80] : memref<40x250xi32, #tpu.memory_space<vmem>> -> memref<1x250xi32, #tpu.memory_space<vmem>>
    %dma_wait3A_82 = tpu.memref_squeeze %dma_wait3A_81 : memref<1x250xi32, #tpu.memory_space<vmem>> -> memref<250xi32, #tpu.memory_space<vmem>>
    %dma_wait3A_83 = arith.constant 0 : i32
    %dma_wait3A_84 = arith.constant 0 : i32
    %dma_wait3A_85 = tpu.memref_slice %arg32[%dma_wait3A_83, %dma_wait3A_84] : memref<10112x16xf32, #tpu.memory_space<vmem_shared>> -> memref<10112x16xf32, #tpu.memory_space<vmem_shared>>
    tpu.wait_indirect_dma semaphore(%arg26 : memref<!tpu.dma_semaphore, #tpu.memory_space<semaphore_mem>>) src(%arg10 : memref<250x16xf32, #tpu.memory_space<vmem>>) dst(%dma_wait3A_85 : memref<10112x16xf32, #tpu.memory_space<vmem_shared>>)
    %dma_wait3A_86 = arith.constant 35 : i32
    %dma_wait3A_87 = arith.constant 0 : i32
    %dma_wait3A_88 = tpu.memref_slice %arg7[%dma_wait3A_86, %dma_wait3A_87] : memref<40x250xi32, #tpu.memory_space<vmem>> -> memref<1x250xi32, #tpu.memory_space<vmem>>
    %dma_wait3A_89 = tpu.memref_squeeze %dma_wait3A_88 : memref<1x250xi32, #tpu.memory_space<vmem>> -> memref<250xi32, #tpu.memory_space<vmem>>
    %dma_wait3A_90 = arith.constant 0 : i32
    %dma_wait3A_91 = arith.constant 0 : i32
    %dma_wait3A_92 = tpu.memref_slice %arg32[%dma_wait3A_90, %dma_wait3A_91] : memref<10112x16xf32, #tpu.memory_space<vmem_shared>> -> memref<10112x16xf32, #tpu.memory_space<vmem_shared>>
    tpu.wait_indirect_dma semaphore(%arg27 : memref<!tpu.dma_semaphore, #tpu.memory_space<semaphore_mem>>) src(%arg11 : memref<250x16xf32, #tpu.memory_space<vmem>>) dst(%dma_wait3A_92 : memref<10112x16xf32, #tpu.memory_space<vmem_shared>>)
    %dma_wait3A_93 = arith.constant 36 : i32
    %dma_wait3A_94 = arith.constant 0 : i32
    %dma_wait3A_95 = tpu.memref_slice %arg7[%dma_wait3A_93, %dma_wait3A_94] : memref<40x250xi32, #tpu.memory_space<vmem>> -> memref<1x250xi32, #tpu.memory_space<vmem>>
    %dma_wait3A_96 = tpu.memref_squeeze %dma_wait3A_95 : memref<1x250xi32, #tpu.memory_space<vmem>> -> memref<250xi32, #tpu.memory_space<vmem>>
    %dma_wait3A_97 = arith.constant 0 : i32
    %dma_wait3A_98 = arith.constant 0 : i32
    %dma_wait3A_99 = tpu.memref_slice %arg32[%dma_wait3A_97, %dma_wait3A_98] : memref<10112x16xf32, #tpu.memory_space<vmem_shared>> -> memref<10112x16xf32, #tpu.memory_space<vmem_shared>>
    tpu.wait_indirect_dma semaphore(%arg28 : memref<!tpu.dma_semaphore, #tpu.memory_space<semaphore_mem>>) src(%arg12 : memref<250x16xf32, #tpu.memory_space<vmem>>) dst(%dma_wait3A_99 : memref<10112x16xf32, #tpu.memory_space<vmem_shared>>)
    %dma_wait3A_100 = arith.constant 37 : i32
    %dma_wait3A_101 = arith.constant 0 : i32
    %dma_wait3A_102 = tpu.memref_slice %arg7[%dma_wait3A_100, %dma_wait3A_101] : memref<40x250xi32, #tpu.memory_space<vmem>> -> memref<1x250xi32, #tpu.memory_space<vmem>>
    %dma_wait3A_103 = tpu.memref_squeeze %dma_wait3A_102 : memref<1x250xi32, #tpu.memory_space<vmem>> -> memref<250xi32, #tpu.memory_space<vmem>>
    %dma_wait3A_104 = arith.constant 0 : i32
    %dma_wait3A_105 = arith.constant 0 : i32
    %dma_wait3A_106 = tpu.memref_slice %arg32[%dma_wait3A_104, %dma_wait3A_105] : memref<10112x16xf32, #tpu.memory_space<vmem_shared>> -> memref<10112x16xf32, #tpu.memory_space<vmem_shared>>
    tpu.wait_indirect_dma semaphore(%arg29 : memref<!tpu.dma_semaphore, #tpu.memory_space<semaphore_mem>>) src(%arg13 : memref<250x16xf32, #tpu.memory_space<vmem>>) dst(%dma_wait3A_106 : memref<10112x16xf32, #tpu.memory_space<vmem_shared>>)
    %dma_wait3A_107 = arith.constant 38 : i32
    %dma_wait3A_108 = arith.constant 0 : i32
    %dma_wait3A_109 = tpu.memref_slice %arg7[%dma_wait3A_107, %dma_wait3A_108] : memref<40x250xi32, #tpu.memory_space<vmem>> -> memref<1x250xi32, #tpu.memory_space<vmem>>
    %dma_wait3A_110 = tpu.memref_squeeze %dma_wait3A_109 : memref<1x250xi32, #tpu.memory_space<vmem>> -> memref<250xi32, #tpu.memory_space<vmem>>
    %dma_wait3A_111 = arith.constant 0 : i32
    %dma_wait3A_112 = arith.constant 0 : i32
    %dma_wait3A_113 = tpu.memref_slice %arg32[%dma_wait3A_111, %dma_wait3A_112] : memref<10112x16xf32, #tpu.memory_space<vmem_shared>> -> memref<10112x16xf32, #tpu.memory_space<vmem_shared>>
    tpu.wait_indirect_dma semaphore(%arg30 : memref<!tpu.dma_semaphore, #tpu.memory_space<semaphore_mem>>) src(%arg14 : memref<250x16xf32, #tpu.memory_space<vmem>>) dst(%dma_wait3A_113 : memref<10112x16xf32, #tpu.memory_space<vmem_shared>>)
    %dma_wait3A_114 = arith.constant 39 : i32
    %dma_wait3A_115 = arith.constant 0 : i32
    %dma_wait3A_116 = tpu.memref_slice %arg7[%dma_wait3A_114, %dma_wait3A_115] : memref<40x250xi32, #tpu.memory_space<vmem>> -> memref<1x250xi32, #tpu.memory_space<vmem>>
    %dma_wait3A_117 = tpu.memref_squeeze %dma_wait3A_116 : memref<1x250xi32, #tpu.memory_space<vmem>> -> memref<250xi32, #tpu.memory_space<vmem>>
    %dma_wait3A_118 = arith.constant 0 : i32
    %dma_wait3A_119 = arith.constant 0 : i32
    %dma_wait3A_120 = tpu.memref_slice %arg32[%dma_wait3A_118, %dma_wait3A_119] : memref<10112x16xf32, #tpu.memory_space<vmem_shared>> -> memref<10112x16xf32, #tpu.memory_space<vmem_shared>>
    tpu.wait_indirect_dma semaphore(%arg31 : memref<!tpu.dma_semaphore, #tpu.memory_space<semaphore_mem>>) src(%arg15 : memref<250x16xf32, #tpu.memory_space<vmem>>) dst(%dma_wait3A_120 : memref<10112x16xf32, #tpu.memory_space<vmem_shared>>)
    %barrier3A_121 = arith.constant 0 : index
    tpu.barrier barrier_id(%barrier3A_121)
    %mul3A_122 = arith.constant 632 : i32
    %mul3A_123 = arith.muli %arg1, %mul3A_122 : i32
    %mul3A_124 = arith.constant 632 : i32
    %mul3A_125 = arith.muli %arg1, %mul3A_124 : i32
    "tpu.region"() ({
      %run_scoped3A_126 = tpu.sem_alloc : memref<!tpu.dma_semaphore, #tpu.memory_space<semaphore_mem>>
      %dma_start3A_127 = arith.constant 0 : i32
      %dma_start3A_128 = tpu.memref_slice %arg5[%arg0, %mul3A_125, %dma_start3A_127] : memref<2x10112x16xf32, #tpu.memory_space<hbm>> -> memref<1x632x16xf32, #tpu.memory_space<hbm>>
      %dma_start3A_129 = tpu.memref_squeeze %dma_start3A_128 : memref<1x632x16xf32, #tpu.memory_space<hbm>> -> memref<632x16xf32, #tpu.memory_space<hbm>>
      %dma_start3A_130 = arith.constant 0 : i32
      %dma_start3A_131 = tpu.memref_slice %arg32[%mul3A_123, %dma_start3A_130] : memref<10112x16xf32, #tpu.memory_space<vmem_shared>> -> memref<632x16xf32, #tpu.memory_space<vmem_shared>>
      tpu.enqueue_dma source(%dma_start3A_131 : memref<632x16xf32, #tpu.memory_space<vmem_shared>>) target(%dma_start3A_129 : memref<632x16xf32, #tpu.memory_space<hbm>>) target_semaphore(%run_scoped3A_126 : memref<!tpu.dma_semaphore, #tpu.memory_space<semaphore_mem>>)
      %dma_wait3A_132 = arith.constant 0 : i32
      %dma_wait3A_133 = tpu.memref_slice %arg5[%arg0, %mul3A_125, %dma_wait3A_132] : memref<2x10112x16xf32, #tpu.memory_space<hbm>> -> memref<1x632x16xf32, #tpu.memory_space<hbm>>
      %dma_wait3A_134 = tpu.memref_squeeze %dma_wait3A_133 : memref<1x632x16xf32, #tpu.memory_space<hbm>> -> memref<632x16xf32, #tpu.memory_space<hbm>>
      %dma_wait3A_135 = arith.constant 0 : i32
      %dma_wait3A_136 = tpu.memref_slice %arg32[%mul3A_123, %dma_wait3A_135] : memref<10112x16xf32, #tpu.memory_space<vmem_shared>> -> memref<632x16xf32, #tpu.memory_space<vmem_shared>>
      tpu.wait_dma2 semaphore(%run_scoped3A_126 : memref<!tpu.dma_semaphore, #tpu.memory_space<semaphore_mem>>) src(%dma_wait3A_136 : memref<632x16xf32, #tpu.memory_space<vmem_shared>>) dst(%dma_wait3A_134 : memref<632x16xf32, #tpu.memory_space<hbm>>)
      tpu.yield
    }) : () -> ()
    return
  }
}

module attributes {stable_mosaic.version = 14 : i64} {
  func.func @_enc_body(%arg0: memref<10000x20xf32, #tpu.memory_space<vmem>>, %arg1: memref<10000x128xf32, #tpu.memory_space<vmem>>, %arg2: memref<20x32xf32, #tpu.memory_space<vmem>>, %arg3: memref<128x32xf32, #tpu.memory_space<vmem>>, %arg4: memref<1x32xf32, #tpu.memory_space<vmem>>, %arg5: memref<32x64xf32, #tpu.memory_space<vmem>>, %arg6: memref<1x64xf32, #tpu.memory_space<vmem>>, %arg7: memref<64x128xf32, #tpu.memory_space<vmem>>, %arg8: memref<1x128xf32, #tpu.memory_space<vmem>>, %arg9: memref<128x64xf32, #tpu.memory_space<vmem>>, %arg10: memref<10000x64xf32, #tpu.memory_space<vmem>>) attributes {dimension_semantics = [], scalar_prefetch = 0 : i64, scratch_operands = 0 : i64, tpu.core_type = #tpu.core_type<tc>} {
    %get3A = arith.constant 0 : index
    %get3A_0 = arith.constant 0 : index
    %get3A_1 = vector.load %arg0[%get3A, %get3A_0] : memref<10000x20xf32, #tpu.memory_space<vmem>>, vector<10000x20xf32>
    %get3A_2 = arith.constant 0 : index
    %get3A_3 = arith.constant 0 : index
    %get3A_4 = vector.load %arg2[%get3A_2, %get3A_3] : memref<20x32xf32, #tpu.memory_space<vmem>>, vector<20x32xf32>
    %dot_general3A = arith.constant dense<0.000000e+00> : vector<10000x32xf32>
    %dot_general3A_5 = tpu.matmul %get3A_1, %get3A_4, %dot_general3A {dimension_numbers = #tpu.dot_dimension_numbers<[1], [0], [0], [1], [0, 0, 1, 1], [], []>, transpose_lhs_hint = false} : vector<10000x20xf32>, vector<20x32xf32>, vector<10000x32xf32> -> vector<10000x32xf32>
    %get3A_6 = arith.constant 0 : index
    %get3A_7 = arith.constant 0 : index
    %get3A_8 = vector.load %arg1[%get3A_6, %get3A_7] : memref<10000x128xf32, #tpu.memory_space<vmem>>, vector<10000x128xf32>
    %get3A_9 = arith.constant 0 : index
    %get3A_10 = arith.constant 0 : index
    %get3A_11 = vector.load %arg3[%get3A_9, %get3A_10] : memref<128x32xf32, #tpu.memory_space<vmem>>, vector<128x32xf32>
    %dot_general3A_12 = arith.constant dense<0.000000e+00> : vector<10000x32xf32>
    %dot_general3A_13 = tpu.matmul %get3A_8, %get3A_11, %dot_general3A_12 {dimension_numbers = #tpu.dot_dimension_numbers<[1], [0], [0], [1], [0, 0, 1, 1], [], []>, transpose_lhs_hint = false} : vector<10000x128xf32>, vector<128x32xf32>, vector<10000x32xf32> -> vector<10000x32xf32>
    %add3A = arith.addf %dot_general3A_5, %dot_general3A_13 : vector<10000x32xf32>
    %get3A_14 = arith.constant 0 : index
    %get3A_15 = arith.constant 0 : index
    %get3A_16 = vector.load %arg4[%get3A_14, %get3A_15] : memref<1x32xf32, #tpu.memory_space<vmem>>, vector<1x32xf32>
    %add3A_17 = vector.broadcast %get3A_16 : vector<1x32xf32> to vector<10000x32xf32>
    %add3A_18 = arith.addf %add3A, %add3A_17 : vector<10000x32xf32>
    %gt3A = arith.constant 0.000000e+00 : f32
    %gt3A_19 = vector.broadcast %gt3A : f32 to vector<10000x32xf32>
    %gt3A_20 = arith.cmpf ogt, %add3A_18, %gt3A_19 : vector<10000x32xf32>
    %min3A = arith.constant 0.000000e+00 : f32
    %min3A_21 = vector.broadcast %min3A : f32 to vector<10000x32xf32>
    %min3A_22 = arith.minimumf %add3A_18, %min3A_21 : vector<10000x32xf32>
    %exp3A = math.exp %min3A_22 : vector<10000x32xf32>
    %sub3A = arith.constant 1.000000e+00 : f32
    %sub3A_23 = vector.broadcast %sub3A : f32 to vector<10000x32xf32>
    %sub3A_24 = arith.subf %exp3A, %sub3A_23 : vector<10000x32xf32>
    %select_n3A = arith.select %gt3A_20, %add3A_18, %sub3A_24 : vector<10000x32xi1>, vector<10000x32xf32>
    %get3A_25 = arith.constant 0 : index
    %get3A_26 = arith.constant 0 : index
    %get3A_27 = vector.load %arg5[%get3A_25, %get3A_26] : memref<32x64xf32, #tpu.memory_space<vmem>>, vector<32x64xf32>
    %dot_general3A_28 = arith.constant dense<0.000000e+00> : vector<10000x64xf32>
    %dot_general3A_29 = tpu.matmul %select_n3A, %get3A_27, %dot_general3A_28 {dimension_numbers = #tpu.dot_dimension_numbers<[1], [0], [0], [1], [0, 0, 1, 1], [], []>, transpose_lhs_hint = false} : vector<10000x32xf32>, vector<32x64xf32>, vector<10000x64xf32> -> vector<10000x64xf32>
    %get3A_30 = arith.constant 0 : index
    %get3A_31 = arith.constant 0 : index
    %get3A_32 = vector.load %arg6[%get3A_30, %get3A_31] : memref<1x64xf32, #tpu.memory_space<vmem>>, vector<1x64xf32>
    %add3A_33 = vector.broadcast %get3A_32 : vector<1x64xf32> to vector<10000x64xf32>
    %add3A_34 = arith.addf %dot_general3A_29, %add3A_33 : vector<10000x64xf32>
    %gt3A_35 = arith.constant 0.000000e+00 : f32
    %gt3A_36 = vector.broadcast %gt3A_35 : f32 to vector<10000x64xf32>
    %gt3A_37 = arith.cmpf ogt, %add3A_34, %gt3A_36 : vector<10000x64xf32>
    %min3A_38 = arith.constant 0.000000e+00 : f32
    %min3A_39 = vector.broadcast %min3A_38 : f32 to vector<10000x64xf32>
    %min3A_40 = arith.minimumf %add3A_34, %min3A_39 : vector<10000x64xf32>
    %exp3A_41 = math.exp %min3A_40 : vector<10000x64xf32>
    %sub3A_42 = arith.constant 1.000000e+00 : f32
    %sub3A_43 = vector.broadcast %sub3A_42 : f32 to vector<10000x64xf32>
    %sub3A_44 = arith.subf %exp3A_41, %sub3A_43 : vector<10000x64xf32>
    %select_n3A_45 = arith.select %gt3A_37, %add3A_34, %sub3A_44 : vector<10000x64xi1>, vector<10000x64xf32>
    %get3A_46 = arith.constant 0 : index
    %get3A_47 = arith.constant 0 : index
    %get3A_48 = vector.load %arg7[%get3A_46, %get3A_47] : memref<64x128xf32, #tpu.memory_space<vmem>>, vector<64x128xf32>
    %dot_general3A_49 = arith.constant dense<0.000000e+00> : vector<10000x128xf32>
    %dot_general3A_50 = tpu.matmul %select_n3A_45, %get3A_48, %dot_general3A_49 {dimension_numbers = #tpu.dot_dimension_numbers<[1], [0], [0], [1], [0, 0, 1, 1], [], []>, transpose_lhs_hint = false} : vector<10000x64xf32>, vector<64x128xf32>, vector<10000x128xf32> -> vector<10000x128xf32>
    %get3A_51 = arith.constant 0 : index
    %get3A_52 = arith.constant 0 : index
    %get3A_53 = vector.load %arg8[%get3A_51, %get3A_52] : memref<1x128xf32, #tpu.memory_space<vmem>>, vector<1x128xf32>
    %add3A_54 = vector.broadcast %get3A_53 : vector<1x128xf32> to vector<10000x128xf32>
    %add3A_55 = arith.addf %dot_general3A_50, %add3A_54 : vector<10000x128xf32>
    %gt3A_56 = arith.constant 0.000000e+00 : f32
    %gt3A_57 = vector.broadcast %gt3A_56 : f32 to vector<10000x128xf32>
    %gt3A_58 = arith.cmpf ogt, %add3A_55, %gt3A_57 : vector<10000x128xf32>
    %min3A_59 = arith.constant 0.000000e+00 : f32
    %min3A_60 = vector.broadcast %min3A_59 : f32 to vector<10000x128xf32>
    %min3A_61 = arith.minimumf %add3A_55, %min3A_60 : vector<10000x128xf32>
    %exp3A_62 = math.exp %min3A_61 : vector<10000x128xf32>
    %sub3A_63 = arith.constant 1.000000e+00 : f32
    %sub3A_64 = vector.broadcast %sub3A_63 : f32 to vector<10000x128xf32>
    %sub3A_65 = arith.subf %exp3A_62, %sub3A_64 : vector<10000x128xf32>
    %select_n3A_66 = arith.select %gt3A_58, %add3A_55, %sub3A_65 : vector<10000x128xi1>, vector<10000x128xf32>
    %get3A_67 = arith.constant 0 : index
    %get3A_68 = arith.constant 0 : index
    %get3A_69 = vector.load %arg9[%get3A_67, %get3A_68] : memref<128x64xf32, #tpu.memory_space<vmem>>, vector<128x64xf32>
    %dot_general3A_70 = arith.constant dense<0.000000e+00> : vector<10000x64xf32>
    %dot_general3A_71 = tpu.matmul %select_n3A_66, %get3A_69, %dot_general3A_70 {dimension_numbers = #tpu.dot_dimension_numbers<[1], [0], [0], [1], [0, 0, 1, 1], [], []>, transpose_lhs_hint = false} : vector<10000x128xf32>, vector<128x64xf32>, vector<10000x64xf32> -> vector<10000x64xf32>
    %swap3A = arith.constant 0 : index
    %swap3A_72 = arith.constant 0 : index
    %swap3A_73 = vector.load %arg10[%swap3A, %swap3A_72] : memref<10000x64xf32, #tpu.memory_space<vmem>>, vector<10000x64xf32>
    tpu.vector_store %arg10[%swap3A, %swap3A_72], %dot_general3A_71 {strides = array<i32>} : memref<10000x64xf32, #tpu.memory_space<vmem>>, vector<10000x64xf32>,
    return
  }
}

module attributes {stable_mosaic.version = 14 : i64} {
  func.func @_mid_body(%arg0: memref<2x10112x64xf32, #tpu.memory_space<vmem>>, %arg1: memref<1x64xf32, #tpu.memory_space<vmem>>, %arg2: memref<64x32xf32, #tpu.memory_space<vmem>>, %arg3: memref<10000x32xf32, #tpu.memory_space<vmem>>) attributes {dimension_semantics = [], scalar_prefetch = 0 : i64, scratch_operands = 0 : i64, tpu.core_type = #tpu.core_type<tc>} {
    %get3A = arith.constant 0 : index
    %get3A_0 = arith.constant 0 : index
    %get3A_1 = arith.constant 0 : index
    %get3A_2 = vector.load %arg0[%get3A, %get3A_0, %get3A_1] : memref<2x10112x64xf32, #tpu.memory_space<vmem>>, vector<1x10000x64xf32>
    %get3A_3 = vector.shape_cast %get3A_2 : vector<1x10000x64xf32> to vector<10000x64xf32>
    %get3A_4 = arith.constant 1 : index
    %get3A_5 = arith.constant 0 : index
    %get3A_6 = arith.constant 0 : index
    %get3A_7 = vector.load %arg0[%get3A_4, %get3A_5, %get3A_6] : memref<2x10112x64xf32, #tpu.memory_space<vmem>>, vector<1x10000x64xf32>
    %get3A_8 = vector.shape_cast %get3A_7 : vector<1x10000x64xf32> to vector<10000x64xf32>
    %add3A = arith.addf %get3A_3, %get3A_8 : vector<10000x64xf32>
    %get3A_9 = arith.constant 0 : index
    %get3A_10 = arith.constant 0 : index
    %get3A_11 = vector.load %arg1[%get3A_9, %get3A_10] : memref<1x64xf32, #tpu.memory_space<vmem>>, vector<1x64xf32>
    %add3A_12 = vector.broadcast %get3A_11 : vector<1x64xf32> to vector<10000x64xf32>
    %add3A_13 = arith.addf %add3A, %add3A_12 : vector<10000x64xf32>
    %gt3A = arith.constant 0.000000e+00 : f32
    %gt3A_14 = vector.broadcast %gt3A : f32 to vector<10000x64xf32>
    %gt3A_15 = arith.cmpf ogt, %add3A_13, %gt3A_14 : vector<10000x64xf32>
    %min3A = arith.constant 0.000000e+00 : f32
    %min3A_16 = vector.broadcast %min3A : f32 to vector<10000x64xf32>
    %min3A_17 = arith.minimumf %add3A_13, %min3A_16 : vector<10000x64xf32>
    %exp3A = math.exp %min3A_17 : vector<10000x64xf32>
    %sub3A = arith.constant 1.000000e+00 : f32
    %sub3A_18 = vector.broadcast %sub3A : f32 to vector<10000x64xf32>
    %sub3A_19 = arith.subf %exp3A, %sub3A_18 : vector<10000x64xf32>
    %select_n3A = arith.select %gt3A_15, %add3A_13, %sub3A_19 : vector<10000x64xi1>, vector<10000x64xf32>
    %get3A_20 = arith.constant 0 : index
    %get3A_21 = arith.constant 0 : index
    %get3A_22 = vector.load %arg2[%get3A_20, %get3A_21] : memref<64x32xf32, #tpu.memory_space<vmem>>, vector<64x32xf32>
    %dot_general3A = arith.constant dense<0.000000e+00> : vector<10000x32xf32>
    %dot_general3A_23 = tpu.matmul %select_n3A, %get3A_22, %dot_general3A {dimension_numbers = #tpu.dot_dimension_numbers<[1], [0], [0], [1], [0, 0, 1, 1], [], []>, transpose_lhs_hint = false} : vector<10000x64xf32>, vector<64x32xf32>, vector<10000x32xf32> -> vector<10000x32xf32>
    %swap3A = arith.constant 0 : index
    %swap3A_24 = arith.constant 0 : index
    %swap3A_25 = vector.load %arg3[%swap3A, %swap3A_24] : memref<10000x32xf32, #tpu.memory_space<vmem>>, vector<10000x32xf32>
    tpu.vector_store %arg3[%swap3A, %swap3A_24], %dot_general3A_23 {strides = array<i32>} : memref<10000x32xf32, #tpu.memory_space<vmem>>, vector<10000x32xf32>,
    return
  }
}

module attributes {stable_mosaic.version = 14 : i64} {
  func.func @_mid_body(%arg0: memref<2x10112x32xf32, #tpu.memory_space<vmem>>, %arg1: memref<1x32xf32, #tpu.memory_space<vmem>>, %arg2: memref<32x16xf32, #tpu.memory_space<vmem>>, %arg3: memref<10000x16xf32, #tpu.memory_space<vmem>>) attributes {dimension_semantics = [], scalar_prefetch = 0 : i64, scratch_operands = 0 : i64, tpu.core_type = #tpu.core_type<tc>} {
    %get3A = arith.constant 0 : index
    %get3A_0 = arith.constant 0 : index
    %get3A_1 = arith.constant 0 : index
    %get3A_2 = vector.load %arg0[%get3A, %get3A_0, %get3A_1] : memref<2x10112x32xf32, #tpu.memory_space<vmem>>, vector<1x10000x32xf32>
    %get3A_3 = vector.shape_cast %get3A_2 : vector<1x10000x32xf32> to vector<10000x32xf32>
    %get3A_4 = arith.constant 1 : index
    %get3A_5 = arith.constant 0 : index
    %get3A_6 = arith.constant 0 : index
    %get3A_7 = vector.load %arg0[%get3A_4, %get3A_5, %get3A_6] : memref<2x10112x32xf32, #tpu.memory_space<vmem>>, vector<1x10000x32xf32>
    %get3A_8 = vector.shape_cast %get3A_7 : vector<1x10000x32xf32> to vector<10000x32xf32>
    %add3A = arith.addf %get3A_3, %get3A_8 : vector<10000x32xf32>
    %get3A_9 = arith.constant 0 : index
    %get3A_10 = arith.constant 0 : index
    %get3A_11 = vector.load %arg1[%get3A_9, %get3A_10] : memref<1x32xf32, #tpu.memory_space<vmem>>, vector<1x32xf32>
    %add3A_12 = vector.broadcast %get3A_11 : vector<1x32xf32> to vector<10000x32xf32>
    %add3A_13 = arith.addf %add3A, %add3A_12 : vector<10000x32xf32>
    %gt3A = arith.constant 0.000000e+00 : f32
    %gt3A_14 = vector.broadcast %gt3A : f32 to vector<10000x32xf32>
    %gt3A_15 = arith.cmpf ogt, %add3A_13, %gt3A_14 : vector<10000x32xf32>
    %min3A = arith.constant 0.000000e+00 : f32
    %min3A_16 = vector.broadcast %min3A : f32 to vector<10000x32xf32>
    %min3A_17 = arith.minimumf %add3A_13, %min3A_16 : vector<10000x32xf32>
    %exp3A = math.exp %min3A_17 : vector<10000x32xf32>
    %sub3A = arith.constant 1.000000e+00 : f32
    %sub3A_18 = vector.broadcast %sub3A : f32 to vector<10000x32xf32>
    %sub3A_19 = arith.subf %exp3A, %sub3A_18 : vector<10000x32xf32>
    %select_n3A = arith.select %gt3A_15, %add3A_13, %sub3A_19 : vector<10000x32xi1>, vector<10000x32xf32>
    %get3A_20 = arith.constant 0 : index
    %get3A_21 = arith.constant 0 : index
    %get3A_22 = vector.load %arg2[%get3A_20, %get3A_21] : memref<32x16xf32, #tpu.memory_space<vmem>>, vector<32x16xf32>
    %dot_general3A = arith.constant dense<0.000000e+00> : vector<10000x16xf32>
    %dot_general3A_23 = tpu.matmul %select_n3A, %get3A_22, %dot_general3A {dimension_numbers = #tpu.dot_dimension_numbers<[1], [0], [0], [1], [0, 0, 1, 1], [], []>, transpose_lhs_hint = false} : vector<10000x32xf32>, vector<32x16xf32>, vector<10000x16xf32> -> vector<10000x16xf32>
    %swap3A = arith.constant 0 : index
    %swap3A_24 = arith.constant 0 : index
    %swap3A_25 = vector.load %arg3[%swap3A, %swap3A_24] : memref<10000x16xf32, #tpu.memory_space<vmem>>, vector<10000x16xf32>
    tpu.vector_store %arg3[%swap3A, %swap3A_24], %dot_general3A_23 {strides = array<i32>} : memref<10000x16xf32, #tpu.memory_space<vmem>>, vector<10000x16xf32>,
    return
  }
}

module attributes {stable_mosaic.version = 14 : i64} {
  func.func @_mid_body(%arg0: memref<2x10112x16xf32, #tpu.memory_space<vmem>>, %arg1: memref<1x16xf32, #tpu.memory_space<vmem>>, %arg2: memref<16x16xf32, #tpu.memory_space<vmem>>, %arg3: memref<10000x16xf32, #tpu.memory_space<vmem>>) attributes {dimension_semantics = [], scalar_prefetch = 0 : i64, scratch_operands = 0 : i64, tpu.core_type = #tpu.core_type<tc>} {
    %get3A = arith.constant 0 : index
    %get3A_0 = arith.constant 0 : index
    %get3A_1 = arith.constant 0 : index
    %get3A_2 = vector.load %arg0[%get3A, %get3A_0, %get3A_1] : memref<2x10112x16xf32, #tpu.memory_space<vmem>>, vector<1x10000x16xf32>
    %get3A_3 = vector.shape_cast %get3A_2 : vector<1x10000x16xf32> to vector<10000x16xf32>
    %get3A_4 = arith.constant 1 : index
    %get3A_5 = arith.constant 0 : index
    %get3A_6 = arith.constant 0 : index
    %get3A_7 = vector.load %arg0[%get3A_4, %get3A_5, %get3A_6] : memref<2x10112x16xf32, #tpu.memory_space<vmem>>, vector<1x10000x16xf32>
    %get3A_8 = vector.shape_cast %get3A_7 : vector<1x10000x16xf32> to vector<10000x16xf32>
    %add3A = arith.addf %get3A_3, %get3A_8 : vector<10000x16xf32>
    %get3A_9 = arith.constant 0 : index
    %get3A_10 = arith.constant 0 : index
    %get3A_11 = vector.load %arg1[%get3A_9, %get3A_10] : memref<1x16xf32, #tpu.memory_space<vmem>>, vector<1x16xf32>
    %add3A_12 = vector.broadcast %get3A_11 : vector<1x16xf32> to vector<10000x16xf32>
    %add3A_13 = arith.addf %add3A, %add3A_12 : vector<10000x16xf32>
    %gt3A = arith.constant 0.000000e+00 : f32
    %gt3A_14 = vector.broadcast %gt3A : f32 to vector<10000x16xf32>
    %gt3A_15 = arith.cmpf ogt, %add3A_13, %gt3A_14 : vector<10000x16xf32>
    %min3A = arith.constant 0.000000e+00 : f32
    %min3A_16 = vector.broadcast %min3A : f32 to vector<10000x16xf32>
    %min3A_17 = arith.minimumf %add3A_13, %min3A_16 : vector<10000x16xf32>
    %exp3A = math.exp %min3A_17 : vector<10000x16xf32>
    %sub3A = arith.constant 1.000000e+00 : f32
    %sub3A_18 = vector.broadcast %sub3A : f32 to vector<10000x16xf32>
    %sub3A_19 = arith.subf %exp3A, %sub3A_18 : vector<10000x16xf32>
    %select_n3A = arith.select %gt3A_15, %add3A_13, %sub3A_19 : vector<10000x16xi1>, vector<10000x16xf32>
    %get3A_20 = arith.constant 0 : index
    %get3A_21 = arith.constant 0 : index
    %get3A_22 = vector.load %arg2[%get3A_20, %get3A_21] : memref<16x16xf32, #tpu.memory_space<vmem>>, vector<16x16xf32>
    %dot_general3A = arith.constant dense<0.000000e+00> : vector<10000x16xf32>
    %dot_general3A_23 = tpu.matmul %select_n3A, %get3A_22, %dot_general3A {dimension_numbers = #tpu.dot_dimension_numbers<[1], [0], [0], [1], [0, 0, 1, 1], [], []>, transpose_lhs_hint = false} : vector<10000x16xf32>, vector<16x16xf32>, vector<10000x16xf32> -> vector<10000x16xf32>
    %swap3A = arith.constant 0 : index
    %swap3A_24 = arith.constant 0 : index
    %swap3A_25 = vector.load %arg3[%swap3A, %swap3A_24] : memref<10000x16xf32, #tpu.memory_space<vmem>>, vector<10000x16xf32>
    tpu.vector_store %arg3[%swap3A, %swap3A_24], %dot_general3A_23 {strides = array<i32>} : memref<10000x16xf32, #tpu.memory_space<vmem>>, vector<10000x16xf32>,
    return
  }
}

module attributes {stable_mosaic.version = 14 : i64} {
  func.func @_fin_body(%arg0: memref<2x10112x16xf32, #tpu.memory_space<vmem>>, %arg1: memref<1x16xf32, #tpu.memory_space<vmem>>, %arg2: memref<16x8xf32, #tpu.memory_space<vmem>>, %arg3: memref<1x8xf32, #tpu.memory_space<vmem>>, %arg4: memref<8x4xf32, #tpu.memory_space<vmem>>, %arg5: memref<1x4xf32, #tpu.memory_space<vmem>>, %arg6: memref<4x1xf32, #tpu.memory_space<vmem>>, %arg7: memref<1x1xf32, #tpu.memory_space<vmem>>, %arg8: memref<10000x1xf32, #tpu.memory_space<vmem>>) attributes {dimension_semantics = [], scalar_prefetch = 0 : i64, scratch_operands = 0 : i64, tpu.core_type = #tpu.core_type<tc>} {
    %get3A = arith.constant 0 : index
    %get3A_0 = arith.constant 0 : index
    %get3A_1 = arith.constant 0 : index
    %get3A_2 = vector.load %arg0[%get3A, %get3A_0, %get3A_1] : memref<2x10112x16xf32, #tpu.memory_space<vmem>>, vector<1x10000x16xf32>
    %get3A_3 = vector.shape_cast %get3A_2 : vector<1x10000x16xf32> to vector<10000x16xf32>
    %get3A_4 = arith.constant 1 : index
    %get3A_5 = arith.constant 0 : index
    %get3A_6 = arith.constant 0 : index
    %get3A_7 = vector.load %arg0[%get3A_4, %get3A_5, %get3A_6] : memref<2x10112x16xf32, #tpu.memory_space<vmem>>, vector<1x10000x16xf32>
    %get3A_8 = vector.shape_cast %get3A_7 : vector<1x10000x16xf32> to vector<10000x16xf32>
    %add3A = arith.addf %get3A_3, %get3A_8 : vector<10000x16xf32>
    %get3A_9 = arith.constant 0 : index
    %get3A_10 = arith.constant 0 : index
    %get3A_11 = vector.load %arg1[%get3A_9, %get3A_10] : memref<1x16xf32, #tpu.memory_space<vmem>>, vector<1x16xf32>
    %add3A_12 = vector.broadcast %get3A_11 : vector<1x16xf32> to vector<10000x16xf32>
    %add3A_13 = arith.addf %add3A, %add3A_12 : vector<10000x16xf32>
    %gt3A = arith.constant 0.000000e+00 : f32
    %gt3A_14 = vector.broadcast %gt3A : f32 to vector<10000x16xf32>
    %gt3A_15 = arith.cmpf ogt, %add3A_13, %gt3A_14 : vector<10000x16xf32>
    %min3A = arith.constant 0.000000e+00 : f32
    %min3A_16 = vector.broadcast %min3A : f32 to vector<10000x16xf32>
    %min3A_17 = arith.minimumf %add3A_13, %min3A_16 : vector<10000x16xf32>
    %exp3A = math.exp %min3A_17 : vector<10000x16xf32>
    %sub3A = arith.constant 1.000000e+00 : f32
    %sub3A_18 = vector.broadcast %sub3A : f32 to vector<10000x16xf32>
    %sub3A_19 = arith.subf %exp3A, %sub3A_18 : vector<10000x16xf32>
    %select_n3A = arith.select %gt3A_15, %add3A_13, %sub3A_19 : vector<10000x16xi1>, vector<10000x16xf32>
    %get3A_20 = arith.constant 0 : index
    %get3A_21 = arith.constant 0 : index
    %get3A_22 = vector.load %arg2[%get3A_20, %get3A_21] : memref<16x8xf32, #tpu.memory_space<vmem>>, vector<16x8xf32>
    %dot_general3A = arith.constant dense<0.000000e+00> : vector<10000x8xf32>
    %dot_general3A_23 = tpu.matmul %select_n3A, %get3A_22, %dot_general3A {dimension_numbers = #tpu.dot_dimension_numbers<[1], [0], [0], [1], [0, 0, 1, 1], [], []>, transpose_lhs_hint = false} : vector<10000x16xf32>, vector<16x8xf32>, vector<10000x8xf32> -> vector<10000x8xf32>
    %get3A_24 = arith.constant 0 : index
    %get3A_25 = arith.constant 0 : index
    %get3A_26 = vector.load %arg3[%get3A_24, %get3A_25] : memref<1x8xf32, #tpu.memory_space<vmem>>, vector<1x8xf32>
    %add3A_27 = vector.broadcast %get3A_26 : vector<1x8xf32> to vector<10000x8xf32>
    %add3A_28 = arith.addf %dot_general3A_23, %add3A_27 : vector<10000x8xf32>
    %gt3A_29 = arith.constant 0.000000e+00 : f32
    %gt3A_30 = vector.broadcast %gt3A_29 : f32 to vector<10000x8xf32>
    %gt3A_31 = arith.cmpf ogt, %add3A_28, %gt3A_30 : vector<10000x8xf32>
    %min3A_32 = arith.constant 0.000000e+00 : f32
    %min3A_33 = vector.broadcast %min3A_32 : f32 to vector<10000x8xf32>
    %min3A_34 = arith.minimumf %add3A_28, %min3A_33 : vector<10000x8xf32>
    %exp3A_35 = math.exp %min3A_34 : vector<10000x8xf32>
    %sub3A_36 = arith.constant 1.000000e+00 : f32
    %sub3A_37 = vector.broadcast %sub3A_36 : f32 to vector<10000x8xf32>
    %sub3A_38 = arith.subf %exp3A_35, %sub3A_37 : vector<10000x8xf32>
    %select_n3A_39 = arith.select %gt3A_31, %add3A_28, %sub3A_38 : vector<10000x8xi1>, vector<10000x8xf32>
    %get3A_40 = arith.constant 0 : index
    %get3A_41 = arith.constant 0 : index
    %get3A_42 = vector.load %arg4[%get3A_40, %get3A_41] : memref<8x4xf32, #tpu.memory_space<vmem>>, vector<8x4xf32>
    %dot_general3A_43 = arith.constant dense<0.000000e+00> : vector<10000x4xf32>
    %dot_general3A_44 = tpu.matmul %select_n3A_39, %get3A_42, %dot_general3A_43 {dimension_numbers = #tpu.dot_dimension_numbers<[1], [0], [0], [1], [0, 0, 1, 1], [], []>, transpose_lhs_hint = false} : vector<10000x8xf32>, vector<8x4xf32>, vector<10000x4xf32> -> vector<10000x4xf32>
    %get3A_45 = arith.constant 0 : index
    %get3A_46 = arith.constant 0 : index
    %get3A_47 = vector.load %arg5[%get3A_45, %get3A_46] : memref<1x4xf32, #tpu.memory_space<vmem>>, vector<1x4xf32>
    %add3A_48 = vector.broadcast %get3A_47 : vector<1x4xf32> to vector<10000x4xf32>
    %add3A_49 = arith.addf %dot_general3A_44, %add3A_48 : vector<10000x4xf32>
    %gt3A_50 = arith.constant 0.000000e+00 : f32
    %gt3A_51 = vector.broadcast %gt3A_50 : f32 to vector<10000x4xf32>
    %gt3A_52 = arith.cmpf ogt, %add3A_49, %gt3A_51 : vector<10000x4xf32>
    %min3A_53 = arith.constant 0.000000e+00 : f32
    %min3A_54 = vector.broadcast %min3A_53 : f32 to vector<10000x4xf32>
    %min3A_55 = arith.minimumf %add3A_49, %min3A_54 : vector<10000x4xf32>
    %exp3A_56 = math.exp %min3A_55 : vector<10000x4xf32>
    %sub3A_57 = arith.constant 1.000000e+00 : f32
    %sub3A_58 = vector.broadcast %sub3A_57 : f32 to vector<10000x4xf32>
    %sub3A_59 = arith.subf %exp3A_56, %sub3A_58 : vector<10000x4xf32>
    %select_n3A_60 = arith.select %gt3A_52, %add3A_49, %sub3A_59 : vector<10000x4xi1>, vector<10000x4xf32>
    %get3A_61 = arith.constant 0 : index
    %get3A_62 = arith.constant 0 : index
    %get3A_63 = vector.load %arg6[%get3A_61, %get3A_62] : memref<4x1xf32, #tpu.memory_space<vmem>>, vector<4x1xf32>
    %dot_general3A_64 = arith.constant dense<0.000000e+00> : vector<10000x1xf32>
    %dot_general3A_65 = tpu.matmul %select_n3A_60, %get3A_63, %dot_general3A_64 {dimension_numbers = #tpu.dot_dimension_numbers<[1], [0], [0], [1], [0, 0, 1, 1], [], []>, transpose_lhs_hint = false} : vector<10000x4xf32>, vector<4x1xf32>, vector<10000x1xf32> -> vector<10000x1xf32>
    %get3A_66 = arith.constant 0 : index
    %get3A_67 = arith.constant 0 : index
    %get3A_68 = vector.load %arg7[%get3A_66, %get3A_67] : memref<1x1xf32, #tpu.memory_space<vmem>>, vector<1x1xf32>
    %add3A_69 = vector.broadcast %get3A_68 : vector<1x1xf32> to vector<10000x1xf32>
    %add3A_70 = arith.addf %dot_general3A_65, %add3A_69 : vector<10000x1xf32>
    %logistic3A = arith.negf %add3A_70 : vector<10000x1xf32>
    %logistic3A_71 = math.exp %logistic3A : vector<10000x1xf32>
    %logistic3A_72 = arith.constant 1.000000e+00 : f32
    %logistic3A_73 = vector.broadcast %logistic3A_72 : f32 to vector<10000x1xf32>
    %logistic3A_74 = arith.addf %logistic3A_73, %logistic3A_71 : vector<10000x1xf32>
    %logistic3A_75 = arith.divf %logistic3A_73, %logistic3A_74 : vector<10000x1xf32>
    %swap3A = arith.constant 0 : index
    %swap3A_76 = arith.constant 0 : index
    %swap3A_77 = vector.load %arg8[%swap3A, %swap3A_76] : memref<10000x1xf32, #tpu.memory_space<vmem>>, vector<10000x1xf32>
    tpu.vector_store %arg8[%swap3A, %swap3A_76], %logistic3A_75 {strides = array<i32>} : memref<10000x1xf32, #tpu.memory_space<vmem>>, vector<10000x1xf32>,
    return
  }
}

</mosaic_0001>

<sc_bundles>
// kernel: kernel.13.cloned.1.call-start
scs
__scs_entry_jumppad:
0x0: {  	(pc) =	sbr.rel $0x88, $3  }
0x1: {  	(tag) =	ssettag $0x0;
	lr =	simm.s32 $0x1  }
0x2: {  	[smem:$0x3F88] =	sst lr;
	_ =	strace $0xD0000000  }
0x3: {  	_ = 	snop  }
0x4: {  	_ = 	snop  }
0x5: {  	_ = 	snop  }
0x6: {  	_ = 	snop  }
0x7: {  	_ = 	snop  }
__scs_overlays_trampoline_lowered:
0x8: {  	[smem:$0x3F97] =	sst s0  }
0x9: {  	[smem:$0x3F98] =	sst s1  }
0xa: {  	[smem:$0x3F99] =	sst s2  }
0xb: {  	[smem:$0x3F9A] =	sst s3  }
0xc: {  	[smem:$0x3F9B] =	sst s4  }
0xd: {  	[smem:$0x3F9C] =	sst s5  }
0xe: {  	[smem:$0x3F9D] =	sst s6  }
0xf: {  	[smem:$0x3F9E] =	sst s7  }
0x10: {  	[smem:$0x3F9F] =	sst s8  }
0x11: {  	[smem:$0x3FA0] =	sst s9;
	s0 =	simm.s32 @!p0 $0x0  }
0x12: {  	s1 =	sld [smem:$0x3F86];
	s0 =	simm.s32 @p0 $0x1  }
0x13: {  	[smem:$0x3FA1] =	sst s0;
	s0 =	simm.s32 @!p1 $0x0  }
0x14: {  	s2 =	sld [smem:$0x3F85];
	s0 =	simm.s32 @p1 $0x1  }
0x15: {  	[smem:$0x3FA2] =	sst s0;
	s0 =	simm.s32 @!p2 $0x0  }
0x16: {  	s3 =	sld [smem:$0x3FDB];
	s0 =	simm.s32 @p2 $0x1  }
0x17: {  	s4 =	simm.s32 $0x1BF5;
	[smem:$0x3FA4] =	sst s0  }
0x18: {  	s0 =	sld [smem:$0x3F87];
	_ =	swait.ge [sflag:s4], $0x0  }
0x19: {  	s7 =	sld [smem:$0x3F88]  }
0x1a: {  	s8 =	sadd.s32 $0xFFFFE003, lr  }
0x1b: {  	s9 =	sadd.s32 $0xFFFFFEF7, lr;
	s5 =	simm.s32 $0xFFFFFFFF;
	p2 =	slt.u32 s8, $0xFFFFF086  }
0x1c: {  	p1 =	slt.u32 s9, $0xF7A;
	s5 =	simm.s32 @!p2 $0x0  }
0x1d: {  	s5 =	simm.s32 @p1 $0x1;
	p0 =	seq.s32 s7, s2  }
0x1e: {  	s7 =	smul.u32 @!p0 $0xF7A, s2;
	p2 =	seq.s32 @!p0 s5, $0x0  }
0x1f: {  	s9 =	smul.u32 $0xF7A, s1;
	s8 =	simm.s32 @!p0 $0x1BF5;
	p2 =	por !p2, p0  }
0x20: {  	[sflag:s8] =	ssyncset.s32 @!p0 $0xFFFFF086;
	s6 =	sadd.s32 @!p0 s3, s7;
	s7 =	simm.s32 @!p0 $0x108  }
0x21: {  	s3 =	sadd.s32 s3, s9;
	s6 =	sadd.s32 @!p0 $0x88, s6;
	s7 =	simm.s32 @p2 $0x1082  }
0x22: {  	[simem:s7], [sflag:s8] =	dma.local @!p0 [hbm:s6], $0xF7A  }
0x23: {  	s9 =	sor.u32 $0xD0000000, s2;
	s6 =	simm.s32 $0x108;
	_ =	swait.ge @!p0 [sflag:s8], $0x0  }
0x24: {  	s3 =	sadd.s32 $0x88, s3;
	s6 =	simm.s32 @!p1 $0x1082;
	[sflag:s4] =	ssyncset.s32 $0xFFFFF086  }
0x25: {  	[simem:s6], [sflag:s4] =	dma.local [hbm:s3], $0xF7A  }
0x26: {  	[smem:$0x3F88] =	sst s1;
	(tag) =	ssettag s2;
	_ =	strace s9  }
0x27: {  	s1 =	sld [smem:$0x3F98]  }
0x28: {  	s2 =	sld [smem:$0x3F99]  }
0x29: {  	s4 =	sld [smem:$0x3F9B]  }
0x2a: {  	p0 =	seq.s32 s5, $0x0;
	s5 =	sld [smem:$0x3F9C]  }
0x2b: {  	s6 =	sld [smem:$0x3F9D]  }
0x2c: {  	s7 =	sld [smem:$0x3F9E]  }
0x2d: {  	s3 =	simm.s32 $0x108;
	s8 =	sld [smem:$0x3F9F]  }
0x2e: {  	s3 =	simm.s32 @!p0 $0x1082;
	s9 =	sld [smem:$0x3FA0]  }
0x2f: {  	lr =	sadd.s32 s0, s3;
	s0 =	sld [smem:$0x3F97]  }
0x30: {  	s3 =	sld [smem:$0x3F9A]  }
0x31: {  	[smem:$0x3FA3] =	sst s10  }
0x32: {  	s10 =	sld [smem:$0x3FA1];
	_ =	sdelay $0x3  }
0x33: {  	p0 =	seq.s32 s10, $0x1;
	s10 =	sld [smem:$0x3FA3];
	_ =	sdelay $0x3  }
0x34: {  	[smem:$0x3FA3] =	sst s10  }
0x35: {  	s10 =	sld [smem:$0x3FA2];
	_ =	sdelay $0x3  }
0x36: {  	p1 =	seq.s32 s10, $0x1;
	s10 =	sld [smem:$0x3FA3];
	_ =	sdelay $0x3  }
0x37: {  	[smem:$0x3FA3] =	sst s10  }
0x38: {  	s10 =	sld [smem:$0x3FA4]  }
0x39: {  	_ = 	snop;
	(pc) =	sbr.ind lr, $3  }
0x3a: {  	_ = 	snop  }
0x3b: {  	_ = 	snop  }
0x3c: {  	p2 =	seq.s32 s10, $0x1;
	s10 =	sld [smem:$0x3FA3]  }
0x3d: {  	_ =	shalt  }
0x3e: {  	_ =	shalt  }
0x3f: {  	_ =	shalt  }
0x40: {  	_ =	shalt  }
0x41: {  	_ =	shalt  }
0x42: {  	_ =	shalt  }
0x43: {  	_ =	shalt  }
0x44: {  	_ =	shalt  }
0x45: {  	_ =	shalt  }
0x46: {  	_ =	shalt  }
0x47: {  	_ =	shalt  }
0x48: {  	_ =	shalt  }
0x49: {  	_ =	shalt  }
0x4a: {  	_ =	shalt  }
0x4b: {  	_ =	shalt  }
0x4c: {  	_ =	shalt  }
0x4d: {  	_ =	shalt  }
0x4e: {  	_ =	shalt  }
0x4f: {  	_ =	shalt  }
0x50: {  	_ =	shalt  }
0x51: {  	_ =	shalt  }
0x52: {  	_ =	shalt  }
0x53: {  	_ =	shalt  }
0x54: {  	_ =	shalt  }
0x55: {  	_ =	shalt  }
0x56: {  	_ =	shalt  }
0x57: {  	_ =	shalt  }
0x58: {  	_ =	shalt  }
0x59: {  	_ =	shalt  }
0x5a: {  	_ =	shalt  }
0x5b: {  	_ =	shalt  }
0x5c: {  	_ =	shalt  }
0x5d: {  	_ =	shalt  }
0x5e: {  	_ =	shalt  }
0x5f: {  	_ =	shalt  }
0x60: {  	_ =	shalt  }
0x61: {  	_ =	shalt  }
0x62: {  	_ =	shalt  }
0x63: {  	_ =	shalt  }
0x64: {  	_ =	shalt  }
0x65: {  	_ =	shalt  }
0x66: {  	_ =	shalt  }
0x67: {  	_ =	shalt  }
0x68: {  	_ =	shalt  }
0x69: {  	_ =	shalt  }
0x6a: {  	_ =	shalt  }
0x6b: {  	_ =	shalt  }
0x6c: {  	_ =	shalt  }
0x6d: {  	_ =	shalt  }
0x6e: {  	_ =	shalt  }
0x6f: {  	_ =	shalt  }
0x70: {  	_ =	shalt  }
0x71: {  	_ =	shalt  }
0x72: {  	_ =	shalt  }
0x73: {  	_ =	shalt  }
0x74: {  	_ =	shalt  }
0x75: {  	_ =	shalt  }
0x76: {  	_ =	shalt  }
0x77: {  	_ =	shalt  }
0x78: {  	_ =	shalt  }
0x79: {  	_ =	shalt  }
0x7a: {  	_ =	shalt  }
0x7b: {  	_ =	shalt  }
0x7c: {  	_ =	shalt  }
0x7d: {  	_ =	shalt  }
0x7e: {  	_ =	shalt  }
0x7f: {  	_ =	shalt  }
0x80: {  	_ =	shalt  }
0x81: {  	_ =	shalt  }
0x82: {  	_ =	shalt  }
0x83: {  	_ =	shalt  }
0x84: {  	_ =	shalt  }
0x85: {  	_ =	shalt  }
0x86: {  	_ =	shalt  }
0x87: {  	_ =	shalt  }
.Lfunc_end0:
.L_simem_size_0:
called_computation_lowered:
.L_overlay_start_0:
0x88: {  	s2 =	sld [smem:$0x3FD9]  }
0x89: {  	s3 =	sld [smem:$0x3FFE];
	_ =	sdelay $0x1  }
0x8a: {  	s1 =	srdreg.scid  }
0x8b: {  	s0 =	sand.u32 $0x1, s1  }
0x8c: {  	s16 =	sshll.u32 s0, $0xA;
	s2 =	sadd.s32 s3, s2  }
0x8d: {  	s2 =	sadd.s32 s2, s16  }
0x8e: {  	[smem:$0x3FAF] =	sst s2  }
0x8f: {  	_ = 	snop  }
0x90: {  	(tm) =	ssettm $0x1  }
0x91: {  	s17 =	sld [smem:$0x3FFB];
	_ =	sdelay $0x3  }
0x92: {  	_ =	strace s17  }
0x93: {  	s2 =	sld [smem:$0x3FFC];
	_ =	sdelay $0x3  }
0x94: {  	_ =	strace s2  }
0x95: {  	s2 =	sld [smem:$0x3FFD];
	_ =	sdelay $0x3  }
0x96: {  	_ =	strace s2  }
0x97: {  	_ =	strace $0x8FFFFFFF  }
0x98: {  	s18 =	sld [smem:$0x3FDB];
	_ =	sdelay $0x1  }
0x99: {  	s19 =	simm.s32 $_scs_section_size  }
0x9a: {  	s4 =	simm.s32 $_size__tile_overlayer_lowered;
	s5 =	simm.s32 $_tile_overlayer_lowered  }
0x9b: {  	s22 =	simm.s32 $0x1BFF;
	s21 =	sshll.u32 s5, $0x1;
	s2 =	sadd.s32 s19, s18  }
0x9c: {  	s6 =	simm.s32 $0x0;
	s20 =	sshll.u32 s4, $0x1;
	s4 =	sadd.s32 s21, s2  }
0x9d: {  	[timem:s6], [sflag:s22] =	dma.local [hbm:s4], s20  }
0x9e: {  	_ =	swait.ge [sflag:s22], s20  }
0x9f: {  	s3 =	ssub.s32 $0x0, s20;
	[sflag:s22] =	ssyncset.done $0x0  }
0xa0: {  	[sflag:s22] =	ssyncadd.s32 s3;
	_ =	sdelay $0x1  }
0xa1: {  	s23 =	simm.s32 $0x1B8B  }
0xa2: {  	_ =	swait.ge [sflag:s23], $0x1  }
0xa3: {  	[sflag:s23] =	ssyncset.done $0x0  }
0xa4: {  	s25 =	simm.s32 $0x1B8E;
	s24 =	sld [smem:$0x3FFE];
	[sflag:s23] =	ssyncadd.s32 $0xFFFFFFFF  }
0xa5: {  	s26 =	simm.s32 $execute0_lowered;
	[smem:$0x3FD2] =	sst s25  }
0xa6: {  	s4 =	sshll.u32 s26, $0x1;
	_ =	strace $0x80000046;
	[dreg:$0x1] =	wrdreg $0xFFFFFFFF  }
0xa7: {  	s28 =	simm.s32 $_size_execute0_lowered;
	s2 =	sadd.s32 s2, s4;
	[dreg:$0x0] =	wrdreg $0x0  }
0xa8: {  	s4 =	sshll.u32 s28, $0x1;
	[dreg:$0x2] =	wrdreg s2  }
0xa9: {  	[dreg:$0x3] =	wrdreg s4  }
0xaa: {  	[dreg:$0x4] =	wrdreg $0xC0  }
0xab: {  	_ =	task [dreg:s6], $0x5FFFF  }
0xac: {  	[dreg:$0x1] =	wrdreg $0xFFFFFFFF  }
0xad: {  	[dreg:$0x0] =	wrdreg $0x60  }
0xae: {  	[dreg:$0x2] =	wrdreg s24  }
0xaf: {  	[dreg:$0x3] =	wrdreg $0x14A000  }
0xb0: {  	[dreg:$0x4] =	wrdreg $0x9  }
0xb1: {  	_ =	task.clear_ibuf [dreg:s6], $0x5FFFF;
	_ =	strace $0x90000046  }
0xb2: {  	s29 =	simm.s32 $0x9;
	_ =	strace $0x80000048  }
0xb3: {  	_ =	swait.ge [sflag:s29], $0x1  }
0xb4: {  	[sflag:s29] =	ssyncadd.s32 $0xFFFFFFFF  }
0xb5: {  	_ =	strace $0x90000048  }
0xb6: {  	_ =	sfence  }
0xb7: {  	s30 =	sld [smem:$0x0];
	_ =	sdelay $0x2  }
0xb8: {  	s31 =	sshll.u32 s1, $0xD;
	s1 =	sshrl.u32 s1, $0x2  }
0xb9: {  	s3 =	sand.u32 $0x4000, s31;
	s1 =	sadd.s32 s1, s30  }
0xba: {  	s0 =	sor.u32 s3, s0;
	s1 =	sshll.u32 s1, $0x11  }
0xbb: {  	s0 =	sor.u32 s1, s0  }
0xbc: {  	s0 =	sadd.s32 $0x8F2B, s0  }
0xbd: {  	[sflag:s0] =	ssyncadd.remote.s32 $0x1  }
0xbe: {  	_ =	sfence.sel $0xFFFF  }
0xbf: {  	[dreg:$0x0] =	wrdreg $0xFFFFFFFF;
	(pc) =	sbr.abs _section_cstart, $3  }
0xc0: {  	[dreg:$0x1] =	wrdreg $0xFFFFFFFF  }
0xc1: {  	_ =	task.clear_ibuf [dreg:s6], $0x2FFFF;
	_ =	strace $0x9FFFFFFF  }
0xc2: {  	(tm) =	ssettm $0x7FFFFFFF  }
0xc3: {  	_ =	shalt  }
tec
execute0_lowered:
.L_overlay_start_1:
0x0: {  	(tag) =	ssettag $0x1  }
0x1: {  	s0 =	srdreg.scid  }
0x2: {  	s10 =	stileid.u32;
	s5 =	rddreg [dreg:$0x0]  }
0x3: {  	s2 =	rddreg [dreg:$0x1];
	s3 =	simm.s32 $0x0;
	s12 =	simm.s32 $0x9  }
0x4: {  	s14 =	simm.s32 $0xFA;
	s15 =	simm.s32 $0x5000;
	s17 =	simm.s32 $0x8E80  }
0x5: {  	s19 =	simm.s32 $0xCD00;
	s21 =	simm.s32 $0x10B80;
	s22 =	simm.s32 $0x1  }
0x6: {  	s23 =	simm.s32 $0x2;
	s24 =	simm.s32 $0x3;
	s25 =	simm.s32 $0x4  }
0x7: {  	s28 =	simm.s32 $0x6;
	s29 =	simm.s32 $0x7;
	s30 =	simm.s32 $0x8  }
0x8: {  	s13 =	simm.s32 $0x4F00;
	s16 =	simm.s32 $0x0;
	s0 =	sand.u32 $0x1, s0  }
0x9: {  	s1 =	sshll.u32 s10, $0x1;
	s6 =	smul.u32 $0x9E00, s10;
	[smem:$0x7FF] =	sst s3  }
0xa: {  	s4 =	sadd.s32 $0x18A00, s5;
	s31 =	sshll.u32 s10, $0x6;
	s1 =	sor.u32 s0, s1  }
0xb: {  	s7 =	smul.u32 $0x9E000, s0;
	_ =	strace $0x80000047;
	s0 =	ssub.s32 $0x2, s0  }
0xc: {  	s1 =	smul.u32 $0x2800, s1;
	s8 =	sshrl.u32 s6, $0x3;
	s26 =	sshrl.u32 s0, $0x1  }
0xd: {  	s11 =	sadd.s32 s6, s2;
	s7 =	sadd.s32 s6, s7;
	s8 =	sadd.s32 s8, s5  }
0xe: {  	s0 =	ssub.s32 s0, s26;
	s6 =	sor.u32 $0x1C09, s31;
	s11 =	sshrl.u32 s11, $0x3  }
0xf: {  	s26 =	simm.s32 $0x5;
	s1 =	sshrl.u32 s1, $0x3;
	s7 =	sshrl.u32 s7, $0x3  }
0x10: {  	s10 =	smax.u32 s0, $0x1;
	s0 =	simm.s32 $0x4E00;
	s1 =	sadd.s32 s1, s5  }
0x11: {  	s9 =	sadd.s32 s7, s5;
	s5 =	sadd.s32 $0x2C400, s8;
	s7 =	sadd.s32 $0x4A00, s1  }
0x12: {  	s8 =	sadd.s32 $0xEA00, s1;
	s9 =	sadd.s32 $0x40000, s9;
	s1 =	simm.s32 $0x4D00  }
.LBB2_1:
0x13: {  	[spmem:s11], [sflag:s6] =	dma.local [hbm:s5], $0x13C0  }
0x14: {  	_ =	swait.ge [sflag:s12], $0x13C0  }
0x15: {  	[sflag:s12] =	ssyncset.done $0x0  }
0x16: {  	[sflag:s12] =	ssyncadd.s32 $0xFFFFEC40  }
0x17: {  	[tilespmem:s3], [sflag:$0x9] =	stream.linear.gather [hbm4b:s7+s3], $0x2800, $0x38;
	[tilespmem:$0x1E800] =	vst v63  }
0x18: {  	_ =	swait.ge [sflag:s12], $0x2800  }
0x19: {  	[sflag:s12] =	ssyncset.done $0x0  }
0x1a: {  	s18 =	simm.s32 $0x2800;
	[sflag:s12] =	ssyncadd.s32 $0xFFFFD800  }
0x1b: {  	[tilespmem:s18], [sflag:$0x9] =	stream.linear.gather [hbm4b:s8+s3], $0x2800, $0x38;
	[tilespmem:$0x1E800] =	vst v63  }
0x1c: {  	_ =	swait.ge [sflag:s12], $0x2800  }
0x1d: {  	[sflag:s12] =	ssyncset.done $0x0  }
0x1e: {  	[sflag:s12] =	ssyncadd.s32 $0xFFFFD800  }
0x1f: {  	[bflag:$0x0] =	sbarrier.arrive $0xFFFF  }
0x20: {  	[tilespmem:s15], [sflag:$0x1] =	stream.indirect.gather [hbm4b:s4+s14], $0x40, s3, s14, $0xb8;
	[tilespmem:$0x1E800] =	vst v63  }
0x21: {  	s20 =	simm.s32 $0x100  }
0x22: {  	[tilespmem:s17], [sflag:$0x2] =	stream.indirect.gather [hbm4b:s4+s14], $0x40, s20, s14, $0xb8;
	[tilespmem:$0x1E800] =	vst v63  }
0x23: {  	s31 =	simm.s32 $0x200  }
0x24: {  	[tilespmem:s19], [sflag:$0x3] =	stream.indirect.gather [hbm4b:s4+s14], $0x40, s31, s14, $0xb8;
	[tilespmem:$0x1E800] =	vst v63  }
0x25: {  	s20 =	simm.s32 $0x300  }
0x26: {  	[tilespmem:s21], [sflag:$0x4] =	stream.indirect.gather [hbm4b:s4+s14], $0x40, s20, s14, $0xb8;
	[tilespmem:$0x1E800] =	vst v63  }
0x27: {  	_ =	swait.ge [sflag:s22], $0x3E80  }
0x28: {  	[sflag:s22] =	ssyncset.done $0x0  }
0x29: {  	s31 =	simm.s32 $0x2800;
	[sflag:s22] =	ssyncadd.s32 $0xFFFFC180  }
0x2a: {  	[spmem:s2] =	stream.indirect.scatter.add.f32 [tilespmem:s15], [sflag:$0x5], $0x40, s31, s14, $0xb8;
	[tilespmem:$0x1E800] =	vst v63  }
0x2b: {  	_ =	swait.ge [sflag:s23], $0x3E80  }
0x2c: {  	[sflag:s23] =	ssyncset.done $0x0  }
0x2d: {  	s20 =	simm.s32 $0x2900;
	[sflag:s23] =	ssyncadd.s32 $0xFFFFC180  }
0x2e: {  	[spmem:s2] =	stream.indirect.scatter.add.f32 [tilespmem:s17], [sflag:$0x6], $0x40, s20, s14, $0xb8;
	[tilespmem:$0x1E800] =	vst v63  }
0x2f: {  	_ =	swait.ge [sflag:s24], $0x3E80  }
0x30: {  	[sflag:s24] =	ssyncset.done $0x0  }
0x31: {  	s31 =	simm.s32 $0x2A00;
	[sflag:s24] =	ssyncadd.s32 $0xFFFFC180  }
0x32: {  	[spmem:s2] =	stream.indirect.scatter.add.f32 [tilespmem:s19], [sflag:$0x7], $0x40, s31, s14, $0xb8;
	[tilespmem:$0x1E800] =	vst v63  }
0x33: {  	_ =	swait.ge [sflag:s25], $0x3E80  }
0x34: {  	[sflag:s25] =	ssyncset.done $0x0  }
0x35: {  	s20 =	simm.s32 $0x2B00;
	[sflag:s25] =	ssyncadd.s32 $0xFFFFC180  }
0x36: {  	[spmem:s2] =	stream.indirect.scatter.add.f32 [tilespmem:s21], [sflag:$0x8], $0x40, s20, s14, $0xb8;
	[tilespmem:$0x1E800] =	vst v63  }
0x37: {  	_ =	swait.ge [sflag:s26], $0x3E80  }
0x38: {  	[sflag:s26] =	ssyncset.done $0x0  }
0x39: {  	s31 =	simm.s32 $0x400;
	[sflag:s26] =	ssyncadd.s32 $0xFFFFC180  }
0x3a: {  	[tilespmem:s15], [sflag:$0x1] =	stream.indirect.gather [hbm4b:s4+s14], $0x40, s31, s14, $0xb8;
	[tilespmem:$0x1E800] =	vst v63  }
0x3b: {  	_ =	swait.ge [sflag:s28], $0x3E80  }
0x3c: {  	[sflag:s28] =	ssyncset.done $0x0  }
0x3d: {  	s20 =	simm.s32 $0x500;
	[sflag:s28] =	ssyncadd.s32 $0xFFFFC180  }
0x3e: {  	[tilespmem:s17], [sflag:$0x2] =	stream.indirect.gather [hbm4b:s4+s14], $0x40, s20, s14, $0xb8;
	[tilespmem:$0x1E800] =	vst v63  }
0x3f: {  	_ =	swait.ge [sflag:s29], $0x3E80  }
0x40: {  	[sflag:s29] =	ssyncset.done $0x0  }
0x41: {  	s31 =	simm.s32 $0x600;
	[sflag:s29] =	ssyncadd.s32 $0xFFFFC180  }
0x42: {  	[tilespmem:s19], [sflag:$0x3] =	stream.indirect.gather [hbm4b:s4+s14], $0x40, s31, s14, $0xb8;
	[tilespmem:$0x1E800] =	vst v63  }
0x43: {  	_ =	swait.ge [sflag:s30], $0x3E80  }
0x44: {  	[sflag:s30] =	ssyncset.done $0x0  }
0x45: {  	s18 =	simm.s32 $0x1000;
	s20 =	simm.s32 $0x700;
	[sflag:s30] =	ssyncadd.s32 $0xFFFFC180  }
.LBB2_2:
0x46: {  	[tilespmem:s21], [sflag:$0x4] =	stream.indirect.gather [hbm4b:s4+s14], $0x40, s20, s14, $0xb8;
	[tilespmem:$0x1E800] =	vst v63  }
0x47: {  	s20 =	smov.u32 s18  }
0x48: {  	p0 =	sne.s32 s18, $0x8000;
	s18 =	sadd.s32 $0x1000, s18;
	_ =	swait.ge [sflag:s22], $0x3E80  }
0x49: {  	s20 =	sshra.s32 s20, $0x2;
	[sflag:s22] =	ssyncset.done $0x0  }
0x4a: {  	s31 =	sadd.s32 $0x2800, s20;
	[sflag:s22] =	ssyncadd.s32 $0xFFFFC180  }
0x4b: {  	[spmem:s2] =	stream.indirect.scatter.add.f32 [tilespmem:s15], [sflag:$0x5], $0x40, s31, s14, $0xb8;
	[tilespmem:$0x1E800] =	vst v63  }
0x4c: {  	_ =	swait.ge [sflag:s23], $0x3E80  }
0x4d: {  	[sflag:s23] =	ssyncset.done $0x0  }
0x4e: {  	s31 =	sadd.s32 $0x2900, s20;
	[sflag:s23] =	ssyncadd.s32 $0xFFFFC180  }
0x4f: {  	[spmem:s2] =	stream.indirect.scatter.add.f32 [tilespmem:s17], [sflag:$0x6], $0x40, s31, s14, $0xb8;
	[tilespmem:$0x1E800] =	vst v63  }
0x50: {  	_ =	swait.ge [sflag:s24], $0x3E80  }
0x51: {  	[sflag:s24] =	ssyncset.done $0x0  }
0x52: {  	s31 =	sadd.s32 $0x2A00, s20;
	[sflag:s24] =	ssyncadd.s32 $0xFFFFC180  }
0x53: {  	[spmem:s2] =	stream.indirect.scatter.add.f32 [tilespmem:s19], [sflag:$0x7], $0x40, s31, s14, $0xb8;
	[tilespmem:$0x1E800] =	vst v63  }
0x54: {  	_ =	swait.ge [sflag:s25], $0x3E80  }
0x55: {  	[sflag:s25] =	ssyncset.done $0x0  }
0x56: {  	s31 =	sadd.s32 $0x2B00, s20;
	[sflag:s25] =	ssyncadd.s32 $0xFFFFC180  }
0x57: {  	[spmem:s2] =	stream.indirect.scatter.add.f32 [tilespmem:s21], [sflag:$0x8], $0x40, s31, s14, $0xb8;
	[tilespmem:$0x1E800] =	vst v63  }
0x58: {  	_ =	swait.ge [sflag:s26], $0x3E80  }
0x59: {  	[sflag:s26] =	ssyncset.done $0x0  }
0x5a: {  	s31 =	sadd.s32 $0x400, s20;
	[sflag:s26] =	ssyncadd.s32 $0xFFFFC180  }
0x5b: {  	[tilespmem:s15], [sflag:$0x1] =	stream.indirect.gather [hbm4b:s4+s14], $0x40, s31, s14, $0xb8;
	[tilespmem:$0x1E800] =	vst v63  }
0x5c: {  	_ =	swait.ge [sflag:s28], $0x3E80  }
0x5d: {  	[sflag:s28] =	ssyncset.done $0x0  }
0x5e: {  	s31 =	sadd.s32 $0x500, s20;
	[sflag:s28] =	ssyncadd.s32 $0xFFFFC180  }
0x5f: {  	[tilespmem:s17], [sflag:$0x2] =	stream.indirect.gather [hbm4b:s4+s14], $0x40, s31, s14, $0xb8;
	[tilespmem:$0x1E800] =	vst v63  }
0x60: {  	_ =	swait.ge [sflag:s29], $0x3E80  }
0x61: {  	[sflag:s29] =	ssyncset.done $0x0  }
.Ltmp0:
0x62: {  	s31 =	sadd.s32 $0x600, s20;
	[sflag:s29] =	ssyncadd.s32 $0xFFFFC180;
	(pc) =	sbr.rel @p0 .LBB2_2-.Ltmp0, $4  }
0x63: {  	[tilespmem:s19], [sflag:$0x3] =	stream.indirect.gather [hbm4b:s4+s14], $0x40, s31, s14, $0xb8;
	[tilespmem:$0x1E800] =	vst v63  }
0x64: {  	_ =	swait.ge [sflag:s30], $0x3E80  }
0x65: {  	[sflag:s30] =	ssyncset.done $0x0  }
0x66: {  	s20 =	sadd.s32 $0x700, s20;
	[sflag:s30] =	ssyncadd.s32 $0xFFFFC180  }
0x67: {  	[tilespmem:s21], [sflag:$0x4] =	stream.indirect.gather [hbm4b:s4+s14], $0x40, s20, s14, $0xb8;
	[tilespmem:$0x1E800] =	vst v63  }
0x68: {  	_ =	swait.ge [sflag:s22], $0x3E80  }
0x69: {  	[sflag:s22] =	ssyncset.done $0x0  }
0x6a: {  	s18 =	simm.s32 $0x4C00;
	[sflag:s22] =	ssyncadd.s32 $0xFFFFC180  }
0x6b: {  	[spmem:s2] =	stream.indirect.scatter.add.f32 [tilespmem:s15], [sflag:$0x5], $0x40, s18, s14, $0xb8;
	[tilespmem:$0x1E800] =	vst v63  }
0x6c: {  	_ =	swait.ge [sflag:s23], $0x3E80  }
0x6d: {  	[sflag:s23] =	ssyncset.done $0x0  }
0x6e: {  	[sflag:s23] =	ssyncadd.s32 $0xFFFFC180  }
0x6f: {  	[spmem:s2] =	stream.indirect.scatter.add.f32 [tilespmem:s17], [sflag:$0x6], $0x40, s1, s14, $0xb8;
	[tilespmem:$0x1E800] =	vst v63  }
0x70: {  	_ =	swait.ge [sflag:s24], $0x3E80  }
0x71: {  	[sflag:s24] =	ssyncset.done $0x0  }
0x72: {  	[sflag:s24] =	ssyncadd.s32 $0xFFFFC180  }
0x73: {  	[spmem:s2] =	stream.indirect.scatter.add.f32 [tilespmem:s19], [sflag:$0x7], $0x40, s0, s14, $0xb8;
	[tilespmem:$0x1E800] =	vst v63  }
0x74: {  	_ =	swait.ge [sflag:s25], $0x3E80  }
0x75: {  	[sflag:s25] =	ssyncset.done $0x0  }
0x76: {  	[sflag:s25] =	ssyncadd.s32 $0xFFFFC180  }
0x77: {  	[spmem:s2] =	stream.indirect.scatter.add.f32 [tilespmem:s21], [sflag:$0x8], $0x40, s13, s14, $0xb8;
	[tilespmem:$0x1E800] =	vst v63  }
0x78: {  	_ =	swait.ge [sflag:s26], $0x3E80  }
0x79: {  	[sflag:s26] =	ssyncset.done $0x0  }
0x7a: {  	[sflag:s26] =	ssyncadd.s32 $0xFFFFC180  }
0x7b: {  	_ =	swait.ge [sflag:s28], $0x3E80  }
0x7c: {  	[sflag:s28] =	ssyncset.done $0x0  }
0x7d: {  	[sflag:s28] =	ssyncadd.s32 $0xFFFFC180  }
0x7e: {  	_ =	swait.ge [sflag:s29], $0x3E80  }
0x7f: {  	[sflag:s29] =	ssyncset.done $0x0  }
0x80: {  	[sflag:s29] =	ssyncadd.s32 $0xFFFFC180  }
0x81: {  	_ =	swait.ge [sflag:s30], $0x3E80  }
0x82: {  	s16 =	sadd.s32 $0x1, s16;
	[sflag:s30] =	ssyncset.done $0x0  }
0x83: {  	p0 =	sne.s32 s16, s10;
	[sflag:s30] =	ssyncadd.s32 $0xFFFFC180  }
.Ltmp1:
0x84: {  	[bflag:$0x0] =	sbarrier.arrive $0xFFFF;
	(pc) =	sbr.rel @p0 .LBB2_1-.Ltmp1, $4  }
0x85: {  	[hbm:s9], [sflag:s6] =	dma.local [spmem:s11], $0x13C0  }
0x86: {  	_ =	swait.ge [sflag:s12], $0x13C0  }
0x87: {  	[sflag:s12] =	ssyncset.done $0x0  }
0x88: {  	[sflag:s12] =	ssyncadd.s32 $0xFFFFEC40  }
0x89: {  	_ =	sfence.sel $0x180000  }
0x8a: {  	[bflag:$0x0] =	sbarrier.arrive $0xFFFF  }
0x8b: {  	_ =	strace $0x90000047  }
0x8c: {  	s0 =	stileid.u32;
	[bflag:$0x2] =	sbarrier.arrive $0xFFFF  }
0x8d: {  	p0 =	sne.s32 s0, $0x0;
	s0 =	rddreg [dreg:$0x2]  }
0x8e: {  	s0 =	sadd.s32 @!p0 $0x100000, s0  }
0x8f: {  	[sflag:s0] =	ssyncadd.tile.s32 @!p0 $0x1;
	_ =	shalt  }
.Lfunc_end2:
_tile_overlayer_lowered:
.L_overlay_start_2:
0x90: {  	(tag) =	ssettag $0x2  }
0x91: {  	s0 =	rddreg [dreg:$0x0];
	s2 =	stileid.u32  }
0x92: {  	s1 =	rddreg [dreg:$0x1];
	p0 =	sne.s32 s2, $0x0  }
0x93: {  	s3 =	rddreg [dreg:$0x2];
	[bflag:$0x3] =	sbarrier.arrive $0xFFFF;
	s2 =	simm.s32 @!p0 $0x1C09  }
0x94: {  	[timem:s3], [sflag:s2] =	dma.local @!p0 [hbm:s0], s1  }
0x95: {  	s0 =	simm.s32 @!p0 $0x9  }
0x96: {  	_ =	swait.ge @!p0 [sflag:s0], s1  }
0x97: {  	s1 =	ssub.s32 @!p0 $0x0, s1;
	[sflag:s0] =	ssyncset.done @!p0 $0x0  }
0x98: {  	[sflag:s0] =	ssyncadd.s32 @!p0 s1  }
0x99: {  	[bflag:$0x3] =	sbarrier.arrive $0xFFFF  }
0x9a: {  	_ =	shalt  }

// kernel: kernel.16.cloned.1.call-start
scs
__scs_entry_jumppad:
0x0: {  	(pc) =	sbr.rel $0x88, $3  }
0x1: {  	(tag) =	ssettag $0x0;
	lr =	simm.s32 $0x1  }
0x2: {  	[smem:$0x3F88] =	sst lr;
	_ =	strace $0xD0000000  }
0x3: {  	_ = 	snop  }
0x4: {  	_ = 	snop  }
0x5: {  	_ = 	snop  }
0x6: {  	_ = 	snop  }
0x7: {  	_ = 	snop  }
__scs_overlays_trampoline_lowered:
0x8: {  	[smem:$0x3F97] =	sst s0  }
0x9: {  	[smem:$0x3F98] =	sst s1  }
0xa: {  	[smem:$0x3F99] =	sst s2  }
0xb: {  	[smem:$0x3F9A] =	sst s3  }
0xc: {  	[smem:$0x3F9B] =	sst s4  }
0xd: {  	[smem:$0x3F9C] =	sst s5  }
0xe: {  	[smem:$0x3F9D] =	sst s6  }
0xf: {  	[smem:$0x3F9E] =	sst s7  }
0x10: {  	[smem:$0x3F9F] =	sst s8  }
0x11: {  	[smem:$0x3FA0] =	sst s9;
	s0 =	simm.s32 @!p0 $0x0  }
0x12: {  	s1 =	sld [smem:$0x3F86];
	s0 =	simm.s32 @p0 $0x1  }
0x13: {  	[smem:$0x3FA1] =	sst s0;
	s0 =	simm.s32 @!p1 $0x0  }
0x14: {  	s2 =	sld [smem:$0x3F85];
	s0 =	simm.s32 @p1 $0x1  }
0x15: {  	[smem:$0x3FA2] =	sst s0;
	s0 =	simm.s32 @!p2 $0x0  }
0x16: {  	s3 =	sld [smem:$0x3FDB];
	s0 =	simm.s32 @p2 $0x1  }
0x17: {  	s4 =	simm.s32 $0x1BF5;
	[smem:$0x3FA4] =	sst s0  }
0x18: {  	s0 =	sld [smem:$0x3F87];
	_ =	swait.ge [sflag:s4], $0x0  }
0x19: {  	s7 =	sld [smem:$0x3F88]  }
0x1a: {  	s8 =	sadd.s32 $0xFFFFE003, lr  }
0x1b: {  	s9 =	sadd.s32 $0xFFFFFEF7, lr;
	s5 =	simm.s32 $0xFFFFFFFF;
	p2 =	slt.u32 s8, $0xFFFFF086  }
0x1c: {  	p1 =	slt.u32 s9, $0xF7A;
	s5 =	simm.s32 @!p2 $0x0  }
0x1d: {  	s5 =	simm.s32 @p1 $0x1;
	p0 =	seq.s32 s7, s2  }
0x1e: {  	s7 =	smul.u32 @!p0 $0xF7A, s2;
	p2 =	seq.s32 @!p0 s5, $0x0  }
0x1f: {  	s9 =	smul.u32 $0xF7A, s1;
	s8 =	simm.s32 @!p0 $0x1BF5;
	p2 =	por !p2, p0  }
0x20: {  	[sflag:s8] =	ssyncset.s32 @!p0 $0xFFFFF086;
	s6 =	sadd.s32 @!p0 s3, s7;
	s7 =	simm.s32 @!p0 $0x108  }
0x21: {  	s3 =	sadd.s32 s3, s9;
	s6 =	sadd.s32 @!p0 $0x88, s6;
	s7 =	simm.s32 @p2 $0x1082  }
0x22: {  	[simem:s7], [sflag:s8] =	dma.local @!p0 [hbm:s6], $0xF7A  }
0x23: {  	s9 =	sor.u32 $0xD0000000, s2;
	s6 =	simm.s32 $0x108;
	_ =	swait.ge @!p0 [sflag:s8], $0x0  }
0x24: {  	s3 =	sadd.s32 $0x88, s3;
	s6 =	simm.s32 @!p1 $0x1082;
	[sflag:s4] =	ssyncset.s32 $0xFFFFF086  }
0x25: {  	[simem:s6], [sflag:s4] =	dma.local [hbm:s3], $0xF7A  }
0x26: {  	[smem:$0x3F88] =	sst s1;
	(tag) =	ssettag s2;
	_ =	strace s9  }
0x27: {  	s1 =	sld [smem:$0x3F98]  }
0x28: {  	s2 =	sld [smem:$0x3F99]  }
0x29: {  	s4 =	sld [smem:$0x3F9B]  }
0x2a: {  	p0 =	seq.s32 s5, $0x0;
	s5 =	sld [smem:$0x3F9C]  }
0x2b: {  	s6 =	sld [smem:$0x3F9D]  }
0x2c: {  	s7 =	sld [smem:$0x3F9E]  }
0x2d: {  	s3 =	simm.s32 $0x108;
	s8 =	sld [smem:$0x3F9F]  }
0x2e: {  	s3 =	simm.s32 @!p0 $0x1082;
	s9 =	sld [smem:$0x3FA0]  }
0x2f: {  	lr =	sadd.s32 s0, s3;
	s0 =	sld [smem:$0x3F97]  }
0x30: {  	s3 =	sld [smem:$0x3F9A]  }
0x31: {  	[smem:$0x3FA3] =	sst s10  }
0x32: {  	s10 =	sld [smem:$0x3FA1];
	_ =	sdelay $0x3  }
0x33: {  	p0 =	seq.s32 s10, $0x1;
	s10 =	sld [smem:$0x3FA3];
	_ =	sdelay $0x3  }
0x34: {  	[smem:$0x3FA3] =	sst s10  }
0x35: {  	s10 =	sld [smem:$0x3FA2];
	_ =	sdelay $0x3  }
0x36: {  	p1 =	seq.s32 s10, $0x1;
	s10 =	sld [smem:$0x3FA3];
	_ =	sdelay $0x3  }
0x37: {  	[smem:$0x3FA3] =	sst s10  }
0x38: {  	s10 =	sld [smem:$0x3FA4]  }
0x39: {  	_ = 	snop;
	(pc) =	sbr.ind lr, $3  }
0x3a: {  	_ = 	snop  }
0x3b: {  	_ = 	snop  }
0x3c: {  	p2 =	seq.s32 s10, $0x1;
	s10 =	sld [smem:$0x3FA3]  }
0x3d: {  	_ =	shalt  }
0x3e: {  	_ =	shalt  }
0x3f: {  	_ =	shalt  }
0x40: {  	_ =	shalt  }
0x41: {  	_ =	shalt  }
0x42: {  	_ =	shalt  }
0x43: {  	_ =	shalt  }
0x44: {  	_ =	shalt  }
0x45: {  	_ =	shalt  }
0x46: {  	_ =	shalt  }
0x47: {  	_ =	shalt  }
0x48: {  	_ =	shalt  }
0x49: {  	_ =	shalt  }
0x4a: {  	_ =	shalt  }
0x4b: {  	_ =	shalt  }
0x4c: {  	_ =	shalt  }
0x4d: {  	_ =	shalt  }
0x4e: {  	_ =	shalt  }
0x4f: {  	_ =	shalt  }
0x50: {  	_ =	shalt  }
0x51: {  	_ =	shalt  }
0x52: {  	_ =	shalt  }
0x53: {  	_ =	shalt  }
0x54: {  	_ =	shalt  }
0x55: {  	_ =	shalt  }
0x56: {  	_ =	shalt  }
0x57: {  	_ =	shalt  }
0x58: {  	_ =	shalt  }
0x59: {  	_ =	shalt  }
0x5a: {  	_ =	shalt  }
0x5b: {  	_ =	shalt  }
0x5c: {  	_ =	shalt  }
0x5d: {  	_ =	shalt  }
0x5e: {  	_ =	shalt  }
0x5f: {  	_ =	shalt  }
0x60: {  	_ =	shalt  }
0x61: {  	_ =	shalt  }
0x62: {  	_ =	shalt  }
0x63: {  	_ =	shalt  }
0x64: {  	_ =	shalt  }
0x65: {  	_ =	shalt  }
0x66: {  	_ =	shalt  }
0x67: {  	_ =	shalt  }
0x68: {  	_ =	shalt  }
0x69: {  	_ =	shalt  }
0x6a: {  	_ =	shalt  }
0x6b: {  	_ =	shalt  }
0x6c: {  	_ =	shalt  }
0x6d: {  	_ =	shalt  }
0x6e: {  	_ =	shalt  }
0x6f: {  	_ =	shalt  }
0x70: {  	_ =	shalt  }
0x71: {  	_ =	shalt  }
0x72: {  	_ =	shalt  }
0x73: {  	_ =	shalt  }
0x74: {  	_ =	shalt  }
0x75: {  	_ =	shalt  }
0x76: {  	_ =	shalt  }
0x77: {  	_ =	shalt  }
0x78: {  	_ =	shalt  }
0x79: {  	_ =	shalt  }
0x7a: {  	_ =	shalt  }
0x7b: {  	_ =	shalt  }
0x7c: {  	_ =	shalt  }
0x7d: {  	_ =	shalt  }
0x7e: {  	_ =	shalt  }
0x7f: {  	_ =	shalt  }
0x80: {  	_ =	shalt  }
0x81: {  	_ =	shalt  }
0x82: {  	_ =	shalt  }
0x83: {  	_ =	shalt  }
0x84: {  	_ =	shalt  }
0x85: {  	_ =	shalt  }
0x86: {  	_ =	shalt  }
0x87: {  	_ =	shalt  }
.Lfunc_end0:
.L_simem_size_0:
called_computation.1_lowered:
.L_overlay_start_0:
0x88: {  	s2 =	sld [smem:$0x3FD9]  }
0x89: {  	s3 =	sld [smem:$0x3FFE];
	_ =	sdelay $0x1  }
0x8a: {  	s1 =	srdreg.scid  }
0x8b: {  	s0 =	sand.u32 $0x1, s1  }
0x8c: {  	s16 =	sshll.u32 s0, $0xA;
	s2 =	sadd.s32 s3, s2  }
0x8d: {  	s2 =	sadd.s32 s2, s16  }
0x8e: {  	[smem:$0x3FAF] =	sst s2  }
0x8f: {  	_ = 	snop  }
0x90: {  	(tm) =	ssettm $0x1  }
0x91: {  	s17 =	sld [smem:$0x3FFB];
	_ =	sdelay $0x3  }
0x92: {  	_ =	strace s17  }
0x93: {  	s2 =	sld [smem:$0x3FFC];
	_ =	sdelay $0x3  }
0x94: {  	_ =	strace s2  }
0x95: {  	s2 =	sld [smem:$0x3FFD];
	_ =	sdelay $0x3  }
0x96: {  	_ =	strace s2  }
0x97: {  	_ =	strace $0x8FFFFFFF  }
0x98: {  	s18 =	sld [smem:$0x3FDB];
	_ =	sdelay $0x1  }
0x99: {  	s19 =	simm.s32 $_scs_section_size  }
0x9a: {  	s4 =	simm.s32 $_size__tile_overlayer_lowered;
	s5 =	simm.s32 $_tile_overlayer_lowered  }
0x9b: {  	s22 =	simm.s32 $0x1BFF;
	s21 =	sshll.u32 s5, $0x1;
	s2 =	sadd.s32 s19, s18  }
0x9c: {  	s6 =	simm.s32 $0x0;
	s20 =	sshll.u32 s4, $0x1;
	s4 =	sadd.s32 s21, s2  }
0x9d: {  	[timem:s6], [sflag:s22] =	dma.local [hbm:s4], s20  }
0x9e: {  	_ =	swait.ge [sflag:s22], s20  }
0x9f: {  	s3 =	ssub.s32 $0x0, s20;
	[sflag:s22] =	ssyncset.done $0x0  }
0xa0: {  	[sflag:s22] =	ssyncadd.s32 s3;
	_ =	sdelay $0x1  }
0xa1: {  	s23 =	simm.s32 $0x1B8B  }
0xa2: {  	_ =	swait.ge [sflag:s23], $0x1  }
0xa3: {  	[sflag:s23] =	ssyncset.done $0x0  }
0xa4: {  	s25 =	simm.s32 $0x1B8E;
	s24 =	sld [smem:$0x3FFE];
	[sflag:s23] =	ssyncadd.s32 $0xFFFFFFFF  }
0xa5: {  	s26 =	simm.s32 $execute0_lowered;
	[smem:$0x3FD2] =	sst s25  }
0xa6: {  	s4 =	sshll.u32 s26, $0x1;
	_ =	strace $0x80000049;
	[dreg:$0x1] =	wrdreg $0xFFFFFFFF  }
0xa7: {  	s28 =	simm.s32 $_size_execute0_lowered;
	s2 =	sadd.s32 s2, s4;
	[dreg:$0x0] =	wrdreg $0x0  }
0xa8: {  	s4 =	sshll.u32 s28, $0x1;
	[dreg:$0x2] =	wrdreg s2  }
0xa9: {  	[dreg:$0x3] =	wrdreg s4  }
0xaa: {  	[dreg:$0x4] =	wrdreg $0xC0  }
0xab: {  	_ =	task [dreg:s6], $0x5FFFF  }
0xac: {  	[dreg:$0x1] =	wrdreg $0xFFFFFFFF  }
0xad: {  	[dreg:$0x0] =	wrdreg $0x60  }
0xae: {  	[dreg:$0x2] =	wrdreg s24  }
0xaf: {  	[dreg:$0x3] =	wrdreg $0x14A000  }
0xb0: {  	[dreg:$0x4] =	wrdreg $0x9  }
0xb1: {  	_ =	task.clear_ibuf [dreg:s6], $0x5FFFF;
	_ =	strace $0x90000049  }
0xb2: {  	s29 =	simm.s32 $0x9;
	_ =	strace $0x8000004B  }
0xb3: {  	_ =	swait.ge [sflag:s29], $0x1  }
0xb4: {  	[sflag:s29] =	ssyncadd.s32 $0xFFFFFFFF  }
0xb5: {  	_ =	strace $0x9000004B  }
0xb6: {  	_ =	sfence  }
0xb7: {  	s30 =	sld [smem:$0x0];
	_ =	sdelay $0x2  }
0xb8: {  	s31 =	sshll.u32 s1, $0xD;
	s1 =	sshrl.u32 s1, $0x2  }
0xb9: {  	s3 =	sand.u32 $0x4000, s31;
	s1 =	sadd.s32 s1, s30  }
0xba: {  	s0 =	sor.u32 s3, s0;
	s1 =	sshll.u32 s1, $0x11  }
0xbb: {  	s0 =	sor.u32 s1, s0  }
0xbc: {  	s0 =	sadd.s32 $0x8F2B, s0  }
0xbd: {  	[sflag:s0] =	ssyncadd.remote.s32 $0x1  }
0xbe: {  	_ =	sfence.sel $0xFFFF  }
0xbf: {  	[dreg:$0x0] =	wrdreg $0xFFFFFFFF;
	(pc) =	sbr.abs _section_cstart, $3  }
0xc0: {  	[dreg:$0x1] =	wrdreg $0xFFFFFFFF  }
0xc1: {  	_ =	task.clear_ibuf [dreg:s6], $0x2FFFF;
	_ =	strace $0x9FFFFFFF  }
0xc2: {  	(tm) =	ssettm $0x7FFFFFFF  }
0xc3: {  	_ =	shalt  }
tec
execute0_lowered:
.L_overlay_start_1:
0x0: {  	(tag) =	ssettag $0x1  }
0x1: {  	s0 =	srdreg.scid;
	s3 =	rddreg [dreg:$0x0]  }
0x2: {  	s9 =	stileid.u32;
	s2 =	rddreg [dreg:$0x1]  }
0x3: {  	s4 =	simm.s32 $0x0;
	s14 =	simm.s32 $0xFA;
	s15 =	simm.s32 $0x5000  }
0x4: {  	s17 =	simm.s32 $0x6F40;
	s19 =	simm.s32 $0x8E80;
	s21 =	simm.s32 $0xADC0  }
0x5: {  	s23 =	simm.s32 $0xCD00;
	s28 =	simm.s32 $0x10B80;
	s30 =	simm.s32 $0x12AC0  }
0x6: {  	s31 =	simm.s32 $0x1;
	s13 =	simm.s32 $0x4;
	s16 =	simm.s32 $0x5  }
0x7: {  	s18 =	simm.s32 $0x6;
	s20 =	simm.s32 $0x7;
	s22 =	simm.s32 $0x8  }
0x8: {  	s24 =	simm.s32 $0x9;
	s29 =	simm.s32 $0xB;
	s10 =	simm.s32 $0x10  }
0x9: {  	s0 =	sand.u32 $0x1, s0;
	s1 =	sshll.u32 s9, $0x1;
	s5 =	smul.u32 $0x4F00, s9  }
0xa: {  	[smem:$0x7FF] =	sst s4;
	s4 =	sadd.s32 $0x18A00, s3;
	s25 =	sshll.u32 s9, $0x6  }
0xb: {  	s9 =	simm.s32 $0xF;
	s1 =	sor.u32 s0, s1;
	s6 =	smul.u32 $0x4F000, s0  }
0xc: {  	_ =	strace $0x8000004A;
	s0 =	ssub.s32 $0x2, s0;
	s11 =	sor.u32 $0x1C11, s25  }
0xd: {  	s25 =	simm.s32 $0xEC40;
	s1 =	smul.u32 $0x2800, s1;
	s7 =	sshrl.u32 s5, $0x3  }
0xe: {  	s8 =	sshrl.u32 s0, $0x1;
	[dreg:$0x4] =	wrdreg s11;
	s6 =	sadd.s32 s5, s6  }
0xf: {  	s7 =	sadd.s32 s7, s3;
	s0 =	ssub.s32 s0, s8;
	s5 =	sadd.s32 s5, s2  }
0x10: {  	s8 =	simm.s32 $0xE;
	s1 =	sshrl.u32 s1, $0x3;
	s7 =	sadd.s32 $0x22800, s7  }
0x11: {  	s6 =	sshrl.u32 s6, $0x3;
	s0 =	smax.u32 s0, $0x1;
	[dreg:$0x3] =	wrdreg s7  }
0x12: {  	s12 =	sshrl.u32 s5, $0x3;
	s1 =	sadd.s32 s1, s3;
	[dreg:$0x8] =	wrdreg s0  }
0x13: {  	s3 =	sadd.s32 s6, s3;
	s6 =	simm.s32 $0x0;
	[dreg:$0x9] =	wrdreg s12  }
0x14: {  	s5 =	simm.s32 $0xC;
	s26 =	sadd.s32 $0x4A00, s1;
	[dreg:$0xa] =	wrdreg s6  }
0x15: {  	s0 =	simm.s32 $0x3;
	s1 =	sadd.s32 $0xEA00, s1;
	[dreg:$0x5] =	wrdreg s26  }
0x16: {  	s7 =	simm.s32 $0xD;
	s3 =	sadd.s32 $0x2C600, s3;
	[dreg:$0x6] =	wrdreg s1  }
0x17: {  	[dreg:$0x7] =	wrdreg s3;
	s1 =	simm.s32 $0x2;
	s26 =	simm.s32 $0xA  }
.LBB2_1:
0x18: {  	s3 =	simm.s32 $0x11;
	s6 =	rddreg [dreg:$0x3]  }
0x19: {  	[spmem:s12], [sflag:s11] =	dma.local [hbm:s6], $0x9E0  }
0x1a: {  	_ =	swait.ge [sflag:s3], $0x9E0  }
0x1b: {  	[sflag:s3] =	ssyncset.done $0x0  }
0x1c: {  	s6 =	simm.s32 $0x0;
	s12 =	rddreg [dreg:$0x5];
	[sflag:s3] =	ssyncadd.s32 $0xFFFFF620  }
0x1d: {  	[tilespmem:s6], [sflag:$0x11] =	stream.linear.gather [hbm4b:s12+s6], $0x2800, $0x38;
	[tilespmem:$0x19900] =	vst v63  }
0x1e: {  	_ =	swait.ge [sflag:s3], $0x2800  }
0x1f: {  	[sflag:s3] =	ssyncset.done $0x0  }
0x20: {  	s12 =	simm.s32 $0x2800;
	s11 =	rddreg [dreg:$0x6];
	[sflag:s3] =	ssyncadd.s32 $0xFFFFD800  }
0x21: {  	[tilespmem:s12], [sflag:$0x11] =	stream.linear.gather [hbm4b:s11+s6], $0x2800, $0x38;
	[tilespmem:$0x19900] =	vst v63  }
0x22: {  	_ =	swait.ge [sflag:s3], $0x2800  }
0x23: {  	[sflag:s3] =	ssyncset.done $0x0  }
0x24: {  	[sflag:s3] =	ssyncadd.s32 $0xFFFFD800  }
0x25: {  	[bflag:$0x0] =	sbarrier.arrive $0xFFFF  }
0x26: {  	[tilespmem:s15], [sflag:$0x1] =	stream.indirect.gather [hbm4b:s4+s14], $0x20, s6, s14, $0xb8;
	[tilespmem:$0x19900] =	vst v63  }
0x27: {  	s12 =	simm.s32 $0x100  }
0x28: {  	[tilespmem:s17], [sflag:$0x2] =	stream.indirect.gather [hbm4b:s4+s14], $0x20, s12, s14, $0xb8;
	[tilespmem:$0x19900] =	vst v63  }
0x29: {  	s6 =	simm.s32 $0x200  }
0x2a: {  	[tilespmem:s19], [sflag:$0x3] =	stream.indirect.gather [hbm4b:s4+s14], $0x20, s6, s14, $0xb8;
	[tilespmem:$0x19900] =	vst v63  }
0x2b: {  	s11 =	simm.s32 $0x300  }
0x2c: {  	[tilespmem:s21], [sflag:$0x4] =	stream.indirect.gather [hbm4b:s4+s14], $0x20, s11, s14, $0xb8;
	[tilespmem:$0x19900] =	vst v63  }
0x2d: {  	s12 =	simm.s32 $0x400  }
0x2e: {  	[tilespmem:s23], [sflag:$0x5] =	stream.indirect.gather [hbm4b:s4+s14], $0x20, s12, s14, $0xb8;
	[tilespmem:$0x19900] =	vst v63  }
0x2f: {  	s6 =	simm.s32 $0x500  }
0x30: {  	[tilespmem:s25], [sflag:$0x6] =	stream.indirect.gather [hbm4b:s4+s14], $0x20, s6, s14, $0xb8;
	[tilespmem:$0x19900] =	vst v63  }
0x31: {  	s11 =	simm.s32 $0x600  }
0x32: {  	[tilespmem:s28], [sflag:$0x7] =	stream.indirect.gather [hbm4b:s4+s14], $0x20, s11, s14, $0xb8;
	[tilespmem:$0x19900] =	vst v63  }
0x33: {  	s12 =	simm.s32 $0x700  }
0x34: {  	[tilespmem:s30], [sflag:$0x8] =	stream.indirect.gather [hbm4b:s4+s14], $0x20, s12, s14, $0xb8;
	[tilespmem:$0x19900] =	vst v63  }
0x35: {  	_ =	swait.ge [sflag:s31], $0x1F40  }
0x36: {  	[sflag:s31] =	ssyncset.done $0x0  }
0x37: {  	s3 =	simm.s32 $0x2800;
	[sflag:s31] =	ssyncadd.s32 $0xFFFFE0C0  }
0x38: {  	[spmem:s2] =	stream.indirect.scatter.add.f32 [tilespmem:s15], [sflag:$0x9], $0x20, s3, s14, $0xb8;
	[tilespmem:$0x19900] =	vst v63  }
0x39: {  	_ =	swait.ge [sflag:s1], $0x1F40  }
0x3a: {  	[sflag:s1] =	ssyncset.done $0x0  }
0x3b: {  	s11 =	simm.s32 $0x2900;
	[sflag:s1] =	ssyncadd.s32 $0xFFFFE0C0  }
0x3c: {  	[spmem:s2] =	stream.indirect.scatter.add.f32 [tilespmem:s17], [sflag:$0xA], $0x20, s11, s14, $0xb8;
	[tilespmem:$0x19900] =	vst v63  }
0x3d: {  	_ =	swait.ge [sflag:s0], $0x1F40  }
0x3e: {  	[sflag:s0] =	ssyncset.done $0x0  }
0x3f: {  	s12 =	simm.s32 $0x2A00;
	[sflag:s0] =	ssyncadd.s32 $0xFFFFE0C0  }
0x40: {  	[spmem:s2] =	stream.indirect.scatter.add.f32 [tilespmem:s19], [sflag:$0xB], $0x20, s12, s14, $0xb8;
	[tilespmem:$0x19900] =	vst v63  }
0x41: {  	_ =	swait.ge [sflag:s13], $0x1F40  }
0x42: {  	[sflag:s13] =	ssyncset.done $0x0  }
0x43: {  	s3 =	simm.s32 $0x2B00;
	[sflag:s13] =	ssyncadd.s32 $0xFFFFE0C0  }
0x44: {  	[spmem:s2] =	stream.indirect.scatter.add.f32 [tilespmem:s21], [sflag:$0xC], $0x20, s3, s14, $0xb8;
	[tilespmem:$0x19900] =	vst v63  }
0x45: {  	_ =	swait.ge [sflag:s16], $0x1F40  }
0x46: {  	[sflag:s16] =	ssyncset.done $0x0  }
0x47: {  	s11 =	simm.s32 $0x2C00;
	[sflag:s16] =	ssyncadd.s32 $0xFFFFE0C0  }
0x48: {  	[spmem:s2] =	stream.indirect.scatter.add.f32 [tilespmem:s23], [sflag:$0xD], $0x20, s11, s14, $0xb8;
	[tilespmem:$0x19900] =	vst v63  }
0x49: {  	_ =	swait.ge [sflag:s18], $0x1F40  }
0x4a: {  	[sflag:s18] =	ssyncset.done $0x0  }
0x4b: {  	s12 =	simm.s32 $0x2D00;
	[sflag:s18] =	ssyncadd.s32 $0xFFFFE0C0  }
0x4c: {  	[spmem:s2] =	stream.indirect.scatter.add.f32 [tilespmem:s25], [sflag:$0xE], $0x20, s12, s14, $0xb8;
	[tilespmem:$0x19900] =	vst v63  }
0x4d: {  	_ =	swait.ge [sflag:s20], $0x1F40  }
0x4e: {  	[sflag:s20] =	ssyncset.done $0x0  }
0x4f: {  	s3 =	simm.s32 $0x2E00;
	[sflag:s20] =	ssyncadd.s32 $0xFFFFE0C0  }
0x50: {  	[spmem:s2] =	stream.indirect.scatter.add.f32 [tilespmem:s28], [sflag:$0xF], $0x20, s3, s14, $0xb8;
	[tilespmem:$0x19900] =	vst v63  }
0x51: {  	_ =	swait.ge [sflag:s22], $0x1F40  }
0x52: {  	[sflag:s22] =	ssyncset.done $0x0  }
0x53: {  	s11 =	simm.s32 $0x2F00;
	[sflag:s22] =	ssyncadd.s32 $0xFFFFE0C0  }
0x54: {  	[spmem:s2] =	stream.indirect.scatter.add.f32 [tilespmem:s30], [sflag:$0x10], $0x20, s11, s14, $0xb8;
	[tilespmem:$0x19900] =	vst v63  }
0x55: {  	_ =	swait.ge [sflag:s24], $0x1F40  }
0x56: {  	[sflag:s24] =	ssyncset.done $0x0  }
0x57: {  	s12 =	simm.s32 $0x800;
	[sflag:s24] =	ssyncadd.s32 $0xFFFFE0C0  }
0x58: {  	[tilespmem:s15], [sflag:$0x1] =	stream.indirect.gather [hbm4b:s4+s14], $0x20, s12, s14, $0xb8;
	[tilespmem:$0x19900] =	vst v63  }
0x59: {  	_ =	swait.ge [sflag:s26], $0x1F40  }
0x5a: {  	[sflag:s26] =	ssyncset.done $0x0  }
0x5b: {  	s3 =	simm.s32 $0x900;
	[sflag:s26] =	ssyncadd.s32 $0xFFFFE0C0  }
0x5c: {  	[tilespmem:s17], [sflag:$0x2] =	stream.indirect.gather [hbm4b:s4+s14], $0x20, s3, s14, $0xb8;
	[tilespmem:$0x19900] =	vst v63  }
0x5d: {  	_ =	swait.ge [sflag:s29], $0x1F40  }
0x5e: {  	[sflag:s29] =	ssyncset.done $0x0  }
0x5f: {  	s11 =	simm.s32 $0xA00;
	[sflag:s29] =	ssyncadd.s32 $0xFFFFE0C0  }
0x60: {  	[tilespmem:s19], [sflag:$0x3] =	stream.indirect.gather [hbm4b:s4+s14], $0x20, s11, s14, $0xb8;
	[tilespmem:$0x19900] =	vst v63  }
0x61: {  	_ =	swait.ge [sflag:s5], $0x1F40  }
0x62: {  	[sflag:s5] =	ssyncset.done $0x0  }
0x63: {  	s12 =	simm.s32 $0xB00;
	[sflag:s5] =	ssyncadd.s32 $0xFFFFE0C0  }
0x64: {  	[tilespmem:s21], [sflag:$0x4] =	stream.indirect.gather [hbm4b:s4+s14], $0x20, s12, s14, $0xb8;
	[tilespmem:$0x19900] =	vst v63  }
0x65: {  	_ =	swait.ge [sflag:s7], $0x1F40  }
0x66: {  	[sflag:s7] =	ssyncset.done $0x0  }
0x67: {  	s3 =	simm.s32 $0xC00;
	[sflag:s7] =	ssyncadd.s32 $0xFFFFE0C0  }
0x68: {  	[tilespmem:s23], [sflag:$0x5] =	stream.indirect.gather [hbm4b:s4+s14], $0x20, s3, s14, $0xb8;
	[tilespmem:$0x19900] =	vst v63  }
0x69: {  	_ =	swait.ge [sflag:s8], $0x1F40  }
0x6a: {  	[sflag:s8] =	ssyncset.done $0x0  }
0x6b: {  	s11 =	simm.s32 $0xD00;
	[sflag:s8] =	ssyncadd.s32 $0xFFFFE0C0  }
0x6c: {  	[tilespmem:s25], [sflag:$0x6] =	stream.indirect.gather [hbm4b:s4+s14], $0x20, s11, s14, $0xb8;
	[tilespmem:$0x19900] =	vst v63  }
0x6d: {  	_ =	swait.ge [sflag:s9], $0x1F40  }
0x6e: {  	[sflag:s9] =	ssyncset.done $0x0  }
0x6f: {  	s12 =	simm.s32 $0xE00;
	[sflag:s9] =	ssyncadd.s32 $0xFFFFE0C0  }
0x70: {  	[tilespmem:s28], [sflag:$0x7] =	stream.indirect.gather [hbm4b:s4+s14], $0x20, s12, s14, $0xb8;
	[tilespmem:$0x19900] =	vst v63  }
0x71: {  	_ =	swait.ge [sflag:s10], $0x1F40  }
0x72: {  	[sflag:s10] =	ssyncset.done $0x0  }
0x73: {  	s6 =	simm.s32 $0x2000;
	s11 =	simm.s32 $0xF00;
	[sflag:s10] =	ssyncadd.s32 $0xFFFFE0C0  }
.LBB2_2:
0x74: {  	[tilespmem:s30], [sflag:$0x8] =	stream.indirect.gather [hbm4b:s4+s14], $0x20, s11, s14, $0xb8;
	[tilespmem:$0x19900] =	vst v63  }
0x75: {  	s11 =	smov.u32 s6  }
0x76: {  	p0 =	sne.s32 s6, $0x6000;
	s6 =	sadd.s32 $0x2000, s6;
	_ =	swait.ge [sflag:s31], $0x1F40  }
0x77: {  	s11 =	sshra.s32 s11, $0x2;
	[sflag:s31] =	ssyncset.done $0x0  }
0x78: {  	s12 =	sadd.s32 $0x2800, s11;
	[sflag:s31] =	ssyncadd.s32 $0xFFFFE0C0  }
0x79: {  	[spmem:s2] =	stream.indirect.scatter.add.f32 [tilespmem:s15], [sflag:$0x9], $0x20, s12, s14, $0xb8;
	[tilespmem:$0x19900] =	vst v63  }
0x7a: {  	_ =	swait.ge [sflag:s1], $0x1F40  }
0x7b: {  	[sflag:s1] =	ssyncset.done $0x0  }
0x7c: {  	s12 =	sadd.s32 $0x2900, s11;
	[sflag:s1] =	ssyncadd.s32 $0xFFFFE0C0  }
0x7d: {  	[spmem:s2] =	stream.indirect.scatter.add.f32 [tilespmem:s17], [sflag:$0xA], $0x20, s12, s14, $0xb8;
	[tilespmem:$0x19900] =	vst v63  }
0x7e: {  	_ =	swait.ge [sflag:s0], $0x1F40  }
0x7f: {  	[sflag:s0] =	ssyncset.done $0x0  }
0x80: {  	s12 =	sadd.s32 $0x2A00, s11;
	[sflag:s0] =	ssyncadd.s32 $0xFFFFE0C0  }
0x81: {  	[spmem:s2] =	stream.indirect.scatter.add.f32 [tilespmem:s19], [sflag:$0xB], $0x20, s12, s14, $0xb8;
	[tilespmem:$0x19900] =	vst v63  }
0x82: {  	_ =	swait.ge [sflag:s13], $0x1F40  }
0x83: {  	[sflag:s13] =	ssyncset.done $0x0  }
0x84: {  	s12 =	sadd.s32 $0x2B00, s11;
	[sflag:s13] =	ssyncadd.s32 $0xFFFFE0C0  }
0x85: {  	[spmem:s2] =	stream.indirect.scatter.add.f32 [tilespmem:s21], [sflag:$0xC], $0x20, s12, s14, $0xb8;
	[tilespmem:$0x19900] =	vst v63  }
0x86: {  	_ =	swait.ge [sflag:s16], $0x1F40  }
0x87: {  	[sflag:s16] =	ssyncset.done $0x0  }
0x88: {  	s12 =	sadd.s32 $0x2C00, s11;
	[sflag:s16] =	ssyncadd.s32 $0xFFFFE0C0  }
0x89: {  	[spmem:s2] =	stream.indirect.scatter.add.f32 [tilespmem:s23], [sflag:$0xD], $0x20, s12, s14, $0xb8;
	[tilespmem:$0x19900] =	vst v63  }
0x8a: {  	_ =	swait.ge [sflag:s18], $0x1F40  }
0x8b: {  	[sflag:s18] =	ssyncset.done $0x0  }
0x8c: {  	s12 =	sadd.s32 $0x2D00, s11;
	[sflag:s18] =	ssyncadd.s32 $0xFFFFE0C0  }
0x8d: {  	[spmem:s2] =	stream.indirect.scatter.add.f32 [tilespmem:s25], [sflag:$0xE], $0x20, s12, s14, $0xb8;
	[tilespmem:$0x19900] =	vst v63  }
0x8e: {  	_ =	swait.ge [sflag:s20], $0x1F40  }
0x8f: {  	[sflag:s20] =	ssyncset.done $0x0  }
0x90: {  	s12 =	sadd.s32 $0x2E00, s11;
	[sflag:s20] =	ssyncadd.s32 $0xFFFFE0C0  }
0x91: {  	[spmem:s2] =	stream.indirect.scatter.add.f32 [tilespmem:s28], [sflag:$0xF], $0x20, s12, s14, $0xb8;
	[tilespmem:$0x19900] =	vst v63  }
0x92: {  	_ =	swait.ge [sflag:s22], $0x1F40  }
0x93: {  	[sflag:s22] =	ssyncset.done $0x0  }
0x94: {  	s12 =	sadd.s32 $0x2F00, s11;
	[sflag:s22] =	ssyncadd.s32 $0xFFFFE0C0  }
0x95: {  	[spmem:s2] =	stream.indirect.scatter.add.f32 [tilespmem:s30], [sflag:$0x10], $0x20, s12, s14, $0xb8;
	[tilespmem:$0x19900] =	vst v63  }
0x96: {  	_ =	swait.ge [sflag:s24], $0x1F40  }
0x97: {  	[sflag:s24] =	ssyncset.done $0x0  }
0x98: {  	s12 =	sadd.s32 $0x800, s11;
	[sflag:s24] =	ssyncadd.s32 $0xFFFFE0C0  }
0x99: {  	[tilespmem:s15], [sflag:$0x1] =	stream.indirect.gather [hbm4b:s4+s14], $0x20, s12, s14, $0xb8;
	[tilespmem:$0x19900] =	vst v63  }
0x9a: {  	_ =	swait.ge [sflag:s26], $0x1F40  }
0x9b: {  	[sflag:s26] =	ssyncset.done $0x0  }
0x9c: {  	s12 =	sadd.s32 $0x900, s11;
	[sflag:s26] =	ssyncadd.s32 $0xFFFFE0C0  }
0x9d: {  	[tilespmem:s17], [sflag:$0x2] =	stream.indirect.gather [hbm4b:s4+s14], $0x20, s12, s14, $0xb8;
	[tilespmem:$0x19900] =	vst v63  }
0x9e: {  	_ =	swait.ge [sflag:s29], $0x1F40  }
0x9f: {  	[sflag:s29] =	ssyncset.done $0x0  }
0xa0: {  	s12 =	sadd.s32 $0xA00, s11;
	[sflag:s29] =	ssyncadd.s32 $0xFFFFE0C0  }
0xa1: {  	[tilespmem:s19], [sflag:$0x3] =	stream.indirect.gather [hbm4b:s4+s14], $0x20, s12, s14, $0xb8;
	[tilespmem:$0x19900] =	vst v63  }
0xa2: {  	_ =	swait.ge [sflag:s5], $0x1F40  }
0xa3: {  	[sflag:s5] =	ssyncset.done $0x0  }
0xa4: {  	s12 =	sadd.s32 $0xB00, s11;
	[sflag:s5] =	ssyncadd.s32 $0xFFFFE0C0  }
0xa5: {  	[tilespmem:s21], [sflag:$0x4] =	stream.indirect.gather [hbm4b:s4+s14], $0x20, s12, s14, $0xb8;
	[tilespmem:$0x19900] =	vst v63  }
0xa6: {  	_ =	swait.ge [sflag:s7], $0x1F40  }
0xa7: {  	[sflag:s7] =	ssyncset.done $0x0  }
0xa8: {  	s12 =	sadd.s32 $0xC00, s11;
	[sflag:s7] =	ssyncadd.s32 $0xFFFFE0C0  }
0xa9: {  	[tilespmem:s23], [sflag:$0x5] =	stream.indirect.gather [hbm4b:s4+s14], $0x20, s12, s14, $0xb8;
	[tilespmem:$0x19900] =	vst v63  }
0xaa: {  	_ =	swait.ge [sflag:s8], $0x1F40  }
0xab: {  	[sflag:s8] =	ssyncset.done $0x0  }
0xac: {  	s12 =	sadd.s32 $0xD00, s11;
	[sflag:s8] =	ssyncadd.s32 $0xFFFFE0C0  }
0xad: {  	[tilespmem:s25], [sflag:$0x6] =	stream.indirect.gather [hbm4b:s4+s14], $0x20, s12, s14, $0xb8;
	[tilespmem:$0x19900] =	vst v63  }
0xae: {  	_ =	swait.ge [sflag:s9], $0x1F40  }
0xaf: {  	[sflag:s9] =	ssyncset.done $0x0  }
.Ltmp0:
0xb0: {  	s12 =	sadd.s32 $0xE00, s11;
	[sflag:s9] =	ssyncadd.s32 $0xFFFFE0C0;
	(pc) =	sbr.rel @p0 .LBB2_2-.Ltmp0, $4  }
0xb1: {  	[tilespmem:s28], [sflag:$0x7] =	stream.indirect.gather [hbm4b:s4+s14], $0x20, s12, s14, $0xb8;
	[tilespmem:$0x19900] =	vst v63  }
0xb2: {  	_ =	swait.ge [sflag:s10], $0x1F40  }
0xb3: {  	[sflag:s10] =	ssyncset.done $0x0  }
0xb4: {  	s11 =	sadd.s32 $0xF00, s11;
	[sflag:s10] =	ssyncadd.s32 $0xFFFFE0C0  }
0xb5: {  	[tilespmem:s30], [sflag:$0x8] =	stream.indirect.gather [hbm4b:s4+s14], $0x20, s11, s14, $0xb8;
	[tilespmem:$0x19900] =	vst v63  }
0xb6: {  	_ =	swait.ge [sflag:s31], $0x1F40  }
0xb7: {  	[sflag:s31] =	ssyncset.done $0x0  }
0xb8: {  	s3 =	simm.s32 $0x4800;
	[sflag:s31] =	ssyncadd.s32 $0xFFFFE0C0  }
0xb9: {  	[spmem:s2] =	stream.indirect.scatter.add.f32 [tilespmem:s15], [sflag:$0x9], $0x20, s3, s14, $0xb8;
	[tilespmem:$0x19900] =	vst v63  }
0xba: {  	_ =	swait.ge [sflag:s1], $0x1F40  }
0xbb: {  	[sflag:s1] =	ssyncset.done $0x0  }
0xbc: {  	s12 =	simm.s32 $0x4900;
	[sflag:s1] =	ssyncadd.s32 $0xFFFFE0C0  }
0xbd: {  	[spmem:s2] =	stream.indirect.scatter.add.f32 [tilespmem:s17], [sflag:$0xA], $0x20, s12, s14, $0xb8;
	[tilespmem:$0x19900] =	vst v63  }
0xbe: {  	_ =	swait.ge [sflag:s0], $0x1F40  }
0xbf: {  	[sflag:s0] =	ssyncset.done $0x0  }
0xc0: {  	s6 =	simm.s32 $0x4A00;
	[sflag:s0] =	ssyncadd.s32 $0xFFFFE0C0  }
0xc1: {  	[spmem:s2] =	stream.indirect.scatter.add.f32 [tilespmem:s19], [sflag:$0xB], $0x20, s6, s14, $0xb8;
	[tilespmem:$0x19900] =	vst v63  }
0xc2: {  	_ =	swait.ge [sflag:s13], $0x1F40  }
0xc3: {  	[sflag:s13] =	ssyncset.done $0x0  }
0xc4: {  	s11 =	simm.s32 $0x4B00;
	[sflag:s13] =	ssyncadd.s32 $0xFFFFE0C0  }
0xc5: {  	[spmem:s2] =	stream.indirect.scatter.add.f32 [tilespmem:s21], [sflag:$0xC], $0x20, s11, s14, $0xb8;
	[tilespmem:$0x19900] =	vst v63  }
0xc6: {  	_ =	swait.ge [sflag:s16], $0x1F40  }
0xc7: {  	[sflag:s16] =	ssyncset.done $0x0  }
0xc8: {  	s12 =	simm.s32 $0x4C00;
	[sflag:s16] =	ssyncadd.s32 $0xFFFFE0C0  }
0xc9: {  	[spmem:s2] =	stream.indirect.scatter.add.f32 [tilespmem:s23], [sflag:$0xD], $0x20, s12, s14, $0xb8;
	[tilespmem:$0x19900] =	vst v63  }
0xca: {  	_ =	swait.ge [sflag:s18], $0x1F40  }
0xcb: {  	[sflag:s18] =	ssyncset.done $0x0  }
0xcc: {  	s6 =	simm.s32 $0x4D00;
	[sflag:s18] =	ssyncadd.s32 $0xFFFFE0C0  }
0xcd: {  	[spmem:s2] =	stream.indirect.scatter.add.f32 [tilespmem:s25], [sflag:$0xE], $0x20, s6, s14, $0xb8;
	[tilespmem:$0x19900] =	vst v63  }
0xce: {  	_ =	swait.ge [sflag:s20], $0x1F40  }
0xcf: {  	[sflag:s20] =	ssyncset.done $0x0  }
0xd0: {  	s11 =	simm.s32 $0x4E00;
	[sflag:s20] =	ssyncadd.s32 $0xFFFFE0C0  }
0xd1: {  	[spmem:s2] =	stream.indirect.scatter.add.f32 [tilespmem:s28], [sflag:$0xF], $0x20, s11, s14, $0xb8;
	[tilespmem:$0x19900] =	vst v63  }
0xd2: {  	_ =	swait.ge [sflag:s22], $0x1F40  }
0xd3: {  	[sflag:s22] =	ssyncset.done $0x0  }
0xd4: {  	s12 =	simm.s32 $0x4F00;
	[sflag:s22] =	ssyncadd.s32 $0xFFFFE0C0  }
0xd5: {  	[spmem:s2] =	stream.indirect.scatter.add.f32 [tilespmem:s30], [sflag:$0x10], $0x20, s12, s14, $0xb8;
	[tilespmem:$0x19900] =	vst v63  }
0xd6: {  	_ =	swait.ge [sflag:s24], $0x1F40  }
0xd7: {  	[sflag:s24] =	ssyncset.done $0x0  }
0xd8: {  	[sflag:s24] =	ssyncadd.s32 $0xFFFFE0C0  }
0xd9: {  	_ =	swait.ge [sflag:s26], $0x1F40  }
0xda: {  	[sflag:s26] =	ssyncset.done $0x0  }
0xdb: {  	[sflag:s26] =	ssyncadd.s32 $0xFFFFE0C0  }
0xdc: {  	_ =	swait.ge [sflag:s29], $0x1F40  }
0xdd: {  	[sflag:s29] =	ssyncset.done $0x0  }
0xde: {  	[sflag:s29] =	ssyncadd.s32 $0xFFFFE0C0  }
0xdf: {  	_ =	swait.ge [sflag:s5], $0x1F40  }
0xe0: {  	[sflag:s5] =	ssyncset.done $0x0  }
0xe1: {  	[sflag:s5] =	ssyncadd.s32 $0xFFFFE0C0  }
0xe2: {  	_ =	swait.ge [sflag:s7], $0x1F40  }
0xe3: {  	[sflag:s7] =	ssyncset.done $0x0  }
0xe4: {  	[sflag:s7] =	ssyncadd.s32 $0xFFFFE0C0  }
0xe5: {  	_ =	swait.ge [sflag:s8], $0x1F40  }
0xe6: {  	[sflag:s8] =	ssyncset.done $0x0  }
0xe7: {  	[sflag:s8] =	ssyncadd.s32 $0xFFFFE0C0  }
0xe8: {  	_ =	swait.ge [sflag:s9], $0x1F40  }
0xe9: {  	[sflag:s9] =	ssyncset.done $0x0  }
0xea: {  	[sflag:s9] =	ssyncadd.s32 $0xFFFFE0C0  }
0xeb: {  	_ =	swait.ge [sflag:s10], $0x1F40  }
0xec: {  	[sflag:s10] =	ssyncset.done $0x0  }
0xed: {  	[sflag:s10] =	ssyncadd.s32 $0xFFFFE0C0  }
0xee: {  	[bflag:$0x0] =	sbarrier.arrive $0xFFFF  }
0xef: {  	s11 =	rddreg [dreg:$0x4]  }
0xf0: {  	s6 =	rddreg [dreg:$0x7]  }
0xf1: {  	s12 =	rddreg [dreg:$0x9]  }
0xf2: {  	[hbm:s6], [sflag:s11] =	dma.local [spmem:s12], $0x9E0  }
0xf3: {  	s6 =	simm.s32 $0x11  }
0xf4: {  	_ =	swait.ge [sflag:s6], $0x9E0  }
0xf5: {  	s3 =	rddreg [dreg:$0xa]  }
0xf6: {  	[sflag:s6] =	ssyncset.done $0x0;
	s6 =	rddreg [dreg:$0x8];
	s3 =	sadd.s32 $0x1, s3  }
0xf7: {  	p0 =	sne.s32 s3, s6  }
.Ltmp1:
0xf8: {  	_ = 	snop;
	(pc) =	sbr.rel @p0 .LBB2_1-.Ltmp1, $3  }
0xf9: {  	_ =	sdelay $0x1  }
0xfa: {  	s6 =	simm.s32 $0x11  }
0xfb: {  	[dreg:$0xa] =	wrdreg s3;
	[sflag:s6] =	ssyncadd.s32 $0xFFFFF620  }
0xfc: {  	_ =	sfence.sel $0x180000  }
0xfd: {  	[bflag:$0x0] =	sbarrier.arrive $0xFFFF  }
0xfe: {  	_ =	strace $0x9000004A  }
0xff: {  	s0 =	stileid.u32;
	[bflag:$0x2] =	sbarrier.arrive $0xFFFF  }
0x100: {  	p0 =	sne.s32 s0, $0x0;
	s0 =	rddreg [dreg:$0x2]  }
0x101: {  	s0 =	sadd.s32 @!p0 $0x100000, s0  }
0x102: {  	[sflag:s0] =	ssyncadd.tile.s32 @!p0 $0x1;
	_ =	shalt  }
.Lfunc_end2:
_tile_overlayer_lowered:
.L_overlay_start_2:
0x103: {  	(tag) =	ssettag $0x2  }
0x104: {  	s0 =	rddreg [dreg:$0x0];
	s2 =	stileid.u32  }
0x105: {  	s1 =	rddreg [dreg:$0x1];
	p0 =	sne.s32 s2, $0x0  }
0x106: {  	s3 =	rddreg [dreg:$0x2];
	[bflag:$0x3] =	sbarrier.arrive $0xFFFF;
	s2 =	simm.s32 @!p0 $0x1C11  }
0x107: {  	[timem:s3], [sflag:s2] =	dma.local @!p0 [hbm:s0], s1  }
0x108: {  	s0 =	simm.s32 @!p0 $0x11  }
0x109: {  	_ =	swait.ge @!p0 [sflag:s0], s1  }
0x10a: {  	s1 =	ssub.s32 @!p0 $0x0, s1;
	[sflag:s0] =	ssyncset.done @!p0 $0x0  }
0x10b: {  	[sflag:s0] =	ssyncadd.s32 @!p0 s1  }
0x10c: {  	[bflag:$0x3] =	sbarrier.arrive $0xFFFF  }
0x10d: {  	_ =	shalt  }

// kernel: kernel.19.cloned.1.call-start
scs
__scs_entry_jumppad:
0x0: {  	(pc) =	sbr.rel $0x88, $3  }
0x1: {  	(tag) =	ssettag $0x0;
	lr =	simm.s32 $0x1  }
0x2: {  	[smem:$0x3F88] =	sst lr;
	_ =	strace $0xD0000000  }
0x3: {  	_ = 	snop  }
0x4: {  	_ = 	snop  }
0x5: {  	_ = 	snop  }
0x6: {  	_ = 	snop  }
0x7: {  	_ = 	snop  }
__scs_overlays_trampoline_lowered:
0x8: {  	[smem:$0x3F97] =	sst s0  }
0x9: {  	[smem:$0x3F98] =	sst s1  }
0xa: {  	[smem:$0x3F99] =	sst s2  }
0xb: {  	[smem:$0x3F9A] =	sst s3  }
0xc: {  	[smem:$0x3F9B] =	sst s4  }
0xd: {  	[smem:$0x3F9C] =	sst s5  }
0xe: {  	[smem:$0x3F9D] =	sst s6  }
0xf: {  	[smem:$0x3F9E] =	sst s7  }
0x10: {  	[smem:$0x3F9F] =	sst s8  }
0x11: {  	[smem:$0x3FA0] =	sst s9;
	s0 =	simm.s32 @!p0 $0x0  }
0x12: {  	s1 =	sld [smem:$0x3F86];
	s0 =	simm.s32 @p0 $0x1  }
0x13: {  	[smem:$0x3FA1] =	sst s0;
	s0 =	simm.s32 @!p1 $0x0  }
0x14: {  	s2 =	sld [smem:$0x3F85];
	s0 =	simm.s32 @p1 $0x1  }
0x15: {  	[smem:$0x3FA2] =	sst s0;
	s0 =	simm.s32 @!p2 $0x0  }
0x16: {  	s3 =	sld [smem:$0x3FDB];
	s0 =	simm.s32 @p2 $0x1  }
0x17: {  	s4 =	simm.s32 $0x1BF5;
	[smem:$0x3FA4] =	sst s0  }
0x18: {  	s0 =	sld [smem:$0x3F87];
	_ =	swait.ge [sflag:s4], $0x0  }
0x19: {  	s7 =	sld [smem:$0x3F88]  }
0x1a: {  	s8 =	sadd.s32 $0xFFFFE003, lr  }
0x1b: {  	s9 =	sadd.s32 $0xFFFFFEF7, lr;
	s5 =	simm.s32 $0xFFFFFFFF;
	p2 =	slt.u32 s8, $0xFFFFF086  }
0x1c: {  	p1 =	slt.u32 s9, $0xF7A;
	s5 =	simm.s32 @!p2 $0x0  }
0x1d: {  	s5 =	simm.s32 @p1 $0x1;
	p0 =	seq.s32 s7, s2  }
0x1e: {  	s7 =	smul.u32 @!p0 $0xF7A, s2;
	p2 =	seq.s32 @!p0 s5, $0x0  }
0x1f: {  	s9 =	smul.u32 $0xF7A, s1;
	s8 =	simm.s32 @!p0 $0x1BF5;
	p2 =	por !p2, p0  }
0x20: {  	[sflag:s8] =	ssyncset.s32 @!p0 $0xFFFFF086;
	s6 =	sadd.s32 @!p0 s3, s7;
	s7 =	simm.s32 @!p0 $0x108  }
0x21: {  	s3 =	sadd.s32 s3, s9;
	s6 =	sadd.s32 @!p0 $0x88, s6;
	s7 =	simm.s32 @p2 $0x1082  }
0x22: {  	[simem:s7], [sflag:s8] =	dma.local @!p0 [hbm:s6], $0xF7A  }
0x23: {  	s9 =	sor.u32 $0xD0000000, s2;
	s6 =	simm.s32 $0x108;
	_ =	swait.ge @!p0 [sflag:s8], $0x0  }
0x24: {  	s3 =	sadd.s32 $0x88, s3;
	s6 =	simm.s32 @!p1 $0x1082;
	[sflag:s4] =	ssyncset.s32 $0xFFFFF086  }
0x25: {  	[simem:s6], [sflag:s4] =	dma.local [hbm:s3], $0xF7A  }
0x26: {  	[smem:$0x3F88] =	sst s1;
	(tag) =	ssettag s2;
	_ =	strace s9  }
0x27: {  	s1 =	sld [smem:$0x3F98]  }
0x28: {  	s2 =	sld [smem:$0x3F99]  }
0x29: {  	s4 =	sld [smem:$0x3F9B]  }
0x2a: {  	p0 =	seq.s32 s5, $0x0;
	s5 =	sld [smem:$0x3F9C]  }
0x2b: {  	s6 =	sld [smem:$0x3F9D]  }
0x2c: {  	s7 =	sld [smem:$0x3F9E]  }
0x2d: {  	s3 =	simm.s32 $0x108;
	s8 =	sld [smem:$0x3F9F]  }
0x2e: {  	s3 =	simm.s32 @!p0 $0x1082;
	s9 =	sld [smem:$0x3FA0]  }
0x2f: {  	lr =	sadd.s32 s0, s3;
	s0 =	sld [smem:$0x3F97]  }
0x30: {  	s3 =	sld [smem:$0x3F9A]  }
0x31: {  	[smem:$0x3FA3] =	sst s10  }
0x32: {  	s10 =	sld [smem:$0x3FA1];
	_ =	sdelay $0x3  }
0x33: {  	p0 =	seq.s32 s10, $0x1;
	s10 =	sld [smem:$0x3FA3];
	_ =	sdelay $0x3  }
0x34: {  	[smem:$0x3FA3] =	sst s10  }
0x35: {  	s10 =	sld [smem:$0x3FA2];
	_ =	sdelay $0x3  }
0x36: {  	p1 =	seq.s32 s10, $0x1;
	s10 =	sld [smem:$0x3FA3];
	_ =	sdelay $0x3  }
0x37: {  	[smem:$0x3FA3] =	sst s10  }
0x38: {  	s10 =	sld [smem:$0x3FA4]  }
0x39: {  	_ = 	snop;
	(pc) =	sbr.ind lr, $3  }
0x3a: {  	_ = 	snop  }
0x3b: {  	_ = 	snop  }
0x3c: {  	p2 =	seq.s32 s10, $0x1;
	s10 =	sld [smem:$0x3FA3]  }
0x3d: {  	_ =	shalt  }
0x3e: {  	_ =	shalt  }
0x3f: {  	_ =	shalt  }
0x40: {  	_ =	shalt  }
0x41: {  	_ =	shalt  }
0x42: {  	_ =	shalt  }
0x43: {  	_ =	shalt  }
0x44: {  	_ =	shalt  }
0x45: {  	_ =	shalt  }
0x46: {  	_ =	shalt  }
0x47: {  	_ =	shalt  }
0x48: {  	_ =	shalt  }
0x49: {  	_ =	shalt  }
0x4a: {  	_ =	shalt  }
0x4b: {  	_ =	shalt  }
0x4c: {  	_ =	shalt  }
0x4d: {  	_ =	shalt  }
0x4e: {  	_ =	shalt  }
0x4f: {  	_ =	shalt  }
0x50: {  	_ =	shalt  }
0x51: {  	_ =	shalt  }
0x52: {  	_ =	shalt  }
0x53: {  	_ =	shalt  }
0x54: {  	_ =	shalt  }
0x55: {  	_ =	shalt  }
0x56: {  	_ =	shalt  }
0x57: {  	_ =	shalt  }
0x58: {  	_ =	shalt  }
0x59: {  	_ =	shalt  }
0x5a: {  	_ =	shalt  }
0x5b: {  	_ =	shalt  }
0x5c: {  	_ =	shalt  }
0x5d: {  	_ =	shalt  }
0x5e: {  	_ =	shalt  }
0x5f: {  	_ =	shalt  }
0x60: {  	_ =	shalt  }
0x61: {  	_ =	shalt  }
0x62: {  	_ =	shalt  }
0x63: {  	_ =	shalt  }
0x64: {  	_ =	shalt  }
0x65: {  	_ =	shalt  }
0x66: {  	_ =	shalt  }
0x67: {  	_ =	shalt  }
0x68: {  	_ =	shalt  }
0x69: {  	_ =	shalt  }
0x6a: {  	_ =	shalt  }
0x6b: {  	_ =	shalt  }
0x6c: {  	_ =	shalt  }
0x6d: {  	_ =	shalt  }
0x6e: {  	_ =	shalt  }
0x6f: {  	_ =	shalt  }
0x70: {  	_ =	shalt  }
0x71: {  	_ =	shalt  }
0x72: {  	_ =	shalt  }
0x73: {  	_ =	shalt  }
0x74: {  	_ =	shalt  }
0x75: {  	_ =	shalt  }
0x76: {  	_ =	shalt  }
0x77: {  	_ =	shalt  }
0x78: {  	_ =	shalt  }
0x79: {  	_ =	shalt  }
0x7a: {  	_ =	shalt  }
0x7b: {  	_ =	shalt  }
0x7c: {  	_ =	shalt  }
0x7d: {  	_ =	shalt  }
0x7e: {  	_ =	shalt  }
0x7f: {  	_ =	shalt  }
0x80: {  	_ =	shalt  }
0x81: {  	_ =	shalt  }
0x82: {  	_ =	shalt  }
0x83: {  	_ =	shalt  }
0x84: {  	_ =	shalt  }
0x85: {  	_ =	shalt  }
0x86: {  	_ =	shalt  }
0x87: {  	_ =	shalt  }
.Lfunc_end0:
.L_simem_size_0:
called_computation.2_lowered:
.L_overlay_start_0:
0x88: {  	s2 =	sld [smem:$0x3FD9]  }
0x89: {  	s3 =	sld [smem:$0x3FFE];
	_ =	sdelay $0x1  }
0x8a: {  	s1 =	srdreg.scid  }
0x8b: {  	s0 =	sand.u32 $0x1, s1  }
0x8c: {  	s16 =	sshll.u32 s0, $0xA;
	s2 =	sadd.s32 s3, s2  }
0x8d: {  	s2 =	sadd.s32 s2, s16  }
0x8e: {  	[smem:$0x3FAF] =	sst s2  }
0x8f: {  	_ = 	snop  }
0x90: {  	(tm) =	ssettm $0x1  }
0x91: {  	s17 =	sld [smem:$0x3FFB];
	_ =	sdelay $0x3  }
0x92: {  	_ =	strace s17  }
0x93: {  	s2 =	sld [smem:$0x3FFC];
	_ =	sdelay $0x3  }
0x94: {  	_ =	strace s2  }
0x95: {  	s2 =	sld [smem:$0x3FFD];
	_ =	sdelay $0x3  }
0x96: {  	_ =	strace s2  }
0x97: {  	_ =	strace $0x8FFFFFFF  }
0x98: {  	s18 =	sld [smem:$0x3FDB];
	_ =	sdelay $0x1  }
0x99: {  	s19 =	simm.s32 $_scs_section_size  }
0x9a: {  	s4 =	simm.s32 $_size__tile_overlayer_lowered;
	s5 =	simm.s32 $_tile_overlayer_lowered  }
0x9b: {  	s22 =	simm.s32 $0x1BFF;
	s21 =	sshll.u32 s5, $0x1;
	s2 =	sadd.s32 s19, s18  }
0x9c: {  	s6 =	simm.s32 $0x0;
	s20 =	sshll.u32 s4, $0x1;
	s4 =	sadd.s32 s21, s2  }
0x9d: {  	[timem:s6], [sflag:s22] =	dma.local [hbm:s4], s20  }
0x9e: {  	_ =	swait.ge [sflag:s22], s20  }
0x9f: {  	s3 =	ssub.s32 $0x0, s20;
	[sflag:s22] =	ssyncset.done $0x0  }
0xa0: {  	[sflag:s22] =	ssyncadd.s32 s3;
	_ =	sdelay $0x1  }
0xa1: {  	s23 =	simm.s32 $0x1B8B  }
0xa2: {  	_ =	swait.ge [sflag:s23], $0x1  }
0xa3: {  	[sflag:s23] =	ssyncset.done $0x0  }
0xa4: {  	s25 =	simm.s32 $0x1B8E;
	s24 =	sld [smem:$0x3FFE];
	[sflag:s23] =	ssyncadd.s32 $0xFFFFFFFF  }
0xa5: {  	s26 =	simm.s32 $execute0_lowered;
	[smem:$0x3FD2] =	sst s25  }
0xa6: {  	s4 =	sshll.u32 s26, $0x1;
	_ =	strace $0x8000004C;
	[dreg:$0x1] =	wrdreg $0xFFFFFFFF  }
0xa7: {  	s28 =	simm.s32 $_size_execute0_lowered;
	s2 =	sadd.s32 s2, s4;
	[dreg:$0x0] =	wrdreg $0x0  }
0xa8: {  	s4 =	sshll.u32 s28, $0x1;
	[dreg:$0x2] =	wrdreg s2  }
0xa9: {  	[dreg:$0x3] =	wrdreg s4  }
0xaa: {  	[dreg:$0x4] =	wrdreg $0xC0  }
0xab: {  	_ =	task [dreg:s6], $0x5FFFF  }
0xac: {  	[dreg:$0x1] =	wrdreg $0xFFFFFFFF  }
0xad: {  	[dreg:$0x0] =	wrdreg $0x60  }
0xae: {  	[dreg:$0x2] =	wrdreg s24  }
0xaf: {  	[dreg:$0x3] =	wrdreg $0xCD000  }
0xb0: {  	[dreg:$0x4] =	wrdreg $0x9  }
0xb1: {  	_ =	task.clear_ibuf [dreg:s6], $0x5FFFF;
	_ =	strace $0x9000004C  }
0xb2: {  	s29 =	simm.s32 $0x9;
	_ =	strace $0x8000004E  }
0xb3: {  	_ =	swait.ge [sflag:s29], $0x1  }
0xb4: {  	[sflag:s29] =	ssyncadd.s32 $0xFFFFFFFF  }
0xb5: {  	_ =	strace $0x9000004E  }
0xb6: {  	_ =	sfence  }
0xb7: {  	s30 =	sld [smem:$0x0];
	_ =	sdelay $0x2  }
0xb8: {  	s31 =	sshll.u32 s1, $0xD;
	s1 =	sshrl.u32 s1, $0x2  }
0xb9: {  	s3 =	sand.u32 $0x4000, s31;
	s1 =	sadd.s32 s1, s30  }
0xba: {  	s0 =	sor.u32 s3, s0;
	s1 =	sshll.u32 s1, $0x11  }
0xbb: {  	s0 =	sor.u32 s1, s0  }
0xbc: {  	s0 =	sadd.s32 $0x8F2B, s0  }
0xbd: {  	[sflag:s0] =	ssyncadd.remote.s32 $0x1  }
0xbe: {  	_ =	sfence.sel $0xFFFF  }
0xbf: {  	[dreg:$0x0] =	wrdreg $0xFFFFFFFF;
	(pc) =	sbr.abs _section_cstart, $3  }
0xc0: {  	[dreg:$0x1] =	wrdreg $0xFFFFFFFF  }
0xc1: {  	_ =	task.clear_ibuf [dreg:s6], $0x2FFFF;
	_ =	strace $0x9FFFFFFF  }
0xc2: {  	(tm) =	ssettm $0x7FFFFFFF  }
0xc3: {  	_ =	shalt  }
tec
execute0_lowered:
.L_overlay_start_1:
0x0: {  	(tag) =	ssettag $0x1  }
0x1: {  	s0 =	srdreg.scid;
	s3 =	rddreg [dreg:$0x0]  }
0x2: {  	s9 =	stileid.u32;
	s2 =	rddreg [dreg:$0x1]  }
0x3: {  	s4 =	simm.s32 $0x0;
	s14 =	simm.s32 $0xFA;
	s15 =	simm.s32 $0x5000  }
0x4: {  	s17 =	simm.s32 $0x5FA0;
	s19 =	simm.s32 $0x6F40;
	s21 =	simm.s32 $0x7EE0  }
0x5: {  	s23 =	simm.s32 $0x8E80;
	s28 =	simm.s32 $0xADC0;
	s30 =	simm.s32 $0xBD60  }
0x6: {  	s31 =	simm.s32 $0x1;
	s13 =	simm.s32 $0x4;
	s16 =	simm.s32 $0x5  }
0x7: {  	s18 =	simm.s32 $0x6;
	s20 =	simm.s32 $0x7;
	s22 =	simm.s32 $0x8  }
0x8: {  	s24 =	simm.s32 $0x9;
	s29 =	simm.s32 $0xB;
	s10 =	simm.s32 $0x10  }
0x9: {  	s0 =	sand.u32 $0x1, s0;
	s1 =	sshll.u32 s9, $0x1;
	s5 =	smul.u32 $0x2780, s9  }
0xa: {  	[smem:$0x7FF] =	sst s4;
	s4 =	sadd.s32 $0x18A00, s3;
	s25 =	sshll.u32 s9, $0x6  }
0xb: {  	s9 =	simm.s32 $0xF;
	s1 =	sor.u32 s0, s1;
	s6 =	smul.u32 $0x27800, s0  }
0xc: {  	_ =	strace $0x8000004D;
	s0 =	ssub.s32 $0x2, s0;
	s11 =	sor.u32 $0x1C11, s25  }
0xd: {  	s25 =	simm.s32 $0x9E20;
	s1 =	smul.u32 $0x2800, s1;
	s7 =	sshrl.u32 s5, $0x3  }
0xe: {  	s8 =	sshrl.u32 s0, $0x1;
	[dreg:$0x4] =	wrdreg s11;
	s6 =	sadd.s32 s5, s6  }
0xf: {  	s7 =	sadd.s32 s7, s3;
	s0 =	ssub.s32 s0, s8;
	s5 =	sadd.s32 s5, s2  }
0x10: {  	s8 =	simm.s32 $0xE;
	s1 =	sshrl.u32 s1, $0x3;
	s7 =	sadd.s32 $0x1DA00, s7  }
0x11: {  	s6 =	sshrl.u32 s6, $0x3;
	s0 =	smax.u32 s0, $0x1;
	[dreg:$0x3] =	wrdreg s7  }
0x12: {  	s12 =	sshrl.u32 s5, $0x3;
	s1 =	sadd.s32 s1, s3;
	[dreg:$0x8] =	wrdreg s0  }
0x13: {  	s3 =	sadd.s32 s6, s3;
	s6 =	simm.s32 $0x0;
	[dreg:$0x9] =	wrdreg s12  }
0x14: {  	s5 =	simm.s32 $0xC;
	s26 =	sadd.s32 $0x4A00, s1;
	[dreg:$0xa] =	wrdreg s6  }
0x15: {  	s0 =	simm.s32 $0x3;
	s1 =	sadd.s32 $0xEA00, s1;
	[dreg:$0x5] =	wrdreg s26  }
0x16: {  	s7 =	simm.s32 $0xD;
	s3 =	sadd.s32 $0x22A00, s3;
	[dreg:$0x6] =	wrdreg s1  }
0x17: {  	[dreg:$0x7] =	wrdreg s3;
	s1 =	simm.s32 $0x2;
	s26 =	simm.s32 $0xA  }
.LBB2_1:
0x18: {  	s3 =	simm.s32 $0x11;
	s6 =	rddreg [dreg:$0x3]  }
0x19: {  	[spmem:s12], [sflag:s11] =	dma.local [hbm:s6], $0x4F0  }
0x1a: {  	_ =	swait.ge [sflag:s3], $0x4F0  }
0x1b: {  	[sflag:s3] =	ssyncset.done $0x0  }
0x1c: {  	s6 =	simm.s32 $0x0;
	s12 =	rddreg [dreg:$0x5];
	[sflag:s3] =	ssyncadd.s32 $0xFFFFFB10  }
0x1d: {  	[tilespmem:s6], [sflag:$0x11] =	stream.linear.gather [hbm4b:s12+s6], $0x2800, $0x38;
	[tilespmem:$0xF480] =	vst v63  }
0x1e: {  	_ =	swait.ge [sflag:s3], $0x2800  }
0x1f: {  	[sflag:s3] =	ssyncset.done $0x0  }
0x20: {  	s12 =	simm.s32 $0x2800;
	s11 =	rddreg [dreg:$0x6];
	[sflag:s3] =	ssyncadd.s32 $0xFFFFD800  }
0x21: {  	[tilespmem:s12], [sflag:$0x11] =	stream.linear.gather [hbm4b:s11+s6], $0x2800, $0x38;
	[tilespmem:$0xF480] =	vst v63  }
0x22: {  	_ =	swait.ge [sflag:s3], $0x2800  }
0x23: {  	[sflag:s3] =	ssyncset.done $0x0  }
0x24: {  	[sflag:s3] =	ssyncadd.s32 $0xFFFFD800  }
0x25: {  	[bflag:$0x0] =	sbarrier.arrive $0xFFFF  }
0x26: {  	[tilespmem:s15], [sflag:$0x1] =	stream.indirect.gather [hbm4b:s4+s14], $0x10, s6, s14, $0xb8;
	[tilespmem:$0xF480] =	vst v63  }
0x27: {  	s12 =	simm.s32 $0x100  }
0x28: {  	[tilespmem:s17], [sflag:$0x2] =	stream.indirect.gather [hbm4b:s4+s14], $0x10, s12, s14, $0xb8;
	[tilespmem:$0xF480] =	vst v63  }
0x29: {  	s6 =	simm.s32 $0x200  }
0x2a: {  	[tilespmem:s19], [sflag:$0x3] =	stream.indirect.gather [hbm4b:s4+s14], $0x10, s6, s14, $0xb8;
	[tilespmem:$0xF480] =	vst v63  }
0x2b: {  	s11 =	simm.s32 $0x300  }
0x2c: {  	[tilespmem:s21], [sflag:$0x4] =	stream.indirect.gather [hbm4b:s4+s14], $0x10, s11, s14, $0xb8;
	[tilespmem:$0xF480] =	vst v63  }
0x2d: {  	s12 =	simm.s32 $0x400  }
0x2e: {  	[tilespmem:s23], [sflag:$0x5] =	stream.indirect.gather [hbm4b:s4+s14], $0x10, s12, s14, $0xb8;
	[tilespmem:$0xF480] =	vst v63  }
0x2f: {  	s6 =	simm.s32 $0x500  }
0x30: {  	[tilespmem:s25], [sflag:$0x6] =	stream.indirect.gather [hbm4b:s4+s14], $0x10, s6, s14, $0xb8;
	[tilespmem:$0xF480] =	vst v63  }
0x31: {  	s11 =	simm.s32 $0x600  }
0x32: {  	[tilespmem:s28], [sflag:$0x7] =	stream.indirect.gather [hbm4b:s4+s14], $0x10, s11, s14, $0xb8;
	[tilespmem:$0xF480] =	vst v63  }
0x33: {  	s12 =	simm.s32 $0x700  }
0x34: {  	[tilespmem:s30], [sflag:$0x8] =	stream.indirect.gather [hbm4b:s4+s14], $0x10, s12, s14, $0xb8;
	[tilespmem:$0xF480] =	vst v63  }
0x35: {  	_ =	swait.ge [sflag:s31], $0xFA0  }
0x36: {  	[sflag:s31] =	ssyncset.done $0x0  }
0x37: {  	s3 =	simm.s32 $0x2800;
	[sflag:s31] =	ssyncadd.s32 $0xFFFFF060  }
0x38: {  	[spmem:s2] =	stream.indirect.scatter.add.f32 [tilespmem:s15], [sflag:$0x9], $0x10, s3, s14, $0xb8;
	[tilespmem:$0xF480] =	vst v63  }
0x39: {  	_ =	swait.ge [sflag:s1], $0xFA0  }
0x3a: {  	[sflag:s1] =	ssyncset.done $0x0  }
0x3b: {  	s11 =	simm.s32 $0x2900;
	[sflag:s1] =	ssyncadd.s32 $0xFFFFF060  }
0x3c: {  	[spmem:s2] =	stream.indirect.scatter.add.f32 [tilespmem:s17], [sflag:$0xA], $0x10, s11, s14, $0xb8;
	[tilespmem:$0xF480] =	vst v63  }
0x3d: {  	_ =	swait.ge [sflag:s0], $0xFA0  }
0x3e: {  	[sflag:s0] =	ssyncset.done $0x0  }
0x3f: {  	s12 =	simm.s32 $0x2A00;
	[sflag:s0] =	ssyncadd.s32 $0xFFFFF060  }
0x40: {  	[spmem:s2] =	stream.indirect.scatter.add.f32 [tilespmem:s19], [sflag:$0xB], $0x10, s12, s14, $0xb8;
	[tilespmem:$0xF480] =	vst v63  }
0x41: {  	_ =	swait.ge [sflag:s13], $0xFA0  }
0x42: {  	[sflag:s13] =	ssyncset.done $0x0  }
0x43: {  	s3 =	simm.s32 $0x2B00;
	[sflag:s13] =	ssyncadd.s32 $0xFFFFF060  }
0x44: {  	[spmem:s2] =	stream.indirect.scatter.add.f32 [tilespmem:s21], [sflag:$0xC], $0x10, s3, s14, $0xb8;
	[tilespmem:$0xF480] =	vst v63  }
0x45: {  	_ =	swait.ge [sflag:s16], $0xFA0  }
0x46: {  	[sflag:s16] =	ssyncset.done $0x0  }
0x47: {  	s11 =	simm.s32 $0x2C00;
	[sflag:s16] =	ssyncadd.s32 $0xFFFFF060  }
0x48: {  	[spmem:s2] =	stream.indirect.scatter.add.f32 [tilespmem:s23], [sflag:$0xD], $0x10, s11, s14, $0xb8;
	[tilespmem:$0xF480] =	vst v63  }
0x49: {  	_ =	swait.ge [sflag:s18], $0xFA0  }
0x4a: {  	[sflag:s18] =	ssyncset.done $0x0  }
0x4b: {  	s12 =	simm.s32 $0x2D00;
	[sflag:s18] =	ssyncadd.s32 $0xFFFFF060  }
0x4c: {  	[spmem:s2] =	stream.indirect.scatter.add.f32 [tilespmem:s25], [sflag:$0xE], $0x10, s12, s14, $0xb8;
	[tilespmem:$0xF480] =	vst v63  }
0x4d: {  	_ =	swait.ge [sflag:s20], $0xFA0  }
0x4e: {  	[sflag:s20] =	ssyncset.done $0x0  }
0x4f: {  	s3 =	simm.s32 $0x2E00;
	[sflag:s20] =	ssyncadd.s32 $0xFFFFF060  }
0x50: {  	[spmem:s2] =	stream.indirect.scatter.add.f32 [tilespmem:s28], [sflag:$0xF], $0x10, s3, s14, $0xb8;
	[tilespmem:$0xF480] =	vst v63  }
0x51: {  	_ =	swait.ge [sflag:s22], $0xFA0  }
0x52: {  	[sflag:s22] =	ssyncset.done $0x0  }
0x53: {  	s11 =	simm.s32 $0x2F00;
	[sflag:s22] =	ssyncadd.s32 $0xFFFFF060  }
0x54: {  	[spmem:s2] =	stream.indirect.scatter.add.f32 [tilespmem:s30], [sflag:$0x10], $0x10, s11, s14, $0xb8;
	[tilespmem:$0xF480] =	vst v63  }
0x55: {  	_ =	swait.ge [sflag:s24], $0xFA0  }
0x56: {  	[sflag:s24] =	ssyncset.done $0x0  }
0x57: {  	s12 =	simm.s32 $0x800;
	[sflag:s24] =	ssyncadd.s32 $0xFFFFF060  }
0x58: {  	[tilespmem:s15], [sflag:$0x1] =	stream.indirect.gather [hbm4b:s4+s14], $0x10, s12, s14, $0xb8;
	[tilespmem:$0xF480] =	vst v63  }
0x59: {  	_ =	swait.ge [sflag:s26], $0xFA0  }
0x5a: {  	[sflag:s26] =	ssyncset.done $0x0  }
0x5b: {  	s3 =	simm.s32 $0x900;
	[sflag:s26] =	ssyncadd.s32 $0xFFFFF060  }
0x5c: {  	[tilespmem:s17], [sflag:$0x2] =	stream.indirect.gather [hbm4b:s4+s14], $0x10, s3, s14, $0xb8;
	[tilespmem:$0xF480] =	vst v63  }
0x5d: {  	_ =	swait.ge [sflag:s29], $0xFA0  }
0x5e: {  	[sflag:s29] =	ssyncset.done $0x0  }
0x5f: {  	s11 =	simm.s32 $0xA00;
	[sflag:s29] =	ssyncadd.s32 $0xFFFFF060  }
0x60: {  	[tilespmem:s19], [sflag:$0x3] =	stream.indirect.gather [hbm4b:s4+s14], $0x10, s11, s14, $0xb8;
	[tilespmem:$0xF480] =	vst v63  }
0x61: {  	_ =	swait.ge [sflag:s5], $0xFA0  }
0x62: {  	[sflag:s5] =	ssyncset.done $0x0  }
0x63: {  	s12 =	simm.s32 $0xB00;
	[sflag:s5] =	ssyncadd.s32 $0xFFFFF060  }
0x64: {  	[tilespmem:s21], [sflag:$0x4] =	stream.indirect.gather [hbm4b:s4+s14], $0x10, s12, s14, $0xb8;
	[tilespmem:$0xF480] =	vst v63  }
0x65: {  	_ =	swait.ge [sflag:s7], $0xFA0  }
0x66: {  	[sflag:s7] =	ssyncset.done $0x0  }
0x67: {  	s3 =	simm.s32 $0xC00;
	[sflag:s7] =	ssyncadd.s32 $0xFFFFF060  }
0x68: {  	[tilespmem:s23], [sflag:$0x5] =	stream.indirect.gather [hbm4b:s4+s14], $0x10, s3, s14, $0xb8;
	[tilespmem:$0xF480] =	vst v63  }
0x69: {  	_ =	swait.ge [sflag:s8], $0xFA0  }
0x6a: {  	[sflag:s8] =	ssyncset.done $0x0  }
0x6b: {  	s11 =	simm.s32 $0xD00;
	[sflag:s8] =	ssyncadd.s32 $0xFFFFF060  }
0x6c: {  	[tilespmem:s25], [sflag:$0x6] =	stream.indirect.gather [hbm4b:s4+s14], $0x10, s11, s14, $0xb8;
	[tilespmem:$0xF480] =	vst v63  }
0x6d: {  	_ =	swait.ge [sflag:s9], $0xFA0  }
0x6e: {  	[sflag:s9] =	ssyncset.done $0x0  }
0x6f: {  	s12 =	simm.s32 $0xE00;
	[sflag:s9] =	ssyncadd.s32 $0xFFFFF060  }
0x70: {  	[tilespmem:s28], [sflag:$0x7] =	stream.indirect.gather [hbm4b:s4+s14], $0x10, s12, s14, $0xb8;
	[tilespmem:$0xF480] =	vst v63  }
0x71: {  	_ =	swait.ge [sflag:s10], $0xFA0  }
0x72: {  	[sflag:s10] =	ssyncset.done $0x0  }
0x73: {  	s6 =	simm.s32 $0x2000;
	s11 =	simm.s32 $0xF00;
	[sflag:s10] =	ssyncadd.s32 $0xFFFFF060  }
.LBB2_2:
0x74: {  	[tilespmem:s30], [sflag:$0x8] =	stream.indirect.gather [hbm4b:s4+s14], $0x10, s11, s14, $0xb8;
	[tilespmem:$0xF480] =	vst v63  }
0x75: {  	s11 =	smov.u32 s6  }
0x76: {  	p0 =	sne.s32 s6, $0x6000;
	s6 =	sadd.s32 $0x2000, s6;
	_ =	swait.ge [sflag:s31], $0xFA0  }
0x77: {  	s11 =	sshra.s32 s11, $0x2;
	[sflag:s31] =	ssyncset.done $0x0  }
0x78: {  	s12 =	sadd.s32 $0x2800, s11;
	[sflag:s31] =	ssyncadd.s32 $0xFFFFF060  }
0x79: {  	[spmem:s2] =	stream.indirect.scatter.add.f32 [tilespmem:s15], [sflag:$0x9], $0x10, s12, s14, $0xb8;
	[tilespmem:$0xF480] =	vst v63  }
0x7a: {  	_ =	swait.ge [sflag:s1], $0xFA0  }
0x7b: {  	[sflag:s1] =	ssyncset.done $0x0  }
0x7c: {  	s12 =	sadd.s32 $0x2900, s11;
	[sflag:s1] =	ssyncadd.s32 $0xFFFFF060  }
0x7d: {  	[spmem:s2] =	stream.indirect.scatter.add.f32 [tilespmem:s17], [sflag:$0xA], $0x10, s12, s14, $0xb8;
	[tilespmem:$0xF480] =	vst v63  }
0x7e: {  	_ =	swait.ge [sflag:s0], $0xFA0  }
0x7f: {  	[sflag:s0] =	ssyncset.done $0x0  }
0x80: {  	s12 =	sadd.s32 $0x2A00, s11;
	[sflag:s0] =	ssyncadd.s32 $0xFFFFF060  }
0x81: {  	[spmem:s2] =	stream.indirect.scatter.add.f32 [tilespmem:s19], [sflag:$0xB], $0x10, s12, s14, $0xb8;
	[tilespmem:$0xF480] =	vst v63  }
0x82: {  	_ =	swait.ge [sflag:s13], $0xFA0  }
0x83: {  	[sflag:s13] =	ssyncset.done $0x0  }
0x84: {  	s12 =	sadd.s32 $0x2B00, s11;
	[sflag:s13] =	ssyncadd.s32 $0xFFFFF060  }
0x85: {  	[spmem:s2] =	stream.indirect.scatter.add.f32 [tilespmem:s21], [sflag:$0xC], $0x10, s12, s14, $0xb8;
	[tilespmem:$0xF480] =	vst v63  }
0x86: {  	_ =	swait.ge [sflag:s16], $0xFA0  }
0x87: {  	[sflag:s16] =	ssyncset.done $0x0  }
0x88: {  	s12 =	sadd.s32 $0x2C00, s11;
	[sflag:s16] =	ssyncadd.s32 $0xFFFFF060  }
0x89: {  	[spmem:s2] =	stream.indirect.scatter.add.f32 [tilespmem:s23], [sflag:$0xD], $0x10, s12, s14, $0xb8;
	[tilespmem:$0xF480] =	vst v63  }
0x8a: {  	_ =	swait.ge [sflag:s18], $0xFA0  }
0x8b: {  	[sflag:s18] =	ssyncset.done $0x0  }
0x8c: {  	s12 =	sadd.s32 $0x2D00, s11;
	[sflag:s18] =	ssyncadd.s32 $0xFFFFF060  }
0x8d: {  	[spmem:s2] =	stream.indirect.scatter.add.f32 [tilespmem:s25], [sflag:$0xE], $0x10, s12, s14, $0xb8;
	[tilespmem:$0xF480] =	vst v63  }
0x8e: {  	_ =	swait.ge [sflag:s20], $0xFA0  }
0x8f: {  	[sflag:s20] =	ssyncset.done $0x0  }
0x90: {  	s12 =	sadd.s32 $0x2E00, s11;
	[sflag:s20] =	ssyncadd.s32 $0xFFFFF060  }
0x91: {  	[spmem:s2] =	stream.indirect.scatter.add.f32 [tilespmem:s28], [sflag:$0xF], $0x10, s12, s14, $0xb8;
	[tilespmem:$0xF480] =	vst v63  }
0x92: {  	_ =	swait.ge [sflag:s22], $0xFA0  }
0x93: {  	[sflag:s22] =	ssyncset.done $0x0  }
0x94: {  	s12 =	sadd.s32 $0x2F00, s11;
	[sflag:s22] =	ssyncadd.s32 $0xFFFFF060  }
0x95: {  	[spmem:s2] =	stream.indirect.scatter.add.f32 [tilespmem:s30], [sflag:$0x10], $0x10, s12, s14, $0xb8;
	[tilespmem:$0xF480] =	vst v63  }
0x96: {  	_ =	swait.ge [sflag:s24], $0xFA0  }
0x97: {  	[sflag:s24] =	ssyncset.done $0x0  }
0x98: {  	s12 =	sadd.s32 $0x800, s11;
	[sflag:s24] =	ssyncadd.s32 $0xFFFFF060  }
0x99: {  	[tilespmem:s15], [sflag:$0x1] =	stream.indirect.gather [hbm4b:s4+s14], $0x10, s12, s14, $0xb8;
	[tilespmem:$0xF480] =	vst v63  }
0x9a: {  	_ =	swait.ge [sflag:s26], $0xFA0  }
0x9b: {  	[sflag:s26] =	ssyncset.done $0x0  }
0x9c: {  	s12 =	sadd.s32 $0x900, s11;
	[sflag:s26] =	ssyncadd.s32 $0xFFFFF060  }
0x9d: {  	[tilespmem:s17], [sflag:$0x2] =	stream.indirect.gather [hbm4b:s4+s14], $0x10, s12, s14, $0xb8;
	[tilespmem:$0xF480] =	vst v63  }
0x9e: {  	_ =	swait.ge [sflag:s29], $0xFA0  }
0x9f: {  	[sflag:s29] =	ssyncset.done $0x0  }
0xa0: {  	s12 =	sadd.s32 $0xA00, s11;
	[sflag:s29] =	ssyncadd.s32 $0xFFFFF060  }
0xa1: {  	[tilespmem:s19], [sflag:$0x3] =	stream.indirect.gather [hbm4b:s4+s14], $0x10, s12, s14, $0xb8;
	[tilespmem:$0xF480] =	vst v63  }
0xa2: {  	_ =	swait.ge [sflag:s5], $0xFA0  }
0xa3: {  	[sflag:s5] =	ssyncset.done $0x0  }
0xa4: {  	s12 =	sadd.s32 $0xB00, s11;
	[sflag:s5] =	ssyncadd.s32 $0xFFFFF060  }
0xa5: {  	[tilespmem:s21], [sflag:$0x4] =	stream.indirect.gather [hbm4b:s4+s14], $0x10, s12, s14, $0xb8;
	[tilespmem:$0xF480] =	vst v63  }
0xa6: {  	_ =	swait.ge [sflag:s7], $0xFA0  }
0xa7: {  	[sflag:s7] =	ssyncset.done $0x0  }
0xa8: {  	s12 =	sadd.s32 $0xC00, s11;
	[sflag:s7] =	ssyncadd.s32 $0xFFFFF060  }
0xa9: {  	[tilespmem:s23], [sflag:$0x5] =	stream.indirect.gather [hbm4b:s4+s14], $0x10, s12, s14, $0xb8;
	[tilespmem:$0xF480] =	vst v63  }
0xaa: {  	_ =	swait.ge [sflag:s8], $0xFA0  }
0xab: {  	[sflag:s8] =	ssyncset.done $0x0  }
0xac: {  	s12 =	sadd.s32 $0xD00, s11;
	[sflag:s8] =	ssyncadd.s32 $0xFFFFF060  }
0xad: {  	[tilespmem:s25], [sflag:$0x6] =	stream.indirect.gather [hbm4b:s4+s14], $0x10, s12, s14, $0xb8;
	[tilespmem:$0xF480] =	vst v63  }
0xae: {  	_ =	swait.ge [sflag:s9], $0xFA0  }
0xaf: {  	[sflag:s9] =	ssyncset.done $0x0  }
.Ltmp0:
0xb0: {  	s12 =	sadd.s32 $0xE00, s11;
	[sflag:s9] =	ssyncadd.s32 $0xFFFFF060;
	(pc) =	sbr.rel @p0 .LBB2_2-.Ltmp0, $4  }
0xb1: {  	[tilespmem:s28], [sflag:$0x7] =	stream.indirect.gather [hbm4b:s4+s14], $0x10, s12, s14, $0xb8;
	[tilespmem:$0xF480] =	vst v63  }
0xb2: {  	_ =	swait.ge [sflag:s10], $0xFA0  }
0xb3: {  	[sflag:s10] =	ssyncset.done $0x0  }
0xb4: {  	s11 =	sadd.s32 $0xF00, s11;
	[sflag:s10] =	ssyncadd.s32 $0xFFFFF060  }
0xb5: {  	[tilespmem:s30], [sflag:$0x8] =	stream.indirect.gather [hbm4b:s4+s14], $0x10, s11, s14, $0xb8;
	[tilespmem:$0xF480] =	vst v63  }
0xb6: {  	_ =	swait.ge [sflag:s31], $0xFA0  }
0xb7: {  	[sflag:s31] =	ssyncset.done $0x0  }
0xb8: {  	s3 =	simm.s32 $0x4800;
	[sflag:s31] =	ssyncadd.s32 $0xFFFFF060  }
0xb9: {  	[spmem:s2] =	stream.indirect.scatter.add.f32 [tilespmem:s15], [sflag:$0x9], $0x10, s3, s14, $0xb8;
	[tilespmem:$0xF480] =	vst v63  }
0xba: {  	_ =	swait.ge [sflag:s1], $0xFA0  }
0xbb: {  	[sflag:s1] =	ssyncset.done $0x0  }
0xbc: {  	s12 =	simm.s32 $0x4900;
	[sflag:s1] =	ssyncadd.s32 $0xFFFFF060  }
0xbd: {  	[spmem:s2] =	stream.indirect.scatter.add.f32 [tilespmem:s17], [sflag:$0xA], $0x10, s12, s14, $0xb8;
	[tilespmem:$0xF480] =	vst v63  }
0xbe: {  	_ =	swait.ge [sflag:s0], $0xFA0  }
0xbf: {  	[sflag:s0] =	ssyncset.done $0x0  }
0xc0: {  	s6 =	simm.s32 $0x4A00;
	[sflag:s0] =	ssyncadd.s32 $0xFFFFF060  }
0xc1: {  	[spmem:s2] =	stream.indirect.scatter.add.f32 [tilespmem:s19], [sflag:$0xB], $0x10, s6, s14, $0xb8;
	[tilespmem:$0xF480] =	vst v63  }
0xc2: {  	_ =	swait.ge [sflag:s13], $0xFA0  }
0xc3: {  	[sflag:s13] =	ssyncset.done $0x0  }
0xc4: {  	s11 =	simm.s32 $0x4B00;
	[sflag:s13] =	ssyncadd.s32 $0xFFFFF060  }
0xc5: {  	[spmem:s2] =	stream.indirect.scatter.add.f32 [tilespmem:s21], [sflag:$0xC], $0x10, s11, s14, $0xb8;
	[tilespmem:$0xF480] =	vst v63  }
0xc6: {  	_ =	swait.ge [sflag:s16], $0xFA0  }
0xc7: {  	[sflag:s16] =	ssyncset.done $0x0  }
0xc8: {  	s12 =	simm.s32 $0x4C00;
	[sflag:s16] =	ssyncadd.s32 $0xFFFFF060  }
0xc9: {  	[spmem:s2] =	stream.indirect.scatter.add.f32 [tilespmem:s23], [sflag:$0xD], $0x10, s12, s14, $0xb8;
	[tilespmem:$0xF480] =	vst v63  }
0xca: {  	_ =	swait.ge [sflag:s18], $0xFA0  }
0xcb: {  	[sflag:s18] =	ssyncset.done $0x0  }
0xcc: {  	s6 =	simm.s32 $0x4D00;
	[sflag:s18] =	ssyncadd.s32 $0xFFFFF060  }
0xcd: {  	[spmem:s2] =	stream.indirect.scatter.add.f32 [tilespmem:s25], [sflag:$0xE], $0x10, s6, s14, $0xb8;
	[tilespmem:$0xF480] =	vst v63  }
0xce: {  	_ =	swait.ge [sflag:s20], $0xFA0  }
0xcf: {  	[sflag:s20] =	ssyncset.done $0x0  }
0xd0: {  	s11 =	simm.s32 $0x4E00;
	[sflag:s20] =	ssyncadd.s32 $0xFFFFF060  }
0xd1: {  	[spmem:s2] =	stream.indirect.scatter.add.f32 [tilespmem:s28], [sflag:$0xF], $0x10, s11, s14, $0xb8;
	[tilespmem:$0xF480] =	vst v63  }
0xd2: {  	_ =	swait.ge [sflag:s22], $0xFA0  }
0xd3: {  	[sflag:s22] =	ssyncset.done $0x0  }
0xd4: {  	s12 =	simm.s32 $0x4F00;
	[sflag:s22] =	ssyncadd.s32 $0xFFFFF060  }
0xd5: {  	[spmem:s2] =	stream.indirect.scatter.add.f32 [tilespmem:s30], [sflag:$0x10], $0x10, s12, s14, $0xb8;
	[tilespmem:$0xF480] =	vst v63  }
0xd6: {  	_ =	swait.ge [sflag:s24], $0xFA0  }
0xd7: {  	[sflag:s24] =	ssyncset.done $0x0  }
0xd8: {  	[sflag:s24] =	ssyncadd.s32 $0xFFFFF060  }
0xd9: {  	_ =	swait.ge [sflag:s26], $0xFA0  }
0xda: {  	[sflag:s26] =	ssyncset.done $0x0  }
0xdb: {  	[sflag:s26] =	ssyncadd.s32 $0xFFFFF060  }
0xdc: {  	_ =	swait.ge [sflag:s29], $0xFA0  }
0xdd: {  	[sflag:s29] =	ssyncset.done $0x0  }
0xde: {  	[sflag:s29] =	ssyncadd.s32 $0xFFFFF060  }
0xdf: {  	_ =	swait.ge [sflag:s5], $0xFA0  }
0xe0: {  	[sflag:s5] =	ssyncset.done $0x0  }
0xe1: {  	[sflag:s5] =	ssyncadd.s32 $0xFFFFF060  }
0xe2: {  	_ =	swait.ge [sflag:s7], $0xFA0  }
0xe3: {  	[sflag:s7] =	ssyncset.done $0x0  }
0xe4: {  	[sflag:s7] =	ssyncadd.s32 $0xFFFFF060  }
0xe5: {  	_ =	swait.ge [sflag:s8], $0xFA0  }
0xe6: {  	[sflag:s8] =	ssyncset.done $0x0  }
0xe7: {  	[sflag:s8] =	ssyncadd.s32 $0xFFFFF060  }
0xe8: {  	_ =	swait.ge [sflag:s9], $0xFA0  }
0xe9: {  	[sflag:s9] =	ssyncset.done $0x0  }
0xea: {  	[sflag:s9] =	ssyncadd.s32 $0xFFFFF060  }
0xeb: {  	_ =	swait.ge [sflag:s10], $0xFA0  }
0xec: {  	[sflag:s10] =	ssyncset.done $0x0  }
0xed: {  	[sflag:s10] =	ssyncadd.s32 $0xFFFFF060  }
0xee: {  	[bflag:$0x0] =	sbarrier.arrive $0xFFFF  }
0xef: {  	s11 =	rddreg [dreg:$0x4]  }
0xf0: {  	s6 =	rddreg [dreg:$0x7]  }
0xf1: {  	s12 =	rddreg [dreg:$0x9]  }
0xf2: {  	[hbm:s6], [sflag:s11] =	dma.local [spmem:s12], $0x4F0  }
0xf3: {  	s6 =	simm.s32 $0x11  }
0xf4: {  	_ =	swait.ge [sflag:s6], $0x4F0  }
0xf5: {  	s3 =	rddreg [dreg:$0xa]  }
0xf6: {  	[sflag:s6] =	ssyncset.done $0x0;
	s6 =	rddreg [dreg:$0x8];
	s3 =	sadd.s32 $0x1, s3  }
0xf7: {  	p0 =	sne.s32 s3, s6  }
.Ltmp1:
0xf8: {  	_ = 	snop;
	(pc) =	sbr.rel @p0 .LBB2_1-.Ltmp1, $3  }
0xf9: {  	_ =	sdelay $0x1  }
0xfa: {  	s6 =	simm.s32 $0x11  }
0xfb: {  	[dreg:$0xa] =	wrdreg s3;
	[sflag:s6] =	ssyncadd.s32 $0xFFFFFB10  }
0xfc: {  	_ =	sfence.sel $0x180000  }
0xfd: {  	[bflag:$0x0] =	sbarrier.arrive $0xFFFF  }
0xfe: {  	_ =	strace $0x9000004D  }
0xff: {  	s0 =	stileid.u32;
	[bflag:$0x2] =	sbarrier.arrive $0xFFFF  }
0x100: {  	p0 =	sne.s32 s0, $0x0;
	s0 =	rddreg [dreg:$0x2]  }
0x101: {  	s0 =	sadd.s32 @!p0 $0x100000, s0  }
0x102: {  	[sflag:s0] =	ssyncadd.tile.s32 @!p0 $0x1;
	_ =	shalt  }
.Lfunc_end2:
_tile_overlayer_lowered:
.L_overlay_start_2:
0x103: {  	(tag) =	ssettag $0x2  }
0x104: {  	s0 =	rddreg [dreg:$0x0];
	s2 =	stileid.u32  }
0x105: {  	s1 =	rddreg [dreg:$0x1];
	p0 =	sne.s32 s2, $0x0  }
0x106: {  	s3 =	rddreg [dreg:$0x2];
	[bflag:$0x3] =	sbarrier.arrive $0xFFFF;
	s2 =	simm.s32 @!p0 $0x1C11  }
0x107: {  	[timem:s3], [sflag:s2] =	dma.local @!p0 [hbm:s0], s1  }
0x108: {  	s0 =	simm.s32 @!p0 $0x11  }
0x109: {  	_ =	swait.ge @!p0 [sflag:s0], s1  }
0x10a: {  	s1 =	ssub.s32 @!p0 $0x0, s1;
	[sflag:s0] =	ssyncset.done @!p0 $0x0  }
0x10b: {  	[sflag:s0] =	ssyncadd.s32 @!p0 s1  }
0x10c: {  	[bflag:$0x3] =	sbarrier.arrive $0xFFFF  }
0x10d: {  	_ =	shalt  }

// kernel: kernel.22.cloned.1.call-start
scs
__scs_entry_jumppad:
0x0: {  	(pc) =	sbr.rel $0x88, $3  }
0x1: {  	(tag) =	ssettag $0x0;
	lr =	simm.s32 $0x1  }
0x2: {  	[smem:$0x3F88] =	sst lr;
	_ =	strace $0xD0000000  }
0x3: {  	_ = 	snop  }
0x4: {  	_ = 	snop  }
0x5: {  	_ = 	snop  }
0x6: {  	_ = 	snop  }
0x7: {  	_ = 	snop  }
__scs_overlays_trampoline_lowered:
0x8: {  	[smem:$0x3F97] =	sst s0  }
0x9: {  	[smem:$0x3F98] =	sst s1  }
0xa: {  	[smem:$0x3F99] =	sst s2  }
0xb: {  	[smem:$0x3F9A] =	sst s3  }
0xc: {  	[smem:$0x3F9B] =	sst s4  }
0xd: {  	[smem:$0x3F9C] =	sst s5  }
0xe: {  	[smem:$0x3F9D] =	sst s6  }
0xf: {  	[smem:$0x3F9E] =	sst s7  }
0x10: {  	[smem:$0x3F9F] =	sst s8  }
0x11: {  	[smem:$0x3FA0] =	sst s9;
	s0 =	simm.s32 @!p0 $0x0  }
0x12: {  	s1 =	sld [smem:$0x3F86];
	s0 =	simm.s32 @p0 $0x1  }
0x13: {  	[smem:$0x3FA1] =	sst s0;
	s0 =	simm.s32 @!p1 $0x0  }
0x14: {  	s2 =	sld [smem:$0x3F85];
	s0 =	simm.s32 @p1 $0x1  }
0x15: {  	[smem:$0x3FA2] =	sst s0;
	s0 =	simm.s32 @!p2 $0x0  }
0x16: {  	s3 =	sld [smem:$0x3FDB];
	s0 =	simm.s32 @p2 $0x1  }
0x17: {  	s4 =	simm.s32 $0x1BF5;
	[smem:$0x3FA4] =	sst s0  }
0x18: {  	s0 =	sld [smem:$0x3F87];
	_ =	swait.ge [sflag:s4], $0x0  }
0x19: {  	s7 =	sld [smem:$0x3F88]  }
0x1a: {  	s8 =	sadd.s32 $0xFFFFE003, lr  }
0x1b: {  	s9 =	sadd.s32 $0xFFFFFEF7, lr;
	s5 =	simm.s32 $0xFFFFFFFF;
	p2 =	slt.u32 s8, $0xFFFFF086  }
0x1c: {  	p1 =	slt.u32 s9, $0xF7A;
	s5 =	simm.s32 @!p2 $0x0  }
0x1d: {  	s5 =	simm.s32 @p1 $0x1;
	p0 =	seq.s32 s7, s2  }
0x1e: {  	s7 =	smul.u32 @!p0 $0xF7A, s2;
	p2 =	seq.s32 @!p0 s5, $0x0  }
0x1f: {  	s9 =	smul.u32 $0xF7A, s1;
	s8 =	simm.s32 @!p0 $0x1BF5;
	p2 =	por !p2, p0  }
0x20: {  	[sflag:s8] =	ssyncset.s32 @!p0 $0xFFFFF086;
	s6 =	sadd.s32 @!p0 s3, s7;
	s7 =	simm.s32 @!p0 $0x108  }
0x21: {  	s3 =	sadd.s32 s3, s9;
	s6 =	sadd.s32 @!p0 $0x88, s6;
	s7 =	simm.s32 @p2 $0x1082  }
0x22: {  	[simem:s7], [sflag:s8] =	dma.local @!p0 [hbm:s6], $0xF7A  }
0x23: {  	s9 =	sor.u32 $0xD0000000, s2;
	s6 =	simm.s32 $0x108;
	_ =	swait.ge @!p0 [sflag:s8], $0x0  }
0x24: {  	s3 =	sadd.s32 $0x88, s3;
	s6 =	simm.s32 @!p1 $0x1082;
	[sflag:s4] =	ssyncset.s32 $0xFFFFF086  }
0x25: {  	[simem:s6], [sflag:s4] =	dma.local [hbm:s3], $0xF7A  }
0x26: {  	[smem:$0x3F88] =	sst s1;
	(tag) =	ssettag s2;
	_ =	strace s9  }
0x27: {  	s1 =	sld [smem:$0x3F98]  }
0x28: {  	s2 =	sld [smem:$0x3F99]  }
0x29: {  	s4 =	sld [smem:$0x3F9B]  }
0x2a: {  	p0 =	seq.s32 s5, $0x0;
	s5 =	sld [smem:$0x3F9C]  }
0x2b: {  	s6 =	sld [smem:$0x3F9D]  }
0x2c: {  	s7 =	sld [smem:$0x3F9E]  }
0x2d: {  	s3 =	simm.s32 $0x108;
	s8 =	sld [smem:$0x3F9F]  }
0x2e: {  	s3 =	simm.s32 @!p0 $0x1082;
	s9 =	sld [smem:$0x3FA0]  }
0x2f: {  	lr =	sadd.s32 s0, s3;
	s0 =	sld [smem:$0x3F97]  }
0x30: {  	s3 =	sld [smem:$0x3F9A]  }
0x31: {  	[smem:$0x3FA3] =	sst s10  }
0x32: {  	s10 =	sld [smem:$0x3FA1];
	_ =	sdelay $0x3  }
0x33: {  	p0 =	seq.s32 s10, $0x1;
	s10 =	sld [smem:$0x3FA3];
	_ =	sdelay $0x3  }
0x34: {  	[smem:$0x3FA3] =	sst s10  }
0x35: {  	s10 =	sld [smem:$0x3FA2];
	_ =	sdelay $0x3  }
0x36: {  	p1 =	seq.s32 s10, $0x1;
	s10 =	sld [smem:$0x3FA3];
	_ =	sdelay $0x3  }
0x37: {  	[smem:$0x3FA3] =	sst s10  }
0x38: {  	s10 =	sld [smem:$0x3FA4]  }
0x39: {  	_ = 	snop;
	(pc) =	sbr.ind lr, $3  }
0x3a: {  	_ = 	snop  }
0x3b: {  	_ = 	snop  }
0x3c: {  	p2 =	seq.s32 s10, $0x1;
	s10 =	sld [smem:$0x3FA3]  }
0x3d: {  	_ =	shalt  }
0x3e: {  	_ =	shalt  }
0x3f: {  	_ =	shalt  }
0x40: {  	_ =	shalt  }
0x41: {  	_ =	shalt  }
0x42: {  	_ =	shalt  }
0x43: {  	_ =	shalt  }
0x44: {  	_ =	shalt  }
0x45: {  	_ =	shalt  }
0x46: {  	_ =	shalt  }
0x47: {  	_ =	shalt  }
0x48: {  	_ =	shalt  }
0x49: {  	_ =	shalt  }
0x4a: {  	_ =	shalt  }
0x4b: {  	_ =	shalt  }
0x4c: {  	_ =	shalt  }
0x4d: {  	_ =	shalt  }
0x4e: {  	_ =	shalt  }
0x4f: {  	_ =	shalt  }
0x50: {  	_ =	shalt  }
0x51: {  	_ =	shalt  }
0x52: {  	_ =	shalt  }
0x53: {  	_ =	shalt  }
0x54: {  	_ =	shalt  }
0x55: {  	_ =	shalt  }
0x56: {  	_ =	shalt  }
0x57: {  	_ =	shalt  }
0x58: {  	_ =	shalt  }
0x59: {  	_ =	shalt  }
0x5a: {  	_ =	shalt  }
0x5b: {  	_ =	shalt  }
0x5c: {  	_ =	shalt  }
0x5d: {  	_ =	shalt  }
0x5e: {  	_ =	shalt  }
0x5f: {  	_ =	shalt  }
0x60: {  	_ =	shalt  }
0x61: {  	_ =	shalt  }
0x62: {  	_ =	shalt  }
0x63: {  	_ =	shalt  }
0x64: {  	_ =	shalt  }
0x65: {  	_ =	shalt  }
0x66: {  	_ =	shalt  }
0x67: {  	_ =	shalt  }
0x68: {  	_ =	shalt  }
0x69: {  	_ =	shalt  }
0x6a: {  	_ =	shalt  }
0x6b: {  	_ =	shalt  }
0x6c: {  	_ =	shalt  }
0x6d: {  	_ =	shalt  }
0x6e: {  	_ =	shalt  }
0x6f: {  	_ =	shalt  }
0x70: {  	_ =	shalt  }
0x71: {  	_ =	shalt  }
0x72: {  	_ =	shalt  }
0x73: {  	_ =	shalt  }
0x74: {  	_ =	shalt  }
0x75: {  	_ =	shalt  }
0x76: {  	_ =	shalt  }
0x77: {  	_ =	shalt  }
0x78: {  	_ =	shalt  }
0x79: {  	_ =	shalt  }
0x7a: {  	_ =	shalt  }
0x7b: {  	_ =	shalt  }
0x7c: {  	_ =	shalt  }
0x7d: {  	_ =	shalt  }
0x7e: {  	_ =	shalt  }
0x7f: {  	_ =	shalt  }
0x80: {  	_ =	shalt  }
0x81: {  	_ =	shalt  }
0x82: {  	_ =	shalt  }
0x83: {  	_ =	shalt  }
0x84: {  	_ =	shalt  }
0x85: {  	_ =	shalt  }
0x86: {  	_ =	shalt  }
0x87: {  	_ =	shalt  }
.Lfunc_end0:
.L_simem_size_0:
called_computation.3_lowered:
.L_overlay_start_0:
0x88: {  	s2 =	sld [smem:$0x3FD9]  }
0x89: {  	s3 =	sld [smem:$0x3FFE];
	_ =	sdelay $0x1  }
0x8a: {  	s1 =	srdreg.scid  }
0x8b: {  	s0 =	sand.u32 $0x1, s1  }
0x8c: {  	s16 =	sshll.u32 s0, $0xA;
	s2 =	sadd.s32 s3, s2  }
0x8d: {  	s2 =	sadd.s32 s2, s16  }
0x8e: {  	[smem:$0x3FAF] =	sst s2  }
0x8f: {  	_ = 	snop  }
0x90: {  	(tm) =	ssettm $0x1  }
0x91: {  	s17 =	sld [smem:$0x3FFB];
	_ =	sdelay $0x3  }
0x92: {  	_ =	strace s17  }
0x93: {  	s2 =	sld [smem:$0x3FFC];
	_ =	sdelay $0x3  }
0x94: {  	_ =	strace s2  }
0x95: {  	s2 =	sld [smem:$0x3FFD];
	_ =	sdelay $0x3  }
0x96: {  	_ =	strace s2  }
0x97: {  	_ =	strace $0x8FFFFFFF  }
0x98: {  	s18 =	sld [smem:$0x3FDB];
	_ =	sdelay $0x1  }
0x99: {  	s19 =	simm.s32 $_scs_section_size  }
0x9a: {  	s4 =	simm.s32 $_size__tile_overlayer_lowered;
	s5 =	simm.s32 $_tile_overlayer_lowered  }
0x9b: {  	s22 =	simm.s32 $0x1BFF;
	s21 =	sshll.u32 s5, $0x1;
	s2 =	sadd.s32 s19, s18  }
0x9c: {  	s6 =	simm.s32 $0x0;
	s20 =	sshll.u32 s4, $0x1;
	s4 =	sadd.s32 s21, s2  }
0x9d: {  	[timem:s6], [sflag:s22] =	dma.local [hbm:s4], s20  }
0x9e: {  	_ =	swait.ge [sflag:s22], s20  }
0x9f: {  	s3 =	ssub.s32 $0x0, s20;
	[sflag:s22] =	ssyncset.done $0x0  }
0xa0: {  	[sflag:s22] =	ssyncadd.s32 s3;
	_ =	sdelay $0x1  }
0xa1: {  	s23 =	simm.s32 $0x1B8B  }
0xa2: {  	_ =	swait.ge [sflag:s23], $0x1  }
0xa3: {  	[sflag:s23] =	ssyncset.done $0x0  }
0xa4: {  	s25 =	simm.s32 $0x1B8E;
	s24 =	sld [smem:$0x3FFE];
	[sflag:s23] =	ssyncadd.s32 $0xFFFFFFFF  }
0xa5: {  	s26 =	simm.s32 $execute0_lowered;
	[smem:$0x3FD2] =	sst s25  }
0xa6: {  	s4 =	sshll.u32 s26, $0x1;
	_ =	strace $0x8000004F;
	[dreg:$0x1] =	wrdreg $0xFFFFFFFF  }
0xa7: {  	s28 =	simm.s32 $_size_execute0_lowered;
	s2 =	sadd.s32 s2, s4;
	[dreg:$0x0] =	wrdreg $0x0  }
0xa8: {  	s4 =	sshll.u32 s28, $0x1;
	[dreg:$0x2] =	wrdreg s2  }
0xa9: {  	[dreg:$0x3] =	wrdreg s4  }
0xaa: {  	[dreg:$0x4] =	wrdreg $0xC0  }
0xab: {  	_ =	task [dreg:s6], $0x5FFFF  }
0xac: {  	[dreg:$0x1] =	wrdreg $0xFFFFFFFF  }
0xad: {  	[dreg:$0x0] =	wrdreg $0x60  }
0xae: {  	[dreg:$0x2] =	wrdreg s24  }
0xaf: {  	[dreg:$0x3] =	wrdreg $0xCD000  }
0xb0: {  	[dreg:$0x4] =	wrdreg $0x9  }
0xb1: {  	_ =	task.clear_ibuf [dreg:s6], $0x5FFFF;
	_ =	strace $0x9000004F  }
0xb2: {  	s29 =	simm.s32 $0x9;
	_ =	strace $0x80000051  }
0xb3: {  	_ =	swait.ge [sflag:s29], $0x1  }
0xb4: {  	[sflag:s29] =	ssyncadd.s32 $0xFFFFFFFF  }
0xb5: {  	_ =	strace $0x90000051  }
0xb6: {  	_ =	sfence  }
0xb7: {  	s30 =	sld [smem:$0x0];
	_ =	sdelay $0x2  }
0xb8: {  	s31 =	sshll.u32 s1, $0xD;
	s1 =	sshrl.u32 s1, $0x2  }
0xb9: {  	s3 =	sand.u32 $0x4000, s31;
	s1 =	sadd.s32 s1, s30  }
0xba: {  	s0 =	sor.u32 s3, s0;
	s1 =	sshll.u32 s1, $0x11  }
0xbb: {  	s0 =	sor.u32 s1, s0  }
0xbc: {  	s0 =	sadd.s32 $0x8F2B, s0  }
0xbd: {  	[sflag:s0] =	ssyncadd.remote.s32 $0x1  }
0xbe: {  	_ =	sfence.sel $0xFFFF  }
0xbf: {  	[dreg:$0x0] =	wrdreg $0xFFFFFFFF;
	(pc) =	sbr.abs _section_cstart, $3  }
0xc0: {  	[dreg:$0x1] =	wrdreg $0xFFFFFFFF  }
0xc1: {  	_ =	task.clear_ibuf [dreg:s6], $0x2FFFF;
	_ =	strace $0x9FFFFFFF  }
0xc2: {  	(tm) =	ssettm $0x7FFFFFFF  }
0xc3: {  	_ =	shalt  }
tec
execute0_lowered:
.L_overlay_start_1:
0x0: {  	(tag) =	ssettag $0x1  }
0x1: {  	s0 =	srdreg.scid;
	s3 =	rddreg [dreg:$0x0]  }
0x2: {  	s9 =	stileid.u32;
	s2 =	rddreg [dreg:$0x1]  }
0x3: {  	s4 =	simm.s32 $0x0;
	s14 =	simm.s32 $0xFA;
	s15 =	simm.s32 $0x5000  }
0x4: {  	s17 =	simm.s32 $0x5FA0;
	s19 =	simm.s32 $0x6F40;
	s21 =	simm.s32 $0x7EE0  }
0x5: {  	s23 =	simm.s32 $0x8E80;
	s28 =	simm.s32 $0xADC0;
	s30 =	simm.s32 $0xBD60  }
0x6: {  	s31 =	simm.s32 $0x1;
	s13 =	simm.s32 $0x4;
	s16 =	simm.s32 $0x5  }
0x7: {  	s18 =	simm.s32 $0x6;
	s20 =	simm.s32 $0x7;
	s22 =	simm.s32 $0x8  }
0x8: {  	s24 =	simm.s32 $0x9;
	s29 =	simm.s32 $0xB;
	s10 =	simm.s32 $0x10  }
0x9: {  	s0 =	sand.u32 $0x1, s0;
	s1 =	sshll.u32 s9, $0x1;
	s5 =	smul.u32 $0x2780, s9  }
0xa: {  	[smem:$0x7FF] =	sst s4;
	s4 =	sadd.s32 $0x18A00, s3;
	s25 =	sshll.u32 s9, $0x6  }
0xb: {  	s9 =	simm.s32 $0xF;
	s1 =	sor.u32 s0, s1;
	s6 =	smul.u32 $0x27800, s0  }
0xc: {  	_ =	strace $0x80000050;
	s0 =	ssub.s32 $0x2, s0;
	s11 =	sor.u32 $0x1C11, s25  }
0xd: {  	s25 =	simm.s32 $0x9E20;
	s1 =	smul.u32 $0x2800, s1;
	s7 =	sshrl.u32 s5, $0x3  }
0xe: {  	s8 =	sshrl.u32 s0, $0x1;
	[dreg:$0x4] =	wrdreg s11;
	s6 =	sadd.s32 s5, s6  }
0xf: {  	s7 =	sadd.s32 s7, s3;
	s0 =	ssub.s32 s0, s8;
	s5 =	sadd.s32 s5, s2  }
0x10: {  	s8 =	simm.s32 $0xE;
	s1 =	sshrl.u32 s1, $0x3;
	s7 =	sadd.s32 $0x1DA00, s7  }
0x11: {  	s6 =	sshrl.u32 s6, $0x3;
	s0 =	smax.u32 s0, $0x1;
	[dreg:$0x3] =	wrdreg s7  }
0x12: {  	s12 =	sshrl.u32 s5, $0x3;
	s1 =	sadd.s32 s1, s3;
	[dreg:$0x8] =	wrdreg s0  }
0x13: {  	s3 =	sadd.s32 s6, s3;
	s6 =	simm.s32 $0x0;
	[dreg:$0x9] =	wrdreg s12  }
0x14: {  	s5 =	simm.s32 $0xC;
	s26 =	sadd.s32 $0x4A00, s1;
	[dreg:$0xa] =	wrdreg s6  }
0x15: {  	s0 =	simm.s32 $0x3;
	s1 =	sadd.s32 $0xEA00, s1;
	[dreg:$0x5] =	wrdreg s26  }
0x16: {  	s7 =	simm.s32 $0xD;
	s3 =	sadd.s32 $0x22A00, s3;
	[dreg:$0x6] =	wrdreg s1  }
0x17: {  	[dreg:$0x7] =	wrdreg s3;
	s1 =	simm.s32 $0x2;
	s26 =	simm.s32 $0xA  }
.LBB2_1:
0x18: {  	s3 =	simm.s32 $0x11;
	s6 =	rddreg [dreg:$0x3]  }
0x19: {  	[spmem:s12], [sflag:s11] =	dma.local [hbm:s6], $0x4F0  }
0x1a: {  	_ =	swait.ge [sflag:s3], $0x4F0  }
0x1b: {  	[sflag:s3] =	ssyncset.done $0x0  }
0x1c: {  	s6 =	simm.s32 $0x0;
	s12 =	rddreg [dreg:$0x5];
	[sflag:s3] =	ssyncadd.s32 $0xFFFFFB10  }
0x1d: {  	[tilespmem:s6], [sflag:$0x11] =	stream.linear.gather [hbm4b:s12+s6], $0x2800, $0x38;
	[tilespmem:$0xF480] =	vst v63  }
0x1e: {  	_ =	swait.ge [sflag:s3], $0x2800  }
0x1f: {  	[sflag:s3] =	ssyncset.done $0x0  }
0x20: {  	s12 =	simm.s32 $0x2800;
	s11 =	rddreg [dreg:$0x6];
	[sflag:s3] =	ssyncadd.s32 $0xFFFFD800  }
0x21: {  	[tilespmem:s12], [sflag:$0x11] =	stream.linear.gather [hbm4b:s11+s6], $0x2800, $0x38;
	[tilespmem:$0xF480] =	vst v63  }
0x22: {  	_ =	swait.ge [sflag:s3], $0x2800  }
0x23: {  	[sflag:s3] =	ssyncset.done $0x0  }
0x24: {  	[sflag:s3] =	ssyncadd.s32 $0xFFFFD800  }
0x25: {  	[bflag:$0x0] =	sbarrier.arrive $0xFFFF  }
0x26: {  	[tilespmem:s15], [sflag:$0x1] =	stream.indirect.gather [hbm4b:s4+s14], $0x10, s6, s14, $0xb8;
	[tilespmem:$0xF480] =	vst v63  }
0x27: {  	s12 =	simm.s32 $0x100  }
0x28: {  	[tilespmem:s17], [sflag:$0x2] =	stream.indirect.gather [hbm4b:s4+s14], $0x10, s12, s14, $0xb8;
	[tilespmem:$0xF480] =	vst v63  }
0x29: {  	s6 =	simm.s32 $0x200  }
0x2a: {  	[tilespmem:s19], [sflag:$0x3] =	stream.indirect.gather [hbm4b:s4+s14], $0x10, s6, s14, $0xb8;
	[tilespmem:$0xF480] =	vst v63  }
0x2b: {  	s11 =	simm.s32 $0x300  }
0x2c: {  	[tilespmem:s21], [sflag:$0x4] =	stream.indirect.gather [hbm4b:s4+s14], $0x10, s11, s14, $0xb8;
	[tilespmem:$0xF480] =	vst v63  }
0x2d: {  	s12 =	simm.s32 $0x400  }
0x2e: {  	[tilespmem:s23], [sflag:$0x5] =	stream.indirect.gather [hbm4b:s4+s14], $0x10, s12, s14, $0xb8;
	[tilespmem:$0xF480] =	vst v63  }
0x2f: {  	s6 =	simm.s32 $0x500  }
0x30: {  	[tilespmem:s25], [sflag:$0x6] =	stream.indirect.gather [hbm4b:s4+s14], $0x10, s6, s14, $0xb8;
	[tilespmem:$0xF480] =	vst v63  }
0x31: {  	s11 =	simm.s32 $0x600  }
0x32: {  	[tilespmem:s28], [sflag:$0x7] =	stream.indirect.gather [hbm4b:s4+s14], $0x10, s11, s14, $0xb8;
	[tilespmem:$0xF480] =	vst v63  }
0x33: {  	s12 =	simm.s32 $0x700  }
0x34: {  	[tilespmem:s30], [sflag:$0x8] =	stream.indirect.gather [hbm4b:s4+s14], $0x10, s12, s14, $0xb8;
	[tilespmem:$0xF480] =	vst v63  }
0x35: {  	_ =	swait.ge [sflag:s31], $0xFA0  }
0x36: {  	[sflag:s31] =	ssyncset.done $0x0  }
0x37: {  	s3 =	simm.s32 $0x2800;
	[sflag:s31] =	ssyncadd.s32 $0xFFFFF060  }
0x38: {  	[spmem:s2] =	stream.indirect.scatter.add.f32 [tilespmem:s15], [sflag:$0x9], $0x10, s3, s14, $0xb8;
	[tilespmem:$0xF480] =	vst v63  }
0x39: {  	_ =	swait.ge [sflag:s1], $0xFA0  }
0x3a: {  	[sflag:s1] =	ssyncset.done $0x0  }
0x3b: {  	s11 =	simm.s32 $0x2900;
	[sflag:s1] =	ssyncadd.s32 $0xFFFFF060  }
0x3c: {  	[spmem:s2] =	stream.indirect.scatter.add.f32 [tilespmem:s17], [sflag:$0xA], $0x10, s11, s14, $0xb8;
	[tilespmem:$0xF480] =	vst v63  }
0x3d: {  	_ =	swait.ge [sflag:s0], $0xFA0  }
0x3e: {  	[sflag:s0] =	ssyncset.done $0x0  }
0x3f: {  	s12 =	simm.s32 $0x2A00;
	[sflag:s0] =	ssyncadd.s32 $0xFFFFF060  }
0x40: {  	[spmem:s2] =	stream.indirect.scatter.add.f32 [tilespmem:s19], [sflag:$0xB], $0x10, s12, s14, $0xb8;
	[tilespmem:$0xF480] =	vst v63  }
0x41: {  	_ =	swait.ge [sflag:s13], $0xFA0  }
0x42: {  	[sflag:s13] =	ssyncset.done $0x0  }
0x43: {  	s3 =	simm.s32 $0x2B00;
	[sflag:s13] =	ssyncadd.s32 $0xFFFFF060  }
0x44: {  	[spmem:s2] =	stream.indirect.scatter.add.f32 [tilespmem:s21], [sflag:$0xC], $0x10, s3, s14, $0xb8;
	[tilespmem:$0xF480] =	vst v63  }
0x45: {  	_ =	swait.ge [sflag:s16], $0xFA0  }
0x46: {  	[sflag:s16] =	ssyncset.done $0x0  }
0x47: {  	s11 =	simm.s32 $0x2C00;
	[sflag:s16] =	ssyncadd.s32 $0xFFFFF060  }
0x48: {  	[spmem:s2] =	stream.indirect.scatter.add.f32 [tilespmem:s23], [sflag:$0xD], $0x10, s11, s14, $0xb8;
	[tilespmem:$0xF480] =	vst v63  }
0x49: {  	_ =	swait.ge [sflag:s18], $0xFA0  }
0x4a: {  	[sflag:s18] =	ssyncset.done $0x0  }
0x4b: {  	s12 =	simm.s32 $0x2D00;
	[sflag:s18] =	ssyncadd.s32 $0xFFFFF060  }
0x4c: {  	[spmem:s2] =	stream.indirect.scatter.add.f32 [tilespmem:s25], [sflag:$0xE], $0x10, s12, s14, $0xb8;
	[tilespmem:$0xF480] =	vst v63  }
0x4d: {  	_ =	swait.ge [sflag:s20], $0xFA0  }
0x4e: {  	[sflag:s20] =	ssyncset.done $0x0  }
0x4f: {  	s3 =	simm.s32 $0x2E00;
	[sflag:s20] =	ssyncadd.s32 $0xFFFFF060  }
0x50: {  	[spmem:s2] =	stream.indirect.scatter.add.f32 [tilespmem:s28], [sflag:$0xF], $0x10, s3, s14, $0xb8;
	[tilespmem:$0xF480] =	vst v63  }
0x51: {  	_ =	swait.ge [sflag:s22], $0xFA0  }
0x52: {  	[sflag:s22] =	ssyncset.done $0x0  }
0x53: {  	s11 =	simm.s32 $0x2F00;
	[sflag:s22] =	ssyncadd.s32 $0xFFFFF060  }
0x54: {  	[spmem:s2] =	stream.indirect.scatter.add.f32 [tilespmem:s30], [sflag:$0x10], $0x10, s11, s14, $0xb8;
	[tilespmem:$0xF480] =	vst v63  }
0x55: {  	_ =	swait.ge [sflag:s24], $0xFA0  }
0x56: {  	[sflag:s24] =	ssyncset.done $0x0  }
0x57: {  	s12 =	simm.s32 $0x800;
	[sflag:s24] =	ssyncadd.s32 $0xFFFFF060  }
0x58: {  	[tilespmem:s15], [sflag:$0x1] =	stream.indirect.gather [hbm4b:s4+s14], $0x10, s12, s14, $0xb8;
	[tilespmem:$0xF480] =	vst v63  }
0x59: {  	_ =	swait.ge [sflag:s26], $0xFA0  }
0x5a: {  	[sflag:s26] =	ssyncset.done $0x0  }
0x5b: {  	s3 =	simm.s32 $0x900;
	[sflag:s26] =	ssyncadd.s32 $0xFFFFF060  }
0x5c: {  	[tilespmem:s17], [sflag:$0x2] =	stream.indirect.gather [hbm4b:s4+s14], $0x10, s3, s14, $0xb8;
	[tilespmem:$0xF480] =	vst v63  }
0x5d: {  	_ =	swait.ge [sflag:s29], $0xFA0  }
0x5e: {  	[sflag:s29] =	ssyncset.done $0x0  }
0x5f: {  	s11 =	simm.s32 $0xA00;
	[sflag:s29] =	ssyncadd.s32 $0xFFFFF060  }
0x60: {  	[tilespmem:s19], [sflag:$0x3] =	stream.indirect.gather [hbm4b:s4+s14], $0x10, s11, s14, $0xb8;
	[tilespmem:$0xF480] =	vst v63  }
0x61: {  	_ =	swait.ge [sflag:s5], $0xFA0  }
0x62: {  	[sflag:s5] =	ssyncset.done $0x0  }
0x63: {  	s12 =	simm.s32 $0xB00;
	[sflag:s5] =	ssyncadd.s32 $0xFFFFF060  }
0x64: {  	[tilespmem:s21], [sflag:$0x4] =	stream.indirect.gather [hbm4b:s4+s14], $0x10, s12, s14, $0xb8;
	[tilespmem:$0xF480] =	vst v63  }
0x65: {  	_ =	swait.ge [sflag:s7], $0xFA0  }
0x66: {  	[sflag:s7] =	ssyncset.done $0x0  }
0x67: {  	s3 =	simm.s32 $0xC00;
	[sflag:s7] =	ssyncadd.s32 $0xFFFFF060  }
0x68: {  	[tilespmem:s23], [sflag:$0x5] =	stream.indirect.gather [hbm4b:s4+s14], $0x10, s3, s14, $0xb8;
	[tilespmem:$0xF480] =	vst v63  }
0x69: {  	_ =	swait.ge [sflag:s8], $0xFA0  }
0x6a: {  	[sflag:s8] =	ssyncset.done $0x0  }
0x6b: {  	s11 =	simm.s32 $0xD00;
	[sflag:s8] =	ssyncadd.s32 $0xFFFFF060  }
0x6c: {  	[tilespmem:s25], [sflag:$0x6] =	stream.indirect.gather [hbm4b:s4+s14], $0x10, s11, s14, $0xb8;
	[tilespmem:$0xF480] =	vst v63  }
0x6d: {  	_ =	swait.ge [sflag:s9], $0xFA0  }
0x6e: {  	[sflag:s9] =	ssyncset.done $0x0  }
0x6f: {  	s12 =	simm.s32 $0xE00;
	[sflag:s9] =	ssyncadd.s32 $0xFFFFF060  }
0x70: {  	[tilespmem:s28], [sflag:$0x7] =	stream.indirect.gather [hbm4b:s4+s14], $0x10, s12, s14, $0xb8;
	[tilespmem:$0xF480] =	vst v63  }
0x71: {  	_ =	swait.ge [sflag:s10], $0xFA0  }
0x72: {  	[sflag:s10] =	ssyncset.done $0x0  }
0x73: {  	s6 =	simm.s32 $0x2000;
	s11 =	simm.s32 $0xF00;
	[sflag:s10] =	ssyncadd.s32 $0xFFFFF060  }
.LBB2_2:
0x74: {  	[tilespmem:s30], [sflag:$0x8] =	stream.indirect.gather [hbm4b:s4+s14], $0x10, s11, s14, $0xb8;
	[tilespmem:$0xF480] =	vst v63  }
0x75: {  	s11 =	smov.u32 s6  }
0x76: {  	p0 =	sne.s32 s6, $0x6000;
	s6 =	sadd.s32 $0x2000, s6;
	_ =	swait.ge [sflag:s31], $0xFA0  }
0x77: {  	s11 =	sshra.s32 s11, $0x2;
	[sflag:s31] =	ssyncset.done $0x0  }
0x78: {  	s12 =	sadd.s32 $0x2800, s11;
	[sflag:s31] =	ssyncadd.s32 $0xFFFFF060  }
0x79: {  	[spmem:s2] =	stream.indirect.scatter.add.f32 [tilespmem:s15], [sflag:$0x9], $0x10, s12, s14, $0xb8;
	[tilespmem:$0xF480] =	vst v63  }
0x7a: {  	_ =	swait.ge [sflag:s1], $0xFA0  }
0x7b: {  	[sflag:s1] =	ssyncset.done $0x0  }
0x7c: {  	s12 =	sadd.s32 $0x2900, s11;
	[sflag:s1] =	ssyncadd.s32 $0xFFFFF060  }
0x7d: {  	[spmem:s2] =	stream.indirect.scatter.add.f32 [tilespmem:s17], [sflag:$0xA], $0x10, s12, s14, $0xb8;
	[tilespmem:$0xF480] =	vst v63  }
0x7e: {  	_ =	swait.ge [sflag:s0], $0xFA0  }
0x7f: {  	[sflag:s0] =	ssyncset.done $0x0  }
0x80: {  	s12 =	sadd.s32 $0x2A00, s11;
	[sflag:s0] =	ssyncadd.s32 $0xFFFFF060  }
0x81: {  	[spmem:s2] =	stream.indirect.scatter.add.f32 [tilespmem:s19], [sflag:$0xB], $0x10, s12, s14, $0xb8;
	[tilespmem:$0xF480] =	vst v63  }
0x82: {  	_ =	swait.ge [sflag:s13], $0xFA0  }
0x83: {  	[sflag:s13] =	ssyncset.done $0x0  }
0x84: {  	s12 =	sadd.s32 $0x2B00, s11;
	[sflag:s13] =	ssyncadd.s32 $0xFFFFF060  }
0x85: {  	[spmem:s2] =	stream.indirect.scatter.add.f32 [tilespmem:s21], [sflag:$0xC], $0x10, s12, s14, $0xb8;
	[tilespmem:$0xF480] =	vst v63  }
0x86: {  	_ =	swait.ge [sflag:s16], $0xFA0  }
0x87: {  	[sflag:s16] =	ssyncset.done $0x0  }
0x88: {  	s12 =	sadd.s32 $0x2C00, s11;
	[sflag:s16] =	ssyncadd.s32 $0xFFFFF060  }
0x89: {  	[spmem:s2] =	stream.indirect.scatter.add.f32 [tilespmem:s23], [sflag:$0xD], $0x10, s12, s14, $0xb8;
	[tilespmem:$0xF480] =	vst v63  }
0x8a: {  	_ =	swait.ge [sflag:s18], $0xFA0  }
0x8b: {  	[sflag:s18] =	ssyncset.done $0x0  }
0x8c: {  	s12 =	sadd.s32 $0x2D00, s11;
	[sflag:s18] =	ssyncadd.s32 $0xFFFFF060  }
0x8d: {  	[spmem:s2] =	stream.indirect.scatter.add.f32 [tilespmem:s25], [sflag:$0xE], $0x10, s12, s14, $0xb8;
	[tilespmem:$0xF480] =	vst v63  }
0x8e: {  	_ =	swait.ge [sflag:s20], $0xFA0  }
0x8f: {  	[sflag:s20] =	ssyncset.done $0x0  }
0x90: {  	s12 =	sadd.s32 $0x2E00, s11;
	[sflag:s20] =	ssyncadd.s32 $0xFFFFF060  }
0x91: {  	[spmem:s2] =	stream.indirect.scatter.add.f32 [tilespmem:s28], [sflag:$0xF], $0x10, s12, s14, $0xb8;
	[tilespmem:$0xF480] =	vst v63  }
0x92: {  	_ =	swait.ge [sflag:s22], $0xFA0  }
0x93: {  	[sflag:s22] =	ssyncset.done $0x0  }
0x94: {  	s12 =	sadd.s32 $0x2F00, s11;
	[sflag:s22] =	ssyncadd.s32 $0xFFFFF060  }
0x95: {  	[spmem:s2] =	stream.indirect.scatter.add.f32 [tilespmem:s30], [sflag:$0x10], $0x10, s12, s14, $0xb8;
	[tilespmem:$0xF480] =	vst v63  }
0x96: {  	_ =	swait.ge [sflag:s24], $0xFA0  }
0x97: {  	[sflag:s24] =	ssyncset.done $0x0  }
0x98: {  	s12 =	sadd.s32 $0x800, s11;
	[sflag:s24] =	ssyncadd.s32 $0xFFFFF060  }
0x99: {  	[tilespmem:s15], [sflag:$0x1] =	stream.indirect.gather [hbm4b:s4+s14], $0x10, s12, s14, $0xb8;
	[tilespmem:$0xF480] =	vst v63  }
0x9a: {  	_ =	swait.ge [sflag:s26], $0xFA0  }
0x9b: {  	[sflag:s26] =	ssyncset.done $0x0  }
0x9c: {  	s12 =	sadd.s32 $0x900, s11;
	[sflag:s26] =	ssyncadd.s32 $0xFFFFF060  }
0x9d: {  	[tilespmem:s17], [sflag:$0x2] =	stream.indirect.gather [hbm4b:s4+s14], $0x10, s12, s14, $0xb8;
	[tilespmem:$0xF480] =	vst v63  }
0x9e: {  	_ =	swait.ge [sflag:s29], $0xFA0  }
0x9f: {  	[sflag:s29] =	ssyncset.done $0x0  }
0xa0: {  	s12 =	sadd.s32 $0xA00, s11;
	[sflag:s29] =	ssyncadd.s32 $0xFFFFF060  }
0xa1: {  	[tilespmem:s19], [sflag:$0x3] =	stream.indirect.gather [hbm4b:s4+s14], $0x10, s12, s14, $0xb8;
	[tilespmem:$0xF480] =	vst v63  }
0xa2: {  	_ =	swait.ge [sflag:s5], $0xFA0  }
0xa3: {  	[sflag:s5] =	ssyncset.done $0x0  }
0xa4: {  	s12 =	sadd.s32 $0xB00, s11;
	[sflag:s5] =	ssyncadd.s32 $0xFFFFF060  }
0xa5: {  	[tilespmem:s21], [sflag:$0x4] =	stream.indirect.gather [hbm4b:s4+s14], $0x10, s12, s14, $0xb8;
	[tilespmem:$0xF480] =	vst v63  }
0xa6: {  	_ =	swait.ge [sflag:s7], $0xFA0  }
0xa7: {  	[sflag:s7] =	ssyncset.done $0x0  }
0xa8: {  	s12 =	sadd.s32 $0xC00, s11;
	[sflag:s7] =	ssyncadd.s32 $0xFFFFF060  }
0xa9: {  	[tilespmem:s23], [sflag:$0x5] =	stream.indirect.gather [hbm4b:s4+s14], $0x10, s12, s14, $0xb8;
	[tilespmem:$0xF480] =	vst v63  }
0xaa: {  	_ =	swait.ge [sflag:s8], $0xFA0  }
0xab: {  	[sflag:s8] =	ssyncset.done $0x0  }
0xac: {  	s12 =	sadd.s32 $0xD00, s11;
	[sflag:s8] =	ssyncadd.s32 $0xFFFFF060  }
0xad: {  	[tilespmem:s25], [sflag:$0x6] =	stream.indirect.gather [hbm4b:s4+s14], $0x10, s12, s14, $0xb8;
	[tilespmem:$0xF480] =	vst v63  }
0xae: {  	_ =	swait.ge [sflag:s9], $0xFA0  }
0xaf: {  	[sflag:s9] =	ssyncset.done $0x0  }
.Ltmp0:
0xb0: {  	s12 =	sadd.s32 $0xE00, s11;
	[sflag:s9] =	ssyncadd.s32 $0xFFFFF060;
	(pc) =	sbr.rel @p0 .LBB2_2-.Ltmp0, $4  }
0xb1: {  	[tilespmem:s28], [sflag:$0x7] =	stream.indirect.gather [hbm4b:s4+s14], $0x10, s12, s14, $0xb8;
	[tilespmem:$0xF480] =	vst v63  }
0xb2: {  	_ =	swait.ge [sflag:s10], $0xFA0  }
0xb3: {  	[sflag:s10] =	ssyncset.done $0x0  }
0xb4: {  	s11 =	sadd.s32 $0xF00, s11;
	[sflag:s10] =	ssyncadd.s32 $0xFFFFF060  }
0xb5: {  	[tilespmem:s30], [sflag:$0x8] =	stream.indirect.gather [hbm4b:s4+s14], $0x10, s11, s14, $0xb8;
	[tilespmem:$0xF480] =	vst v63  }
0xb6: {  	_ =	swait.ge [sflag:s31], $0xFA0  }
0xb7: {  	[sflag:s31] =	ssyncset.done $0x0  }
0xb8: {  	s3 =	simm.s32 $0x4800;
	[sflag:s31] =	ssyncadd.s32 $0xFFFFF060  }
0xb9: {  	[spmem:s2] =	stream.indirect.scatter.add.f32 [tilespmem:s15], [sflag:$0x9], $0x10, s3, s14, $0xb8;
	[tilespmem:$0xF480] =	vst v63  }
0xba: {  	_ =	swait.ge [sflag:s1], $0xFA0  }
0xbb: {  	[sflag:s1] =	ssyncset.done $0x0  }
0xbc: {  	s12 =	simm.s32 $0x4900;
	[sflag:s1] =	ssyncadd.s32 $0xFFFFF060  }
0xbd: {  	[spmem:s2] =	stream.indirect.scatter.add.f32 [tilespmem:s17], [sflag:$0xA], $0x10, s12, s14, $0xb8;
	[tilespmem:$0xF480] =	vst v63  }
0xbe: {  	_ =	swait.ge [sflag:s0], $0xFA0  }
0xbf: {  	[sflag:s0] =	ssyncset.done $0x0  }
0xc0: {  	s6 =	simm.s32 $0x4A00;
	[sflag:s0] =	ssyncadd.s32 $0xFFFFF060  }
0xc1: {  	[spmem:s2] =	stream.indirect.scatter.add.f32 [tilespmem:s19], [sflag:$0xB], $0x10, s6, s14, $0xb8;
	[tilespmem:$0xF480] =	vst v63  }
0xc2: {  	_ =	swait.ge [sflag:s13], $0xFA0  }
0xc3: {  	[sflag:s13] =	ssyncset.done $0x0  }
0xc4: {  	s11 =	simm.s32 $0x4B00;
	[sflag:s13] =	ssyncadd.s32 $0xFFFFF060  }
0xc5: {  	[spmem:s2] =	stream.indirect.scatter.add.f32 [tilespmem:s21], [sflag:$0xC], $0x10, s11, s14, $0xb8;
	[tilespmem:$0xF480] =	vst v63  }
0xc6: {  	_ =	swait.ge [sflag:s16], $0xFA0  }
0xc7: {  	[sflag:s16] =	ssyncset.done $0x0  }
0xc8: {  	s12 =	simm.s32 $0x4C00;
	[sflag:s16] =	ssyncadd.s32 $0xFFFFF060  }
0xc9: {  	[spmem:s2] =	stream.indirect.scatter.add.f32 [tilespmem:s23], [sflag:$0xD], $0x10, s12, s14, $0xb8;
	[tilespmem:$0xF480] =	vst v63  }
0xca: {  	_ =	swait.ge [sflag:s18], $0xFA0  }
0xcb: {  	[sflag:s18] =	ssyncset.done $0x0  }
0xcc: {  	s6 =	simm.s32 $0x4D00;
	[sflag:s18] =	ssyncadd.s32 $0xFFFFF060  }
0xcd: {  	[spmem:s2] =	stream.indirect.scatter.add.f32 [tilespmem:s25], [sflag:$0xE], $0x10, s6, s14, $0xb8;
	[tilespmem:$0xF480] =	vst v63  }
0xce: {  	_ =	swait.ge [sflag:s20], $0xFA0  }
0xcf: {  	[sflag:s20] =	ssyncset.done $0x0  }
0xd0: {  	s11 =	simm.s32 $0x4E00;
	[sflag:s20] =	ssyncadd.s32 $0xFFFFF060  }
0xd1: {  	[spmem:s2] =	stream.indirect.scatter.add.f32 [tilespmem:s28], [sflag:$0xF], $0x10, s11, s14, $0xb8;
	[tilespmem:$0xF480] =	vst v63  }
0xd2: {  	_ =	swait.ge [sflag:s22], $0xFA0  }
0xd3: {  	[sflag:s22] =	ssyncset.done $0x0  }
0xd4: {  	s12 =	simm.s32 $0x4F00;
	[sflag:s22] =	ssyncadd.s32 $0xFFFFF060  }
0xd5: {  	[spmem:s2] =	stream.indirect.scatter.add.f32 [tilespmem:s30], [sflag:$0x10], $0x10, s12, s14, $0xb8;
	[tilespmem:$0xF480] =	vst v63  }
0xd6: {  	_ =	swait.ge [sflag:s24], $0xFA0  }
0xd7: {  	[sflag:s24] =	ssyncset.done $0x0  }
0xd8: {  	[sflag:s24] =	ssyncadd.s32 $0xFFFFF060  }
0xd9: {  	_ =	swait.ge [sflag:s26], $0xFA0  }
0xda: {  	[sflag:s26] =	ssyncset.done $0x0  }
0xdb: {  	[sflag:s26] =	ssyncadd.s32 $0xFFFFF060  }
0xdc: {  	_ =	swait.ge [sflag:s29], $0xFA0  }
0xdd: {  	[sflag:s29] =	ssyncset.done $0x0  }
0xde: {  	[sflag:s29] =	ssyncadd.s32 $0xFFFFF060  }
0xdf: {  	_ =	swait.ge [sflag:s5], $0xFA0  }
0xe0: {  	[sflag:s5] =	ssyncset.done $0x0  }
0xe1: {  	[sflag:s5] =	ssyncadd.s32 $0xFFFFF060  }
0xe2: {  	_ =	swait.ge [sflag:s7], $0xFA0  }
0xe3: {  	[sflag:s7] =	ssyncset.done $0x0  }
0xe4: {  	[sflag:s7] =	ssyncadd.s32 $0xFFFFF060  }
0xe5: {  	_ =	swait.ge [sflag:s8], $0xFA0  }
0xe6: {  	[sflag:s8] =	ssyncset.done $0x0  }
0xe7: {  	[sflag:s8] =	ssyncadd.s32 $0xFFFFF060  }
0xe8: {  	_ =	swait.ge [sflag:s9], $0xFA0  }
0xe9: {  	[sflag:s9] =	ssyncset.done $0x0  }
0xea: {  	[sflag:s9] =	ssyncadd.s32 $0xFFFFF060  }
0xeb: {  	_ =	swait.ge [sflag:s10], $0xFA0  }
0xec: {  	[sflag:s10] =	ssyncset.done $0x0  }
0xed: {  	[sflag:s10] =	ssyncadd.s32 $0xFFFFF060  }
0xee: {  	[bflag:$0x0] =	sbarrier.arrive $0xFFFF  }
0xef: {  	s11 =	rddreg [dreg:$0x4]  }
0xf0: {  	s6 =	rddreg [dreg:$0x7]  }
0xf1: {  	s12 =	rddreg [dreg:$0x9]  }
0xf2: {  	[hbm:s6], [sflag:s11] =	dma.local [spmem:s12], $0x4F0  }
0xf3: {  	s6 =	simm.s32 $0x11  }
0xf4: {  	_ =	swait.ge [sflag:s6], $0x4F0  }
0xf5: {  	s3 =	rddreg [dreg:$0xa]  }
0xf6: {  	[sflag:s6] =	ssyncset.done $0x0;
	s6 =	rddreg [dreg:$0x8];
	s3 =	sadd.s32 $0x1, s3  }
0xf7: {  	p0 =	sne.s32 s3, s6  }
.Ltmp1:
0xf8: {  	_ = 	snop;
	(pc) =	sbr.rel @p0 .LBB2_1-.Ltmp1, $3  }
0xf9: {  	_ =	sdelay $0x1  }
0xfa: {  	s6 =	simm.s32 $0x11  }
0xfb: {  	[dreg:$0xa] =	wrdreg s3;
	[sflag:s6] =	ssyncadd.s32 $0xFFFFFB10  }
0xfc: {  	_ =	sfence.sel $0x180000  }
0xfd: {  	[bflag:$0x0] =	sbarrier.arrive $0xFFFF  }
0xfe: {  	_ =	strace $0x90000050  }
0xff: {  	s0 =	stileid.u32;
	[bflag:$0x2] =	sbarrier.arrive $0xFFFF  }
0x100: {  	p0 =	sne.s32 s0, $0x0;
	s0 =	rddreg [dreg:$0x2]  }
0x101: {  	s0 =	sadd.s32 @!p0 $0x100000, s0  }
0x102: {  	[sflag:s0] =	ssyncadd.tile.s32 @!p0 $0x1;
	_ =	shalt  }
.Lfunc_end2:
_tile_overlayer_lowered:
.L_overlay_start_2:
0x103: {  	(tag) =	ssettag $0x2  }
0x104: {  	s0 =	rddreg [dreg:$0x0];
	s2 =	stileid.u32  }
0x105: {  	s1 =	rddreg [dreg:$0x1];
	p0 =	sne.s32 s2, $0x0  }
0x106: {  	s3 =	rddreg [dreg:$0x2];
	[bflag:$0x3] =	sbarrier.arrive $0xFFFF;
	s2 =	simm.s32 @!p0 $0x1C11  }
0x107: {  	[timem:s3], [sflag:s2] =	dma.local @!p0 [hbm:s0], s1  }
0x108: {  	s0 =	simm.s32 @!p0 $0x11  }
0x109: {  	_ =	swait.ge @!p0 [sflag:s0], s1  }
0x10a: {  	s1 =	ssub.s32 @!p0 $0x0, s1;
	[sflag:s0] =	ssyncset.done @!p0 $0x0  }
0x10b: {  	[sflag:s0] =	ssyncadd.s32 @!p0 s1  }
0x10c: {  	[bflag:$0x3] =	sbarrier.arrive $0xFFFF  }
0x10d: {  	_ =	shalt  }

// kernel: kernel.25.cloned.1.call-start
scs
__scs_entry_jumppad:
0x0: {  	(pc) =	sbr.rel $0x88, $3  }
0x1: {  	(tag) =	ssettag $0x0;
	lr =	simm.s32 $0x1  }
0x2: {  	[smem:$0x3F88] =	sst lr;
	_ =	strace $0xD0000000  }
0x3: {  	_ = 	snop  }
0x4: {  	_ = 	snop  }
0x5: {  	_ = 	snop  }
0x6: {  	_ = 	snop  }
0x7: {  	_ = 	snop  }
__scs_overlays_trampoline_lowered:
0x8: {  	[smem:$0x3F97] =	sst s0  }
0x9: {  	[smem:$0x3F98] =	sst s1  }
0xa: {  	[smem:$0x3F99] =	sst s2  }
0xb: {  	[smem:$0x3F9A] =	sst s3  }
0xc: {  	[smem:$0x3F9B] =	sst s4  }
0xd: {  	[smem:$0x3F9C] =	sst s5  }
0xe: {  	[smem:$0x3F9D] =	sst s6  }
0xf: {  	[smem:$0x3F9E] =	sst s7  }
0x10: {  	[smem:$0x3F9F] =	sst s8  }
0x11: {  	[smem:$0x3FA0] =	sst s9;
	s0 =	simm.s32 @!p0 $0x0  }
0x12: {  	s1 =	sld [smem:$0x3F86];
	s0 =	simm.s32 @p0 $0x1  }
0x13: {  	[smem:$0x3FA1] =	sst s0;
	s0 =	simm.s32 @!p1 $0x0  }
0x14: {  	s2 =	sld [smem:$0x3F85];
	s0 =	simm.s32 @p1 $0x1  }
0x15: {  	[smem:$0x3FA2] =	sst s0;
	s0 =	simm.s32 @!p2 $0x0  }
0x16: {  	s3 =	sld [smem:$0x3FDB];
	s0 =	simm.s32 @p2 $0x1  }
0x17: {  	s4 =	simm.s32 $0x1BF5;
	[smem:$0x3FA4] =	sst s0  }
0x18: {  	s0 =	sld [smem:$0x3F87];
	_ =	swait.ge [sflag:s4], $0x0  }
0x19: {  	s7 =	sld [smem:$0x3F88]  }
0x1a: {  	s8 =	sadd.s32 $0xFFFFE003, lr  }
0x1b: {  	s9 =	sadd.s32 $0xFFFFFEF7, lr;
	s5 =	simm.s32 $0xFFFFFFFF;
	p2 =	slt.u32 s8, $0xFFFFF086  }
0x1c: {  	p1 =	slt.u32 s9, $0xF7A;
	s5 =	simm.s32 @!p2 $0x0  }
0x1d: {  	s5 =	simm.s32 @p1 $0x1;
	p0 =	seq.s32 s7, s2  }
0x1e: {  	s7 =	smul.u32 @!p0 $0xF7A, s2;
	p2 =	seq.s32 @!p0 s5, $0x0  }
0x1f: {  	s9 =	smul.u32 $0xF7A, s1;
	s8 =	simm.s32 @!p0 $0x1BF5;
	p2 =	por !p2, p0  }
0x20: {  	[sflag:s8] =	ssyncset.s32 @!p0 $0xFFFFF086;
	s6 =	sadd.s32 @!p0 s3, s7;
	s7 =	simm.s32 @!p0 $0x108  }
0x21: {  	s3 =	sadd.s32 s3, s9;
	s6 =	sadd.s32 @!p0 $0x88, s6;
	s7 =	simm.s32 @p2 $0x1082  }
0x22: {  	[simem:s7], [sflag:s8] =	dma.local @!p0 [hbm:s6], $0xF7A  }
0x23: {  	s9 =	sor.u32 $0xD0000000, s2;
	s6 =	simm.s32 $0x108;
	_ =	swait.ge @!p0 [sflag:s8], $0x0  }
0x24: {  	s3 =	sadd.s32 $0x88, s3;
	s6 =	simm.s32 @!p1 $0x1082;
	[sflag:s4] =	ssyncset.s32 $0xFFFFF086  }
0x25: {  	[simem:s6], [sflag:s4] =	dma.local [hbm:s3], $0xF7A  }
0x26: {  	[smem:$0x3F88] =	sst s1;
	(tag) =	ssettag s2;
	_ =	strace s9  }
0x27: {  	s1 =	sld [smem:$0x3F98]  }
0x28: {  	s2 =	sld [smem:$0x3F99]  }
0x29: {  	s4 =	sld [smem:$0x3F9B]  }
0x2a: {  	p0 =	seq.s32 s5, $0x0;
	s5 =	sld [smem:$0x3F9C]  }
0x2b: {  	s6 =	sld [smem:$0x3F9D]  }
0x2c: {  	s7 =	sld [smem:$0x3F9E]  }
0x2d: {  	s3 =	simm.s32 $0x108;
	s8 =	sld [smem:$0x3F9F]  }
0x2e: {  	s3 =	simm.s32 @!p0 $0x1082;
	s9 =	sld [smem:$0x3FA0]  }
0x2f: {  	lr =	sadd.s32 s0, s3;
	s0 =	sld [smem:$0x3F97]  }
0x30: {  	s3 =	sld [smem:$0x3F9A]  }
0x31: {  	[smem:$0x3FA3] =	sst s10  }
0x32: {  	s10 =	sld [smem:$0x3FA1];
	_ =	sdelay $0x3  }
0x33: {  	p0 =	seq.s32 s10, $0x1;
	s10 =	sld [smem:$0x3FA3];
	_ =	sdelay $0x3  }
0x34: {  	[smem:$0x3FA3] =	sst s10  }
0x35: {  	s10 =	sld [smem:$0x3FA2];
	_ =	sdelay $0x3  }
0x36: {  	p1 =	seq.s32 s10, $0x1;
	s10 =	sld [smem:$0x3FA3];
	_ =	sdelay $0x3  }
0x37: {  	[smem:$0x3FA3] =	sst s10  }
0x38: {  	s10 =	sld [smem:$0x3FA4]  }
0x39: {  	_ = 	snop;
	(pc) =	sbr.ind lr, $3  }
0x3a: {  	_ = 	snop  }
0x3b: {  	_ = 	snop  }
0x3c: {  	p2 =	seq.s32 s10, $0x1;
	s10 =	sld [smem:$0x3FA3]  }
0x3d: {  	_ =	shalt  }
0x3e: {  	_ =	shalt  }
0x3f: {  	_ =	shalt  }
0x40: {  	_ =	shalt  }
0x41: {  	_ =	shalt  }
0x42: {  	_ =	shalt  }
0x43: {  	_ =	shalt  }
0x44: {  	_ =	shalt  }
0x45: {  	_ =	shalt  }
0x46: {  	_ =	shalt  }
0x47: {  	_ =	shalt  }
0x48: {  	_ =	shalt  }
0x49: {  	_ =	shalt  }
0x4a: {  	_ =	shalt  }
0x4b: {  	_ =	shalt  }
0x4c: {  	_ =	shalt  }
0x4d: {  	_ =	shalt  }
0x4e: {  	_ =	shalt  }
0x4f: {  	_ =	shalt  }
0x50: {  	_ =	shalt  }
0x51: {  	_ =	shalt  }
0x52: {  	_ =	shalt  }
0x53: {  	_ =	shalt  }
0x54: {  	_ =	shalt  }
0x55: {  	_ =	shalt  }
0x56: {  	_ =	shalt  }
0x57: {  	_ =	shalt  }
0x58: {  	_ =	shalt  }
0x59: {  	_ =	shalt  }
0x5a: {  	_ =	shalt  }
0x5b: {  	_ =	shalt  }
0x5c: {  	_ =	shalt  }
0x5d: {  	_ =	shalt  }
0x5e: {  	_ =	shalt  }
0x5f: {  	_ =	shalt  }
0x60: {  	_ =	shalt  }
0x61: {  	_ =	shalt  }
0x62: {  	_ =	shalt  }
0x63: {  	_ =	shalt  }
0x64: {  	_ =	shalt  }
0x65: {  	_ =	shalt  }
0x66: {  	_ =	shalt  }
0x67: {  	_ =	shalt  }
0x68: {  	_ =	shalt  }
0x69: {  	_ =	shalt  }
0x6a: {  	_ =	shalt  }
0x6b: {  	_ =	shalt  }
0x6c: {  	_ =	shalt  }
0x6d: {  	_ =	shalt  }
0x6e: {  	_ =	shalt  }
0x6f: {  	_ =	shalt  }
0x70: {  	_ =	shalt  }
0x71: {  	_ =	shalt  }
0x72: {  	_ =	shalt  }
0x73: {  	_ =	shalt  }
0x74: {  	_ =	shalt  }
0x75: {  	_ =	shalt  }
0x76: {  	_ =	shalt  }
0x77: {  	_ =	shalt  }
0x78: {  	_ =	shalt  }
0x79: {  	_ =	shalt  }
0x7a: {  	_ =	shalt  }
0x7b: {  	_ =	shalt  }
0x7c: {  	_ =	shalt  }
0x7d: {  	_ =	shalt  }
0x7e: {  	_ =	shalt  }
0x7f: {  	_ =	shalt  }
0x80: {  	_ =	shalt  }
0x81: {  	_ =	shalt  }
0x82: {  	_ =	shalt  }
0x83: {  	_ =	shalt  }
0x84: {  	_ =	shalt  }
0x85: {  	_ =	shalt  }
0x86: {  	_ =	shalt  }
0x87: {  	_ =	shalt  }
.Lfunc_end0:
.L_simem_size_0:
called_computation.4_lowered:
.L_overlay_start_0:
0x88: {  	s2 =	sld [smem:$0x3FD9]  }
0x89: {  	s3 =	sld [smem:$0x3FFE];
	_ =	sdelay $0x1  }
0x8a: {  	s1 =	srdreg.scid  }
0x8b: {  	s0 =	sand.u32 $0x1, s1  }
0x8c: {  	s16 =	sshll.u32 s0, $0xA;
	s2 =	sadd.s32 s3, s2  }
0x8d: {  	s2 =	sadd.s32 s2, s16  }
0x8e: {  	[smem:$0x3FAF] =	sst s2  }
0x8f: {  	_ = 	snop  }
0x90: {  	(tm) =	ssettm $0x1  }
0x91: {  	s17 =	sld [smem:$0x3FFB];
	_ =	sdelay $0x3  }
0x92: {  	_ =	strace s17  }
0x93: {  	s2 =	sld [smem:$0x3FFC];
	_ =	sdelay $0x3  }
0x94: {  	_ =	strace s2  }
0x95: {  	s2 =	sld [smem:$0x3FFD];
	_ =	sdelay $0x3  }
0x96: {  	_ =	strace s2  }
0x97: {  	_ =	strace $0x8FFFFFFF  }
0x98: {  	s18 =	sld [smem:$0x3FDB];
	_ =	sdelay $0x1  }
0x99: {  	s19 =	simm.s32 $_scs_section_size  }
0x9a: {  	s4 =	simm.s32 $_size__tile_overlayer_lowered;
	s5 =	simm.s32 $_tile_overlayer_lowered  }
0x9b: {  	s22 =	simm.s32 $0x1BFF;
	s21 =	sshll.u32 s5, $0x1;
	s2 =	sadd.s32 s19, s18  }
0x9c: {  	s6 =	simm.s32 $0x0;
	s20 =	sshll.u32 s4, $0x1;
	s4 =	sadd.s32 s21, s2  }
0x9d: {  	[timem:s6], [sflag:s22] =	dma.local [hbm:s4], s20  }
0x9e: {  	_ =	swait.ge [sflag:s22], s20  }
0x9f: {  	s3 =	ssub.s32 $0x0, s20;
	[sflag:s22] =	ssyncset.done $0x0  }
0xa0: {  	[sflag:s22] =	ssyncadd.s32 s3;
	_ =	sdelay $0x1  }
0xa1: {  	s23 =	simm.s32 $0x1B8B  }
0xa2: {  	_ =	swait.ge [sflag:s23], $0x1  }
0xa3: {  	[sflag:s23] =	ssyncset.done $0x0  }
0xa4: {  	s25 =	simm.s32 $0x1B8E;
	s24 =	sld [smem:$0x3FFE];
	[sflag:s23] =	ssyncadd.s32 $0xFFFFFFFF  }
0xa5: {  	s26 =	simm.s32 $execute0_lowered;
	[smem:$0x3FD2] =	sst s25  }
0xa6: {  	s4 =	sshll.u32 s26, $0x1;
	_ =	strace $0x80000052;
	[dreg:$0x1] =	wrdreg $0xFFFFFFFF  }
0xa7: {  	s28 =	simm.s32 $_size_execute0_lowered;
	s2 =	sadd.s32 s2, s4;
	[dreg:$0x0] =	wrdreg $0x0  }
0xa8: {  	s4 =	sshll.u32 s28, $0x1;
	[dreg:$0x2] =	wrdreg s2  }
0xa9: {  	[dreg:$0x3] =	wrdreg s4  }
0xaa: {  	[dreg:$0x4] =	wrdreg $0xC0  }
0xab: {  	_ =	task [dreg:s6], $0x5FFFF  }
0xac: {  	[dreg:$0x1] =	wrdreg $0xFFFFFFFF  }
0xad: {  	[dreg:$0x0] =	wrdreg $0x60  }
0xae: {  	[dreg:$0x2] =	wrdreg s24  }
0xaf: {  	[dreg:$0x3] =	wrdreg $0xCD000  }
0xb0: {  	[dreg:$0x4] =	wrdreg $0x9  }
0xb1: {  	_ =	task.clear_ibuf [dreg:s6], $0x5FFFF;
	_ =	strace $0x90000052  }
0xb2: {  	s29 =	simm.s32 $0x9;
	_ =	strace $0x80000054  }
0xb3: {  	_ =	swait.ge [sflag:s29], $0x1  }
0xb4: {  	[sflag:s29] =	ssyncadd.s32 $0xFFFFFFFF  }
0xb5: {  	_ =	strace $0x90000054  }
0xb6: {  	_ =	sfence  }
0xb7: {  	s30 =	sld [smem:$0x0];
	_ =	sdelay $0x2  }
0xb8: {  	s31 =	sshll.u32 s1, $0xD;
	s1 =	sshrl.u32 s1, $0x2  }
0xb9: {  	s3 =	sand.u32 $0x4000, s31;
	s1 =	sadd.s32 s1, s30  }
0xba: {  	s0 =	sor.u32 s3, s0;
	s1 =	sshll.u32 s1, $0x11  }
0xbb: {  	s0 =	sor.u32 s1, s0  }
0xbc: {  	s0 =	sadd.s32 $0x8F2B, s0  }
0xbd: {  	[sflag:s0] =	ssyncadd.remote.s32 $0x1  }
0xbe: {  	_ =	sfence.sel $0xFFFF  }
0xbf: {  	[dreg:$0x0] =	wrdreg $0xFFFFFFFF;
	(pc) =	sbr.abs _section_cstart, $3  }
0xc0: {  	[dreg:$0x1] =	wrdreg $0xFFFFFFFF  }
0xc1: {  	_ =	task.clear_ibuf [dreg:s6], $0x2FFFF;
	_ =	strace $0x9FFFFFFF  }
0xc2: {  	(tm) =	ssettm $0x7FFFFFFF  }
0xc3: {  	_ =	shalt  }
tec
execute0_lowered:
.L_overlay_start_1:
0x0: {  	(tag) =	ssettag $0x1  }
0x1: {  	s0 =	srdreg.scid;
	s3 =	rddreg [dreg:$0x0]  }
0x2: {  	s9 =	stileid.u32;
	s2 =	rddreg [dreg:$0x1]  }
0x3: {  	s4 =	simm.s32 $0x0;
	s14 =	simm.s32 $0xFA;
	s15 =	simm.s32 $0x5000  }
0x4: {  	s17 =	simm.s32 $0x5FA0;
	s19 =	simm.s32 $0x6F40;
	s21 =	simm.s32 $0x7EE0  }
0x5: {  	s23 =	simm.s32 $0x8E80;
	s28 =	simm.s32 $0xADC0;
	s30 =	simm.s32 $0xBD60  }
0x6: {  	s31 =	simm.s32 $0x1;
	s13 =	simm.s32 $0x4;
	s16 =	simm.s32 $0x5  }
0x7: {  	s18 =	simm.s32 $0x6;
	s20 =	simm.s32 $0x7;
	s22 =	simm.s32 $0x8  }
0x8: {  	s24 =	simm.s32 $0x9;
	s29 =	simm.s32 $0xB;
	s10 =	simm.s32 $0x10  }
0x9: {  	s0 =	sand.u32 $0x1, s0;
	s1 =	sshll.u32 s9, $0x1;
	s5 =	smul.u32 $0x2780, s9  }
0xa: {  	[smem:$0x7FF] =	sst s4;
	s4 =	sadd.s32 $0x18A00, s3;
	s25 =	sshll.u32 s9, $0x6  }
0xb: {  	s9 =	simm.s32 $0xF;
	s1 =	sor.u32 s0, s1;
	s6 =	smul.u32 $0x27800, s0  }
0xc: {  	_ =	strace $0x80000053;
	s0 =	ssub.s32 $0x2, s0;
	s11 =	sor.u32 $0x1C11, s25  }
0xd: {  	s25 =	simm.s32 $0x9E20;
	s1 =	smul.u32 $0x2800, s1;
	s7 =	sshrl.u32 s5, $0x3  }
0xe: {  	s8 =	sshrl.u32 s0, $0x1;
	[dreg:$0x4] =	wrdreg s11;
	s6 =	sadd.s32 s5, s6  }
0xf: {  	s7 =	sadd.s32 s7, s3;
	s0 =	ssub.s32 s0, s8;
	s5 =	sadd.s32 s5, s2  }
0x10: {  	s8 =	simm.s32 $0xE;
	s1 =	sshrl.u32 s1, $0x3;
	s7 =	sadd.s32 $0x1DA00, s7  }
0x11: {  	s6 =	sshrl.u32 s6, $0x3;
	s0 =	smax.u32 s0, $0x1;
	[dreg:$0x3] =	wrdreg s7  }
0x12: {  	s12 =	sshrl.u32 s5, $0x3;
	s1 =	sadd.s32 s1, s3;
	[dreg:$0x8] =	wrdreg s0  }
0x13: {  	s3 =	sadd.s32 s6, s3;
	s6 =	simm.s32 $0x0;
	[dreg:$0x9] =	wrdreg s12  }
0x14: {  	s5 =	simm.s32 $0xC;
	s26 =	sadd.s32 $0x4A00, s1;
	[dreg:$0xa] =	wrdreg s6  }
0x15: {  	s0 =	simm.s32 $0x3;
	s1 =	sadd.s32 $0xEA00, s1;
	[dreg:$0x5] =	wrdreg s26  }
0x16: {  	s7 =	simm.s32 $0xD;
	s3 =	sadd.s32 $0x22A00, s3;
	[dreg:$0x6] =	wrdreg s1  }
0x17: {  	[dreg:$0x7] =	wrdreg s3;
	s1 =	simm.s32 $0x2;
	s26 =	simm.s32 $0xA  }
.LBB2_1:
0x18: {  	s3 =	simm.s32 $0x11;
	s6 =	rddreg [dreg:$0x3]  }
0x19: {  	[spmem:s12], [sflag:s11] =	dma.local [hbm:s6], $0x4F0  }
0x1a: {  	_ =	swait.ge [sflag:s3], $0x4F0  }
0x1b: {  	[sflag:s3] =	ssyncset.done $0x0  }
0x1c: {  	s6 =	simm.s32 $0x0;
	s12 =	rddreg [dreg:$0x5];
	[sflag:s3] =	ssyncadd.s32 $0xFFFFFB10  }
0x1d: {  	[tilespmem:s6], [sflag:$0x11] =	stream.linear.gather [hbm4b:s12+s6], $0x2800, $0x38;
	[tilespmem:$0xF480] =	vst v63  }
0x1e: {  	_ =	swait.ge [sflag:s3], $0x2800  }
0x1f: {  	[sflag:s3] =	ssyncset.done $0x0  }
0x20: {  	s12 =	simm.s32 $0x2800;
	s11 =	rddreg [dreg:$0x6];
	[sflag:s3] =	ssyncadd.s32 $0xFFFFD800  }
0x21: {  	[tilespmem:s12], [sflag:$0x11] =	stream.linear.gather [hbm4b:s11+s6], $0x2800, $0x38;
	[tilespmem:$0xF480] =	vst v63  }
0x22: {  	_ =	swait.ge [sflag:s3], $0x2800  }
0x23: {  	[sflag:s3] =	ssyncset.done $0x0  }
0x24: {  	[sflag:s3] =	ssyncadd.s32 $0xFFFFD800  }
0x25: {  	[bflag:$0x0] =	sbarrier.arrive $0xFFFF  }
0x26: {  	[tilespmem:s15], [sflag:$0x1] =	stream.indirect.gather [hbm4b:s4+s14], $0x10, s6, s14, $0xb8;
	[tilespmem:$0xF480] =	vst v63  }
0x27: {  	s12 =	simm.s32 $0x100  }
0x28: {  	[tilespmem:s17], [sflag:$0x2] =	stream.indirect.gather [hbm4b:s4+s14], $0x10, s12, s14, $0xb8;
	[tilespmem:$0xF480] =	vst v63  }
0x29: {  	s6 =	simm.s32 $0x200  }
0x2a: {  	[tilespmem:s19], [sflag:$0x3] =	stream.indirect.gather [hbm4b:s4+s14], $0x10, s6, s14, $0xb8;
	[tilespmem:$0xF480] =	vst v63  }
0x2b: {  	s11 =	simm.s32 $0x300  }
0x2c: {  	[tilespmem:s21], [sflag:$0x4] =	stream.indirect.gather [hbm4b:s4+s14], $0x10, s11, s14, $0xb8;
	[tilespmem:$0xF480] =	vst v63  }
0x2d: {  	s12 =	simm.s32 $0x400  }
0x2e: {  	[tilespmem:s23], [sflag:$0x5] =	stream.indirect.gather [hbm4b:s4+s14], $0x10, s12, s14, $0xb8;
	[tilespmem:$0xF480] =	vst v63  }
0x2f: {  	s6 =	simm.s32 $0x500  }
0x30: {  	[tilespmem:s25], [sflag:$0x6] =	stream.indirect.gather [hbm4b:s4+s14], $0x10, s6, s14, $0xb8;
	[tilespmem:$0xF480] =	vst v63  }
0x31: {  	s11 =	simm.s32 $0x600  }
0x32: {  	[tilespmem:s28], [sflag:$0x7] =	stream.indirect.gather [hbm4b:s4+s14], $0x10, s11, s14, $0xb8;
	[tilespmem:$0xF480] =	vst v63  }
0x33: {  	s12 =	simm.s32 $0x700  }
0x34: {  	[tilespmem:s30], [sflag:$0x8] =	stream.indirect.gather [hbm4b:s4+s14], $0x10, s12, s14, $0xb8;
	[tilespmem:$0xF480] =	vst v63  }
0x35: {  	_ =	swait.ge [sflag:s31], $0xFA0  }
0x36: {  	[sflag:s31] =	ssyncset.done $0x0  }
0x37: {  	s3 =	simm.s32 $0x2800;
	[sflag:s31] =	ssyncadd.s32 $0xFFFFF060  }
0x38: {  	[spmem:s2] =	stream.indirect.scatter.add.f32 [tilespmem:s15], [sflag:$0x9], $0x10, s3, s14, $0xb8;
	[tilespmem:$0xF480] =	vst v63  }
0x39: {  	_ =	swait.ge [sflag:s1], $0xFA0  }
0x3a: {  	[sflag:s1] =	ssyncset.done $0x0  }
0x3b: {  	s11 =	simm.s32 $0x2900;
	[sflag:s1] =	ssyncadd.s32 $0xFFFFF060  }
0x3c: {  	[spmem:s2] =	stream.indirect.scatter.add.f32 [tilespmem:s17], [sflag:$0xA], $0x10, s11, s14, $0xb8;
	[tilespmem:$0xF480] =	vst v63  }
0x3d: {  	_ =	swait.ge [sflag:s0], $0xFA0  }
0x3e: {  	[sflag:s0] =	ssyncset.done $0x0  }
0x3f: {  	s12 =	simm.s32 $0x2A00;
	[sflag:s0] =	ssyncadd.s32 $0xFFFFF060  }
0x40: {  	[spmem:s2] =	stream.indirect.scatter.add.f32 [tilespmem:s19], [sflag:$0xB], $0x10, s12, s14, $0xb8;
	[tilespmem:$0xF480] =	vst v63  }
0x41: {  	_ =	swait.ge [sflag:s13], $0xFA0  }
0x42: {  	[sflag:s13] =	ssyncset.done $0x0  }
0x43: {  	s3 =	simm.s32 $0x2B00;
	[sflag:s13] =	ssyncadd.s32 $0xFFFFF060  }
0x44: {  	[spmem:s2] =	stream.indirect.scatter.add.f32 [tilespmem:s21], [sflag:$0xC], $0x10, s3, s14, $0xb8;
	[tilespmem:$0xF480] =	vst v63  }
0x45: {  	_ =	swait.ge [sflag:s16], $0xFA0  }
0x46: {  	[sflag:s16] =	ssyncset.done $0x0  }
0x47: {  	s11 =	simm.s32 $0x2C00;
	[sflag:s16] =	ssyncadd.s32 $0xFFFFF060  }
0x48: {  	[spmem:s2] =	stream.indirect.scatter.add.f32 [tilespmem:s23], [sflag:$0xD], $0x10, s11, s14, $0xb8;
	[tilespmem:$0xF480] =	vst v63  }
0x49: {  	_ =	swait.ge [sflag:s18], $0xFA0  }
0x4a: {  	[sflag:s18] =	ssyncset.done $0x0  }
0x4b: {  	s12 =	simm.s32 $0x2D00;
	[sflag:s18] =	ssyncadd.s32 $0xFFFFF060  }
0x4c: {  	[spmem:s2] =	stream.indirect.scatter.add.f32 [tilespmem:s25], [sflag:$0xE], $0x10, s12, s14, $0xb8;
	[tilespmem:$0xF480] =	vst v63  }
0x4d: {  	_ =	swait.ge [sflag:s20], $0xFA0  }
0x4e: {  	[sflag:s20] =	ssyncset.done $0x0  }
0x4f: {  	s3 =	simm.s32 $0x2E00;
	[sflag:s20] =	ssyncadd.s32 $0xFFFFF060  }
0x50: {  	[spmem:s2] =	stream.indirect.scatter.add.f32 [tilespmem:s28], [sflag:$0xF], $0x10, s3, s14, $0xb8;
	[tilespmem:$0xF480] =	vst v63  }
0x51: {  	_ =	swait.ge [sflag:s22], $0xFA0  }
0x52: {  	[sflag:s22] =	ssyncset.done $0x0  }
0x53: {  	s11 =	simm.s32 $0x2F00;
	[sflag:s22] =	ssyncadd.s32 $0xFFFFF060  }
0x54: {  	[spmem:s2] =	stream.indirect.scatter.add.f32 [tilespmem:s30], [sflag:$0x10], $0x10, s11, s14, $0xb8;
	[tilespmem:$0xF480] =	vst v63  }
0x55: {  	_ =	swait.ge [sflag:s24], $0xFA0  }
0x56: {  	[sflag:s24] =	ssyncset.done $0x0  }
0x57: {  	s12 =	simm.s32 $0x800;
	[sflag:s24] =	ssyncadd.s32 $0xFFFFF060  }
0x58: {  	[tilespmem:s15], [sflag:$0x1] =	stream.indirect.gather [hbm4b:s4+s14], $0x10, s12, s14, $0xb8;
	[tilespmem:$0xF480] =	vst v63  }
0x59: {  	_ =	swait.ge [sflag:s26], $0xFA0  }
0x5a: {  	[sflag:s26] =	ssyncset.done $0x0  }
0x5b: {  	s3 =	simm.s32 $0x900;
	[sflag:s26] =	ssyncadd.s32 $0xFFFFF060  }
0x5c: {  	[tilespmem:s17], [sflag:$0x2] =	stream.indirect.gather [hbm4b:s4+s14], $0x10, s3, s14, $0xb8;
	[tilespmem:$0xF480] =	vst v63  }
0x5d: {  	_ =	swait.ge [sflag:s29], $0xFA0  }
0x5e: {  	[sflag:s29] =	ssyncset.done $0x0  }
0x5f: {  	s11 =	simm.s32 $0xA00;
	[sflag:s29] =	ssyncadd.s32 $0xFFFFF060  }
0x60: {  	[tilespmem:s19], [sflag:$0x3] =	stream.indirect.gather [hbm4b:s4+s14], $0x10, s11, s14, $0xb8;
	[tilespmem:$0xF480] =	vst v63  }
0x61: {  	_ =	swait.ge [sflag:s5], $0xFA0  }
0x62: {  	[sflag:s5] =	ssyncset.done $0x0  }
0x63: {  	s12 =	simm.s32 $0xB00;
	[sflag:s5] =	ssyncadd.s32 $0xFFFFF060  }
0x64: {  	[tilespmem:s21], [sflag:$0x4] =	stream.indirect.gather [hbm4b:s4+s14], $0x10, s12, s14, $0xb8;
	[tilespmem:$0xF480] =	vst v63  }
0x65: {  	_ =	swait.ge [sflag:s7], $0xFA0  }
0x66: {  	[sflag:s7] =	ssyncset.done $0x0  }
0x67: {  	s3 =	simm.s32 $0xC00;
	[sflag:s7] =	ssyncadd.s32 $0xFFFFF060  }
0x68: {  	[tilespmem:s23], [sflag:$0x5] =	stream.indirect.gather [hbm4b:s4+s14], $0x10, s3, s14, $0xb8;
	[tilespmem:$0xF480] =	vst v63  }
0x69: {  	_ =	swait.ge [sflag:s8], $0xFA0  }
0x6a: {  	[sflag:s8] =	ssyncset.done $0x0  }
0x6b: {  	s11 =	simm.s32 $0xD00;
	[sflag:s8] =	ssyncadd.s32 $0xFFFFF060  }
0x6c: {  	[tilespmem:s25], [sflag:$0x6] =	stream.indirect.gather [hbm4b:s4+s14], $0x10, s11, s14, $0xb8;
	[tilespmem:$0xF480] =	vst v63  }
0x6d: {  	_ =	swait.ge [sflag:s9], $0xFA0  }
0x6e: {  	[sflag:s9] =	ssyncset.done $0x0  }
0x6f: {  	s12 =	simm.s32 $0xE00;
	[sflag:s9] =	ssyncadd.s32 $0xFFFFF060  }
0x70: {  	[tilespmem:s28], [sflag:$0x7] =	stream.indirect.gather [hbm4b:s4+s14], $0x10, s12, s14, $0xb8;
	[tilespmem:$0xF480] =	vst v63  }
0x71: {  	_ =	swait.ge [sflag:s10], $0xFA0  }
0x72: {  	[sflag:s10] =	ssyncset.done $0x0  }
0x73: {  	s6 =	simm.s32 $0x2000;
	s11 =	simm.s32 $0xF00;
	[sflag:s10] =	ssyncadd.s32 $0xFFFFF060  }
.LBB2_2:
0x74: {  	[tilespmem:s30], [sflag:$0x8] =	stream.indirect.gather [hbm4b:s4+s14], $0x10, s11, s14, $0xb8;
	[tilespmem:$0xF480] =	vst v63  }
0x75: {  	s11 =	smov.u32 s6  }
0x76: {  	p0 =	sne.s32 s6, $0x6000;
	s6 =	sadd.s32 $0x2000, s6;
	_ =	swait.ge [sflag:s31], $0xFA0  }
0x77: {  	s11 =	sshra.s32 s11, $0x2;
	[sflag:s31] =	ssyncset.done $0x0  }
0x78: {  	s12 =	sadd.s32 $0x2800, s11;
	[sflag:s31] =	ssyncadd.s32 $0xFFFFF060  }
0x79: {  	[spmem:s2] =	stream.indirect.scatter.add.f32 [tilespmem:s15], [sflag:$0x9], $0x10, s12, s14, $0xb8;
	[tilespmem:$0xF480] =	vst v63  }
0x7a: {  	_ =	swait.ge [sflag:s1], $0xFA0  }
0x7b: {  	[sflag:s1] =	ssyncset.done $0x0  }
0x7c: {  	s12 =	sadd.s32 $0x2900, s11;
	[sflag:s1] =	ssyncadd.s32 $0xFFFFF060  }
0x7d: {  	[spmem:s2] =	stream.indirect.scatter.add.f32 [tilespmem:s17], [sflag:$0xA], $0x10, s12, s14, $0xb8;
	[tilespmem:$0xF480] =	vst v63  }
0x7e: {  	_ =	swait.ge [sflag:s0], $0xFA0  }
0x7f: {  	[sflag:s0] =	ssyncset.done $0x0  }
0x80: {  	s12 =	sadd.s32 $0x2A00, s11;
	[sflag:s0] =	ssyncadd.s32 $0xFFFFF060  }
0x81: {  	[spmem:s2] =	stream.indirect.scatter.add.f32 [tilespmem:s19], [sflag:$0xB], $0x10, s12, s14, $0xb8;
	[tilespmem:$0xF480] =	vst v63  }
0x82: {  	_ =	swait.ge [sflag:s13], $0xFA0  }
0x83: {  	[sflag:s13] =	ssyncset.done $0x0  }
0x84: {  	s12 =	sadd.s32 $0x2B00, s11;
	[sflag:s13] =	ssyncadd.s32 $0xFFFFF060  }
0x85: {  	[spmem:s2] =	stream.indirect.scatter.add.f32 [tilespmem:s21], [sflag:$0xC], $0x10, s12, s14, $0xb8;
	[tilespmem:$0xF480] =	vst v63  }
0x86: {  	_ =	swait.ge [sflag:s16], $0xFA0  }
0x87: {  	[sflag:s16] =	ssyncset.done $0x0  }
0x88: {  	s12 =	sadd.s32 $0x2C00, s11;
	[sflag:s16] =	ssyncadd.s32 $0xFFFFF060  }
0x89: {  	[spmem:s2] =	stream.indirect.scatter.add.f32 [tilespmem:s23], [sflag:$0xD], $0x10, s12, s14, $0xb8;
	[tilespmem:$0xF480] =	vst v63  }
0x8a: {  	_ =	swait.ge [sflag:s18], $0xFA0  }
0x8b: {  	[sflag:s18] =	ssyncset.done $0x0  }
0x8c: {  	s12 =	sadd.s32 $0x2D00, s11;
	[sflag:s18] =	ssyncadd.s32 $0xFFFFF060  }
0x8d: {  	[spmem:s2] =	stream.indirect.scatter.add.f32 [tilespmem:s25], [sflag:$0xE], $0x10, s12, s14, $0xb8;
	[tilespmem:$0xF480] =	vst v63  }
0x8e: {  	_ =	swait.ge [sflag:s20], $0xFA0  }
0x8f: {  	[sflag:s20] =	ssyncset.done $0x0  }
0x90: {  	s12 =	sadd.s32 $0x2E00, s11;
	[sflag:s20] =	ssyncadd.s32 $0xFFFFF060  }
0x91: {  	[spmem:s2] =	stream.indirect.scatter.add.f32 [tilespmem:s28], [sflag:$0xF], $0x10, s12, s14, $0xb8;
	[tilespmem:$0xF480] =	vst v63  }
0x92: {  	_ =	swait.ge [sflag:s22], $0xFA0  }
0x93: {  	[sflag:s22] =	ssyncset.done $0x0  }
0x94: {  	s12 =	sadd.s32 $0x2F00, s11;
	[sflag:s22] =	ssyncadd.s32 $0xFFFFF060  }
0x95: {  	[spmem:s2] =	stream.indirect.scatter.add.f32 [tilespmem:s30], [sflag:$0x10], $0x10, s12, s14, $0xb8;
	[tilespmem:$0xF480] =	vst v63  }
0x96: {  	_ =	swait.ge [sflag:s24], $0xFA0  }
0x97: {  	[sflag:s24] =	ssyncset.done $0x0  }
0x98: {  	s12 =	sadd.s32 $0x800, s11;
	[sflag:s24] =	ssyncadd.s32 $0xFFFFF060  }
0x99: {  	[tilespmem:s15], [sflag:$0x1] =	stream.indirect.gather [hbm4b:s4+s14], $0x10, s12, s14, $0xb8;
	[tilespmem:$0xF480] =	vst v63  }
0x9a: {  	_ =	swait.ge [sflag:s26], $0xFA0  }
0x9b: {  	[sflag:s26] =	ssyncset.done $0x0  }
0x9c: {  	s12 =	sadd.s32 $0x900, s11;
	[sflag:s26] =	ssyncadd.s32 $0xFFFFF060  }
0x9d: {  	[tilespmem:s17], [sflag:$0x2] =	stream.indirect.gather [hbm4b:s4+s14], $0x10, s12, s14, $0xb8;
	[tilespmem:$0xF480] =	vst v63  }
0x9e: {  	_ =	swait.ge [sflag:s29], $0xFA0  }
0x9f: {  	[sflag:s29] =	ssyncset.done $0x0  }
0xa0: {  	s12 =	sadd.s32 $0xA00, s11;
	[sflag:s29] =	ssyncadd.s32 $0xFFFFF060  }
0xa1: {  	[tilespmem:s19], [sflag:$0x3] =	stream.indirect.gather [hbm4b:s4+s14], $0x10, s12, s14, $0xb8;
	[tilespmem:$0xF480] =	vst v63  }
0xa2: {  	_ =	swait.ge [sflag:s5], $0xFA0  }
0xa3: {  	[sflag:s5] =	ssyncset.done $0x0  }
0xa4: {  	s12 =	sadd.s32 $0xB00, s11;
	[sflag:s5] =	ssyncadd.s32 $0xFFFFF060  }
0xa5: {  	[tilespmem:s21], [sflag:$0x4] =	stream.indirect.gather [hbm4b:s4+s14], $0x10, s12, s14, $0xb8;
	[tilespmem:$0xF480] =	vst v63  }
0xa6: {  	_ =	swait.ge [sflag:s7], $0xFA0  }
0xa7: {  	[sflag:s7] =	ssyncset.done $0x0  }
0xa8: {  	s12 =	sadd.s32 $0xC00, s11;
	[sflag:s7] =	ssyncadd.s32 $0xFFFFF060  }
0xa9: {  	[tilespmem:s23], [sflag:$0x5] =	stream.indirect.gather [hbm4b:s4+s14], $0x10, s12, s14, $0xb8;
	[tilespmem:$0xF480] =	vst v63  }
0xaa: {  	_ =	swait.ge [sflag:s8], $0xFA0  }
0xab: {  	[sflag:s8] =	ssyncset.done $0x0  }
0xac: {  	s12 =	sadd.s32 $0xD00, s11;
	[sflag:s8] =	ssyncadd.s32 $0xFFFFF060  }
0xad: {  	[tilespmem:s25], [sflag:$0x6] =	stream.indirect.gather [hbm4b:s4+s14], $0x10, s12, s14, $0xb8;
	[tilespmem:$0xF480] =	vst v63  }
0xae: {  	_ =	swait.ge [sflag:s9], $0xFA0  }
0xaf: {  	[sflag:s9] =	ssyncset.done $0x0  }
.Ltmp0:
0xb0: {  	s12 =	sadd.s32 $0xE00, s11;
	[sflag:s9] =	ssyncadd.s32 $0xFFFFF060;
	(pc) =	sbr.rel @p0 .LBB2_2-.Ltmp0, $4  }
0xb1: {  	[tilespmem:s28], [sflag:$0x7] =	stream.indirect.gather [hbm4b:s4+s14], $0x10, s12, s14, $0xb8;
	[tilespmem:$0xF480] =	vst v63  }
0xb2: {  	_ =	swait.ge [sflag:s10], $0xFA0  }
0xb3: {  	[sflag:s10] =	ssyncset.done $0x0  }
0xb4: {  	s11 =	sadd.s32 $0xF00, s11;
	[sflag:s10] =	ssyncadd.s32 $0xFFFFF060  }
0xb5: {  	[tilespmem:s30], [sflag:$0x8] =	stream.indirect.gather [hbm4b:s4+s14], $0x10, s11, s14, $0xb8;
	[tilespmem:$0xF480] =	vst v63  }
0xb6: {  	_ =	swait.ge [sflag:s31], $0xFA0  }
0xb7: {  	[sflag:s31] =	ssyncset.done $0x0  }
0xb8: {  	s3 =	simm.s32 $0x4800;
	[sflag:s31] =	ssyncadd.s32 $0xFFFFF060  }
0xb9: {  	[spmem:s2] =	stream.indirect.scatter.add.f32 [tilespmem:s15], [sflag:$0x9], $0x10, s3, s14, $0xb8;
	[tilespmem:$0xF480] =	vst v63  }
0xba: {  	_ =	swait.ge [sflag:s1], $0xFA0  }
0xbb: {  	[sflag:s1] =	ssyncset.done $0x0  }
0xbc: {  	s12 =	simm.s32 $0x4900;
	[sflag:s1] =	ssyncadd.s32 $0xFFFFF060  }
0xbd: {  	[spmem:s2] =	stream.indirect.scatter.add.f32 [tilespmem:s17], [sflag:$0xA], $0x10, s12, s14, $0xb8;
	[tilespmem:$0xF480] =	vst v63  }
0xbe: {  	_ =	swait.ge [sflag:s0], $0xFA0  }
0xbf: {  	[sflag:s0] =	ssyncset.done $0x0  }
0xc0: {  	s6 =	simm.s32 $0x4A00;
	[sflag:s0] =	ssyncadd.s32 $0xFFFFF060  }
0xc1: {  	[spmem:s2] =	stream.indirect.scatter.add.f32 [tilespmem:s19], [sflag:$0xB], $0x10, s6, s14, $0xb8;
	[tilespmem:$0xF480] =	vst v63  }
0xc2: {  	_ =	swait.ge [sflag:s13], $0xFA0  }
0xc3: {  	[sflag:s13] =	ssyncset.done $0x0  }
0xc4: {  	s11 =	simm.s32 $0x4B00;
	[sflag:s13] =	ssyncadd.s32 $0xFFFFF060  }
0xc5: {  	[spmem:s2] =	stream.indirect.scatter.add.f32 [tilespmem:s21], [sflag:$0xC], $0x10, s11, s14, $0xb8;
	[tilespmem:$0xF480] =	vst v63  }
0xc6: {  	_ =	swait.ge [sflag:s16], $0xFA0  }
0xc7: {  	[sflag:s16] =	ssyncset.done $0x0  }
0xc8: {  	s12 =	simm.s32 $0x4C00;
	[sflag:s16] =	ssyncadd.s32 $0xFFFFF060  }
0xc9: {  	[spmem:s2] =	stream.indirect.scatter.add.f32 [tilespmem:s23], [sflag:$0xD], $0x10, s12, s14, $0xb8;
	[tilespmem:$0xF480] =	vst v63  }
0xca: {  	_ =	swait.ge [sflag:s18], $0xFA0  }
0xcb: {  	[sflag:s18] =	ssyncset.done $0x0  }
0xcc: {  	s6 =	simm.s32 $0x4D00;
	[sflag:s18] =	ssyncadd.s32 $0xFFFFF060  }
0xcd: {  	[spmem:s2] =	stream.indirect.scatter.add.f32 [tilespmem:s25], [sflag:$0xE], $0x10, s6, s14, $0xb8;
	[tilespmem:$0xF480] =	vst v63  }
0xce: {  	_ =	swait.ge [sflag:s20], $0xFA0  }
0xcf: {  	[sflag:s20] =	ssyncset.done $0x0  }
0xd0: {  	s11 =	simm.s32 $0x4E00;
	[sflag:s20] =	ssyncadd.s32 $0xFFFFF060  }
0xd1: {  	[spmem:s2] =	stream.indirect.scatter.add.f32 [tilespmem:s28], [sflag:$0xF], $0x10, s11, s14, $0xb8;
	[tilespmem:$0xF480] =	vst v63  }
0xd2: {  	_ =	swait.ge [sflag:s22], $0xFA0  }
0xd3: {  	[sflag:s22] =	ssyncset.done $0x0  }
0xd4: {  	s12 =	simm.s32 $0x4F00;
	[sflag:s22] =	ssyncadd.s32 $0xFFFFF060  }
0xd5: {  	[spmem:s2] =	stream.indirect.scatter.add.f32 [tilespmem:s30], [sflag:$0x10], $0x10, s12, s14, $0xb8;
	[tilespmem:$0xF480] =	vst v63  }
0xd6: {  	_ =	swait.ge [sflag:s24], $0xFA0  }
0xd7: {  	[sflag:s24] =	ssyncset.done $0x0  }
0xd8: {  	[sflag:s24] =	ssyncadd.s32 $0xFFFFF060  }
0xd9: {  	_ =	swait.ge [sflag:s26], $0xFA0  }
0xda: {  	[sflag:s26] =	ssyncset.done $0x0  }
0xdb: {  	[sflag:s26] =	ssyncadd.s32 $0xFFFFF060  }
0xdc: {  	_ =	swait.ge [sflag:s29], $0xFA0  }
0xdd: {  	[sflag:s29] =	ssyncset.done $0x0  }
0xde: {  	[sflag:s29] =	ssyncadd.s32 $0xFFFFF060  }
0xdf: {  	_ =	swait.ge [sflag:s5], $0xFA0  }
0xe0: {  	[sflag:s5] =	ssyncset.done $0x0  }
0xe1: {  	[sflag:s5] =	ssyncadd.s32 $0xFFFFF060  }
0xe2: {  	_ =	swait.ge [sflag:s7], $0xFA0  }
0xe3: {  	[sflag:s7] =	ssyncset.done $0x0  }
0xe4: {  	[sflag:s7] =	ssyncadd.s32 $0xFFFFF060  }
0xe5: {  	_ =	swait.ge [sflag:s8], $0xFA0  }
0xe6: {  	[sflag:s8] =	ssyncset.done $0x0  }
0xe7: {  	[sflag:s8] =	ssyncadd.s32 $0xFFFFF060  }
0xe8: {  	_ =	swait.ge [sflag:s9], $0xFA0  }
0xe9: {  	[sflag:s9] =	ssyncset.done $0x0  }
0xea: {  	[sflag:s9] =	ssyncadd.s32 $0xFFFFF060  }
0xeb: {  	_ =	swait.ge [sflag:s10], $0xFA0  }
0xec: {  	[sflag:s10] =	ssyncset.done $0x0  }
0xed: {  	[sflag:s10] =	ssyncadd.s32 $0xFFFFF060  }
0xee: {  	[bflag:$0x0] =	sbarrier.arrive $0xFFFF  }
0xef: {  	s11 =	rddreg [dreg:$0x4]  }
0xf0: {  	s6 =	rddreg [dreg:$0x7]  }
0xf1: {  	s12 =	rddreg [dreg:$0x9]  }
0xf2: {  	[hbm:s6], [sflag:s11] =	dma.local [spmem:s12], $0x4F0  }
0xf3: {  	s6 =	simm.s32 $0x11  }
0xf4: {  	_ =	swait.ge [sflag:s6], $0x4F0  }
0xf5: {  	s3 =	rddreg [dreg:$0xa]  }
0xf6: {  	[sflag:s6] =	ssyncset.done $0x0;
	s6 =	rddreg [dreg:$0x8];
	s3 =	sadd.s32 $0x1, s3  }
0xf7: {  	p0 =	sne.s32 s3, s6  }
.Ltmp1:
0xf8: {  	_ = 	snop;
	(pc) =	sbr.rel @p0 .LBB2_1-.Ltmp1, $3  }
0xf9: {  	_ =	sdelay $0x1  }
0xfa: {  	s6 =	simm.s32 $0x11  }
0xfb: {  	[dreg:$0xa] =	wrdreg s3;
	[sflag:s6] =	ssyncadd.s32 $0xFFFFFB10  }
0xfc: {  	_ =	sfence.sel $0x180000  }
0xfd: {  	[bflag:$0x0] =	sbarrier.arrive $0xFFFF  }
0xfe: {  	_ =	strace $0x90000053  }
0xff: {  	s0 =	stileid.u32;
	[bflag:$0x2] =	sbarrier.arrive $0xFFFF  }
0x100: {  	p0 =	sne.s32 s0, $0x0;
	s0 =	rddreg [dreg:$0x2]  }
0x101: {  	s0 =	sadd.s32 @!p0 $0x100000, s0  }
0x102: {  	[sflag:s0] =	ssyncadd.tile.s32 @!p0 $0x1;
	_ =	shalt  }
.Lfunc_end2:
_tile_overlayer_lowered:
.L_overlay_start_2:
0x103: {  	(tag) =	ssettag $0x2  }
0x104: {  	s0 =	rddreg [dreg:$0x0];
	s2 =	stileid.u32  }
0x105: {  	s1 =	rddreg [dreg:$0x1];
	p0 =	sne.s32 s2, $0x0  }
0x106: {  	s3 =	rddreg [dreg:$0x2];
	[bflag:$0x3] =	sbarrier.arrive $0xFFFF;
	s2 =	simm.s32 @!p0 $0x1C11  }
0x107: {  	[timem:s3], [sflag:s2] =	dma.local @!p0 [hbm:s0], s1  }
0x108: {  	s0 =	simm.s32 @!p0 $0x11  }
0x109: {  	_ =	swait.ge @!p0 [sflag:s0], s1  }
0x10a: {  	s1 =	ssub.s32 @!p0 $0x0, s1;
	[sflag:s0] =	ssyncset.done @!p0 $0x0  }
0x10b: {  	[sflag:s0] =	ssyncadd.s32 @!p0 s1  }
0x10c: {  	[bflag:$0x3] =	sbarrier.arrive $0xFFFF  }
0x10d: {  	_ =	shalt  }

</sc_bundles>
